<compile_context>
chip_gen: v7x
topology: tpu7x:2x2x1
jax: 0.10.2.dev20260603
libtpu: 0.0.44.dev20260713+nightly
codegen_flags: <defaults>
</compile_context>

<pallas_src>
import functools

import jax
import jax.numpy as jnp
from jax import lax
from jax.experimental import pallas as pl
from jax.experimental.pallas import tpu as pltpu
from jax.experimental.pallas import tpu_sc as plsc

N = 10000
E = 320000
G = 64
D1 = 336
D2 = 168
CW = 128
NCH1 = 3
NCH2 = 2
D1P = NCH1 * CW
D2P = NCH2 * CW
WD = 128
CHUNK = 128
NCHUNKS = E // CHUNK
NC = 2
NS = 16
TBLK = 256
NT = E // TBLK
GROUPS = N // 8
GPER, GREM = divmod(GROUPS, NS)
SGRP = 13
SROWS = SGRP * 8
RBLK = 1000
NBLK = N // RBLK

_mesh = functools.partial(
    plsc.VectorSubcoreMesh, core_axis_name="c", subcore_axis_name="s",
    num_cores=NC, num_subcores=NS)


def _my_chunk_range(sid, per_sc, sc_chunk0, nsplit=NS):
  per, rem = divmod(per_sc, nsplit)
  n_my = per + jnp.where(sid < rem, 1, 0)
  base = sc_chunk0 + sid * per + jnp.minimum(sid, rem)
  return base, n_my, per + (1 if rem else 0)


def _tile_rows(s):
  base_g = s * GPER + jnp.minimum(s, GREM)
  return base_g * 8


def _copy_rows_out(s, acc_s, stage_v, write_fn):
  r0 = _tile_rows(s)
  for k in range(GPER // SGRP):
    rr = pl.multiple_of(r0 + k * SROWS, 8)
    pltpu.sync_copy(acc_s.at[pl.ds(rr, SROWS)], stage_v)
    write_fn(stage_v, rr, SROWS)

  @pl.when(s < GREM)
  def _():
    rr = pl.multiple_of(r0 + GPER * 8, 8)
    pltpu.sync_copy(acc_s.at[pl.ds(rr, 8)], stage_v.at[pl.ds(0, 8)])
    write_fn(stage_v.at[pl.ds(0, 8)], rr, 8)


def _zero_rows(s, acc_s, zstage_v):
  r0 = _tile_rows(s)
  for k in range(GPER // SGRP):
    rr = pl.multiple_of(r0 + k * SROWS, 8)
    pltpu.sync_copy(zstage_v, acc_s.at[pl.ds(rr, SROWS)])

  @pl.when(s < GREM)
  def _():
    rr = pl.multiple_of(r0 + GPER * 8, 8)
    pltpu.sync_copy(zstage_v.at[pl.ds(0, 8)], acc_s.at[pl.ds(rr, 8)])


def _deg_body(dst1_hbm, ones_hbm, zeros_hbm, out_hbm,
              didx, ones_v, zstage_v, acc_s, ss0, ss1):
  c = lax.axis_index("c")
  s = lax.axis_index("s")
  wid = c * NS + s
  ssems = (ss0, ss1)
  pltpu.sync_copy(ones_hbm, ones_v)
  pltpu.sync_copy(zeros_hbm, zstage_v)
  _zero_rows(s, acc_s, zstage_v)
  plsc.subcore_barrier()

  per, rem = divmod(NT, NC * NS)
  n_my = per + jnp.where(wid < rem, 1, 0)
  base = wid * per + jnp.minimum(wid, rem)

  def sdesc(bb):
    return pltpu.make_async_copy(
        ones_v, acc_s.at[didx.at[pl.ds(bb * TBLK, TBLK)]], ssems[bb])

  def step(i, carry):
    bb = lax.rem(i, 2)
    for b in (0, 1):
      @pl.when((bb == b) & (i >= 2) & (i < n_my))
      def _(b=b):
        sdesc(b).wait()

      @pl.when((bb == b) & (i < n_my))
      def _(b=b):
        off = pl.multiple_of((base + i) * TBLK, TBLK)
        pltpu.sync_copy(dst1_hbm.at[pl.ds(off, TBLK)],
                        didx.at[pl.ds(b * TBLK, TBLK)])
        sdesc(b).start(add=True)
    return carry

  lax.fori_loop(0, per + (1 if rem else 0), step, 0)
  sdesc(0).wait()
  sdesc(1).wait()
  plsc.subcore_barrier()

  def write_fn(stg, rr, nrows):
    pltpu.sync_copy(stg, out_hbm.at[c, pl.ds(rr, nrows)])

  _copy_rows_out(s, acc_s, zstage_v, write_fn)


def _deg_call(dst1, ones_arr, zeros_arr):
  return pl.kernel(
      _deg_body,
      out_type=jax.ShapeDtypeStruct((NC, N, WD), jnp.float32),
      mesh=_mesh(),
      scratch_types=[
          pltpu.VMEM((2 * TBLK,), jnp.int32),
          pltpu.VMEM((TBLK, WD), jnp.float32),
          pltpu.VMEM((SROWS, WD), jnp.float32),
          pltpu.VMEM_SHARED((N, WD), jnp.float32),
          pltpu.SemaphoreType.DMA,
          pltpu.SemaphoreType.DMA,
      ],
      name="sc_deg_hist",
  )(dst1, ones_arr, zeros_arr)


def _mp_pipe(h_hbm, src1, dst1, acc_s, base, n_my, nmax, sidx, didx, rows,
             gsems, ssems):
  def gdesc(bb):
    return pltpu.make_async_copy(h_hbm.at[sidx.at[bb]], rows.at[bb],
                                 gsems[bb])

  def sdesc(bb):
    return pltpu.make_async_copy(rows.at[bb], acc_s.at[didx.at[bb]],
                                 ssems[bb])

  def step(i, carry):
    bb = lax.rem(i, 2)
    for b in (0, 1):
      @pl.when((bb == b) & (i >= 2) & (i < n_my))
      def _(b=b):
        sdesc(b).wait()

      @pl.when((bb == b) & (i < n_my))
      def _(b=b):
        off = pl.multiple_of((base + i) * CHUNK, CHUNK)
        pltpu.sync_copy(src1.at[pl.ds(off, CHUNK)], sidx.at[b])
        pltpu.sync_copy(dst1.at[pl.ds(off, CHUNK)], didx.at[b])
        gdesc(b).start()

      @pl.when((bb == b) & (i >= 1) & (i <= n_my))
      def _(b=b):
        gdesc(1 - b).wait()
        sdesc(1 - b).start(add=True)
    return carry

  lax.fori_loop(0, nmax + 1, step, 0)
  sdesc(0).wait()
  sdesc(1).wait()


def _mp_body(nsrc, hsel, split_fn, *refs):
  h_hbms = refs[:nsrc]
  src2, dst2, zeros_hbm, out_hbm = refs[nsrc:nsrc + 4]
  (sidx, didx, rows, zstage_v, acc_s, gs0, gs1, ss0, ss1) = refs[nsrc + 4:]
  gsems = (gs0, gs1)
  ssems = (ss0, ss1)
  c = lax.axis_index("c")
  s = lax.axis_index("s")
  pltpu.sync_copy(zeros_hbm, zstage_v)
  _zero_rows(s, acc_s, zstage_v)
  plsc.subcore_barrier()

  for cc in range(NC):
    @pl.when(c == cc)
    def _(cc=cc):
      base, n_my, nmax = split_fn(cc, s)
      _mp_pipe(h_hbms[hsel[cc]], src2, dst2, acc_s, base, n_my, nmax,
               sidx, didx, rows, gsems, ssems)

  plsc.subcore_barrier()

  def write_fn(stg, rr, nrows):
    pltpu.sync_copy(stg, out_hbm.at[c, pl.ds(rr, nrows)])

  _copy_rows_out(s, acc_s, zstage_v, write_fn)


def _mp_kernel(nsrc, hsel, split_fn, name, h_arrs, src2, dst2, zeros_arr):
  return pl.kernel(
      functools.partial(_mp_body, nsrc, hsel, split_fn),
      out_type=jax.ShapeDtypeStruct((NC, N, CW), jnp.float32),
      mesh=_mesh(),
      scratch_types=[
          pltpu.VMEM((2, CHUNK), jnp.int32),
          pltpu.VMEM((2, CHUNK), jnp.int32),
          pltpu.VMEM((2, CHUNK, CW), jnp.float32),
          pltpu.VMEM((SROWS, CW), jnp.float32),
          pltpu.VMEM_SHARED((N, CW), jnp.float32),
          pltpu.SemaphoreType.DMA,
          pltpu.SemaphoreType.DMA,
          pltpu.SemaphoreType.DMA,
          pltpu.SemaphoreType.DMA,
      ],
      name=name,
  )(*h_arrs, src2, dst2, zeros_arr)


def _split_half(cc, s):
  per, rem = divmod(NCHUNKS // NC, NS)
  n_my = per + jnp.where(s < rem, 1, 0)
  base = cc * (NCHUNKS // NC) + s * per + jnp.minimum(s, rem)
  return base, n_my, per + (1 if rem else 0)


def _split_full(cc, s):
  per, rem = divmod(NCHUNKS, NS)
  n_my = per + jnp.where(s < rem, 1, 0)
  base = s * per + jnp.minimum(s, rem)
  return base, n_my, per + (1 if rem else 0)


def _mp1_call(src2, dst2, xp, zeros_arr):
  return _mp_kernel(1, (0, 0), _split_half, "sc_mp1",
                    (xp,), src2, dst2, zeros_arr)


def _mp2_call(src2, dst2, hs_list, zeros_arr):
  return _mp_kernel(2, (0, 1), _split_full, "sc_mp2",
                    tuple(hs_list), src2, dst2, zeros_arr)


def _dis_block(dp_ref):
  deg = dp_ref[0, :, 0:1] + dp_ref[1, :, 0:1] + 1.0
  return lax.rsqrt(deg)


def _tc1_body(x_ref, dp_ref, xp_ref):
  dis = _dis_block(dp_ref)
  xp_ref[...] = x_ref[...] * dis


def _tc1_call(x, degparts):
  return pl.pallas_call(
      _tc1_body,
      grid=(NBLK,),
      in_specs=[
          pl.BlockSpec((RBLK, 128), lambda i: (i, 0)),
          pl.BlockSpec((NC, RBLK, WD), lambda i: (0, i, 0)),
      ],
      out_specs=pl.BlockSpec((RBLK, CW), lambda i: (i, 0)),
      out_shape=jax.ShapeDtypeStruct((N, CW), jnp.float32),
      name="tc1_scale",
  )(x, degparts)


def _tc2_body(ms_ref, xp_ref, dp_ref, b1_ref, w1_ref, w2_ref,
              hs2a_ref, hs2b_ref):
  dis = _dis_block(dp_ref)
  p = dis * (ms_ref[0] + ms_ref[1] + xp_ref[...])
  h1p = lax.dot_general(p, w1_ref[...], (((1,), (1,)), ((), ())),
                        preferred_element_type=jnp.float32)
  h1 = jax.nn.relu(h1p[:, :D1] + b1_ref[...])
  h2 = lax.dot_general(h1, w2_ref[...], (((1,), (1,)), ((), ())),
                       preferred_element_type=jnp.float32)
  hs2 = h2 * dis
  hs2a_ref[...] = hs2[:, :CW]
  hs2b_ref[...] = jnp.concatenate(
      [hs2[:, CW:], jnp.zeros((RBLK, D2P - D2), jnp.float32)], axis=1)


def _tc2_call(msgsum1, xp, degparts, b1r, W1p, W2):
  return pl.pallas_call(
      _tc2_body,
      grid=(NBLK,),
      in_specs=[
          pl.BlockSpec((NC, RBLK, CW), lambda i: (0, i, 0)),
          pl.BlockSpec((RBLK, CW), lambda i: (i, 0)),
          pl.BlockSpec((NC, RBLK, WD), lambda i: (0, i, 0)),
          pl.BlockSpec((1, D1), lambda i: (0, 0)),
          pl.BlockSpec((D1P, 128), lambda i: (0, 0)),
          pl.BlockSpec((D2, D1), lambda i: (0, 0)),
      ],
      out_specs=[
          pl.BlockSpec((RBLK, CW), lambda i: (i, 0)),
          pl.BlockSpec((RBLK, CW), lambda i: (i, 0)),
      ],
      out_shape=[
          jax.ShapeDtypeStruct((N, CW), jnp.float32),
          jax.ShapeDtypeStruct((N, CW), jnp.float32),
      ],
      name="tc2_gcn_matmuls",
  )(msgsum1, xp, degparts, b1r, W1p, W2)


def _tc3_body(ms_ref, hs2a_ref, hs2b_ref, dp_ref, b2_ref, batch_ref,
              wg_ref, bg_ref, wf_ref, bf_ref, wo_ref, bo_ref,
              o_ref, acc_ref):
  i = pl.program_id(0)

  @pl.when(i == 0)
  def _():
    acc_ref[...] = jnp.full((G, D2), -jnp.inf, dtype=jnp.float32)

  dis = _dis_block(dp_ref)
  msf = jnp.concatenate([ms_ref[0], ms_ref[1]], axis=1)[:, :D2]
  hsf = jnp.concatenate([hs2a_ref[...], hs2b_ref[...]], axis=1)[:, :D2]
  h = jax.nn.relu(dis * (msf + hsf) + b2_ref[...])
  b = batch_ref[...]
  glo = jnp.min(b)
  ghi = jnp.max(b)

  def seg_body(g, carry):
    m = (b == g)
    v = jnp.max(jnp.where(m, h, -jnp.inf), axis=0, keepdims=True)
    acc_ref[pl.ds(g, 1), :] = jnp.maximum(acc_ref[pl.ds(g, 1), :], v)
    return carry

  lax.fori_loop(glo, ghi + 1, seg_body, 0)

  @pl.when(i == NBLK - 1)
  def _():
    g0 = acc_ref[...]
    g1 = jax.nn.relu(
        lax.dot_general(g0, wg_ref[...], (((1,), (1,)), ((), ())),
                        preferred_element_type=jnp.float32) + bg_ref[...])
    g2 = jax.nn.relu(
        lax.dot_general(g1, wf_ref[...], (((1,), (1,)), ((), ())),
                        preferred_element_type=jnp.float32) + bf_ref[...])
    res = lax.dot_general(
        g2, wo_ref[...], (((1,), (1,)), ((), ())),
        preferred_element_type=jnp.float32)
    o_ref[...] = res[:, 0:1] + bo_ref[0, 0]


def _tc3_call(msgsum2, hs2_list, degparts, b2r, batch2,
              Wg, bgr, Wf, bfr, Wo, bor):
  return pl.pallas_call(
      _tc3_body,
      grid=(NBLK,),
      in_specs=[
          pl.BlockSpec((NCH2, RBLK, CW), lambda i: (0, i, 0)),
          pl.BlockSpec((RBLK, CW), lambda i: (i, 0)),
          pl.BlockSpec((RBLK, CW), lambda i: (i, 0)),
          pl.BlockSpec((NC, RBLK, WD), lambda i: (0, i, 0)),
          pl.BlockSpec((1, D2), lambda i: (0, 0)),
          pl.BlockSpec((RBLK, 1), lambda i: (i, 0)),
          pl.BlockSpec((84, D2), lambda i: (0, 0)),
          pl.BlockSpec((1, 84), lambda i: (0, 0)),
          pl.BlockSpec((42, 84), lambda i: (0, 0)),
          pl.BlockSpec((1, 42), lambda i: (0, 0)),
          pl.BlockSpec((8, 42), lambda i: (0, 0)),
          pl.BlockSpec((1, 1), lambda i: (0, 0)),
      ],
      out_specs=pl.BlockSpec((G, 1), lambda i: (0, 0)),
      out_shape=jax.ShapeDtypeStruct((G, 1), jnp.float32),
      scratch_shapes=[pltpu.VMEM((G, D2), jnp.float32)],
      name="tc3_pool_mlp",
  )(msgsum2, *hs2_list, degparts, b2r, batch2,
    Wg, bgr, Wf, bfr, Wo, bor)


def kernel(x, edge_index, batch, W1, b1, W2, b2, Wg, bg, Wf, bf, Wo, bo):
  src1d = edge_index[0]
  dst1d = edge_index[1]
  W1p = jnp.pad(W1, ((0, D1P - D1), (0, 0)))
  oneswd = jnp.ones((TBLK, WD), jnp.float32)
  zeroswd = jnp.zeros((SROWS, WD), jnp.float32)
  zeroscw = jnp.zeros((SROWS, CW), jnp.float32)
  batch2 = batch.reshape(N, 1)
  b1r = b1.reshape(1, D1)
  b2r = b2.reshape(1, D2)
  bgr = bg.reshape(1, 84)
  bfr = bf.reshape(1, 42)
  bor = bo.reshape(1, 1)

  Wop = jnp.pad(Wo, ((0, 7), (0, 0)))
  degparts = _deg_call(dst1d, oneswd, zeroswd)
  xp = _tc1_call(x, degparts)
  msgsum1 = _mp1_call(src1d, dst1d, xp, zeroscw)
  hs2_list = _tc2_call(msgsum1, xp, degparts, b1r, W1p, W2)
  msgsum2 = _mp2_call(src1d, dst1d, hs2_list, zeroscw)
  return _tc3_call(msgsum2, hs2_list, degparts, b2r, batch2,
                   Wg, bgr, Wf, bfr, Wop, bor)

# --- scband reference (transcript-rebuilt; emitter-appended) ---
"""Pipeline reference for scband-gcnnet-63402307224304 (READ-ONLY COPY).

The authoritative reference and input builder live on the scoring server;
editing this copy changes nothing except your own understanding.
"""

import jax, jax.numpy as jnp
import numpy as np

N = 10000
E = 320000
G = 64
D_IN = 128


def gcn_conv(x, src, dst, W, b, n):
    # torch_geometric GCNConv: normalize=True, add_self_loops=True
    loop = jnp.arange(n, dtype=src.dtype)
    s = jnp.concatenate([src, loop])
    d = jnp.concatenate([dst, loop])
    h = x @ W.T  # torch Linear-style weight [out, in]
    ones = jnp.ones(s.shape[0], dtype=h.dtype)
    deg = jax.ops.segment_sum(ones, d, num_segments=n)
    dis = jnp.where(deg > 0, deg ** -0.5, 0.0)
    norm = dis[s] * dis[d]
    msgs = h[s] * norm[:, None]
    out = jax.ops.segment_sum(msgs, d, num_segments=n)
    return out + b


def setup_inputs(seed: int = 0):
    key = jax.random.key(seed)
    ks = jax.random.split(key, 16)
    x = jax.random.normal(ks[0], (N, D_IN), dtype=jnp.float32)
    edge_index = jax.random.randint(ks[1], (2, E), 0, N)
    batch = jnp.sort(jax.random.randint(ks[2], (N,), 0, G))

    def lin(k, o, i):
        k1, k2 = jax.random.split(k)
        s = 1.0 / np.sqrt(i)
        return (jax.random.uniform(k1, (o, i), jnp.float32, -s, s),
                jax.random.uniform(k2, (o,), jnp.float32, -s, s))

    W1, b1 = lin(ks[3], 336, D_IN)
    W2, b2 = lin(ks[4], 168, 336)
    Wg, bg = lin(ks[5], 84, 168)
    Wf, bf = lin(ks[6], 42, 84)
    Wo, bo = lin(ks[7], 1, 42)
    return {"x": x, "edge_index": edge_index, "batch": batch,
            "W1": W1, "b1": b1, "W2": W2, "b2": b2,
            "Wg": Wg, "bg": bg, "Wf": Wf, "bf": bf, "Wo": Wo, "bo": bo}


def reference(x, edge_index, batch, W1, b1, W2, b2, Wg, bg, Wf, bf, Wo, bo):
    src, dst = edge_index[0], edge_index[1]
    h = jax.nn.relu(gcn_conv(x, src, dst, W1, b1, N))
    # dropout is identity in eval mode
    h = jax.nn.relu(gcn_conv(h, src, dst, W2, b2, N))
    # global max pool over graphs
    g = jax.ops.segment_max(h, batch, num_segments=G)
    g = jax.nn.relu(g @ Wg.T + bg)
    g = jax.nn.relu(g @ Wf.T + bf)
    out = g @ Wo.T + bo
    return out

if __name__ == "__main__":
    import jax
    _d = setup_inputs()
    print(jax.jit(kernel)(*tuple(_d.values())))

</pallas_src>

<mosaic_0001>
#map = affine_map<(d0, d1) -> (0)>
#map1 = affine_map<(d0, d1) -> (0, 0)>
#map2 = affine_map<(d0, d1) -> (0, 0, 0)>
module attributes {stable_mosaic.version = 14 : i64} {
  func.func @sc_deg_hist(%arg0: i32, %arg1: i32, %arg2: memref<320000xi32, #tpu.memory_space<hbm>>, %arg3: memref<256x128xf32, #tpu.memory_space<hbm>>, %arg4: memref<104x128xf32, #tpu.memory_space<hbm>>, %arg5: memref<2x10000x128xf32, #tpu.memory_space<hbm>>, %arg6: memref<512xi32, #tpu.memory_space<vmem>>, %arg7: memref<256x128xf32, #tpu.memory_space<vmem>>, %arg8: memref<104x128xf32, #tpu.memory_space<vmem>>, %arg9: memref<10000x128xf32, #tpu.memory_space<vmem_shared>>, %arg10: memref<!tpu.dma_semaphore, #tpu.memory_space<semaphore_mem>>, %arg11: memref<!tpu.dma_semaphore, #tpu.memory_space<semaphore_mem>>) attributes {dimension_semantics = [#tpu.dimension_semantics<core_parallel>, #tpu.dimension_semantics<subcore_parallel>], iteration_bounds = array<i64: 2, 16>, scalar_prefetch = 0 : i64, scratch_operands = 6 : i64, tpu.core_type = #tpu.core_type<sc_vector_subcore>, window_params = [{transform_indices = #map}, {transform_indices = #map1}, {transform_indices = #map1}, {transform_indices = #map2}]} {
    %mul3A = arith.constant 16 : i32
    %mul3A_0 = arith.muli %arg0, %mul3A : i32
    %add3A = arith.addi %mul3A_0, %arg1 : i32
    "tpu.region"() ({
      %run_scoped3A = tpu.sem_alloc : memref<!tpu.dma_semaphore, #tpu.memory_space<semaphore_mem>>
      tpu.enqueue_dma source(%arg3 : memref<256x128xf32, #tpu.memory_space<hbm>>) target(%arg7 : memref<256x128xf32, #tpu.memory_space<vmem>>) target_semaphore(%run_scoped3A : memref<!tpu.dma_semaphore, #tpu.memory_space<semaphore_mem>>)
      tpu.wait_dma2 semaphore(%run_scoped3A : memref<!tpu.dma_semaphore, #tpu.memory_space<semaphore_mem>>) src(%arg3 : memref<256x128xf32, #tpu.memory_space<hbm>>) dst(%arg7 : memref<256x128xf32, #tpu.memory_space<vmem>>)
      tpu.yield
    }) : () -> ()
    "tpu.region"() ({
      %run_scoped3A = tpu.sem_alloc : memref<!tpu.dma_semaphore, #tpu.memory_space<semaphore_mem>>
      tpu.enqueue_dma source(%arg4 : memref<104x128xf32, #tpu.memory_space<hbm>>) target(%arg8 : memref<104x128xf32, #tpu.memory_space<vmem>>) target_semaphore(%run_scoped3A : memref<!tpu.dma_semaphore, #tpu.memory_space<semaphore_mem>>)
      tpu.wait_dma2 semaphore(%run_scoped3A : memref<!tpu.dma_semaphore, #tpu.memory_space<semaphore_mem>>) src(%arg4 : memref<104x128xf32, #tpu.memory_space<hbm>>) dst(%arg8 : memref<104x128xf32, #tpu.memory_space<vmem>>)
      tpu.yield
    }) : () -> ()
    %mul3A_1 = arith.constant 78 : i32
    %mul3A_2 = arith.muli %arg1, %mul3A_1 : i32
    %min3A = arith.constant 2 : i32
    %min3A_3 = arith.minsi %arg1, %min3A : i32
    %add3A_4 = arith.addi %mul3A_2, %min3A_3 : i32
    %mul3A_5 = arith.constant 8 : i32
    %mul3A_6 = arith.muli %add3A_4, %mul3A_5 : i32
    %add3A_7 = arith.constant 0 : i32
    %add3A_8 = arith.addi %mul3A_6, %add3A_7 : i32
    %multiple_of3A = tpu.assume_multiple %add3A_8, 8 : i32
    "tpu.region"() ({
      %run_scoped3A = tpu.sem_alloc : memref<!tpu.dma_semaphore, #tpu.memory_space<semaphore_mem>>
      %dma_start3A = arith.constant 0 : i32
      %dma_start3A_81 = tpu.memref_slice %arg9[%multiple_of3A, %dma_start3A] : memref<10000x128xf32, #tpu.memory_space<vmem_shared>> -> memref<104x128xf32, #tpu.memory_space<vmem_shared>>
      %dma_start3A_82 = arith.constant 0 : i32
      %dma_start3A_83 = tpu.memref_slice %arg9[%multiple_of3A, %dma_start3A_82] : memref<10000x128xf32, #tpu.memory_space<vmem_shared>> -> memref<104x128xf32, #tpu.memory_space<vmem_shared>>
      tpu.enqueue_dma source(%arg8 : memref<104x128xf32, #tpu.memory_space<vmem>>) target(%dma_start3A_83 : memref<104x128xf32, #tpu.memory_space<vmem_shared>>) target_semaphore(%run_scoped3A : memref<!tpu.dma_semaphore, #tpu.memory_space<semaphore_mem>>)
      %dma_wait3A_84 = arith.constant 0 : i32
      %dma_wait3A_85 = tpu.memref_slice %arg9[%multiple_of3A, %dma_wait3A_84] : memref<10000x128xf32, #tpu.memory_space<vmem_shared>> -> memref<104x128xf32, #tpu.memory_space<vmem_shared>>
      %dma_wait3A_86 = arith.constant 0 : i32
      %dma_wait3A_87 = tpu.memref_slice %arg9[%multiple_of3A, %dma_wait3A_86] : memref<10000x128xf32, #tpu.memory_space<vmem_shared>> -> memref<104x128xf32, #tpu.memory_space<vmem_shared>>
      tpu.wait_dma2 semaphore(%run_scoped3A : memref<!tpu.dma_semaphore, #tpu.memory_space<semaphore_mem>>) src(%arg8 : memref<104x128xf32, #tpu.memory_space<vmem>>) dst(%dma_wait3A_87 : memref<104x128xf32, #tpu.memory_space<vmem_shared>>)
      tpu.yield
    }) : () -> ()
    %add3A_9 = arith.constant 104 : i32
    %add3A_10 = arith.addi %mul3A_6, %add3A_9 : i32
    %multiple_of3A_11 = tpu.assume_multiple %add3A_10, 8 : i32
    "tpu.region"() ({
      %run_scoped3A = tpu.sem_alloc : memref<!tpu.dma_semaphore, #tpu.memory_space<semaphore_mem>>
      %dma_start3A = arith.constant 0 : i32
      %dma_start3A_81 = tpu.memref_slice %arg9[%multiple_of3A_11, %dma_start3A] : memref<10000x128xf32, #tpu.memory_space<vmem_shared>> -> memref<104x128xf32, #tpu.memory_space<vmem_shared>>
      %dma_start3A_82 = arith.constant 0 : i32
      %dma_start3A_83 = tpu.memref_slice %arg9[%multiple_of3A_11, %dma_start3A_82] : memref<10000x128xf32, #tpu.memory_space<vmem_shared>> -> memref<104x128xf32, #tpu.memory_space<vmem_shared>>
      tpu.enqueue_dma source(%arg8 : memref<104x128xf32, #tpu.memory_space<vmem>>) target(%dma_start3A_83 : memref<104x128xf32, #tpu.memory_space<vmem_shared>>) target_semaphore(%run_scoped3A : memref<!tpu.dma_semaphore, #tpu.memory_space<semaphore_mem>>)
      %dma_wait3A_84 = arith.constant 0 : i32
      %dma_wait3A_85 = tpu.memref_slice %arg9[%multiple_of3A_11, %dma_wait3A_84] : memref<10000x128xf32, #tpu.memory_space<vmem_shared>> -> memref<104x128xf32, #tpu.memory_space<vmem_shared>>
      %dma_wait3A_86 = arith.constant 0 : i32
      %dma_wait3A_87 = tpu.memref_slice %arg9[%multiple_of3A_11, %dma_wait3A_86] : memref<10000x128xf32, #tpu.memory_space<vmem_shared>> -> memref<104x128xf32, #tpu.memory_space<vmem_shared>>
      tpu.wait_dma2 semaphore(%run_scoped3A : memref<!tpu.dma_semaphore, #tpu.memory_space<semaphore_mem>>) src(%arg8 : memref<104x128xf32, #tpu.memory_space<vmem>>) dst(%dma_wait3A_87 : memref<104x128xf32, #tpu.memory_space<vmem_shared>>)
      tpu.yield
    }) : () -> ()
    %add3A_12 = arith.constant 208 : i32
    %add3A_13 = arith.addi %mul3A_6, %add3A_12 : i32
    %multiple_of3A_14 = tpu.assume_multiple %add3A_13, 8 : i32
    "tpu.region"() ({
      %run_scoped3A = tpu.sem_alloc : memref<!tpu.dma_semaphore, #tpu.memory_space<semaphore_mem>>
      %dma_start3A = arith.constant 0 : i32
      %dma_start3A_81 = tpu.memref_slice %arg9[%multiple_of3A_14, %dma_start3A] : memref<10000x128xf32, #tpu.memory_space<vmem_shared>> -> memref<104x128xf32, #tpu.memory_space<vmem_shared>>
      %dma_start3A_82 = arith.constant 0 : i32
      %dma_start3A_83 = tpu.memref_slice %arg9[%multiple_of3A_14, %dma_start3A_82] : memref<10000x128xf32, #tpu.memory_space<vmem_shared>> -> memref<104x128xf32, #tpu.memory_space<vmem_shared>>
      tpu.enqueue_dma source(%arg8 : memref<104x128xf32, #tpu.memory_space<vmem>>) target(%dma_start3A_83 : memref<104x128xf32, #tpu.memory_space<vmem_shared>>) target_semaphore(%run_scoped3A : memref<!tpu.dma_semaphore, #tpu.memory_space<semaphore_mem>>)
      %dma_wait3A_84 = arith.constant 0 : i32
      %dma_wait3A_85 = tpu.memref_slice %arg9[%multiple_of3A_14, %dma_wait3A_84] : memref<10000x128xf32, #tpu.memory_space<vmem_shared>> -> memref<104x128xf32, #tpu.memory_space<vmem_shared>>
      %dma_wait3A_86 = arith.constant 0 : i32
      %dma_wait3A_87 = tpu.memref_slice %arg9[%multiple_of3A_14, %dma_wait3A_86] : memref<10000x128xf32, #tpu.memory_space<vmem_shared>> -> memref<104x128xf32, #tpu.memory_space<vmem_shared>>
      tpu.wait_dma2 semaphore(%run_scoped3A : memref<!tpu.dma_semaphore, #tpu.memory_space<semaphore_mem>>) src(%arg8 : memref<104x128xf32, #tpu.memory_space<vmem>>) dst(%dma_wait3A_87 : memref<104x128xf32, #tpu.memory_space<vmem_shared>>)
      tpu.yield
    }) : () -> ()
    %add3A_15 = arith.constant 312 : i32
    %add3A_16 = arith.addi %mul3A_6, %add3A_15 : i32
    %multiple_of3A_17 = tpu.assume_multiple %add3A_16, 8 : i32
    "tpu.region"() ({
      %run_scoped3A = tpu.sem_alloc : memref<!tpu.dma_semaphore, #tpu.memory_space<semaphore_mem>>
      %dma_start3A = arith.constant 0 : i32
      %dma_start3A_81 = tpu.memref_slice %arg9[%multiple_of3A_17, %dma_start3A] : memref<10000x128xf32, #tpu.memory_space<vmem_shared>> -> memref<104x128xf32, #tpu.memory_space<vmem_shared>>
      %dma_start3A_82 = arith.constant 0 : i32
      %dma_start3A_83 = tpu.memref_slice %arg9[%multiple_of3A_17, %dma_start3A_82] : memref<10000x128xf32, #tpu.memory_space<vmem_shared>> -> memref<104x128xf32, #tpu.memory_space<vmem_shared>>
      tpu.enqueue_dma source(%arg8 : memref<104x128xf32, #tpu.memory_space<vmem>>) target(%dma_start3A_83 : memref<104x128xf32, #tpu.memory_space<vmem_shared>>) target_semaphore(%run_scoped3A : memref<!tpu.dma_semaphore, #tpu.memory_space<semaphore_mem>>)
      %dma_wait3A_84 = arith.constant 0 : i32
      %dma_wait3A_85 = tpu.memref_slice %arg9[%multiple_of3A_17, %dma_wait3A_84] : memref<10000x128xf32, #tpu.memory_space<vmem_shared>> -> memref<104x128xf32, #tpu.memory_space<vmem_shared>>
      %dma_wait3A_86 = arith.constant 0 : i32
      %dma_wait3A_87 = tpu.memref_slice %arg9[%multiple_of3A_17, %dma_wait3A_86] : memref<10000x128xf32, #tpu.memory_space<vmem_shared>> -> memref<104x128xf32, #tpu.memory_space<vmem_shared>>
      tpu.wait_dma2 semaphore(%run_scoped3A : memref<!tpu.dma_semaphore, #tpu.memory_space<semaphore_mem>>) src(%arg8 : memref<104x128xf32, #tpu.memory_space<vmem>>) dst(%dma_wait3A_87 : memref<104x128xf32, #tpu.memory_space<vmem_shared>>)
      tpu.yield
    }) : () -> ()
    %add3A_18 = arith.constant 416 : i32
    %add3A_19 = arith.addi %mul3A_6, %add3A_18 : i32
    %multiple_of3A_20 = tpu.assume_multiple %add3A_19, 8 : i32
    "tpu.region"() ({
      %run_scoped3A = tpu.sem_alloc : memref<!tpu.dma_semaphore, #tpu.memory_space<semaphore_mem>>
      %dma_start3A = arith.constant 0 : i32
      %dma_start3A_81 = tpu.memref_slice %arg9[%multiple_of3A_20, %dma_start3A] : memref<10000x128xf32, #tpu.memory_space<vmem_shared>> -> memref<104x128xf32, #tpu.memory_space<vmem_shared>>
      %dma_start3A_82 = arith.constant 0 : i32
      %dma_start3A_83 = tpu.memref_slice %arg9[%multiple_of3A_20, %dma_start3A_82] : memref<10000x128xf32, #tpu.memory_space<vmem_shared>> -> memref<104x128xf32, #tpu.memory_space<vmem_shared>>
      tpu.enqueue_dma source(%arg8 : memref<104x128xf32, #tpu.memory_space<vmem>>) target(%dma_start3A_83 : memref<104x128xf32, #tpu.memory_space<vmem_shared>>) target_semaphore(%run_scoped3A : memref<!tpu.dma_semaphore, #tpu.memory_space<semaphore_mem>>)
      %dma_wait3A_84 = arith.constant 0 : i32
      %dma_wait3A_85 = tpu.memref_slice %arg9[%multiple_of3A_20, %dma_wait3A_84] : memref<10000x128xf32, #tpu.memory_space<vmem_shared>> -> memref<104x128xf32, #tpu.memory_space<vmem_shared>>
      %dma_wait3A_86 = arith.constant 0 : i32
      %dma_wait3A_87 = tpu.memref_slice %arg9[%multiple_of3A_20, %dma_wait3A_86] : memref<10000x128xf32, #tpu.memory_space<vmem_shared>> -> memref<104x128xf32, #tpu.memory_space<vmem_shared>>
      tpu.wait_dma2 semaphore(%run_scoped3A : memref<!tpu.dma_semaphore, #tpu.memory_space<semaphore_mem>>) src(%arg8 : memref<104x128xf32, #tpu.memory_space<vmem>>) dst(%dma_wait3A_87 : memref<104x128xf32, #tpu.memory_space<vmem_shared>>)
      tpu.yield
    }) : () -> ()
    %add3A_21 = arith.constant 520 : i32
    %add3A_22 = arith.addi %mul3A_6, %add3A_21 : i32
    %multiple_of3A_23 = tpu.assume_multiple %add3A_22, 8 : i32
    "tpu.region"() ({
      %run_scoped3A = tpu.sem_alloc : memref<!tpu.dma_semaphore, #tpu.memory_space<semaphore_mem>>
      %dma_start3A = arith.constant 0 : i32
      %dma_start3A_81 = tpu.memref_slice %arg9[%multiple_of3A_23, %dma_start3A] : memref<10000x128xf32, #tpu.memory_space<vmem_shared>> -> memref<104x128xf32, #tpu.memory_space<vmem_shared>>
      %dma_start3A_82 = arith.constant 0 : i32
      %dma_start3A_83 = tpu.memref_slice %arg9[%multiple_of3A_23, %dma_start3A_82] : memref<10000x128xf32, #tpu.memory_space<vmem_shared>> -> memref<104x128xf32, #tpu.memory_space<vmem_shared>>
      tpu.enqueue_dma source(%arg8 : memref<104x128xf32, #tpu.memory_space<vmem>>) target(%dma_start3A_83 : memref<104x128xf32, #tpu.memory_space<vmem_shared>>) target_semaphore(%run_scoped3A : memref<!tpu.dma_semaphore, #tpu.memory_space<semaphore_mem>>)
      %dma_wait3A_84 = arith.constant 0 : i32
      %dma_wait3A_85 = tpu.memref_slice %arg9[%multiple_of3A_23, %dma_wait3A_84] : memref<10000x128xf32, #tpu.memory_space<vmem_shared>> -> memref<104x128xf32, #tpu.memory_space<vmem_shared>>
      %dma_wait3A_86 = arith.constant 0 : i32
      %dma_wait3A_87 = tpu.memref_slice %arg9[%multiple_of3A_23, %dma_wait3A_86] : memref<10000x128xf32, #tpu.memory_space<vmem_shared>> -> memref<104x128xf32, #tpu.memory_space<vmem_shared>>
      tpu.wait_dma2 semaphore(%run_scoped3A : memref<!tpu.dma_semaphore, #tpu.memory_space<semaphore_mem>>) src(%arg8 : memref<104x128xf32, #tpu.memory_space<vmem>>) dst(%dma_wait3A_87 : memref<104x128xf32, #tpu.memory_space<vmem_shared>>)
      tpu.yield
    }) : () -> ()
    %lt3A = arith.constant 2 : i32
    %lt3A_24 = arith.cmpi slt, %arg1, %lt3A : i32
    %convert_element_type3A = arith.extui %lt3A_24 : i1 to i32
    %cond3A = arith.constant 0 : i32
    %cond3A_25 = arith.cmpi ne, %convert_element_type3A, %cond3A : i32
    scf.if %cond3A_25 {
      %add3A_81 = arith.constant 624 : i32
      %add3A_82 = arith.addi %mul3A_6, %add3A_81 : i32
      %multiple_of3A_83 = tpu.assume_multiple %add3A_82, 8 : i32
      "tpu.region"() ({
        %run_scoped3A = tpu.sem_alloc : memref<!tpu.dma_semaphore, #tpu.memory_space<semaphore_mem>>
        %dma_start3A = arith.constant 0 : i32
        %dma_start3A_84 = arith.constant 0 : i32
        %dma_start3A_85 = tpu.memref_slice %arg8[%dma_start3A, %dma_start3A_84] : memref<104x128xf32, #tpu.memory_space<vmem>> -> memref<8x128xf32, #tpu.memory_space<vmem>>
        %dma_start3A_86 = arith.constant 0 : i32
        %dma_start3A_87 = tpu.memref_slice %arg9[%multiple_of3A_83, %dma_start3A_86] : memref<10000x128xf32, #tpu.memory_space<vmem_shared>> -> memref<8x128xf32, #tpu.memory_space<vmem_shared>>
        %dma_start3A_88 = arith.constant 0 : i32
        %dma_start3A_89 = tpu.memref_slice %arg9[%multiple_of3A_83, %dma_start3A_88] : memref<10000x128xf32, #tpu.memory_space<vmem_shared>> -> memref<8x128xf32, #tpu.memory_space<vmem_shared>>
        %dma_start3A_90 = arith.constant 0 : i32
        %dma_start3A_91 = arith.constant 0 : i32
        %dma_start3A_92 = tpu.memref_slice %arg8[%dma_start3A_90, %dma_start3A_91] : memref<104x128xf32, #tpu.memory_space<vmem>> -> memref<8x128xf32, #tpu.memory_space<vmem>>
        tpu.enqueue_dma source(%dma_start3A_92 : memref<8x128xf32, #tpu.memory_space<vmem>>) target(%dma_start3A_89 : memref<8x128xf32, #tpu.memory_space<vmem_shared>>) target_semaphore(%run_scoped3A : memref<!tpu.dma_semaphore, #tpu.memory_space<semaphore_mem>>)
        %dma_wait3A_93 = arith.constant 0 : i32
        %dma_wait3A_94 = arith.constant 0 : i32
        %dma_wait3A_95 = tpu.memref_slice %arg8[%dma_wait3A_93, %dma_wait3A_94] : memref<104x128xf32, #tpu.memory_space<vmem>> -> memref<8x128xf32, #tpu.memory_space<vmem>>
        %dma_wait3A_96 = arith.constant 0 : i32
        %dma_wait3A_97 = tpu.memref_slice %arg9[%multiple_of3A_83, %dma_wait3A_96] : memref<10000x128xf32, #tpu.memory_space<vmem_shared>> -> memref<8x128xf32, #tpu.memory_space<vmem_shared>>
        %dma_wait3A_98 = arith.constant 0 : i32
        %dma_wait3A_99 = tpu.memref_slice %arg9[%multiple_of3A_83, %dma_wait3A_98] : memref<10000x128xf32, #tpu.memory_space<vmem_shared>> -> memref<8x128xf32, #tpu.memory_space<vmem_shared>>
        %dma_wait3A_100 = arith.constant 0 : i32
        %dma_wait3A_101 = arith.constant 0 : i32
        %dma_wait3A_102 = tpu.memref_slice %arg8[%dma_wait3A_100, %dma_wait3A_101] : memref<104x128xf32, #tpu.memory_space<vmem>> -> memref<8x128xf32, #tpu.memory_space<vmem>>
        tpu.wait_dma2 semaphore(%run_scoped3A : memref<!tpu.dma_semaphore, #tpu.memory_space<semaphore_mem>>) src(%dma_wait3A_102 : memref<8x128xf32, #tpu.memory_space<vmem>>) dst(%dma_wait3A_99 : memref<8x128xf32, #tpu.memory_space<vmem_shared>>)
        tpu.yield
      }) : () -> ()
    } else {
    }
    %barrier3A = arith.constant 0 : index
    tpu.barrier barrier_id(%barrier3A)
    %lt3A_26 = arith.constant 2 : i32
    %lt3A_27 = arith.cmpi slt, %add3A, %lt3A_26 : i32
    %jit3A = arith.constant 1 : i32
    %jit3A_28 = arith.constant 0 : i32
    %select_n3A = arith.select %lt3A_27, %jit3A, %jit3A_28 : i32
    %add3A_29 = arith.constant 39 : i32
    %add3A_30 = arith.addi %add3A_29, %select_n3A : i32
    %mul3A_31 = arith.constant 39 : i32
    %mul3A_32 = arith.muli %add3A, %mul3A_31 : i32
    %min3A_33 = arith.constant 2 : i32
    %min3A_34 = arith.minsi %add3A, %min3A_33 : i32
    %add3A_35 = arith.addi %mul3A_32, %min3A_34 : i32
    %scan3A = arith.constant 0 : i32
    %scan3A_36 = arith.constant 0 : i32
    %scan3A_37 = arith.constant 40 : i32
    %scan3A_38 = arith.addi %scan3A_36, %scan3A_37 : i32
    %scan3A_39 = arith.constant 1 : i32
    scf.for %scan3A_81 = %scan3A_36 to %scan3A_38 step %scan3A_39  : i32 {
      %rem3A = arith.constant 2 : i32
      %rem3A_82 = arith.remsi %scan3A_81, %rem3A : i32
      %eq3A = arith.constant 0 : i32
      %eq3A_83 = arith.cmpi eq, %rem3A_82, %eq3A : i32
      %ge3A = arith.constant 2 : i32
      %ge3A_84 = arith.cmpi sge, %scan3A_81, %ge3A : i32
      %and3A = arith.andi %eq3A_83, %ge3A_84 : i1
      %lt3A_85 = arith.cmpi slt, %scan3A_81, %add3A_30 : i32
      %and3A_86 = arith.andi %and3A, %lt3A_85 : i1
      %convert_element_type3A_87 = arith.extui %and3A_86 : i1 to i32
      %cond3A_88 = arith.constant 0 : i32
      %cond3A_89 = arith.cmpi ne, %convert_element_type3A_87, %cond3A_88 : i32
      scf.if %cond3A_89 {
        %dma_wait3A_114 = arith.constant 0 : i32
        %dma_wait3A_115 = tpu.memref_slice %arg6[%dma_wait3A_114] : memref<512xi32, #tpu.memory_space<vmem>> -> memref<256xi32, #tpu.memory_space<vmem>>
        %dma_wait3A_116 = arith.constant 0 : i32
        %dma_wait3A_117 = arith.constant 0 : i32
        %dma_wait3A_118 = tpu.memref_slice %arg9[%dma_wait3A_116, %dma_wait3A_117] : memref<10000x128xf32, #tpu.memory_space<vmem_shared>> -> memref<10000x128xf32, #tpu.memory_space<vmem_shared>>
        tpu.wait_indirect_dma semaphore(%arg10 : memref<!tpu.dma_semaphore, #tpu.memory_space<semaphore_mem>>) src(%arg7 : memref<256x128xf32, #tpu.memory_space<vmem>>) dst(%dma_wait3A_118 : memref<10000x128xf32, #tpu.memory_space<vmem_shared>>)
      } else {
      }
      %eq3A_90 = arith.constant 0 : i32
      %eq3A_91 = arith.cmpi eq, %rem3A_82, %eq3A_90 : i32
      %lt3A_92 = arith.cmpi slt, %scan3A_81, %add3A_30 : i32
      %and3A_93 = arith.andi %eq3A_91, %lt3A_92 : i1
      %convert_element_type3A_94 = arith.extui %and3A_93 : i1 to i32
      %cond3A_95 = arith.constant 0 : i32
      %cond3A_96 = arith.cmpi ne, %convert_element_type3A_94, %cond3A_95 : i32
      scf.if %cond3A_96 {
        %add3A_114 = arith.addi %add3A_35, %scan3A_81 : i32
        %mul3A_115 = arith.constant 256 : i32
        %mul3A_116 = arith.muli %add3A_114, %mul3A_115 : i32
        %multiple_of3A_117 = tpu.assume_multiple %mul3A_116, 256 : i32
        "tpu.region"() ({
          %run_scoped3A = tpu.sem_alloc : memref<!tpu.dma_semaphore, #tpu.memory_space<semaphore_mem>>
          %dma_start3A_122 = arith.constant 0 : i32
          %dma_start3A_123 = tpu.memref_slice %arg6[%dma_start3A_122] : memref<512xi32, #tpu.memory_space<vmem>> -> memref<256xi32, #tpu.memory_space<vmem>>
          %dma_start3A_124 = tpu.memref_slice %arg2[%multiple_of3A_117] : memref<320000xi32, #tpu.memory_space<hbm>> -> memref<256xi32, #tpu.memory_space<hbm>>
          %dma_start3A_125 = arith.constant 0 : i32
          %dma_start3A_126 = tpu.memref_slice %arg6[%dma_start3A_125] : memref<512xi32, #tpu.memory_space<vmem>> -> memref<256xi32, #tpu.memory_space<vmem>>
          %dma_start3A_127 = tpu.memref_slice %arg2[%multiple_of3A_117] : memref<320000xi32, #tpu.memory_space<hbm>> -> memref<256xi32, #tpu.memory_space<hbm>>
          tpu.enqueue_dma source(%dma_start3A_127 : memref<256xi32, #tpu.memory_space<hbm>>) target(%dma_start3A_126 : memref<256xi32, #tpu.memory_space<vmem>>) target_semaphore(%run_scoped3A : memref<!tpu.dma_semaphore, #tpu.memory_space<semaphore_mem>>)
          %dma_wait3A_128 = arith.constant 0 : i32
          %dma_wait3A_129 = tpu.memref_slice %arg6[%dma_wait3A_128] : memref<512xi32, #tpu.memory_space<vmem>> -> memref<256xi32, #tpu.memory_space<vmem>>
          %dma_wait3A_130 = tpu.memref_slice %arg2[%multiple_of3A_117] : memref<320000xi32, #tpu.memory_space<hbm>> -> memref<256xi32, #tpu.memory_space<hbm>>
          %dma_wait3A_131 = arith.constant 0 : i32
          %dma_wait3A_132 = tpu.memref_slice %arg6[%dma_wait3A_131] : memref<512xi32, #tpu.memory_space<vmem>> -> memref<256xi32, #tpu.memory_space<vmem>>
          %dma_wait3A_133 = tpu.memref_slice %arg2[%multiple_of3A_117] : memref<320000xi32, #tpu.memory_space<hbm>> -> memref<256xi32, #tpu.memory_space<hbm>>
          tpu.wait_dma2 semaphore(%run_scoped3A : memref<!tpu.dma_semaphore, #tpu.memory_space<semaphore_mem>>) src(%dma_wait3A_133 : memref<256xi32, #tpu.memory_space<hbm>>) dst(%dma_wait3A_132 : memref<256xi32, #tpu.memory_space<vmem>>)
          tpu.yield
        }) : () -> ()
        %dma_start3A = arith.constant 0 : i32
        %dma_start3A_118 = tpu.memref_slice %arg6[%dma_start3A] : memref<512xi32, #tpu.memory_space<vmem>> -> memref<256xi32, #tpu.memory_space<vmem>>
        %dma_start3A_119 = arith.constant 0 : i32
        %dma_start3A_120 = arith.constant 0 : i32
        %dma_start3A_121 = tpu.memref_slice %arg9[%dma_start3A_119, %dma_start3A_120] : memref<10000x128xf32, #tpu.memory_space<vmem_shared>> -> memref<10000x128xf32, #tpu.memory_space<vmem_shared>>
        tpu.enqueue_indirect_dma source(%arg7 : memref<256x128xf32, #tpu.memory_space<vmem>>) target(%dma_start3A_121 : memref<10000x128xf32, #tpu.memory_space<vmem_shared>>) offsets(%dma_start3A_118 : memref<256xi32, #tpu.memory_space<vmem>>) semaphore(%arg10 : memref<!tpu.dma_semaphore, #tpu.memory_space<semaphore_mem>>) {add = true}
      } else {
      }
      %eq3A_97 = arith.constant 1 : i32
      %eq3A_98 = arith.cmpi eq, %rem3A_82, %eq3A_97 : i32
      %ge3A_99 = arith.constant 2 : i32
      %ge3A_100 = arith.cmpi sge, %scan3A_81, %ge3A_99 : i32
      %and3A_101 = arith.andi %eq3A_98, %ge3A_100 : i1
      %lt3A_102 = arith.cmpi slt, %scan3A_81, %add3A_30 : i32
      %and3A_103 = arith.andi %and3A_101, %lt3A_102 : i1
      %convert_element_type3A_104 = arith.extui %and3A_103 : i1 to i32
      %cond3A_105 = arith.constant 0 : i32
      %cond3A_106 = arith.cmpi ne, %convert_element_type3A_104, %cond3A_105 : i32
      scf.if %cond3A_106 {
        %dma_wait3A_114 = arith.constant 256 : i32
        %dma_wait3A_115 = tpu.memref_slice %arg6[%dma_wait3A_114] : memref<512xi32, #tpu.memory_space<vmem>> -> memref<256xi32, #tpu.memory_space<vmem>>
        %dma_wait3A_116 = arith.constant 0 : i32
        %dma_wait3A_117 = arith.constant 0 : i32
        %dma_wait3A_118 = tpu.memref_slice %arg9[%dma_wait3A_116, %dma_wait3A_117] : memref<10000x128xf32, #tpu.memory_space<vmem_shared>> -> memref<10000x128xf32, #tpu.memory_space<vmem_shared>>
        tpu.wait_indirect_dma semaphore(%arg11 : memref<!tpu.dma_semaphore, #tpu.memory_space<semaphore_mem>>) src(%arg7 : memref<256x128xf32, #tpu.memory_space<vmem>>) dst(%dma_wait3A_118 : memref<10000x128xf32, #tpu.memory_space<vmem_shared>>)
      } else {
      }
      %eq3A_107 = arith.constant 1 : i32
      %eq3A_108 = arith.cmpi eq, %rem3A_82, %eq3A_107 : i32
      %lt3A_109 = arith.cmpi slt, %scan3A_81, %add3A_30 : i32
      %and3A_110 = arith.andi %eq3A_108, %lt3A_109 : i1
      %convert_element_type3A_111 = arith.extui %and3A_110 : i1 to i32
      %cond3A_112 = arith.constant 0 : i32
      %cond3A_113 = arith.cmpi ne, %convert_element_type3A_111, %cond3A_112 : i32
      scf.if %cond3A_113 {
        %add3A_114 = arith.addi %add3A_35, %scan3A_81 : i32
        %mul3A_115 = arith.constant 256 : i32
        %mul3A_116 = arith.muli %add3A_114, %mul3A_115 : i32
        %multiple_of3A_117 = tpu.assume_multiple %mul3A_116, 256 : i32
        "tpu.region"() ({
          %run_scoped3A = tpu.sem_alloc : memref<!tpu.dma_semaphore, #tpu.memory_space<semaphore_mem>>
          %dma_start3A_122 = arith.constant 256 : i32
          %dma_start3A_123 = tpu.memref_slice %arg6[%dma_start3A_122] : memref<512xi32, #tpu.memory_space<vmem>> -> memref<256xi32, #tpu.memory_space<vmem>>
          %dma_start3A_124 = tpu.memref_slice %arg2[%multiple_of3A_117] : memref<320000xi32, #tpu.memory_space<hbm>> -> memref<256xi32, #tpu.memory_space<hbm>>
          %dma_start3A_125 = arith.constant 256 : i32
          %dma_start3A_126 = tpu.memref_slice %arg6[%dma_start3A_125] : memref<512xi32, #tpu.memory_space<vmem>> -> memref<256xi32, #tpu.memory_space<vmem>>
          %dma_start3A_127 = tpu.memref_slice %arg2[%multiple_of3A_117] : memref<320000xi32, #tpu.memory_space<hbm>> -> memref<256xi32, #tpu.memory_space<hbm>>
          tpu.enqueue_dma source(%dma_start3A_127 : memref<256xi32, #tpu.memory_space<hbm>>) target(%dma_start3A_126 : memref<256xi32, #tpu.memory_space<vmem>>) target_semaphore(%run_scoped3A : memref<!tpu.dma_semaphore, #tpu.memory_space<semaphore_mem>>)
          %dma_wait3A_128 = arith.constant 256 : i32
          %dma_wait3A_129 = tpu.memref_slice %arg6[%dma_wait3A_128] : memref<512xi32, #tpu.memory_space<vmem>> -> memref<256xi32, #tpu.memory_space<vmem>>
          %dma_wait3A_130 = tpu.memref_slice %arg2[%multiple_of3A_117] : memref<320000xi32, #tpu.memory_space<hbm>> -> memref<256xi32, #tpu.memory_space<hbm>>
          %dma_wait3A_131 = arith.constant 256 : i32
          %dma_wait3A_132 = tpu.memref_slice %arg6[%dma_wait3A_131] : memref<512xi32, #tpu.memory_space<vmem>> -> memref<256xi32, #tpu.memory_space<vmem>>
          %dma_wait3A_133 = tpu.memref_slice %arg2[%multiple_of3A_117] : memref<320000xi32, #tpu.memory_space<hbm>> -> memref<256xi32, #tpu.memory_space<hbm>>
          tpu.wait_dma2 semaphore(%run_scoped3A : memref<!tpu.dma_semaphore, #tpu.memory_space<semaphore_mem>>) src(%dma_wait3A_133 : memref<256xi32, #tpu.memory_space<hbm>>) dst(%dma_wait3A_132 : memref<256xi32, #tpu.memory_space<vmem>>)
          tpu.yield
        }) : () -> ()
        %dma_start3A = arith.constant 256 : i32
        %dma_start3A_118 = tpu.memref_slice %arg6[%dma_start3A] : memref<512xi32, #tpu.memory_space<vmem>> -> memref<256xi32, #tpu.memory_space<vmem>>
        %dma_start3A_119 = arith.constant 0 : i32
        %dma_start3A_120 = arith.constant 0 : i32
        %dma_start3A_121 = tpu.memref_slice %arg9[%dma_start3A_119, %dma_start3A_120] : memref<10000x128xf32, #tpu.memory_space<vmem_shared>> -> memref<10000x128xf32, #tpu.memory_space<vmem_shared>>
        tpu.enqueue_indirect_dma source(%arg7 : memref<256x128xf32, #tpu.memory_space<vmem>>) target(%dma_start3A_121 : memref<10000x128xf32, #tpu.memory_space<vmem_shared>>) offsets(%dma_start3A_118 : memref<256xi32, #tpu.memory_space<vmem>>) semaphore(%arg11 : memref<!tpu.dma_semaphore, #tpu.memory_space<semaphore_mem>>) {add = true}
      } else {
      }
    }
    %scan3A_40 = arith.constant 40 : i32
    %dma_wait3A = arith.constant 0 : i32
    %dma_wait3A_41 = tpu.memref_slice %arg6[%dma_wait3A] : memref<512xi32, #tpu.memory_space<vmem>> -> memref<256xi32, #tpu.memory_space<vmem>>
    %dma_wait3A_42 = arith.constant 0 : i32
    %dma_wait3A_43 = arith.constant 0 : i32
    %dma_wait3A_44 = tpu.memref_slice %arg9[%dma_wait3A_42, %dma_wait3A_43] : memref<10000x128xf32, #tpu.memory_space<vmem_shared>> -> memref<10000x128xf32, #tpu.memory_space<vmem_shared>>
    tpu.wait_indirect_dma semaphore(%arg10 : memref<!tpu.dma_semaphore, #tpu.memory_space<semaphore_mem>>) src(%arg7 : memref<256x128xf32, #tpu.memory_space<vmem>>) dst(%dma_wait3A_44 : memref<10000x128xf32, #tpu.memory_space<vmem_shared>>)
    %dma_wait3A_45 = arith.constant 256 : i32
    %dma_wait3A_46 = tpu.memref_slice %arg6[%dma_wait3A_45] : memref<512xi32, #tpu.memory_space<vmem>> -> memref<256xi32, #tpu.memory_space<vmem>>
    %dma_wait3A_47 = arith.constant 0 : i32
    %dma_wait3A_48 = arith.constant 0 : i32
    %dma_wait3A_49 = tpu.memref_slice %arg9[%dma_wait3A_47, %dma_wait3A_48] : memref<10000x128xf32, #tpu.memory_space<vmem_shared>> -> memref<10000x128xf32, #tpu.memory_space<vmem_shared>>
    tpu.wait_indirect_dma semaphore(%arg11 : memref<!tpu.dma_semaphore, #tpu.memory_space<semaphore_mem>>) src(%arg7 : memref<256x128xf32, #tpu.memory_space<vmem>>) dst(%dma_wait3A_49 : memref<10000x128xf32, #tpu.memory_space<vmem_shared>>)
    %barrier3A_50 = arith.constant 0 : index
    tpu.barrier barrier_id(%barrier3A_50)
    %mul3A_51 = arith.constant 78 : i32
    %mul3A_52 = arith.muli %arg1, %mul3A_51 : i32
    %min3A_53 = arith.constant 2 : i32
    %min3A_54 = arith.minsi %arg1, %min3A_53 : i32
    %add3A_55 = arith.addi %mul3A_52, %min3A_54 : i32
    %mul3A_56 = arith.constant 8 : i32
    %mul3A_57 = arith.muli %add3A_55, %mul3A_56 : i32
    %add3A_58 = arith.constant 0 : i32
    %add3A_59 = arith.addi %mul3A_57, %add3A_58 : i32
    %multiple_of3A_60 = tpu.assume_multiple %add3A_59, 8 : i32
    "tpu.region"() ({
      %run_scoped3A = tpu.sem_alloc : memref<!tpu.dma_semaphore, #tpu.memory_space<semaphore_mem>>
      %dma_start3A = arith.constant 0 : i32
      %dma_start3A_81 = tpu.memref_slice %arg9[%multiple_of3A_60, %dma_start3A] : memref<10000x128xf32, #tpu.memory_space<vmem_shared>> -> memref<104x128xf32, #tpu.memory_space<vmem_shared>>
      %dma_start3A_82 = arith.constant 0 : i32
      %dma_start3A_83 = tpu.memref_slice %arg9[%multiple_of3A_60, %dma_start3A_82] : memref<10000x128xf32, #tpu.memory_space<vmem_shared>> -> memref<104x128xf32, #tpu.memory_space<vmem_shared>>
      tpu.enqueue_dma source(%dma_start3A_83 : memref<104x128xf32, #tpu.memory_space<vmem_shared>>) target(%arg8 : memref<104x128xf32, #tpu.memory_space<vmem>>) target_semaphore(%run_scoped3A : memref<!tpu.dma_semaphore, #tpu.memory_space<semaphore_mem>>)
      %dma_wait3A_84 = arith.constant 0 : i32
      %dma_wait3A_85 = tpu.memref_slice %arg9[%multiple_of3A_60, %dma_wait3A_84] : memref<10000x128xf32, #tpu.memory_space<vmem_shared>> -> memref<104x128xf32, #tpu.memory_space<vmem_shared>>
      %dma_wait3A_86 = arith.constant 0 : i32
      %dma_wait3A_87 = tpu.memref_slice %arg9[%multiple_of3A_60, %dma_wait3A_86] : memref<10000x128xf32, #tpu.memory_space<vmem_shared>> -> memref<104x128xf32, #tpu.memory_space<vmem_shared>>
      tpu.wait_dma2 semaphore(%run_scoped3A : memref<!tpu.dma_semaphore, #tpu.memory_space<semaphore_mem>>) src(%dma_wait3A_87 : memref<104x128xf32, #tpu.memory_space<vmem_shared>>) dst(%arg8 : memref<104x128xf32, #tpu.memory_space<vmem>>)
      tpu.yield
    }) : () -> ()
    "tpu.region"() ({
      %run_scoped3A = tpu.sem_alloc : memref<!tpu.dma_semaphore, #tpu.memory_space<semaphore_mem>>
      %dma_start3A = arith.constant 0 : i32
      %dma_start3A_81 = tpu.memref_slice %arg5[%arg0, %multiple_of3A_60, %dma_start3A] : memref<2x10000x128xf32, #tpu.memory_space<hbm>> -> memref<1x104x128xf32, #tpu.memory_space<hbm>>
      %dma_start3A_82 = tpu.memref_squeeze %dma_start3A_81 : memref<1x104x128xf32, #tpu.memory_space<hbm>> -> memref<104x128xf32, #tpu.memory_space<hbm>>
      %dma_start3A_83 = arith.constant 0 : i32
      %dma_start3A_84 = tpu.memref_slice %arg5[%arg0, %multiple_of3A_60, %dma_start3A_83] : memref<2x10000x128xf32, #tpu.memory_space<hbm>> -> memref<1x104x128xf32, #tpu.memory_space<hbm>>
      %dma_start3A_85 = tpu.memref_squeeze %dma_start3A_84 : memref<1x104x128xf32, #tpu.memory_space<hbm>> -> memref<104x128xf32, #tpu.memory_space<hbm>>
      tpu.enqueue_dma source(%arg8 : memref<104x128xf32, #tpu.memory_space<vmem>>) target(%dma_start3A_85 : memref<104x128xf32, #tpu.memory_space<hbm>>) target_semaphore(%run_scoped3A : memref<!tpu.dma_semaphore, #tpu.memory_space<semaphore_mem>>)
      %dma_wait3A_86 = arith.constant 0 : i32
      %dma_wait3A_87 = tpu.memref_slice %arg5[%arg0, %multiple_of3A_60, %dma_wait3A_86] : memref<2x10000x128xf32, #tpu.memory_space<hbm>> -> memref<1x104x128xf32, #tpu.memory_space<hbm>>
      %dma_wait3A_88 = tpu.memref_squeeze %dma_wait3A_87 : memref<1x104x128xf32, #tpu.memory_space<hbm>> -> memref<104x128xf32, #tpu.memory_space<hbm>>
      %dma_wait3A_89 = arith.constant 0 : i32
      %dma_wait3A_90 = tpu.memref_slice %arg5[%arg0, %multiple_of3A_60, %dma_wait3A_89] : memref<2x10000x128xf32, #tpu.memory_space<hbm>> -> memref<1x104x128xf32, #tpu.memory_space<hbm>>
      %dma_wait3A_91 = tpu.memref_squeeze %dma_wait3A_90 : memref<1x104x128xf32, #tpu.memory_space<hbm>> -> memref<104x128xf32, #tpu.memory_space<hbm>>
      tpu.wait_dma2 semaphore(%run_scoped3A : memref<!tpu.dma_semaphore, #tpu.memory_space<semaphore_mem>>) src(%arg8 : memref<104x128xf32, #tpu.memory_space<vmem>>) dst(%dma_wait3A_91 : memref<104x128xf32, #tpu.memory_space<hbm>>)
      tpu.yield
    }) : () -> ()
    %add3A_61 = arith.constant 104 : i32
    %add3A_62 = arith.addi %mul3A_57, %add3A_61 : i32
    %multiple_of3A_63 = tpu.assume_multiple %add3A_62, 8 : i32
    "tpu.region"() ({
      %run_scoped3A = tpu.sem_alloc : memref<!tpu.dma_semaphore, #tpu.memory_space<semaphore_mem>>
      %dma_start3A = arith.constant 0 : i32
      %dma_start3A_81 = tpu.memref_slice %arg9[%multiple_of3A_63, %dma_start3A] : memref<10000x128xf32, #tpu.memory_space<vmem_shared>> -> memref<104x128xf32, #tpu.memory_space<vmem_shared>>
      %dma_start3A_82 = arith.constant 0 : i32
      %dma_start3A_83 = tpu.memref_slice %arg9[%multiple_of3A_63, %dma_start3A_82] : memref<10000x128xf32, #tpu.memory_space<vmem_shared>> -> memref<104x128xf32, #tpu.memory_space<vmem_shared>>
      tpu.enqueue_dma source(%dma_start3A_83 : memref<104x128xf32, #tpu.memory_space<vmem_shared>>) target(%arg8 : memref<104x128xf32, #tpu.memory_space<vmem>>) target_semaphore(%run_scoped3A : memref<!tpu.dma_semaphore, #tpu.memory_space<semaphore_mem>>)
      %dma_wait3A_84 = arith.constant 0 : i32
      %dma_wait3A_85 = tpu.memref_slice %arg9[%multiple_of3A_63, %dma_wait3A_84] : memref<10000x128xf32, #tpu.memory_space<vmem_shared>> -> memref<104x128xf32, #tpu.memory_space<vmem_shared>>
      %dma_wait3A_86 = arith.constant 0 : i32
      %dma_wait3A_87 = tpu.memref_slice %arg9[%multiple_of3A_63, %dma_wait3A_86] : memref<10000x128xf32, #tpu.memory_space<vmem_shared>> -> memref<104x128xf32, #tpu.memory_space<vmem_shared>>
      tpu.wait_dma2 semaphore(%run_scoped3A : memref<!tpu.dma_semaphore, #tpu.memory_space<semaphore_mem>>) src(%dma_wait3A_87 : memref<104x128xf32, #tpu.memory_space<vmem_shared>>) dst(%arg8 : memref<104x128xf32, #tpu.memory_space<vmem>>)
      tpu.yield
    }) : () -> ()
    "tpu.region"() ({
      %run_scoped3A = tpu.sem_alloc : memref<!tpu.dma_semaphore, #tpu.memory_space<semaphore_mem>>
      %dma_start3A = arith.constant 0 : i32
      %dma_start3A_81 = tpu.memref_slice %arg5[%arg0, %multiple_of3A_63, %dma_start3A] : memref<2x10000x128xf32, #tpu.memory_space<hbm>> -> memref<1x104x128xf32, #tpu.memory_space<hbm>>
      %dma_start3A_82 = tpu.memref_squeeze %dma_start3A_81 : memref<1x104x128xf32, #tpu.memory_space<hbm>> -> memref<104x128xf32, #tpu.memory_space<hbm>>
      %dma_start3A_83 = arith.constant 0 : i32
      %dma_start3A_84 = tpu.memref_slice %arg5[%arg0, %multiple_of3A_63, %dma_start3A_83] : memref<2x10000x128xf32, #tpu.memory_space<hbm>> -> memref<1x104x128xf32, #tpu.memory_space<hbm>>
      %dma_start3A_85 = tpu.memref_squeeze %dma_start3A_84 : memref<1x104x128xf32, #tpu.memory_space<hbm>> -> memref<104x128xf32, #tpu.memory_space<hbm>>
      tpu.enqueue_dma source(%arg8 : memref<104x128xf32, #tpu.memory_space<vmem>>) target(%dma_start3A_85 : memref<104x128xf32, #tpu.memory_space<hbm>>) target_semaphore(%run_scoped3A : memref<!tpu.dma_semaphore, #tpu.memory_space<semaphore_mem>>)
      %dma_wait3A_86 = arith.constant 0 : i32
      %dma_wait3A_87 = tpu.memref_slice %arg5[%arg0, %multiple_of3A_63, %dma_wait3A_86] : memref<2x10000x128xf32, #tpu.memory_space<hbm>> -> memref<1x104x128xf32, #tpu.memory_space<hbm>>
      %dma_wait3A_88 = tpu.memref_squeeze %dma_wait3A_87 : memref<1x104x128xf32, #tpu.memory_space<hbm>> -> memref<104x128xf32, #tpu.memory_space<hbm>>
      %dma_wait3A_89 = arith.constant 0 : i32
      %dma_wait3A_90 = tpu.memref_slice %arg5[%arg0, %multiple_of3A_63, %dma_wait3A_89] : memref<2x10000x128xf32, #tpu.memory_space<hbm>> -> memref<1x104x128xf32, #tpu.memory_space<hbm>>
      %dma_wait3A_91 = tpu.memref_squeeze %dma_wait3A_90 : memref<1x104x128xf32, #tpu.memory_space<hbm>> -> memref<104x128xf32, #tpu.memory_space<hbm>>
      tpu.wait_dma2 semaphore(%run_scoped3A : memref<!tpu.dma_semaphore, #tpu.memory_space<semaphore_mem>>) src(%arg8 : memref<104x128xf32, #tpu.memory_space<vmem>>) dst(%dma_wait3A_91 : memref<104x128xf32, #tpu.memory_space<hbm>>)
      tpu.yield
    }) : () -> ()
    %add3A_64 = arith.constant 208 : i32
    %add3A_65 = arith.addi %mul3A_57, %add3A_64 : i32
    %multiple_of3A_66 = tpu.assume_multiple %add3A_65, 8 : i32
    "tpu.region"() ({
      %run_scoped3A = tpu.sem_alloc : memref<!tpu.dma_semaphore, #tpu.memory_space<semaphore_mem>>
      %dma_start3A = arith.constant 0 : i32
      %dma_start3A_81 = tpu.memref_slice %arg9[%multiple_of3A_66, %dma_start3A] : memref<10000x128xf32, #tpu.memory_space<vmem_shared>> -> memref<104x128xf32, #tpu.memory_space<vmem_shared>>
      %dma_start3A_82 = arith.constant 0 : i32
      %dma_start3A_83 = tpu.memref_slice %arg9[%multiple_of3A_66, %dma_start3A_82] : memref<10000x128xf32, #tpu.memory_space<vmem_shared>> -> memref<104x128xf32, #tpu.memory_space<vmem_shared>>
      tpu.enqueue_dma source(%dma_start3A_83 : memref<104x128xf32, #tpu.memory_space<vmem_shared>>) target(%arg8 : memref<104x128xf32, #tpu.memory_space<vmem>>) target_semaphore(%run_scoped3A : memref<!tpu.dma_semaphore, #tpu.memory_space<semaphore_mem>>)
      %dma_wait3A_84 = arith.constant 0 : i32
      %dma_wait3A_85 = tpu.memref_slice %arg9[%multiple_of3A_66, %dma_wait3A_84] : memref<10000x128xf32, #tpu.memory_space<vmem_shared>> -> memref<104x128xf32, #tpu.memory_space<vmem_shared>>
      %dma_wait3A_86 = arith.constant 0 : i32
      %dma_wait3A_87 = tpu.memref_slice %arg9[%multiple_of3A_66, %dma_wait3A_86] : memref<10000x128xf32, #tpu.memory_space<vmem_shared>> -> memref<104x128xf32, #tpu.memory_space<vmem_shared>>
      tpu.wait_dma2 semaphore(%run_scoped3A : memref<!tpu.dma_semaphore, #tpu.memory_space<semaphore_mem>>) src(%dma_wait3A_87 : memref<104x128xf32, #tpu.memory_space<vmem_shared>>) dst(%arg8 : memref<104x128xf32, #tpu.memory_space<vmem>>)
      tpu.yield
    }) : () -> ()
    "tpu.region"() ({
      %run_scoped3A = tpu.sem_alloc : memref<!tpu.dma_semaphore, #tpu.memory_space<semaphore_mem>>
      %dma_start3A = arith.constant 0 : i32
      %dma_start3A_81 = tpu.memref_slice %arg5[%arg0, %multiple_of3A_66, %dma_start3A] : memref<2x10000x128xf32, #tpu.memory_space<hbm>> -> memref<1x104x128xf32, #tpu.memory_space<hbm>>
      %dma_start3A_82 = tpu.memref_squeeze %dma_start3A_81 : memref<1x104x128xf32, #tpu.memory_space<hbm>> -> memref<104x128xf32, #tpu.memory_space<hbm>>
      %dma_start3A_83 = arith.constant 0 : i32
      %dma_start3A_84 = tpu.memref_slice %arg5[%arg0, %multiple_of3A_66, %dma_start3A_83] : memref<2x10000x128xf32, #tpu.memory_space<hbm>> -> memref<1x104x128xf32, #tpu.memory_space<hbm>>
      %dma_start3A_85 = tpu.memref_squeeze %dma_start3A_84 : memref<1x104x128xf32, #tpu.memory_space<hbm>> -> memref<104x128xf32, #tpu.memory_space<hbm>>
      tpu.enqueue_dma source(%arg8 : memref<104x128xf32, #tpu.memory_space<vmem>>) target(%dma_start3A_85 : memref<104x128xf32, #tpu.memory_space<hbm>>) target_semaphore(%run_scoped3A : memref<!tpu.dma_semaphore, #tpu.memory_space<semaphore_mem>>)
      %dma_wait3A_86 = arith.constant 0 : i32
      %dma_wait3A_87 = tpu.memref_slice %arg5[%arg0, %multiple_of3A_66, %dma_wait3A_86] : memref<2x10000x128xf32, #tpu.memory_space<hbm>> -> memref<1x104x128xf32, #tpu.memory_space<hbm>>
      %dma_wait3A_88 = tpu.memref_squeeze %dma_wait3A_87 : memref<1x104x128xf32, #tpu.memory_space<hbm>> -> memref<104x128xf32, #tpu.memory_space<hbm>>
      %dma_wait3A_89 = arith.constant 0 : i32
      %dma_wait3A_90 = tpu.memref_slice %arg5[%arg0, %multiple_of3A_66, %dma_wait3A_89] : memref<2x10000x128xf32, #tpu.memory_space<hbm>> -> memref<1x104x128xf32, #tpu.memory_space<hbm>>
      %dma_wait3A_91 = tpu.memref_squeeze %dma_wait3A_90 : memref<1x104x128xf32, #tpu.memory_space<hbm>> -> memref<104x128xf32, #tpu.memory_space<hbm>>
      tpu.wait_dma2 semaphore(%run_scoped3A : memref<!tpu.dma_semaphore, #tpu.memory_space<semaphore_mem>>) src(%arg8 : memref<104x128xf32, #tpu.memory_space<vmem>>) dst(%dma_wait3A_91 : memref<104x128xf32, #tpu.memory_space<hbm>>)
      tpu.yield
    }) : () -> ()
    %add3A_67 = arith.constant 312 : i32
    %add3A_68 = arith.addi %mul3A_57, %add3A_67 : i32
    %multiple_of3A_69 = tpu.assume_multiple %add3A_68, 8 : i32
    "tpu.region"() ({
      %run_scoped3A = tpu.sem_alloc : memref<!tpu.dma_semaphore, #tpu.memory_space<semaphore_mem>>
      %dma_start3A = arith.constant 0 : i32
      %dma_start3A_81 = tpu.memref_slice %arg9[%multiple_of3A_69, %dma_start3A] : memref<10000x128xf32, #tpu.memory_space<vmem_shared>> -> memref<104x128xf32, #tpu.memory_space<vmem_shared>>
      %dma_start3A_82 = arith.constant 0 : i32
      %dma_start3A_83 = tpu.memref_slice %arg9[%multiple_of3A_69, %dma_start3A_82] : memref<10000x128xf32, #tpu.memory_space<vmem_shared>> -> memref<104x128xf32, #tpu.memory_space<vmem_shared>>
      tpu.enqueue_dma source(%dma_start3A_83 : memref<104x128xf32, #tpu.memory_space<vmem_shared>>) target(%arg8 : memref<104x128xf32, #tpu.memory_space<vmem>>) target_semaphore(%run_scoped3A : memref<!tpu.dma_semaphore, #tpu.memory_space<semaphore_mem>>)
      %dma_wait3A_84 = arith.constant 0 : i32
      %dma_wait3A_85 = tpu.memref_slice %arg9[%multiple_of3A_69, %dma_wait3A_84] : memref<10000x128xf32, #tpu.memory_space<vmem_shared>> -> memref<104x128xf32, #tpu.memory_space<vmem_shared>>
      %dma_wait3A_86 = arith.constant 0 : i32
      %dma_wait3A_87 = tpu.memref_slice %arg9[%multiple_of3A_69, %dma_wait3A_86] : memref<10000x128xf32, #tpu.memory_space<vmem_shared>> -> memref<104x128xf32, #tpu.memory_space<vmem_shared>>
      tpu.wait_dma2 semaphore(%run_scoped3A : memref<!tpu.dma_semaphore, #tpu.memory_space<semaphore_mem>>) src(%dma_wait3A_87 : memref<104x128xf32, #tpu.memory_space<vmem_shared>>) dst(%arg8 : memref<104x128xf32, #tpu.memory_space<vmem>>)
      tpu.yield
    }) : () -> ()
    "tpu.region"() ({
      %run_scoped3A = tpu.sem_alloc : memref<!tpu.dma_semaphore, #tpu.memory_space<semaphore_mem>>
      %dma_start3A = arith.constant 0 : i32
      %dma_start3A_81 = tpu.memref_slice %arg5[%arg0, %multiple_of3A_69, %dma_start3A] : memref<2x10000x128xf32, #tpu.memory_space<hbm>> -> memref<1x104x128xf32, #tpu.memory_space<hbm>>
      %dma_start3A_82 = tpu.memref_squeeze %dma_start3A_81 : memref<1x104x128xf32, #tpu.memory_space<hbm>> -> memref<104x128xf32, #tpu.memory_space<hbm>>
      %dma_start3A_83 = arith.constant 0 : i32
      %dma_start3A_84 = tpu.memref_slice %arg5[%arg0, %multiple_of3A_69, %dma_start3A_83] : memref<2x10000x128xf32, #tpu.memory_space<hbm>> -> memref<1x104x128xf32, #tpu.memory_space<hbm>>
      %dma_start3A_85 = tpu.memref_squeeze %dma_start3A_84 : memref<1x104x128xf32, #tpu.memory_space<hbm>> -> memref<104x128xf32, #tpu.memory_space<hbm>>
      tpu.enqueue_dma source(%arg8 : memref<104x128xf32, #tpu.memory_space<vmem>>) target(%dma_start3A_85 : memref<104x128xf32, #tpu.memory_space<hbm>>) target_semaphore(%run_scoped3A : memref<!tpu.dma_semaphore, #tpu.memory_space<semaphore_mem>>)
      %dma_wait3A_86 = arith.constant 0 : i32
      %dma_wait3A_87 = tpu.memref_slice %arg5[%arg0, %multiple_of3A_69, %dma_wait3A_86] : memref<2x10000x128xf32, #tpu.memory_space<hbm>> -> memref<1x104x128xf32, #tpu.memory_space<hbm>>
      %dma_wait3A_88 = tpu.memref_squeeze %dma_wait3A_87 : memref<1x104x128xf32, #tpu.memory_space<hbm>> -> memref<104x128xf32, #tpu.memory_space<hbm>>
      %dma_wait3A_89 = arith.constant 0 : i32
      %dma_wait3A_90 = tpu.memref_slice %arg5[%arg0, %multiple_of3A_69, %dma_wait3A_89] : memref<2x10000x128xf32, #tpu.memory_space<hbm>> -> memref<1x104x128xf32, #tpu.memory_space<hbm>>
      %dma_wait3A_91 = tpu.memref_squeeze %dma_wait3A_90 : memref<1x104x128xf32, #tpu.memory_space<hbm>> -> memref<104x128xf32, #tpu.memory_space<hbm>>
      tpu.wait_dma2 semaphore(%run_scoped3A : memref<!tpu.dma_semaphore, #tpu.memory_space<semaphore_mem>>) src(%arg8 : memref<104x128xf32, #tpu.memory_space<vmem>>) dst(%dma_wait3A_91 : memref<104x128xf32, #tpu.memory_space<hbm>>)
      tpu.yield
    }) : () -> ()
    %add3A_70 = arith.constant 416 : i32
    %add3A_71 = arith.addi %mul3A_57, %add3A_70 : i32
    %multiple_of3A_72 = tpu.assume_multiple %add3A_71, 8 : i32
    "tpu.region"() ({
      %run_scoped3A = tpu.sem_alloc : memref<!tpu.dma_semaphore, #tpu.memory_space<semaphore_mem>>
      %dma_start3A = arith.constant 0 : i32
      %dma_start3A_81 = tpu.memref_slice %arg9[%multiple_of3A_72, %dma_start3A] : memref<10000x128xf32, #tpu.memory_space<vmem_shared>> -> memref<104x128xf32, #tpu.memory_space<vmem_shared>>
      %dma_start3A_82 = arith.constant 0 : i32
      %dma_start3A_83 = tpu.memref_slice %arg9[%multiple_of3A_72, %dma_start3A_82] : memref<10000x128xf32, #tpu.memory_space<vmem_shared>> -> memref<104x128xf32, #tpu.memory_space<vmem_shared>>
      tpu.enqueue_dma source(%dma_start3A_83 : memref<104x128xf32, #tpu.memory_space<vmem_shared>>) target(%arg8 : memref<104x128xf32, #tpu.memory_space<vmem>>) target_semaphore(%run_scoped3A : memref<!tpu.dma_semaphore, #tpu.memory_space<semaphore_mem>>)
      %dma_wait3A_84 = arith.constant 0 : i32
      %dma_wait3A_85 = tpu.memref_slice %arg9[%multiple_of3A_72, %dma_wait3A_84] : memref<10000x128xf32, #tpu.memory_space<vmem_shared>> -> memref<104x128xf32, #tpu.memory_space<vmem_shared>>
      %dma_wait3A_86 = arith.constant 0 : i32
      %dma_wait3A_87 = tpu.memref_slice %arg9[%multiple_of3A_72, %dma_wait3A_86] : memref<10000x128xf32, #tpu.memory_space<vmem_shared>> -> memref<104x128xf32, #tpu.memory_space<vmem_shared>>
      tpu.wait_dma2 semaphore(%run_scoped3A : memref<!tpu.dma_semaphore, #tpu.memory_space<semaphore_mem>>) src(%dma_wait3A_87 : memref<104x128xf32, #tpu.memory_space<vmem_shared>>) dst(%arg8 : memref<104x128xf32, #tpu.memory_space<vmem>>)
      tpu.yield
    }) : () -> ()
    "tpu.region"() ({
      %run_scoped3A = tpu.sem_alloc : memref<!tpu.dma_semaphore, #tpu.memory_space<semaphore_mem>>
      %dma_start3A = arith.constant 0 : i32
      %dma_start3A_81 = tpu.memref_slice %arg5[%arg0, %multiple_of3A_72, %dma_start3A] : memref<2x10000x128xf32, #tpu.memory_space<hbm>> -> memref<1x104x128xf32, #tpu.memory_space<hbm>>
      %dma_start3A_82 = tpu.memref_squeeze %dma_start3A_81 : memref<1x104x128xf32, #tpu.memory_space<hbm>> -> memref<104x128xf32, #tpu.memory_space<hbm>>
      %dma_start3A_83 = arith.constant 0 : i32
      %dma_start3A_84 = tpu.memref_slice %arg5[%arg0, %multiple_of3A_72, %dma_start3A_83] : memref<2x10000x128xf32, #tpu.memory_space<hbm>> -> memref<1x104x128xf32, #tpu.memory_space<hbm>>
      %dma_start3A_85 = tpu.memref_squeeze %dma_start3A_84 : memref<1x104x128xf32, #tpu.memory_space<hbm>> -> memref<104x128xf32, #tpu.memory_space<hbm>>
      tpu.enqueue_dma source(%arg8 : memref<104x128xf32, #tpu.memory_space<vmem>>) target(%dma_start3A_85 : memref<104x128xf32, #tpu.memory_space<hbm>>) target_semaphore(%run_scoped3A : memref<!tpu.dma_semaphore, #tpu.memory_space<semaphore_mem>>)
      %dma_wait3A_86 = arith.constant 0 : i32
      %dma_wait3A_87 = tpu.memref_slice %arg5[%arg0, %multiple_of3A_72, %dma_wait3A_86] : memref<2x10000x128xf32, #tpu.memory_space<hbm>> -> memref<1x104x128xf32, #tpu.memory_space<hbm>>
      %dma_wait3A_88 = tpu.memref_squeeze %dma_wait3A_87 : memref<1x104x128xf32, #tpu.memory_space<hbm>> -> memref<104x128xf32, #tpu.memory_space<hbm>>
      %dma_wait3A_89 = arith.constant 0 : i32
      %dma_wait3A_90 = tpu.memref_slice %arg5[%arg0, %multiple_of3A_72, %dma_wait3A_89] : memref<2x10000x128xf32, #tpu.memory_space<hbm>> -> memref<1x104x128xf32, #tpu.memory_space<hbm>>
      %dma_wait3A_91 = tpu.memref_squeeze %dma_wait3A_90 : memref<1x104x128xf32, #tpu.memory_space<hbm>> -> memref<104x128xf32, #tpu.memory_space<hbm>>
      tpu.wait_dma2 semaphore(%run_scoped3A : memref<!tpu.dma_semaphore, #tpu.memory_space<semaphore_mem>>) src(%arg8 : memref<104x128xf32, #tpu.memory_space<vmem>>) dst(%dma_wait3A_91 : memref<104x128xf32, #tpu.memory_space<hbm>>)
      tpu.yield
    }) : () -> ()
    %add3A_73 = arith.constant 520 : i32
    %add3A_74 = arith.addi %mul3A_57, %add3A_73 : i32
    %multiple_of3A_75 = tpu.assume_multiple %add3A_74, 8 : i32
    "tpu.region"() ({
      %run_scoped3A = tpu.sem_alloc : memref<!tpu.dma_semaphore, #tpu.memory_space<semaphore_mem>>
      %dma_start3A = arith.constant 0 : i32
      %dma_start3A_81 = tpu.memref_slice %arg9[%multiple_of3A_75, %dma_start3A] : memref<10000x128xf32, #tpu.memory_space<vmem_shared>> -> memref<104x128xf32, #tpu.memory_space<vmem_shared>>
      %dma_start3A_82 = arith.constant 0 : i32
      %dma_start3A_83 = tpu.memref_slice %arg9[%multiple_of3A_75, %dma_start3A_82] : memref<10000x128xf32, #tpu.memory_space<vmem_shared>> -> memref<104x128xf32, #tpu.memory_space<vmem_shared>>
      tpu.enqueue_dma source(%dma_start3A_83 : memref<104x128xf32, #tpu.memory_space<vmem_shared>>) target(%arg8 : memref<104x128xf32, #tpu.memory_space<vmem>>) target_semaphore(%run_scoped3A : memref<!tpu.dma_semaphore, #tpu.memory_space<semaphore_mem>>)
      %dma_wait3A_84 = arith.constant 0 : i32
      %dma_wait3A_85 = tpu.memref_slice %arg9[%multiple_of3A_75, %dma_wait3A_84] : memref<10000x128xf32, #tpu.memory_space<vmem_shared>> -> memref<104x128xf32, #tpu.memory_space<vmem_shared>>
      %dma_wait3A_86 = arith.constant 0 : i32
      %dma_wait3A_87 = tpu.memref_slice %arg9[%multiple_of3A_75, %dma_wait3A_86] : memref<10000x128xf32, #tpu.memory_space<vmem_shared>> -> memref<104x128xf32, #tpu.memory_space<vmem_shared>>
      tpu.wait_dma2 semaphore(%run_scoped3A : memref<!tpu.dma_semaphore, #tpu.memory_space<semaphore_mem>>) src(%dma_wait3A_87 : memref<104x128xf32, #tpu.memory_space<vmem_shared>>) dst(%arg8 : memref<104x128xf32, #tpu.memory_space<vmem>>)
      tpu.yield
    }) : () -> ()
    "tpu.region"() ({
      %run_scoped3A = tpu.sem_alloc : memref<!tpu.dma_semaphore, #tpu.memory_space<semaphore_mem>>
      %dma_start3A = arith.constant 0 : i32
      %dma_start3A_81 = tpu.memref_slice %arg5[%arg0, %multiple_of3A_75, %dma_start3A] : memref<2x10000x128xf32, #tpu.memory_space<hbm>> -> memref<1x104x128xf32, #tpu.memory_space<hbm>>
      %dma_start3A_82 = tpu.memref_squeeze %dma_start3A_81 : memref<1x104x128xf32, #tpu.memory_space<hbm>> -> memref<104x128xf32, #tpu.memory_space<hbm>>
      %dma_start3A_83 = arith.constant 0 : i32
      %dma_start3A_84 = tpu.memref_slice %arg5[%arg0, %multiple_of3A_75, %dma_start3A_83] : memref<2x10000x128xf32, #tpu.memory_space<hbm>> -> memref<1x104x128xf32, #tpu.memory_space<hbm>>
      %dma_start3A_85 = tpu.memref_squeeze %dma_start3A_84 : memref<1x104x128xf32, #tpu.memory_space<hbm>> -> memref<104x128xf32, #tpu.memory_space<hbm>>
      tpu.enqueue_dma source(%arg8 : memref<104x128xf32, #tpu.memory_space<vmem>>) target(%dma_start3A_85 : memref<104x128xf32, #tpu.memory_space<hbm>>) target_semaphore(%run_scoped3A : memref<!tpu.dma_semaphore, #tpu.memory_space<semaphore_mem>>)
      %dma_wait3A_86 = arith.constant 0 : i32
      %dma_wait3A_87 = tpu.memref_slice %arg5[%arg0, %multiple_of3A_75, %dma_wait3A_86] : memref<2x10000x128xf32, #tpu.memory_space<hbm>> -> memref<1x104x128xf32, #tpu.memory_space<hbm>>
      %dma_wait3A_88 = tpu.memref_squeeze %dma_wait3A_87 : memref<1x104x128xf32, #tpu.memory_space<hbm>> -> memref<104x128xf32, #tpu.memory_space<hbm>>
      %dma_wait3A_89 = arith.constant 0 : i32
      %dma_wait3A_90 = tpu.memref_slice %arg5[%arg0, %multiple_of3A_75, %dma_wait3A_89] : memref<2x10000x128xf32, #tpu.memory_space<hbm>> -> memref<1x104x128xf32, #tpu.memory_space<hbm>>
      %dma_wait3A_91 = tpu.memref_squeeze %dma_wait3A_90 : memref<1x104x128xf32, #tpu.memory_space<hbm>> -> memref<104x128xf32, #tpu.memory_space<hbm>>
      tpu.wait_dma2 semaphore(%run_scoped3A : memref<!tpu.dma_semaphore, #tpu.memory_space<semaphore_mem>>) src(%arg8 : memref<104x128xf32, #tpu.memory_space<vmem>>) dst(%dma_wait3A_91 : memref<104x128xf32, #tpu.memory_space<hbm>>)
      tpu.yield
    }) : () -> ()
    %lt3A_76 = arith.constant 2 : i32
    %lt3A_77 = arith.cmpi slt, %arg1, %lt3A_76 : i32
    %convert_element_type3A_78 = arith.extui %lt3A_77 : i1 to i32
    %cond3A_79 = arith.constant 0 : i32
    %cond3A_80 = arith.cmpi ne, %convert_element_type3A_78, %cond3A_79 : i32
    scf.if %cond3A_80 {
      %add3A_81 = arith.constant 624 : i32
      %add3A_82 = arith.addi %mul3A_57, %add3A_81 : i32
      %multiple_of3A_83 = tpu.assume_multiple %add3A_82, 8 : i32
      "tpu.region"() ({
        %run_scoped3A = tpu.sem_alloc : memref<!tpu.dma_semaphore, #tpu.memory_space<semaphore_mem>>
        %dma_start3A = arith.constant 0 : i32
        %dma_start3A_84 = arith.constant 0 : i32
        %dma_start3A_85 = tpu.memref_slice %arg8[%dma_start3A, %dma_start3A_84] : memref<104x128xf32, #tpu.memory_space<vmem>> -> memref<8x128xf32, #tpu.memory_space<vmem>>
        %dma_start3A_86 = arith.constant 0 : i32
        %dma_start3A_87 = tpu.memref_slice %arg9[%multiple_of3A_83, %dma_start3A_86] : memref<10000x128xf32, #tpu.memory_space<vmem_shared>> -> memref<8x128xf32, #tpu.memory_space<vmem_shared>>
        %dma_start3A_88 = arith.constant 0 : i32
        %dma_start3A_89 = arith.constant 0 : i32
        %dma_start3A_90 = tpu.memref_slice %arg8[%dma_start3A_88, %dma_start3A_89] : memref<104x128xf32, #tpu.memory_space<vmem>> -> memref<8x128xf32, #tpu.memory_space<vmem>>
        %dma_start3A_91 = arith.constant 0 : i32
        %dma_start3A_92 = tpu.memref_slice %arg9[%multiple_of3A_83, %dma_start3A_91] : memref<10000x128xf32, #tpu.memory_space<vmem_shared>> -> memref<8x128xf32, #tpu.memory_space<vmem_shared>>
        tpu.enqueue_dma source(%dma_start3A_92 : memref<8x128xf32, #tpu.memory_space<vmem_shared>>) target(%dma_start3A_90 : memref<8x128xf32, #tpu.memory_space<vmem>>) target_semaphore(%run_scoped3A : memref<!tpu.dma_semaphore, #tpu.memory_space<semaphore_mem>>)
        %dma_wait3A_93 = arith.constant 0 : i32
        %dma_wait3A_94 = arith.constant 0 : i32
        %dma_wait3A_95 = tpu.memref_slice %arg8[%dma_wait3A_93, %dma_wait3A_94] : memref<104x128xf32, #tpu.memory_space<vmem>> -> memref<8x128xf32, #tpu.memory_space<vmem>>
        %dma_wait3A_96 = arith.constant 0 : i32
        %dma_wait3A_97 = tpu.memref_slice %arg9[%multiple_of3A_83, %dma_wait3A_96] : memref<10000x128xf32, #tpu.memory_space<vmem_shared>> -> memref<8x128xf32, #tpu.memory_space<vmem_shared>>
        %dma_wait3A_98 = arith.constant 0 : i32
        %dma_wait3A_99 = arith.constant 0 : i32
        %dma_wait3A_100 = tpu.memref_slice %arg8[%dma_wait3A_98, %dma_wait3A_99] : memref<104x128xf32, #tpu.memory_space<vmem>> -> memref<8x128xf32, #tpu.memory_space<vmem>>
        %dma_wait3A_101 = arith.constant 0 : i32
        %dma_wait3A_102 = tpu.memref_slice %arg9[%multiple_of3A_83, %dma_wait3A_101] : memref<10000x128xf32, #tpu.memory_space<vmem_shared>> -> memref<8x128xf32, #tpu.memory_space<vmem_shared>>
        tpu.wait_dma2 semaphore(%run_scoped3A : memref<!tpu.dma_semaphore, #tpu.memory_space<semaphore_mem>>) src(%dma_wait3A_102 : memref<8x128xf32, #tpu.memory_space<vmem_shared>>) dst(%dma_wait3A_100 : memref<8x128xf32, #tpu.memory_space<vmem>>)
        tpu.yield
      }) : () -> ()
      "tpu.region"() ({
        %run_scoped3A = tpu.sem_alloc : memref<!tpu.dma_semaphore, #tpu.memory_space<semaphore_mem>>
        %dma_start3A = arith.constant 0 : i32
        %dma_start3A_84 = arith.constant 0 : i32
        %dma_start3A_85 = tpu.memref_slice %arg8[%dma_start3A, %dma_start3A_84] : memref<104x128xf32, #tpu.memory_space<vmem>> -> memref<8x128xf32, #tpu.memory_space<vmem>>
        %dma_start3A_86 = arith.constant 0 : i32
        %dma_start3A_87 = tpu.memref_slice %arg5[%arg0, %multiple_of3A_83, %dma_start3A_86] : memref<2x10000x128xf32, #tpu.memory_space<hbm>> -> memref<1x8x128xf32, #tpu.memory_space<hbm>>
        %dma_start3A_88 = tpu.memref_squeeze %dma_start3A_87 : memref<1x8x128xf32, #tpu.memory_space<hbm>> -> memref<8x128xf32, #tpu.memory_space<hbm>>
        %dma_start3A_89 = arith.constant 0 : i32
        %dma_start3A_90 = tpu.memref_slice %arg5[%arg0, %multiple_of3A_83, %dma_start3A_89] : memref<2x10000x128xf32, #tpu.memory_space<hbm>> -> memref<1x8x128xf32, #tpu.memory_space<hbm>>
        %dma_start3A_91 = tpu.memref_squeeze %dma_start3A_90 : memref<1x8x128xf32, #tpu.memory_space<hbm>> -> memref<8x128xf32, #tpu.memory_space<hbm>>
        %dma_start3A_92 = arith.constant 0 : i32
        %dma_start3A_93 = arith.constant 0 : i32
        %dma_start3A_94 = tpu.memref_slice %arg8[%dma_start3A_92, %dma_start3A_93] : memref<104x128xf32, #tpu.memory_space<vmem>> -> memref<8x128xf32, #tpu.memory_space<vmem>>
        tpu.enqueue_dma source(%dma_start3A_94 : memref<8x128xf32, #tpu.memory_space<vmem>>) target(%dma_start3A_91 : memref<8x128xf32, #tpu.memory_space<hbm>>) target_semaphore(%run_scoped3A : memref<!tpu.dma_semaphore, #tpu.memory_space<semaphore_mem>>)
        %dma_wait3A_95 = arith.constant 0 : i32
        %dma_wait3A_96 = arith.constant 0 : i32
        %dma_wait3A_97 = tpu.memref_slice %arg8[%dma_wait3A_95, %dma_wait3A_96] : memref<104x128xf32, #tpu.memory_space<vmem>> -> memref<8x128xf32, #tpu.memory_space<vmem>>
        %dma_wait3A_98 = arith.constant 0 : i32
        %dma_wait3A_99 = tpu.memref_slice %arg5[%arg0, %multiple_of3A_83, %dma_wait3A_98] : memref<2x10000x128xf32, #tpu.memory_space<hbm>> -> memref<1x8x128xf32, #tpu.memory_space<hbm>>
        %dma_wait3A_100 = tpu.memref_squeeze %dma_wait3A_99 : memref<1x8x128xf32, #tpu.memory_space<hbm>> -> memref<8x128xf32, #tpu.memory_space<hbm>>
        %dma_wait3A_101 = arith.constant 0 : i32
        %dma_wait3A_102 = tpu.memref_slice %arg5[%arg0, %multiple_of3A_83, %dma_wait3A_101] : memref<2x10000x128xf32, #tpu.memory_space<hbm>> -> memref<1x8x128xf32, #tpu.memory_space<hbm>>
        %dma_wait3A_103 = tpu.memref_squeeze %dma_wait3A_102 : memref<1x8x128xf32, #tpu.memory_space<hbm>> -> memref<8x128xf32, #tpu.memory_space<hbm>>
        %dma_wait3A_104 = arith.constant 0 : i32
        %dma_wait3A_105 = arith.constant 0 : i32
        %dma_wait3A_106 = tpu.memref_slice %arg8[%dma_wait3A_104, %dma_wait3A_105] : memref<104x128xf32, #tpu.memory_space<vmem>> -> memref<8x128xf32, #tpu.memory_space<vmem>>
        tpu.wait_dma2 semaphore(%run_scoped3A : memref<!tpu.dma_semaphore, #tpu.memory_space<semaphore_mem>>) src(%dma_wait3A_106 : memref<8x128xf32, #tpu.memory_space<vmem>>) dst(%dma_wait3A_103 : memref<8x128xf32, #tpu.memory_space<hbm>>)
        tpu.yield
      }) : () -> ()
    } else {
    }
    return
  }
}

#map = affine_map<(d0, d1) -> (0, 0)>
#map1 = affine_map<(d0, d1) -> (0)>
#map2 = affine_map<(d0, d1) -> (0, 0, 0)>
module attributes {stable_mosaic.version = 14 : i64} {
  func.func @sc_mp1(%arg0: i32, %arg1: i32, %arg2: memref<10000x128xf32, #tpu.memory_space<hbm>>, %arg3: memref<320000xi32, #tpu.memory_space<hbm>>, %arg4: memref<320000xi32, #tpu.memory_space<hbm>>, %arg5: memref<104x128xf32, #tpu.memory_space<hbm>>, %arg6: memref<2x10000x128xf32, #tpu.memory_space<hbm>>, %arg7: memref<2x128xi32, #tpu.memory_space<vmem>>, %arg8: memref<2x128xi32, #tpu.memory_space<vmem>>, %arg9: memref<2x128x128xf32, #tpu.memory_space<vmem>>, %arg10: memref<104x128xf32, #tpu.memory_space<vmem>>, %arg11: memref<10000x128xf32, #tpu.memory_space<vmem_shared>>, %arg12: memref<!tpu.dma_semaphore, #tpu.memory_space<semaphore_mem>>, %arg13: memref<!tpu.dma_semaphore, #tpu.memory_space<semaphore_mem>>, %arg14: memref<!tpu.dma_semaphore, #tpu.memory_space<semaphore_mem>>, %arg15: memref<!tpu.dma_semaphore, #tpu.memory_space<semaphore_mem>>) attributes {dimension_semantics = [#tpu.dimension_semantics<core_parallel>, #tpu.dimension_semantics<subcore_parallel>], iteration_bounds = array<i64: 2, 16>, scalar_prefetch = 0 : i64, scratch_operands = 9 : i64, tpu.core_type = #tpu.core_type<sc_vector_subcore>, window_params = [{transform_indices = #map}, {transform_indices = #map1}, {transform_indices = #map1}, {transform_indices = #map}, {transform_indices = #map2}]} {
    "tpu.region"() ({
      %run_scoped3A = tpu.sem_alloc : memref<!tpu.dma_semaphore, #tpu.memory_space<semaphore_mem>>
      tpu.enqueue_dma source(%arg5 : memref<104x128xf32, #tpu.memory_space<hbm>>) target(%arg10 : memref<104x128xf32, #tpu.memory_space<vmem>>) target_semaphore(%run_scoped3A : memref<!tpu.dma_semaphore, #tpu.memory_space<semaphore_mem>>)
      tpu.wait_dma2 semaphore(%run_scoped3A : memref<!tpu.dma_semaphore, #tpu.memory_space<semaphore_mem>>) src(%arg5 : memref<104x128xf32, #tpu.memory_space<hbm>>) dst(%arg10 : memref<104x128xf32, #tpu.memory_space<vmem>>)
      tpu.yield
    }) : () -> ()
    %mul3A = arith.constant 78 : i32
    %mul3A_0 = arith.muli %arg1, %mul3A : i32
    %min3A = arith.constant 2 : i32
    %min3A_1 = arith.minsi %arg1, %min3A : i32
    %add3A = arith.addi %mul3A_0, %min3A_1 : i32
    %mul3A_2 = arith.constant 8 : i32
    %mul3A_3 = arith.muli %add3A, %mul3A_2 : i32
    %add3A_4 = arith.constant 0 : i32
    %add3A_5 = arith.addi %mul3A_3, %add3A_4 : i32
    %multiple_of3A = tpu.assume_multiple %add3A_5, 8 : i32
    "tpu.region"() ({
      %run_scoped3A = tpu.sem_alloc : memref<!tpu.dma_semaphore, #tpu.memory_space<semaphore_mem>>
      %dma_start3A = arith.constant 0 : i32
      %dma_start3A_63 = tpu.memref_slice %arg11[%multiple_of3A, %dma_start3A] : memref<10000x128xf32, #tpu.memory_space<vmem_shared>> -> memref<104x128xf32, #tpu.memory_space<vmem_shared>>
      %dma_start3A_64 = arith.constant 0 : i32
      %dma_start3A_65 = tpu.memref_slice %arg11[%multiple_of3A, %dma_start3A_64] : memref<10000x128xf32, #tpu.memory_space<vmem_shared>> -> memref<104x128xf32, #tpu.memory_space<vmem_shared>>
      tpu.enqueue_dma source(%arg10 : memref<104x128xf32, #tpu.memory_space<vmem>>) target(%dma_start3A_65 : memref<104x128xf32, #tpu.memory_space<vmem_shared>>) target_semaphore(%run_scoped3A : memref<!tpu.dma_semaphore, #tpu.memory_space<semaphore_mem>>)
      %dma_wait3A = arith.constant 0 : i32
      %dma_wait3A_66 = tpu.memref_slice %arg11[%multiple_of3A, %dma_wait3A] : memref<10000x128xf32, #tpu.memory_space<vmem_shared>> -> memref<104x128xf32, #tpu.memory_space<vmem_shared>>
      %dma_wait3A_67 = arith.constant 0 : i32
      %dma_wait3A_68 = tpu.memref_slice %arg11[%multiple_of3A, %dma_wait3A_67] : memref<10000x128xf32, #tpu.memory_space<vmem_shared>> -> memref<104x128xf32, #tpu.memory_space<vmem_shared>>
      tpu.wait_dma2 semaphore(%run_scoped3A : memref<!tpu.dma_semaphore, #tpu.memory_space<semaphore_mem>>) src(%arg10 : memref<104x128xf32, #tpu.memory_space<vmem>>) dst(%dma_wait3A_68 : memref<104x128xf32, #tpu.memory_space<vmem_shared>>)
      tpu.yield
    }) : () -> ()
    %add3A_6 = arith.constant 104 : i32
    %add3A_7 = arith.addi %mul3A_3, %add3A_6 : i32
    %multiple_of3A_8 = tpu.assume_multiple %add3A_7, 8 : i32
    "tpu.region"() ({
      %run_scoped3A = tpu.sem_alloc : memref<!tpu.dma_semaphore, #tpu.memory_space<semaphore_mem>>
      %dma_start3A = arith.constant 0 : i32
      %dma_start3A_63 = tpu.memref_slice %arg11[%multiple_of3A_8, %dma_start3A] : memref<10000x128xf32, #tpu.memory_space<vmem_shared>> -> memref<104x128xf32, #tpu.memory_space<vmem_shared>>
      %dma_start3A_64 = arith.constant 0 : i32
      %dma_start3A_65 = tpu.memref_slice %arg11[%multiple_of3A_8, %dma_start3A_64] : memref<10000x128xf32, #tpu.memory_space<vmem_shared>> -> memref<104x128xf32, #tpu.memory_space<vmem_shared>>
      tpu.enqueue_dma source(%arg10 : memref<104x128xf32, #tpu.memory_space<vmem>>) target(%dma_start3A_65 : memref<104x128xf32, #tpu.memory_space<vmem_shared>>) target_semaphore(%run_scoped3A : memref<!tpu.dma_semaphore, #tpu.memory_space<semaphore_mem>>)
      %dma_wait3A = arith.constant 0 : i32
      %dma_wait3A_66 = tpu.memref_slice %arg11[%multiple_of3A_8, %dma_wait3A] : memref<10000x128xf32, #tpu.memory_space<vmem_shared>> -> memref<104x128xf32, #tpu.memory_space<vmem_shared>>
      %dma_wait3A_67 = arith.constant 0 : i32
      %dma_wait3A_68 = tpu.memref_slice %arg11[%multiple_of3A_8, %dma_wait3A_67] : memref<10000x128xf32, #tpu.memory_space<vmem_shared>> -> memref<104x128xf32, #tpu.memory_space<vmem_shared>>
      tpu.wait_dma2 semaphore(%run_scoped3A : memref<!tpu.dma_semaphore, #tpu.memory_space<semaphore_mem>>) src(%arg10 : memref<104x128xf32, #tpu.memory_space<vmem>>) dst(%dma_wait3A_68 : memref<104x128xf32, #tpu.memory_space<vmem_shared>>)
      tpu.yield
    }) : () -> ()
    %add3A_9 = arith.constant 208 : i32
    %add3A_10 = arith.addi %mul3A_3, %add3A_9 : i32
    %multiple_of3A_11 = tpu.assume_multiple %add3A_10, 8 : i32
    "tpu.region"() ({
      %run_scoped3A = tpu.sem_alloc : memref<!tpu.dma_semaphore, #tpu.memory_space<semaphore_mem>>
      %dma_start3A = arith.constant 0 : i32
      %dma_start3A_63 = tpu.memref_slice %arg11[%multiple_of3A_11, %dma_start3A] : memref<10000x128xf32, #tpu.memory_space<vmem_shared>> -> memref<104x128xf32, #tpu.memory_space<vmem_shared>>
      %dma_start3A_64 = arith.constant 0 : i32
      %dma_start3A_65 = tpu.memref_slice %arg11[%multiple_of3A_11, %dma_start3A_64] : memref<10000x128xf32, #tpu.memory_space<vmem_shared>> -> memref<104x128xf32, #tpu.memory_space<vmem_shared>>
      tpu.enqueue_dma source(%arg10 : memref<104x128xf32, #tpu.memory_space<vmem>>) target(%dma_start3A_65 : memref<104x128xf32, #tpu.memory_space<vmem_shared>>) target_semaphore(%run_scoped3A : memref<!tpu.dma_semaphore, #tpu.memory_space<semaphore_mem>>)
      %dma_wait3A = arith.constant 0 : i32
      %dma_wait3A_66 = tpu.memref_slice %arg11[%multiple_of3A_11, %dma_wait3A] : memref<10000x128xf32, #tpu.memory_space<vmem_shared>> -> memref<104x128xf32, #tpu.memory_space<vmem_shared>>
      %dma_wait3A_67 = arith.constant 0 : i32
      %dma_wait3A_68 = tpu.memref_slice %arg11[%multiple_of3A_11, %dma_wait3A_67] : memref<10000x128xf32, #tpu.memory_space<vmem_shared>> -> memref<104x128xf32, #tpu.memory_space<vmem_shared>>
      tpu.wait_dma2 semaphore(%run_scoped3A : memref<!tpu.dma_semaphore, #tpu.memory_space<semaphore_mem>>) src(%arg10 : memref<104x128xf32, #tpu.memory_space<vmem>>) dst(%dma_wait3A_68 : memref<104x128xf32, #tpu.memory_space<vmem_shared>>)
      tpu.yield
    }) : () -> ()
    %add3A_12 = arith.constant 312 : i32
    %add3A_13 = arith.addi %mul3A_3, %add3A_12 : i32
    %multiple_of3A_14 = tpu.assume_multiple %add3A_13, 8 : i32
    "tpu.region"() ({
      %run_scoped3A = tpu.sem_alloc : memref<!tpu.dma_semaphore, #tpu.memory_space<semaphore_mem>>
      %dma_start3A = arith.constant 0 : i32
      %dma_start3A_63 = tpu.memref_slice %arg11[%multiple_of3A_14, %dma_start3A] : memref<10000x128xf32, #tpu.memory_space<vmem_shared>> -> memref<104x128xf32, #tpu.memory_space<vmem_shared>>
      %dma_start3A_64 = arith.constant 0 : i32
      %dma_start3A_65 = tpu.memref_slice %arg11[%multiple_of3A_14, %dma_start3A_64] : memref<10000x128xf32, #tpu.memory_space<vmem_shared>> -> memref<104x128xf32, #tpu.memory_space<vmem_shared>>
      tpu.enqueue_dma source(%arg10 : memref<104x128xf32, #tpu.memory_space<vmem>>) target(%dma_start3A_65 : memref<104x128xf32, #tpu.memory_space<vmem_shared>>) target_semaphore(%run_scoped3A : memref<!tpu.dma_semaphore, #tpu.memory_space<semaphore_mem>>)
      %dma_wait3A = arith.constant 0 : i32
      %dma_wait3A_66 = tpu.memref_slice %arg11[%multiple_of3A_14, %dma_wait3A] : memref<10000x128xf32, #tpu.memory_space<vmem_shared>> -> memref<104x128xf32, #tpu.memory_space<vmem_shared>>
      %dma_wait3A_67 = arith.constant 0 : i32
      %dma_wait3A_68 = tpu.memref_slice %arg11[%multiple_of3A_14, %dma_wait3A_67] : memref<10000x128xf32, #tpu.memory_space<vmem_shared>> -> memref<104x128xf32, #tpu.memory_space<vmem_shared>>
      tpu.wait_dma2 semaphore(%run_scoped3A : memref<!tpu.dma_semaphore, #tpu.memory_space<semaphore_mem>>) src(%arg10 : memref<104x128xf32, #tpu.memory_space<vmem>>) dst(%dma_wait3A_68 : memref<104x128xf32, #tpu.memory_space<vmem_shared>>)
      tpu.yield
    }) : () -> ()
    %add3A_15 = arith.constant 416 : i32
    %add3A_16 = arith.addi %mul3A_3, %add3A_15 : i32
    %multiple_of3A_17 = tpu.assume_multiple %add3A_16, 8 : i32
    "tpu.region"() ({
      %run_scoped3A = tpu.sem_alloc : memref<!tpu.dma_semaphore, #tpu.memory_space<semaphore_mem>>
      %dma_start3A = arith.constant 0 : i32
      %dma_start3A_63 = tpu.memref_slice %arg11[%multiple_of3A_17, %dma_start3A] : memref<10000x128xf32, #tpu.memory_space<vmem_shared>> -> memref<104x128xf32, #tpu.memory_space<vmem_shared>>
      %dma_start3A_64 = arith.constant 0 : i32
      %dma_start3A_65 = tpu.memref_slice %arg11[%multiple_of3A_17, %dma_start3A_64] : memref<10000x128xf32, #tpu.memory_space<vmem_shared>> -> memref<104x128xf32, #tpu.memory_space<vmem_shared>>
      tpu.enqueue_dma source(%arg10 : memref<104x128xf32, #tpu.memory_space<vmem>>) target(%dma_start3A_65 : memref<104x128xf32, #tpu.memory_space<vmem_shared>>) target_semaphore(%run_scoped3A : memref<!tpu.dma_semaphore, #tpu.memory_space<semaphore_mem>>)
      %dma_wait3A = arith.constant 0 : i32
      %dma_wait3A_66 = tpu.memref_slice %arg11[%multiple_of3A_17, %dma_wait3A] : memref<10000x128xf32, #tpu.memory_space<vmem_shared>> -> memref<104x128xf32, #tpu.memory_space<vmem_shared>>
      %dma_wait3A_67 = arith.constant 0 : i32
      %dma_wait3A_68 = tpu.memref_slice %arg11[%multiple_of3A_17, %dma_wait3A_67] : memref<10000x128xf32, #tpu.memory_space<vmem_shared>> -> memref<104x128xf32, #tpu.memory_space<vmem_shared>>
      tpu.wait_dma2 semaphore(%run_scoped3A : memref<!tpu.dma_semaphore, #tpu.memory_space<semaphore_mem>>) src(%arg10 : memref<104x128xf32, #tpu.memory_space<vmem>>) dst(%dma_wait3A_68 : memref<104x128xf32, #tpu.memory_space<vmem_shared>>)
      tpu.yield
    }) : () -> ()
    %add3A_18 = arith.constant 520 : i32
    %add3A_19 = arith.addi %mul3A_3, %add3A_18 : i32
    %multiple_of3A_20 = tpu.assume_multiple %add3A_19, 8 : i32
    "tpu.region"() ({
      %run_scoped3A = tpu.sem_alloc : memref<!tpu.dma_semaphore, #tpu.memory_space<semaphore_mem>>
      %dma_start3A = arith.constant 0 : i32
      %dma_start3A_63 = tpu.memref_slice %arg11[%multiple_of3A_20, %dma_start3A] : memref<10000x128xf32, #tpu.memory_space<vmem_shared>> -> memref<104x128xf32, #tpu.memory_space<vmem_shared>>
      %dma_start3A_64 = arith.constant 0 : i32
      %dma_start3A_65 = tpu.memref_slice %arg11[%multiple_of3A_20, %dma_start3A_64] : memref<10000x128xf32, #tpu.memory_space<vmem_shared>> -> memref<104x128xf32, #tpu.memory_space<vmem_shared>>
      tpu.enqueue_dma source(%arg10 : memref<104x128xf32, #tpu.memory_space<vmem>>) target(%dma_start3A_65 : memref<104x128xf32, #tpu.memory_space<vmem_shared>>) target_semaphore(%run_scoped3A : memref<!tpu.dma_semaphore, #tpu.memory_space<semaphore_mem>>)
      %dma_wait3A = arith.constant 0 : i32
      %dma_wait3A_66 = tpu.memref_slice %arg11[%multiple_of3A_20, %dma_wait3A] : memref<10000x128xf32, #tpu.memory_space<vmem_shared>> -> memref<104x128xf32, #tpu.memory_space<vmem_shared>>
      %dma_wait3A_67 = arith.constant 0 : i32
      %dma_wait3A_68 = tpu.memref_slice %arg11[%multiple_of3A_20, %dma_wait3A_67] : memref<10000x128xf32, #tpu.memory_space<vmem_shared>> -> memref<104x128xf32, #tpu.memory_space<vmem_shared>>
      tpu.wait_dma2 semaphore(%run_scoped3A : memref<!tpu.dma_semaphore, #tpu.memory_space<semaphore_mem>>) src(%arg10 : memref<104x128xf32, #tpu.memory_space<vmem>>) dst(%dma_wait3A_68 : memref<104x128xf32, #tpu.memory_space<vmem_shared>>)
      tpu.yield
    }) : () -> ()
    %lt3A = arith.constant 2 : i32
    %lt3A_21 = arith.cmpi slt, %arg1, %lt3A : i32
    %convert_element_type3A = arith.extui %lt3A_21 : i1 to i32
    %cond3A = arith.constant 0 : i32
    %cond3A_22 = arith.cmpi ne, %convert_element_type3A, %cond3A : i32
    scf.if %cond3A_22 {
      %add3A_63 = arith.constant 624 : i32
      %add3A_64 = arith.addi %mul3A_3, %add3A_63 : i32
      %multiple_of3A_65 = tpu.assume_multiple %add3A_64, 8 : i32
      "tpu.region"() ({
        %run_scoped3A = tpu.sem_alloc : memref<!tpu.dma_semaphore, #tpu.memory_space<semaphore_mem>>
        %dma_start3A = arith.constant 0 : i32
        %dma_start3A_66 = arith.constant 0 : i32
        %dma_start3A_67 = tpu.memref_slice %arg10[%dma_start3A, %dma_start3A_66] : memref<104x128xf32, #tpu.memory_space<vmem>> -> memref<8x128xf32, #tpu.memory_space<vmem>>
        %dma_start3A_68 = arith.constant 0 : i32
        %dma_start3A_69 = tpu.memref_slice %arg11[%multiple_of3A_65, %dma_start3A_68] : memref<10000x128xf32, #tpu.memory_space<vmem_shared>> -> memref<8x128xf32, #tpu.memory_space<vmem_shared>>
        %dma_start3A_70 = arith.constant 0 : i32
        %dma_start3A_71 = tpu.memref_slice %arg11[%multiple_of3A_65, %dma_start3A_70] : memref<10000x128xf32, #tpu.memory_space<vmem_shared>> -> memref<8x128xf32, #tpu.memory_space<vmem_shared>>
        %dma_start3A_72 = arith.constant 0 : i32
        %dma_start3A_73 = arith.constant 0 : i32
        %dma_start3A_74 = tpu.memref_slice %arg10[%dma_start3A_72, %dma_start3A_73] : memref<104x128xf32, #tpu.memory_space<vmem>> -> memref<8x128xf32, #tpu.memory_space<vmem>>
        tpu.enqueue_dma source(%dma_start3A_74 : memref<8x128xf32, #tpu.memory_space<vmem>>) target(%dma_start3A_71 : memref<8x128xf32, #tpu.memory_space<vmem_shared>>) target_semaphore(%run_scoped3A : memref<!tpu.dma_semaphore, #tpu.memory_space<semaphore_mem>>)
        %dma_wait3A = arith.constant 0 : i32
        %dma_wait3A_75 = arith.constant 0 : i32
        %dma_wait3A_76 = tpu.memref_slice %arg10[%dma_wait3A, %dma_wait3A_75] : memref<104x128xf32, #tpu.memory_space<vmem>> -> memref<8x128xf32, #tpu.memory_space<vmem>>
        %dma_wait3A_77 = arith.constant 0 : i32
        %dma_wait3A_78 = tpu.memref_slice %arg11[%multiple_of3A_65, %dma_wait3A_77] : memref<10000x128xf32, #tpu.memory_space<vmem_shared>> -> memref<8x128xf32, #tpu.memory_space<vmem_shared>>
        %dma_wait3A_79 = arith.constant 0 : i32
        %dma_wait3A_80 = tpu.memref_slice %arg11[%multiple_of3A_65, %dma_wait3A_79] : memref<10000x128xf32, #tpu.memory_space<vmem_shared>> -> memref<8x128xf32, #tpu.memory_space<vmem_shared>>
        %dma_wait3A_81 = arith.constant 0 : i32
        %dma_wait3A_82 = arith.constant 0 : i32
        %dma_wait3A_83 = tpu.memref_slice %arg10[%dma_wait3A_81, %dma_wait3A_82] : memref<104x128xf32, #tpu.memory_space<vmem>> -> memref<8x128xf32, #tpu.memory_space<vmem>>
        tpu.wait_dma2 semaphore(%run_scoped3A : memref<!tpu.dma_semaphore, #tpu.memory_space<semaphore_mem>>) src(%dma_wait3A_83 : memref<8x128xf32, #tpu.memory_space<vmem>>) dst(%dma_wait3A_80 : memref<8x128xf32, #tpu.memory_space<vmem_shared>>)
        tpu.yield
      }) : () -> ()
    } else {
    }
    %barrier3A = arith.constant 0 : index
    tpu.barrier barrier_id(%barrier3A)
    %eq3A = arith.constant 0 : i32
    %eq3A_23 = arith.cmpi eq, %arg0, %eq3A : i32
    %convert_element_type3A_24 = arith.extui %eq3A_23 : i1 to i32
    %cond3A_25 = arith.constant 0 : i32
    %cond3A_26 = arith.cmpi ne, %convert_element_type3A_24, %cond3A_25 : i32
    scf.if %cond3A_26 {
      %lt3A_63 = arith.constant 2 : i32
      %lt3A_64 = arith.cmpi slt, %arg1, %lt3A_63 : i32
      %jit3A = arith.constant 1 : i32
      %jit3A_65 = arith.constant 0 : i32
      %select_n3A = arith.select %lt3A_64, %jit3A, %jit3A_65 : i32
      %add3A_66 = arith.constant 78 : i32
      %add3A_67 = arith.addi %add3A_66, %select_n3A : i32
      %mul3A_68 = arith.constant 78 : i32
      %mul3A_69 = arith.muli %arg1, %mul3A_68 : i32
      %add3A_70 = arith.constant 0 : i32
      %add3A_71 = arith.addi %add3A_70, %mul3A_69 : i32
      %min3A_72 = arith.constant 2 : i32
      %min3A_73 = arith.minsi %arg1, %min3A_72 : i32
      %add3A_74 = arith.addi %add3A_71, %min3A_73 : i32
      %scan3A = arith.constant 0 : i32
      %scan3A_75 = arith.constant 0 : i32
      %scan3A_76 = arith.constant 80 : i32
      %scan3A_77 = arith.addi %scan3A_75, %scan3A_76 : i32
      %scan3A_78 = arith.constant 1 : i32
      scf.for %scan3A_103 = %scan3A_75 to %scan3A_77 step %scan3A_78  : i32 {
        %rem3A = arith.constant 2 : i32
        %rem3A_104 = arith.remsi %scan3A_103, %rem3A : i32
        %eq3A_105 = arith.constant 0 : i32
        %eq3A_106 = arith.cmpi eq, %rem3A_104, %eq3A_105 : i32
        %ge3A = arith.constant 2 : i32
        %ge3A_107 = arith.cmpi sge, %scan3A_103, %ge3A : i32
        %and3A = arith.andi %eq3A_106, %ge3A_107 : i1
        %lt3A_108 = arith.cmpi slt, %scan3A_103, %add3A_67 : i32
        %and3A_109 = arith.andi %and3A, %lt3A_108 : i1
        %convert_element_type3A_110 = arith.extui %and3A_109 : i1 to i32
        %cond3A_111 = arith.constant 0 : i32
        %cond3A_112 = arith.cmpi ne, %convert_element_type3A_110, %cond3A_111 : i32
        scf.if %cond3A_112 {
          %dma_wait3A_156 = arith.constant 0 : i32
          %dma_wait3A_157 = arith.constant 0 : i32
          %dma_wait3A_158 = arith.constant 0 : i32
          %dma_wait3A_159 = arith.constant 0 : i32
          %dma_wait3A_160 = tpu.memref_slice %arg9[%dma_wait3A_156, %dma_wait3A_158, %dma_wait3A_159] : memref<2x128x128xf32, #tpu.memory_space<vmem>> -> memref<1x128x128xf32, #tpu.memory_space<vmem>>
          %dma_wait3A_161 = tpu.memref_squeeze %dma_wait3A_160 : memref<1x128x128xf32, #tpu.memory_space<vmem>> -> memref<128x128xf32, #tpu.memory_space<vmem>>
          %dma_wait3A_162 = arith.constant 0 : i32
          %dma_wait3A_163 = tpu.memref_slice %arg8[%dma_wait3A_157, %dma_wait3A_162] : memref<2x128xi32, #tpu.memory_space<vmem>> -> memref<1x128xi32, #tpu.memory_space<vmem>>
          %dma_wait3A_164 = tpu.memref_squeeze %dma_wait3A_163 : memref<1x128xi32, #tpu.memory_space<vmem>> -> memref<128xi32, #tpu.memory_space<vmem>>
          %dma_wait3A_165 = arith.constant 0 : i32
          %dma_wait3A_166 = arith.constant 0 : i32
          %dma_wait3A_167 = tpu.memref_slice %arg11[%dma_wait3A_165, %dma_wait3A_166] : memref<10000x128xf32, #tpu.memory_space<vmem_shared>> -> memref<10000x128xf32, #tpu.memory_space<vmem_shared>>
          tpu.wait_indirect_dma semaphore(%arg14 : memref<!tpu.dma_semaphore, #tpu.memory_space<semaphore_mem>>) src(%dma_wait3A_161 : memref<128x128xf32, #tpu.memory_space<vmem>>) dst(%dma_wait3A_167 : memref<10000x128xf32, #tpu.memory_space<vmem_shared>>)
        } else {
        }
        %eq3A_113 = arith.constant 0 : i32
        %eq3A_114 = arith.cmpi eq, %rem3A_104, %eq3A_113 : i32
        %lt3A_115 = arith.cmpi slt, %scan3A_103, %add3A_67 : i32
        %and3A_116 = arith.andi %eq3A_114, %lt3A_115 : i1
        %convert_element_type3A_117 = arith.extui %and3A_116 : i1 to i32
        %cond3A_118 = arith.constant 0 : i32
        %cond3A_119 = arith.cmpi ne, %convert_element_type3A_117, %cond3A_118 : i32
        scf.if %cond3A_119 {
          %add3A_156 = arith.addi %add3A_74, %scan3A_103 : i32
          %mul3A_157 = arith.constant 128 : i32
          %mul3A_158 = arith.muli %add3A_156, %mul3A_157 : i32
          %multiple_of3A_159 = tpu.assume_multiple %mul3A_158, 128 : i32
          %run_scoped3A = arith.constant 0 : i32
          "tpu.region"() ({
            %run_scoped3A_172 = tpu.sem_alloc : memref<!tpu.dma_semaphore, #tpu.memory_space<semaphore_mem>>
            %dma_start3A_173 = arith.constant 0 : i32
            %dma_start3A_174 = tpu.memref_slice %arg7[%run_scoped3A, %dma_start3A_173] : memref<2x128xi32, #tpu.memory_space<vmem>> -> memref<1x128xi32, #tpu.memory_space<vmem>>
            %dma_start3A_175 = tpu.memref_squeeze %dma_start3A_174 : memref<1x128xi32, #tpu.memory_space<vmem>> -> memref<128xi32, #tpu.memory_space<vmem>>
            %dma_start3A_176 = tpu.memref_slice %arg3[%multiple_of3A_159] : memref<320000xi32, #tpu.memory_space<hbm>> -> memref<128xi32, #tpu.memory_space<hbm>>
            %dma_start3A_177 = arith.constant 0 : i32
            %dma_start3A_178 = tpu.memref_slice %arg7[%run_scoped3A, %dma_start3A_177] : memref<2x128xi32, #tpu.memory_space<vmem>> -> memref<1x128xi32, #tpu.memory_space<vmem>>
            %dma_start3A_179 = tpu.memref_squeeze %dma_start3A_178 : memref<1x128xi32, #tpu.memory_space<vmem>> -> memref<128xi32, #tpu.memory_space<vmem>>
            %dma_start3A_180 = tpu.memref_slice %arg3[%multiple_of3A_159] : memref<320000xi32, #tpu.memory_space<hbm>> -> memref<128xi32, #tpu.memory_space<hbm>>
            tpu.enqueue_dma source(%dma_start3A_180 : memref<128xi32, #tpu.memory_space<hbm>>) target(%dma_start3A_179 : memref<128xi32, #tpu.memory_space<vmem>>) target_semaphore(%run_scoped3A_172 : memref<!tpu.dma_semaphore, #tpu.memory_space<semaphore_mem>>)
            %dma_wait3A_181 = arith.constant 0 : i32
            %dma_wait3A_182 = tpu.memref_slice %arg7[%run_scoped3A, %dma_wait3A_181] : memref<2x128xi32, #tpu.memory_space<vmem>> -> memref<1x128xi32, #tpu.memory_space<vmem>>
            %dma_wait3A_183 = tpu.memref_squeeze %dma_wait3A_182 : memref<1x128xi32, #tpu.memory_space<vmem>> -> memref<128xi32, #tpu.memory_space<vmem>>
            %dma_wait3A_184 = tpu.memref_slice %arg3[%multiple_of3A_159] : memref<320000xi32, #tpu.memory_space<hbm>> -> memref<128xi32, #tpu.memory_space<hbm>>
            %dma_wait3A_185 = arith.constant 0 : i32
            %dma_wait3A_186 = tpu.memref_slice %arg7[%run_scoped3A, %dma_wait3A_185] : memref<2x128xi32, #tpu.memory_space<vmem>> -> memref<1x128xi32, #tpu.memory_space<vmem>>
            %dma_wait3A_187 = tpu.memref_squeeze %dma_wait3A_186 : memref<1x128xi32, #tpu.memory_space<vmem>> -> memref<128xi32, #tpu.memory_space<vmem>>
            %dma_wait3A_188 = tpu.memref_slice %arg3[%multiple_of3A_159] : memref<320000xi32, #tpu.memory_space<hbm>> -> memref<128xi32, #tpu.memory_space<hbm>>
            tpu.wait_dma2 semaphore(%run_scoped3A_172 : memref<!tpu.dma_semaphore, #tpu.memory_space<semaphore_mem>>) src(%dma_wait3A_188 : memref<128xi32, #tpu.memory_space<hbm>>) dst(%dma_wait3A_187 : memref<128xi32, #tpu.memory_space<vmem>>)
            tpu.yield
          }) : () -> ()
          %run_scoped3A_160 = arith.constant 0 : i32
          "tpu.region"() ({
            %run_scoped3A_172 = tpu.sem_alloc : memref<!tpu.dma_semaphore, #tpu.memory_space<semaphore_mem>>
            %dma_start3A_173 = arith.constant 0 : i32
            %dma_start3A_174 = tpu.memref_slice %arg8[%run_scoped3A_160, %dma_start3A_173] : memref<2x128xi32, #tpu.memory_space<vmem>> -> memref<1x128xi32, #tpu.memory_space<vmem>>
            %dma_start3A_175 = tpu.memref_squeeze %dma_start3A_174 : memref<1x128xi32, #tpu.memory_space<vmem>> -> memref<128xi32, #tpu.memory_space<vmem>>
            %dma_start3A_176 = tpu.memref_slice %arg4[%multiple_of3A_159] : memref<320000xi32, #tpu.memory_space<hbm>> -> memref<128xi32, #tpu.memory_space<hbm>>
            %dma_start3A_177 = arith.constant 0 : i32
            %dma_start3A_178 = tpu.memref_slice %arg8[%run_scoped3A_160, %dma_start3A_177] : memref<2x128xi32, #tpu.memory_space<vmem>> -> memref<1x128xi32, #tpu.memory_space<vmem>>
            %dma_start3A_179 = tpu.memref_squeeze %dma_start3A_178 : memref<1x128xi32, #tpu.memory_space<vmem>> -> memref<128xi32, #tpu.memory_space<vmem>>
            %dma_start3A_180 = tpu.memref_slice %arg4[%multiple_of3A_159] : memref<320000xi32, #tpu.memory_space<hbm>> -> memref<128xi32, #tpu.memory_space<hbm>>
            tpu.enqueue_dma source(%dma_start3A_180 : memref<128xi32, #tpu.memory_space<hbm>>) target(%dma_start3A_179 : memref<128xi32, #tpu.memory_space<vmem>>) target_semaphore(%run_scoped3A_172 : memref<!tpu.dma_semaphore, #tpu.memory_space<semaphore_mem>>)
            %dma_wait3A_181 = arith.constant 0 : i32
            %dma_wait3A_182 = tpu.memref_slice %arg8[%run_scoped3A_160, %dma_wait3A_181] : memref<2x128xi32, #tpu.memory_space<vmem>> -> memref<1x128xi32, #tpu.memory_space<vmem>>
            %dma_wait3A_183 = tpu.memref_squeeze %dma_wait3A_182 : memref<1x128xi32, #tpu.memory_space<vmem>> -> memref<128xi32, #tpu.memory_space<vmem>>
            %dma_wait3A_184 = tpu.memref_slice %arg4[%multiple_of3A_159] : memref<320000xi32, #tpu.memory_space<hbm>> -> memref<128xi32, #tpu.memory_space<hbm>>
            %dma_wait3A_185 = arith.constant 0 : i32
            %dma_wait3A_186 = tpu.memref_slice %arg8[%run_scoped3A_160, %dma_wait3A_185] : memref<2x128xi32, #tpu.memory_space<vmem>> -> memref<1x128xi32, #tpu.memory_space<vmem>>
            %dma_wait3A_187 = tpu.memref_squeeze %dma_wait3A_186 : memref<1x128xi32, #tpu.memory_space<vmem>> -> memref<128xi32, #tpu.memory_space<vmem>>
            %dma_wait3A_188 = tpu.memref_slice %arg4[%multiple_of3A_159] : memref<320000xi32, #tpu.memory_space<hbm>> -> memref<128xi32, #tpu.memory_space<hbm>>
            tpu.wait_dma2 semaphore(%run_scoped3A_172 : memref<!tpu.dma_semaphore, #tpu.memory_space<semaphore_mem>>) src(%dma_wait3A_188 : memref<128xi32, #tpu.memory_space<hbm>>) dst(%dma_wait3A_187 : memref<128xi32, #tpu.memory_space<vmem>>)
            tpu.yield
          }) : () -> ()
          %dma_start3A = arith.constant 0 : i32
          %dma_start3A_161 = arith.constant 0 : i32
          %dma_start3A_162 = arith.constant 0 : i32
          %dma_start3A_163 = arith.constant 0 : i32
          %dma_start3A_164 = tpu.memref_slice %arg9[%dma_start3A_161, %dma_start3A_162, %dma_start3A_163] : memref<2x128x128xf32, #tpu.memory_space<vmem>> -> memref<1x128x128xf32, #tpu.memory_space<vmem>>
          %dma_start3A_165 = tpu.memref_squeeze %dma_start3A_164 : memref<1x128x128xf32, #tpu.memory_space<vmem>> -> memref<128x128xf32, #tpu.memory_space<vmem>>
          %dma_start3A_166 = arith.constant 0 : i32
          %dma_start3A_167 = tpu.memref_slice %arg7[%dma_start3A, %dma_start3A_166] : memref<2x128xi32, #tpu.memory_space<vmem>> -> memref<1x128xi32, #tpu.memory_space<vmem>>
          %dma_start3A_168 = tpu.memref_squeeze %dma_start3A_167 : memref<1x128xi32, #tpu.memory_space<vmem>> -> memref<128xi32, #tpu.memory_space<vmem>>
          %dma_start3A_169 = arith.constant 0 : i32
          %dma_start3A_170 = arith.constant 0 : i32
          %dma_start3A_171 = tpu.memref_slice %arg2[%dma_start3A_169, %dma_start3A_170] : memref<10000x128xf32, #tpu.memory_space<hbm>> -> memref<10000x128xf32, #tpu.memory_space<hbm>>
          tpu.enqueue_indirect_dma source(%dma_start3A_171 : memref<10000x128xf32, #tpu.memory_space<hbm>>) target(%dma_start3A_165 : memref<128x128xf32, #tpu.memory_space<vmem>>) offsets(%dma_start3A_168 : memref<128xi32, #tpu.memory_space<vmem>>) semaphore(%arg12 : memref<!tpu.dma_semaphore, #tpu.memory_space<semaphore_mem>>)
        } else {
        }
        %eq3A_120 = arith.constant 0 : i32
        %eq3A_121 = arith.cmpi eq, %rem3A_104, %eq3A_120 : i32
        %ge3A_122 = arith.constant 1 : i32
        %ge3A_123 = arith.cmpi sge, %scan3A_103, %ge3A_122 : i32
        %and3A_124 = arith.andi %eq3A_121, %ge3A_123 : i1
        %le3A = arith.cmpi sle, %scan3A_103, %add3A_67 : i32
        %and3A_125 = arith.andi %and3A_124, %le3A : i1
        %convert_element_type3A_126 = arith.extui %and3A_125 : i1 to i32
        %cond3A_127 = arith.constant 0 : i32
        %cond3A_128 = arith.cmpi ne, %convert_element_type3A_126, %cond3A_127 : i32
        scf.if %cond3A_128 {
          %dma_wait3A_156 = arith.constant 1 : i32
          %dma_wait3A_157 = arith.constant 1 : i32
          %dma_wait3A_158 = arith.constant 0 : i32
          %dma_wait3A_159 = arith.constant 0 : i32
          %dma_wait3A_160 = tpu.memref_slice %arg9[%dma_wait3A_157, %dma_wait3A_158, %dma_wait3A_159] : memref<2x128x128xf32, #tpu.memory_space<vmem>> -> memref<1x128x128xf32, #tpu.memory_space<vmem>>
          %dma_wait3A_161 = tpu.memref_squeeze %dma_wait3A_160 : memref<1x128x128xf32, #tpu.memory_space<vmem>> -> memref<128x128xf32, #tpu.memory_space<vmem>>
          %dma_wait3A_162 = arith.constant 0 : i32
          %dma_wait3A_163 = tpu.memref_slice %arg7[%dma_wait3A_156, %dma_wait3A_162] : memref<2x128xi32, #tpu.memory_space<vmem>> -> memref<1x128xi32, #tpu.memory_space<vmem>>
          %dma_wait3A_164 = tpu.memref_squeeze %dma_wait3A_163 : memref<1x128xi32, #tpu.memory_space<vmem>> -> memref<128xi32, #tpu.memory_space<vmem>>
          %dma_wait3A_165 = arith.constant 0 : i32
          %dma_wait3A_166 = arith.constant 0 : i32
          %dma_wait3A_167 = tpu.memref_slice %arg2[%dma_wait3A_165, %dma_wait3A_166] : memref<10000x128xf32, #tpu.memory_space<hbm>> -> memref<10000x128xf32, #tpu.memory_space<hbm>>
          tpu.wait_indirect_dma semaphore(%arg13 : memref<!tpu.dma_semaphore, #tpu.memory_space<semaphore_mem>>) src(%dma_wait3A_167 : memref<10000x128xf32, #tpu.memory_space<hbm>>) dst(%dma_wait3A_161 : memref<128x128xf32, #tpu.memory_space<vmem>>)
          %dma_start3A = arith.constant 1 : i32
          %dma_start3A_168 = arith.constant 1 : i32
          %dma_start3A_169 = arith.constant 0 : i32
          %dma_start3A_170 = arith.constant 0 : i32
          %dma_start3A_171 = tpu.memref_slice %arg9[%dma_start3A, %dma_start3A_169, %dma_start3A_170] : memref<2x128x128xf32, #tpu.memory_space<vmem>> -> memref<1x128x128xf32, #tpu.memory_space<vmem>>
          %dma_start3A_172 = tpu.memref_squeeze %dma_start3A_171 : memref<1x128x128xf32, #tpu.memory_space<vmem>> -> memref<128x128xf32, #tpu.memory_space<vmem>>
          %dma_start3A_173 = arith.constant 0 : i32
          %dma_start3A_174 = tpu.memref_slice %arg8[%dma_start3A_168, %dma_start3A_173] : memref<2x128xi32, #tpu.memory_space<vmem>> -> memref<1x128xi32, #tpu.memory_space<vmem>>
          %dma_start3A_175 = tpu.memref_squeeze %dma_start3A_174 : memref<1x128xi32, #tpu.memory_space<vmem>> -> memref<128xi32, #tpu.memory_space<vmem>>
          %dma_start3A_176 = arith.constant 0 : i32
          %dma_start3A_177 = arith.constant 0 : i32
          %dma_start3A_178 = tpu.memref_slice %arg11[%dma_start3A_176, %dma_start3A_177] : memref<10000x128xf32, #tpu.memory_space<vmem_shared>> -> memref<10000x128xf32, #tpu.memory_space<vmem_shared>>
          tpu.enqueue_indirect_dma source(%dma_start3A_172 : memref<128x128xf32, #tpu.memory_space<vmem>>) target(%dma_start3A_178 : memref<10000x128xf32, #tpu.memory_space<vmem_shared>>) offsets(%dma_start3A_175 : memref<128xi32, #tpu.memory_space<vmem>>) semaphore(%arg15 : memref<!tpu.dma_semaphore, #tpu.memory_space<semaphore_mem>>) {add = true}
        } else {
        }
        %eq3A_129 = arith.constant 1 : i32
        %eq3A_130 = arith.cmpi eq, %rem3A_104, %eq3A_129 : i32
        %ge3A_131 = arith.constant 2 : i32
        %ge3A_132 = arith.cmpi sge, %scan3A_103, %ge3A_131 : i32
        %and3A_133 = arith.andi %eq3A_130, %ge3A_132 : i1
        %lt3A_134 = arith.cmpi slt, %scan3A_103, %add3A_67 : i32
        %and3A_135 = arith.andi %and3A_133, %lt3A_134 : i1
        %convert_element_type3A_136 = arith.extui %and3A_135 : i1 to i32
        %cond3A_137 = arith.constant 0 : i32
        %cond3A_138 = arith.cmpi ne, %convert_element_type3A_136, %cond3A_137 : i32
        scf.if %cond3A_138 {
          %dma_wait3A_156 = arith.constant 1 : i32
          %dma_wait3A_157 = arith.constant 1 : i32
          %dma_wait3A_158 = arith.constant 0 : i32
          %dma_wait3A_159 = arith.constant 0 : i32
          %dma_wait3A_160 = tpu.memref_slice %arg9[%dma_wait3A_156, %dma_wait3A_158, %dma_wait3A_159] : memref<2x128x128xf32, #tpu.memory_space<vmem>> -> memref<1x128x128xf32, #tpu.memory_space<vmem>>
          %dma_wait3A_161 = tpu.memref_squeeze %dma_wait3A_160 : memref<1x128x128xf32, #tpu.memory_space<vmem>> -> memref<128x128xf32, #tpu.memory_space<vmem>>
          %dma_wait3A_162 = arith.constant 0 : i32
          %dma_wait3A_163 = tpu.memref_slice %arg8[%dma_wait3A_157, %dma_wait3A_162] : memref<2x128xi32, #tpu.memory_space<vmem>> -> memref<1x128xi32, #tpu.memory_space<vmem>>
          %dma_wait3A_164 = tpu.memref_squeeze %dma_wait3A_163 : memref<1x128xi32, #tpu.memory_space<vmem>> -> memref<128xi32, #tpu.memory_space<vmem>>
          %dma_wait3A_165 = arith.constant 0 : i32
          %dma_wait3A_166 = arith.constant 0 : i32
          %dma_wait3A_167 = tpu.memref_slice %arg11[%dma_wait3A_165, %dma_wait3A_166] : memref<10000x128xf32, #tpu.memory_space<vmem_shared>> -> memref<10000x128xf32, #tpu.memory_space<vmem_shared>>
          tpu.wait_indirect_dma semaphore(%arg15 : memref<!tpu.dma_semaphore, #tpu.memory_space<semaphore_mem>>) src(%dma_wait3A_161 : memref<128x128xf32, #tpu.memory_space<vmem>>) dst(%dma_wait3A_167 : memref<10000x128xf32, #tpu.memory_space<vmem_shared>>)
        } else {
        }
        %eq3A_139 = arith.constant 1 : i32
        %eq3A_140 = arith.cmpi eq, %rem3A_104, %eq3A_139 : i32
        %lt3A_141 = arith.cmpi slt, %scan3A_103, %add3A_67 : i32
        %and3A_142 = arith.andi %eq3A_140, %lt3A_141 : i1
        %convert_element_type3A_143 = arith.extui %and3A_142 : i1 to i32
        %cond3A_144 = arith.constant 0 : i32
        %cond3A_145 = arith.cmpi ne, %convert_element_type3A_143, %cond3A_144 : i32
        scf.if %cond3A_145 {
          %add3A_156 = arith.addi %add3A_74, %scan3A_103 : i32
          %mul3A_157 = arith.constant 128 : i32
          %mul3A_158 = arith.muli %add3A_156, %mul3A_157 : i32
          %multiple_of3A_159 = tpu.assume_multiple %mul3A_158, 128 : i32
          %run_scoped3A = arith.constant 1 : i32
          "tpu.region"() ({
            %run_scoped3A_172 = tpu.sem_alloc : memref<!tpu.dma_semaphore, #tpu.memory_space<semaphore_mem>>
            %dma_start3A_173 = arith.constant 0 : i32
            %dma_start3A_174 = tpu.memref_slice %arg7[%run_scoped3A, %dma_start3A_173] : memref<2x128xi32, #tpu.memory_space<vmem>> -> memref<1x128xi32, #tpu.memory_space<vmem>>
            %dma_start3A_175 = tpu.memref_squeeze %dma_start3A_174 : memref<1x128xi32, #tpu.memory_space<vmem>> -> memref<128xi32, #tpu.memory_space<vmem>>
            %dma_start3A_176 = tpu.memref_slice %arg3[%multiple_of3A_159] : memref<320000xi32, #tpu.memory_space<hbm>> -> memref<128xi32, #tpu.memory_space<hbm>>
            %dma_start3A_177 = arith.constant 0 : i32
            %dma_start3A_178 = tpu.memref_slice %arg7[%run_scoped3A, %dma_start3A_177] : memref<2x128xi32, #tpu.memory_space<vmem>> -> memref<1x128xi32, #tpu.memory_space<vmem>>
            %dma_start3A_179 = tpu.memref_squeeze %dma_start3A_178 : memref<1x128xi32, #tpu.memory_space<vmem>> -> memref<128xi32, #tpu.memory_space<vmem>>
            %dma_start3A_180 = tpu.memref_slice %arg3[%multiple_of3A_159] : memref<320000xi32, #tpu.memory_space<hbm>> -> memref<128xi32, #tpu.memory_space<hbm>>
            tpu.enqueue_dma source(%dma_start3A_180 : memref<128xi32, #tpu.memory_space<hbm>>) target(%dma_start3A_179 : memref<128xi32, #tpu.memory_space<vmem>>) target_semaphore(%run_scoped3A_172 : memref<!tpu.dma_semaphore, #tpu.memory_space<semaphore_mem>>)
            %dma_wait3A_181 = arith.constant 0 : i32
            %dma_wait3A_182 = tpu.memref_slice %arg7[%run_scoped3A, %dma_wait3A_181] : memref<2x128xi32, #tpu.memory_space<vmem>> -> memref<1x128xi32, #tpu.memory_space<vmem>>
            %dma_wait3A_183 = tpu.memref_squeeze %dma_wait3A_182 : memref<1x128xi32, #tpu.memory_space<vmem>> -> memref<128xi32, #tpu.memory_space<vmem>>
            %dma_wait3A_184 = tpu.memref_slice %arg3[%multiple_of3A_159] : memref<320000xi32, #tpu.memory_space<hbm>> -> memref<128xi32, #tpu.memory_space<hbm>>
            %dma_wait3A_185 = arith.constant 0 : i32
            %dma_wait3A_186 = tpu.memref_slice %arg7[%run_scoped3A, %dma_wait3A_185] : memref<2x128xi32, #tpu.memory_space<vmem>> -> memref<1x128xi32, #tpu.memory_space<vmem>>
            %dma_wait3A_187 = tpu.memref_squeeze %dma_wait3A_186 : memref<1x128xi32, #tpu.memory_space<vmem>> -> memref<128xi32, #tpu.memory_space<vmem>>
            %dma_wait3A_188 = tpu.memref_slice %arg3[%multiple_of3A_159] : memref<320000xi32, #tpu.memory_space<hbm>> -> memref<128xi32, #tpu.memory_space<hbm>>
            tpu.wait_dma2 semaphore(%run_scoped3A_172 : memref<!tpu.dma_semaphore, #tpu.memory_space<semaphore_mem>>) src(%dma_wait3A_188 : memref<128xi32, #tpu.memory_space<hbm>>) dst(%dma_wait3A_187 : memref<128xi32, #tpu.memory_space<vmem>>)
            tpu.yield
          }) : () -> ()
          %run_scoped3A_160 = arith.constant 1 : i32
          "tpu.region"() ({
            %run_scoped3A_172 = tpu.sem_alloc : memref<!tpu.dma_semaphore, #tpu.memory_space<semaphore_mem>>
            %dma_start3A_173 = arith.constant 0 : i32
            %dma_start3A_174 = tpu.memref_slice %arg8[%run_scoped3A_160, %dma_start3A_173] : memref<2x128xi32, #tpu.memory_space<vmem>> -> memref<1x128xi32, #tpu.memory_space<vmem>>
            %dma_start3A_175 = tpu.memref_squeeze %dma_start3A_174 : memref<1x128xi32, #tpu.memory_space<vmem>> -> memref<128xi32, #tpu.memory_space<vmem>>
            %dma_start3A_176 = tpu.memref_slice %arg4[%multiple_of3A_159] : memref<320000xi32, #tpu.memory_space<hbm>> -> memref<128xi32, #tpu.memory_space<hbm>>
            %dma_start3A_177 = arith.constant 0 : i32
            %dma_start3A_178 = tpu.memref_slice %arg8[%run_scoped3A_160, %dma_start3A_177] : memref<2x128xi32, #tpu.memory_space<vmem>> -> memref<1x128xi32, #tpu.memory_space<vmem>>
            %dma_start3A_179 = tpu.memref_squeeze %dma_start3A_178 : memref<1x128xi32, #tpu.memory_space<vmem>> -> memref<128xi32, #tpu.memory_space<vmem>>
            %dma_start3A_180 = tpu.memref_slice %arg4[%multiple_of3A_159] : memref<320000xi32, #tpu.memory_space<hbm>> -> memref<128xi32, #tpu.memory_space<hbm>>
            tpu.enqueue_dma source(%dma_start3A_180 : memref<128xi32, #tpu.memory_space<hbm>>) target(%dma_start3A_179 : memref<128xi32, #tpu.memory_space<vmem>>) target_semaphore(%run_scoped3A_172 : memref<!tpu.dma_semaphore, #tpu.memory_space<semaphore_mem>>)
            %dma_wait3A_181 = arith.constant 0 : i32
            %dma_wait3A_182 = tpu.memref_slice %arg8[%run_scoped3A_160, %dma_wait3A_181] : memref<2x128xi32, #tpu.memory_space<vmem>> -> memref<1x128xi32, #tpu.memory_space<vmem>>
            %dma_wait3A_183 = tpu.memref_squeeze %dma_wait3A_182 : memref<1x128xi32, #tpu.memory_space<vmem>> -> memref<128xi32, #tpu.memory_space<vmem>>
            %dma_wait3A_184 = tpu.memref_slice %arg4[%multiple_of3A_159] : memref<320000xi32, #tpu.memory_space<hbm>> -> memref<128xi32, #tpu.memory_space<hbm>>
            %dma_wait3A_185 = arith.constant 0 : i32
            %dma_wait3A_186 = tpu.memref_slice %arg8[%run_scoped3A_160, %dma_wait3A_185] : memref<2x128xi32, #tpu.memory_space<vmem>> -> memref<1x128xi32, #tpu.memory_space<vmem>>
            %dma_wait3A_187 = tpu.memref_squeeze %dma_wait3A_186 : memref<1x128xi32, #tpu.memory_space<vmem>> -> memref<128xi32, #tpu.memory_space<vmem>>
            %dma_wait3A_188 = tpu.memref_slice %arg4[%multiple_of3A_159] : memref<320000xi32, #tpu.memory_space<hbm>> -> memref<128xi32, #tpu.memory_space<hbm>>
            tpu.wait_dma2 semaphore(%run_scoped3A_172 : memref<!tpu.dma_semaphore, #tpu.memory_space<semaphore_mem>>) src(%dma_wait3A_188 : memref<128xi32, #tpu.memory_space<hbm>>) dst(%dma_wait3A_187 : memref<128xi32, #tpu.memory_space<vmem>>)
            tpu.yield
          }) : () -> ()
          %dma_start3A = arith.constant 1 : i32
          %dma_start3A_161 = arith.constant 1 : i32
          %dma_start3A_162 = arith.constant 0 : i32
          %dma_start3A_163 = arith.constant 0 : i32
          %dma_start3A_164 = tpu.memref_slice %arg9[%dma_start3A_161, %dma_start3A_162, %dma_start3A_163] : memref<2x128x128xf32, #tpu.memory_space<vmem>> -> memref<1x128x128xf32, #tpu.memory_space<vmem>>
          %dma_start3A_165 = tpu.memref_squeeze %dma_start3A_164 : memref<1x128x128xf32, #tpu.memory_space<vmem>> -> memref<128x128xf32, #tpu.memory_space<vmem>>
          %dma_start3A_166 = arith.constant 0 : i32
          %dma_start3A_167 = tpu.memref_slice %arg7[%dma_start3A, %dma_start3A_166] : memref<2x128xi32, #tpu.memory_space<vmem>> -> memref<1x128xi32, #tpu.memory_space<vmem>>
          %dma_start3A_168 = tpu.memref_squeeze %dma_start3A_167 : memref<1x128xi32, #tpu.memory_space<vmem>> -> memref<128xi32, #tpu.memory_space<vmem>>
          %dma_start3A_169 = arith.constant 0 : i32
          %dma_start3A_170 = arith.constant 0 : i32
          %dma_start3A_171 = tpu.memref_slice %arg2[%dma_start3A_169, %dma_start3A_170] : memref<10000x128xf32, #tpu.memory_space<hbm>> -> memref<10000x128xf32, #tpu.memory_space<hbm>>
          tpu.enqueue_indirect_dma source(%dma_start3A_171 : memref<10000x128xf32, #tpu.memory_space<hbm>>) target(%dma_start3A_165 : memref<128x128xf32, #tpu.memory_space<vmem>>) offsets(%dma_start3A_168 : memref<128xi32, #tpu.memory_space<vmem>>) semaphore(%arg13 : memref<!tpu.dma_semaphore, #tpu.memory_space<semaphore_mem>>)
        } else {
        }
        %eq3A_146 = arith.constant 1 : i32
        %eq3A_147 = arith.cmpi eq, %rem3A_104, %eq3A_146 : i32
        %ge3A_148 = arith.constant 1 : i32
        %ge3A_149 = arith.cmpi sge, %scan3A_103, %ge3A_148 : i32
        %and3A_150 = arith.andi %eq3A_147, %ge3A_149 : i1
        %le3A_151 = arith.cmpi sle, %scan3A_103, %add3A_67 : i32
        %and3A_152 = arith.andi %and3A_150, %le3A_151 : i1
        %convert_element_type3A_153 = arith.extui %and3A_152 : i1 to i32
        %cond3A_154 = arith.constant 0 : i32
        %cond3A_155 = arith.cmpi ne, %convert_element_type3A_153, %cond3A_154 : i32
        scf.if %cond3A_155 {
          %dma_wait3A_156 = arith.constant 0 : i32
          %dma_wait3A_157 = arith.constant 0 : i32
          %dma_wait3A_158 = arith.constant 0 : i32
          %dma_wait3A_159 = arith.constant 0 : i32
          %dma_wait3A_160 = tpu.memref_slice %arg9[%dma_wait3A_157, %dma_wait3A_158, %dma_wait3A_159] : memref<2x128x128xf32, #tpu.memory_space<vmem>> -> memref<1x128x128xf32, #tpu.memory_space<vmem>>
          %dma_wait3A_161 = tpu.memref_squeeze %dma_wait3A_160 : memref<1x128x128xf32, #tpu.memory_space<vmem>> -> memref<128x128xf32, #tpu.memory_space<vmem>>
          %dma_wait3A_162 = arith.constant 0 : i32
          %dma_wait3A_163 = tpu.memref_slice %arg7[%dma_wait3A_156, %dma_wait3A_162] : memref<2x128xi32, #tpu.memory_space<vmem>> -> memref<1x128xi32, #tpu.memory_space<vmem>>
          %dma_wait3A_164 = tpu.memref_squeeze %dma_wait3A_163 : memref<1x128xi32, #tpu.memory_space<vmem>> -> memref<128xi32, #tpu.memory_space<vmem>>
          %dma_wait3A_165 = arith.constant 0 : i32
          %dma_wait3A_166 = arith.constant 0 : i32
          %dma_wait3A_167 = tpu.memref_slice %arg2[%dma_wait3A_165, %dma_wait3A_166] : memref<10000x128xf32, #tpu.memory_space<hbm>> -> memref<10000x128xf32, #tpu.memory_space<hbm>>
          tpu.wait_indirect_dma semaphore(%arg12 : memref<!tpu.dma_semaphore, #tpu.memory_space<semaphore_mem>>) src(%dma_wait3A_167 : memref<10000x128xf32, #tpu.memory_space<hbm>>) dst(%dma_wait3A_161 : memref<128x128xf32, #tpu.memory_space<vmem>>)
          %dma_start3A = arith.constant 0 : i32
          %dma_start3A_168 = arith.constant 0 : i32
          %dma_start3A_169 = arith.constant 0 : i32
          %dma_start3A_170 = arith.constant 0 : i32
          %dma_start3A_171 = tpu.memref_slice %arg9[%dma_start3A, %dma_start3A_169, %dma_start3A_170] : memref<2x128x128xf32, #tpu.memory_space<vmem>> -> memref<1x128x128xf32, #tpu.memory_space<vmem>>
          %dma_start3A_172 = tpu.memref_squeeze %dma_start3A_171 : memref<1x128x128xf32, #tpu.memory_space<vmem>> -> memref<128x128xf32, #tpu.memory_space<vmem>>
          %dma_start3A_173 = arith.constant 0 : i32
          %dma_start3A_174 = tpu.memref_slice %arg8[%dma_start3A_168, %dma_start3A_173] : memref<2x128xi32, #tpu.memory_space<vmem>> -> memref<1x128xi32, #tpu.memory_space<vmem>>
          %dma_start3A_175 = tpu.memref_squeeze %dma_start3A_174 : memref<1x128xi32, #tpu.memory_space<vmem>> -> memref<128xi32, #tpu.memory_space<vmem>>
          %dma_start3A_176 = arith.constant 0 : i32
          %dma_start3A_177 = arith.constant 0 : i32
          %dma_start3A_178 = tpu.memref_slice %arg11[%dma_start3A_176, %dma_start3A_177] : memref<10000x128xf32, #tpu.memory_space<vmem_shared>> -> memref<10000x128xf32, #tpu.memory_space<vmem_shared>>
          tpu.enqueue_indirect_dma source(%dma_start3A_172 : memref<128x128xf32, #tpu.memory_space<vmem>>) target(%dma_start3A_178 : memref<10000x128xf32, #tpu.memory_space<vmem_shared>>) offsets(%dma_start3A_175 : memref<128xi32, #tpu.memory_space<vmem>>) semaphore(%arg14 : memref<!tpu.dma_semaphore, #tpu.memory_space<semaphore_mem>>) {add = true}
        } else {
        }
      }
      %scan3A_79 = arith.constant 80 : i32
      %dma_wait3A = arith.constant 0 : i32
      %dma_wait3A_80 = arith.constant 0 : i32
      %dma_wait3A_81 = arith.constant 0 : i32
      %dma_wait3A_82 = arith.constant 0 : i32
      %dma_wait3A_83 = tpu.memref_slice %arg9[%dma_wait3A, %dma_wait3A_81, %dma_wait3A_82] : memref<2x128x128xf32, #tpu.memory_space<vmem>> -> memref<1x128x128xf32, #tpu.memory_space<vmem>>
      %dma_wait3A_84 = tpu.memref_squeeze %dma_wait3A_83 : memref<1x128x128xf32, #tpu.memory_space<vmem>> -> memref<128x128xf32, #tpu.memory_space<vmem>>
      %dma_wait3A_85 = arith.constant 0 : i32
      %dma_wait3A_86 = tpu.memref_slice %arg8[%dma_wait3A_80, %dma_wait3A_85] : memref<2x128xi32, #tpu.memory_space<vmem>> -> memref<1x128xi32, #tpu.memory_space<vmem>>
      %dma_wait3A_87 = tpu.memref_squeeze %dma_wait3A_86 : memref<1x128xi32, #tpu.memory_space<vmem>> -> memref<128xi32, #tpu.memory_space<vmem>>
      %dma_wait3A_88 = arith.constant 0 : i32
      %dma_wait3A_89 = arith.constant 0 : i32
      %dma_wait3A_90 = tpu.memref_slice %arg11[%dma_wait3A_88, %dma_wait3A_89] : memref<10000x128xf32, #tpu.memory_space<vmem_shared>> -> memref<10000x128xf32, #tpu.memory_space<vmem_shared>>
      tpu.wait_indirect_dma semaphore(%arg14 : memref<!tpu.dma_semaphore, #tpu.memory_space<semaphore_mem>>) src(%dma_wait3A_84 : memref<128x128xf32, #tpu.memory_space<vmem>>) dst(%dma_wait3A_90 : memref<10000x128xf32, #tpu.memory_space<vmem_shared>>)
      %dma_wait3A_91 = arith.constant 1 : i32
      %dma_wait3A_92 = arith.constant 1 : i32
      %dma_wait3A_93 = arith.constant 0 : i32
      %dma_wait3A_94 = arith.constant 0 : i32
      %dma_wait3A_95 = tpu.memref_slice %arg9[%dma_wait3A_91, %dma_wait3A_93, %dma_wait3A_94] : memref<2x128x128xf32, #tpu.memory_space<vmem>> -> memref<1x128x128xf32, #tpu.memory_space<vmem>>
      %dma_wait3A_96 = tpu.memref_squeeze %dma_wait3A_95 : memref<1x128x128xf32, #tpu.memory_space<vmem>> -> memref<128x128xf32, #tpu.memory_space<vmem>>
      %dma_wait3A_97 = arith.constant 0 : i32
      %dma_wait3A_98 = tpu.memref_slice %arg8[%dma_wait3A_92, %dma_wait3A_97] : memref<2x128xi32, #tpu.memory_space<vmem>> -> memref<1x128xi32, #tpu.memory_space<vmem>>
      %dma_wait3A_99 = tpu.memref_squeeze %dma_wait3A_98 : memref<1x128xi32, #tpu.memory_space<vmem>> -> memref<128xi32, #tpu.memory_space<vmem>>
      %dma_wait3A_100 = arith.constant 0 : i32
      %dma_wait3A_101 = arith.constant 0 : i32
      %dma_wait3A_102 = tpu.memref_slice %arg11[%dma_wait3A_100, %dma_wait3A_101] : memref<10000x128xf32, #tpu.memory_space<vmem_shared>> -> memref<10000x128xf32, #tpu.memory_space<vmem_shared>>
      tpu.wait_indirect_dma semaphore(%arg15 : memref<!tpu.dma_semaphore, #tpu.memory_space<semaphore_mem>>) src(%dma_wait3A_96 : memref<128x128xf32, #tpu.memory_space<vmem>>) dst(%dma_wait3A_102 : memref<10000x128xf32, #tpu.memory_space<vmem_shared>>)
    } else {
    }
    %eq3A_27 = arith.constant 1 : i32
    %eq3A_28 = arith.cmpi eq, %arg0, %eq3A_27 : i32
    %convert_element_type3A_29 = arith.extui %eq3A_28 : i1 to i32
    %cond3A_30 = arith.constant 0 : i32
    %cond3A_31 = arith.cmpi ne, %convert_element_type3A_29, %cond3A_30 : i32
    scf.if %cond3A_31 {
      %lt3A_63 = arith.constant 2 : i32
      %lt3A_64 = arith.cmpi slt, %arg1, %lt3A_63 : i32
      %jit3A = arith.constant 1 : i32
      %jit3A_65 = arith.constant 0 : i32
      %select_n3A = arith.select %lt3A_64, %jit3A, %jit3A_65 : i32
      %add3A_66 = arith.constant 78 : i32
      %add3A_67 = arith.addi %add3A_66, %select_n3A : i32
      %mul3A_68 = arith.constant 78 : i32
      %mul3A_69 = arith.muli %arg1, %mul3A_68 : i32
      %add3A_70 = arith.constant 1250 : i32
      %add3A_71 = arith.addi %add3A_70, %mul3A_69 : i32
      %min3A_72 = arith.constant 2 : i32
      %min3A_73 = arith.minsi %arg1, %min3A_72 : i32
      %add3A_74 = arith.addi %add3A_71, %min3A_73 : i32
      %scan3A = arith.constant 0 : i32
      %scan3A_75 = arith.constant 0 : i32
      %scan3A_76 = arith.constant 80 : i32
      %scan3A_77 = arith.addi %scan3A_75, %scan3A_76 : i32
      %scan3A_78 = arith.constant 1 : i32
      scf.for %scan3A_103 = %scan3A_75 to %scan3A_77 step %scan3A_78  : i32 {
        %rem3A = arith.constant 2 : i32
        %rem3A_104 = arith.remsi %scan3A_103, %rem3A : i32
        %eq3A_105 = arith.constant 0 : i32
        %eq3A_106 = arith.cmpi eq, %rem3A_104, %eq3A_105 : i32
        %ge3A = arith.constant 2 : i32
        %ge3A_107 = arith.cmpi sge, %scan3A_103, %ge3A : i32
        %and3A = arith.andi %eq3A_106, %ge3A_107 : i1
        %lt3A_108 = arith.cmpi slt, %scan3A_103, %add3A_67 : i32
        %and3A_109 = arith.andi %and3A, %lt3A_108 : i1
        %convert_element_type3A_110 = arith.extui %and3A_109 : i1 to i32
        %cond3A_111 = arith.constant 0 : i32
        %cond3A_112 = arith.cmpi ne, %convert_element_type3A_110, %cond3A_111 : i32
        scf.if %cond3A_112 {
          %dma_wait3A_156 = arith.constant 0 : i32
          %dma_wait3A_157 = arith.constant 0 : i32
          %dma_wait3A_158 = arith.constant 0 : i32
          %dma_wait3A_159 = arith.constant 0 : i32
          %dma_wait3A_160 = tpu.memref_slice %arg9[%dma_wait3A_156, %dma_wait3A_158, %dma_wait3A_159] : memref<2x128x128xf32, #tpu.memory_space<vmem>> -> memref<1x128x128xf32, #tpu.memory_space<vmem>>
          %dma_wait3A_161 = tpu.memref_squeeze %dma_wait3A_160 : memref<1x128x128xf32, #tpu.memory_space<vmem>> -> memref<128x128xf32, #tpu.memory_space<vmem>>
          %dma_wait3A_162 = arith.constant 0 : i32
          %dma_wait3A_163 = tpu.memref_slice %arg8[%dma_wait3A_157, %dma_wait3A_162] : memref<2x128xi32, #tpu.memory_space<vmem>> -> memref<1x128xi32, #tpu.memory_space<vmem>>
          %dma_wait3A_164 = tpu.memref_squeeze %dma_wait3A_163 : memref<1x128xi32, #tpu.memory_space<vmem>> -> memref<128xi32, #tpu.memory_space<vmem>>
          %dma_wait3A_165 = arith.constant 0 : i32
          %dma_wait3A_166 = arith.constant 0 : i32
          %dma_wait3A_167 = tpu.memref_slice %arg11[%dma_wait3A_165, %dma_wait3A_166] : memref<10000x128xf32, #tpu.memory_space<vmem_shared>> -> memref<10000x128xf32, #tpu.memory_space<vmem_shared>>
          tpu.wait_indirect_dma semaphore(%arg14 : memref<!tpu.dma_semaphore, #tpu.memory_space<semaphore_mem>>) src(%dma_wait3A_161 : memref<128x128xf32, #tpu.memory_space<vmem>>) dst(%dma_wait3A_167 : memref<10000x128xf32, #tpu.memory_space<vmem_shared>>)
        } else {
        }
        %eq3A_113 = arith.constant 0 : i32
        %eq3A_114 = arith.cmpi eq, %rem3A_104, %eq3A_113 : i32
        %lt3A_115 = arith.cmpi slt, %scan3A_103, %add3A_67 : i32
        %and3A_116 = arith.andi %eq3A_114, %lt3A_115 : i1
        %convert_element_type3A_117 = arith.extui %and3A_116 : i1 to i32
        %cond3A_118 = arith.constant 0 : i32
        %cond3A_119 = arith.cmpi ne, %convert_element_type3A_117, %cond3A_118 : i32
        scf.if %cond3A_119 {
          %add3A_156 = arith.addi %add3A_74, %scan3A_103 : i32
          %mul3A_157 = arith.constant 128 : i32
          %mul3A_158 = arith.muli %add3A_156, %mul3A_157 : i32
          %multiple_of3A_159 = tpu.assume_multiple %mul3A_158, 128 : i32
          %run_scoped3A = arith.constant 0 : i32
          "tpu.region"() ({
            %run_scoped3A_172 = tpu.sem_alloc : memref<!tpu.dma_semaphore, #tpu.memory_space<semaphore_mem>>
            %dma_start3A_173 = arith.constant 0 : i32
            %dma_start3A_174 = tpu.memref_slice %arg7[%run_scoped3A, %dma_start3A_173] : memref<2x128xi32, #tpu.memory_space<vmem>> -> memref<1x128xi32, #tpu.memory_space<vmem>>
            %dma_start3A_175 = tpu.memref_squeeze %dma_start3A_174 : memref<1x128xi32, #tpu.memory_space<vmem>> -> memref<128xi32, #tpu.memory_space<vmem>>
            %dma_start3A_176 = tpu.memref_slice %arg3[%multiple_of3A_159] : memref<320000xi32, #tpu.memory_space<hbm>> -> memref<128xi32, #tpu.memory_space<hbm>>
            %dma_start3A_177 = arith.constant 0 : i32
            %dma_start3A_178 = tpu.memref_slice %arg7[%run_scoped3A, %dma_start3A_177] : memref<2x128xi32, #tpu.memory_space<vmem>> -> memref<1x128xi32, #tpu.memory_space<vmem>>
            %dma_start3A_179 = tpu.memref_squeeze %dma_start3A_178 : memref<1x128xi32, #tpu.memory_space<vmem>> -> memref<128xi32, #tpu.memory_space<vmem>>
            %dma_start3A_180 = tpu.memref_slice %arg3[%multiple_of3A_159] : memref<320000xi32, #tpu.memory_space<hbm>> -> memref<128xi32, #tpu.memory_space<hbm>>
            tpu.enqueue_dma source(%dma_start3A_180 : memref<128xi32, #tpu.memory_space<hbm>>) target(%dma_start3A_179 : memref<128xi32, #tpu.memory_space<vmem>>) target_semaphore(%run_scoped3A_172 : memref<!tpu.dma_semaphore, #tpu.memory_space<semaphore_mem>>)
            %dma_wait3A_181 = arith.constant 0 : i32
            %dma_wait3A_182 = tpu.memref_slice %arg7[%run_scoped3A, %dma_wait3A_181] : memref<2x128xi32, #tpu.memory_space<vmem>> -> memref<1x128xi32, #tpu.memory_space<vmem>>
            %dma_wait3A_183 = tpu.memref_squeeze %dma_wait3A_182 : memref<1x128xi32, #tpu.memory_space<vmem>> -> memref<128xi32, #tpu.memory_space<vmem>>
            %dma_wait3A_184 = tpu.memref_slice %arg3[%multiple_of3A_159] : memref<320000xi32, #tpu.memory_space<hbm>> -> memref<128xi32, #tpu.memory_space<hbm>>
            %dma_wait3A_185 = arith.constant 0 : i32
            %dma_wait3A_186 = tpu.memref_slice %arg7[%run_scoped3A, %dma_wait3A_185] : memref<2x128xi32, #tpu.memory_space<vmem>> -> memref<1x128xi32, #tpu.memory_space<vmem>>
            %dma_wait3A_187 = tpu.memref_squeeze %dma_wait3A_186 : memref<1x128xi32, #tpu.memory_space<vmem>> -> memref<128xi32, #tpu.memory_space<vmem>>
            %dma_wait3A_188 = tpu.memref_slice %arg3[%multiple_of3A_159] : memref<320000xi32, #tpu.memory_space<hbm>> -> memref<128xi32, #tpu.memory_space<hbm>>
            tpu.wait_dma2 semaphore(%run_scoped3A_172 : memref<!tpu.dma_semaphore, #tpu.memory_space<semaphore_mem>>) src(%dma_wait3A_188 : memref<128xi32, #tpu.memory_space<hbm>>) dst(%dma_wait3A_187 : memref<128xi32, #tpu.memory_space<vmem>>)
            tpu.yield
          }) : () -> ()
          %run_scoped3A_160 = arith.constant 0 : i32
          "tpu.region"() ({
            %run_scoped3A_172 = tpu.sem_alloc : memref<!tpu.dma_semaphore, #tpu.memory_space<semaphore_mem>>
            %dma_start3A_173 = arith.constant 0 : i32
            %dma_start3A_174 = tpu.memref_slice %arg8[%run_scoped3A_160, %dma_start3A_173] : memref<2x128xi32, #tpu.memory_space<vmem>> -> memref<1x128xi32, #tpu.memory_space<vmem>>
            %dma_start3A_175 = tpu.memref_squeeze %dma_start3A_174 : memref<1x128xi32, #tpu.memory_space<vmem>> -> memref<128xi32, #tpu.memory_space<vmem>>
            %dma_start3A_176 = tpu.memref_slice %arg4[%multiple_of3A_159] : memref<320000xi32, #tpu.memory_space<hbm>> -> memref<128xi32, #tpu.memory_space<hbm>>
            %dma_start3A_177 = arith.constant 0 : i32
            %dma_start3A_178 = tpu.memref_slice %arg8[%run_scoped3A_160, %dma_start3A_177] : memref<2x128xi32, #tpu.memory_space<vmem>> -> memref<1x128xi32, #tpu.memory_space<vmem>>
            %dma_start3A_179 = tpu.memref_squeeze %dma_start3A_178 : memref<1x128xi32, #tpu.memory_space<vmem>> -> memref<128xi32, #tpu.memory_space<vmem>>
            %dma_start3A_180 = tpu.memref_slice %arg4[%multiple_of3A_159] : memref<320000xi32, #tpu.memory_space<hbm>> -> memref<128xi32, #tpu.memory_space<hbm>>
            tpu.enqueue_dma source(%dma_start3A_180 : memref<128xi32, #tpu.memory_space<hbm>>) target(%dma_start3A_179 : memref<128xi32, #tpu.memory_space<vmem>>) target_semaphore(%run_scoped3A_172 : memref<!tpu.dma_semaphore, #tpu.memory_space<semaphore_mem>>)
            %dma_wait3A_181 = arith.constant 0 : i32
            %dma_wait3A_182 = tpu.memref_slice %arg8[%run_scoped3A_160, %dma_wait3A_181] : memref<2x128xi32, #tpu.memory_space<vmem>> -> memref<1x128xi32, #tpu.memory_space<vmem>>
            %dma_wait3A_183 = tpu.memref_squeeze %dma_wait3A_182 : memref<1x128xi32, #tpu.memory_space<vmem>> -> memref<128xi32, #tpu.memory_space<vmem>>
            %dma_wait3A_184 = tpu.memref_slice %arg4[%multiple_of3A_159] : memref<320000xi32, #tpu.memory_space<hbm>> -> memref<128xi32, #tpu.memory_space<hbm>>
            %dma_wait3A_185 = arith.constant 0 : i32
            %dma_wait3A_186 = tpu.memref_slice %arg8[%run_scoped3A_160, %dma_wait3A_185] : memref<2x128xi32, #tpu.memory_space<vmem>> -> memref<1x128xi32, #tpu.memory_space<vmem>>
            %dma_wait3A_187 = tpu.memref_squeeze %dma_wait3A_186 : memref<1x128xi32, #tpu.memory_space<vmem>> -> memref<128xi32, #tpu.memory_space<vmem>>
            %dma_wait3A_188 = tpu.memref_slice %arg4[%multiple_of3A_159] : memref<320000xi32, #tpu.memory_space<hbm>> -> memref<128xi32, #tpu.memory_space<hbm>>
            tpu.wait_dma2 semaphore(%run_scoped3A_172 : memref<!tpu.dma_semaphore, #tpu.memory_space<semaphore_mem>>) src(%dma_wait3A_188 : memref<128xi32, #tpu.memory_space<hbm>>) dst(%dma_wait3A_187 : memref<128xi32, #tpu.memory_space<vmem>>)
            tpu.yield
          }) : () -> ()
          %dma_start3A = arith.constant 0 : i32
          %dma_start3A_161 = arith.constant 0 : i32
          %dma_start3A_162 = arith.constant 0 : i32
          %dma_start3A_163 = arith.constant 0 : i32
          %dma_start3A_164 = tpu.memref_slice %arg9[%dma_start3A_161, %dma_start3A_162, %dma_start3A_163] : memref<2x128x128xf32, #tpu.memory_space<vmem>> -> memref<1x128x128xf32, #tpu.memory_space<vmem>>
          %dma_start3A_165 = tpu.memref_squeeze %dma_start3A_164 : memref<1x128x128xf32, #tpu.memory_space<vmem>> -> memref<128x128xf32, #tpu.memory_space<vmem>>
          %dma_start3A_166 = arith.constant 0 : i32
          %dma_start3A_167 = tpu.memref_slice %arg7[%dma_start3A, %dma_start3A_166] : memref<2x128xi32, #tpu.memory_space<vmem>> -> memref<1x128xi32, #tpu.memory_space<vmem>>
          %dma_start3A_168 = tpu.memref_squeeze %dma_start3A_167 : memref<1x128xi32, #tpu.memory_space<vmem>> -> memref<128xi32, #tpu.memory_space<vmem>>
          %dma_start3A_169 = arith.constant 0 : i32
          %dma_start3A_170 = arith.constant 0 : i32
          %dma_start3A_171 = tpu.memref_slice %arg2[%dma_start3A_169, %dma_start3A_170] : memref<10000x128xf32, #tpu.memory_space<hbm>> -> memref<10000x128xf32, #tpu.memory_space<hbm>>
          tpu.enqueue_indirect_dma source(%dma_start3A_171 : memref<10000x128xf32, #tpu.memory_space<hbm>>) target(%dma_start3A_165 : memref<128x128xf32, #tpu.memory_space<vmem>>) offsets(%dma_start3A_168 : memref<128xi32, #tpu.memory_space<vmem>>) semaphore(%arg12 : memref<!tpu.dma_semaphore, #tpu.memory_space<semaphore_mem>>)
        } else {
        }
        %eq3A_120 = arith.constant 0 : i32
        %eq3A_121 = arith.cmpi eq, %rem3A_104, %eq3A_120 : i32
        %ge3A_122 = arith.constant 1 : i32
        %ge3A_123 = arith.cmpi sge, %scan3A_103, %ge3A_122 : i32
        %and3A_124 = arith.andi %eq3A_121, %ge3A_123 : i1
        %le3A = arith.cmpi sle, %scan3A_103, %add3A_67 : i32
        %and3A_125 = arith.andi %and3A_124, %le3A : i1
        %convert_element_type3A_126 = arith.extui %and3A_125 : i1 to i32
        %cond3A_127 = arith.constant 0 : i32
        %cond3A_128 = arith.cmpi ne, %convert_element_type3A_126, %cond3A_127 : i32
        scf.if %cond3A_128 {
          %dma_wait3A_156 = arith.constant 1 : i32
          %dma_wait3A_157 = arith.constant 1 : i32
          %dma_wait3A_158 = arith.constant 0 : i32
          %dma_wait3A_159 = arith.constant 0 : i32
          %dma_wait3A_160 = tpu.memref_slice %arg9[%dma_wait3A_157, %dma_wait3A_158, %dma_wait3A_159] : memref<2x128x128xf32, #tpu.memory_space<vmem>> -> memref<1x128x128xf32, #tpu.memory_space<vmem>>
          %dma_wait3A_161 = tpu.memref_squeeze %dma_wait3A_160 : memref<1x128x128xf32, #tpu.memory_space<vmem>> -> memref<128x128xf32, #tpu.memory_space<vmem>>
          %dma_wait3A_162 = arith.constant 0 : i32
          %dma_wait3A_163 = tpu.memref_slice %arg7[%dma_wait3A_156, %dma_wait3A_162] : memref<2x128xi32, #tpu.memory_space<vmem>> -> memref<1x128xi32, #tpu.memory_space<vmem>>
          %dma_wait3A_164 = tpu.memref_squeeze %dma_wait3A_163 : memref<1x128xi32, #tpu.memory_space<vmem>> -> memref<128xi32, #tpu.memory_space<vmem>>
          %dma_wait3A_165 = arith.constant 0 : i32
          %dma_wait3A_166 = arith.constant 0 : i32
          %dma_wait3A_167 = tpu.memref_slice %arg2[%dma_wait3A_165, %dma_wait3A_166] : memref<10000x128xf32, #tpu.memory_space<hbm>> -> memref<10000x128xf32, #tpu.memory_space<hbm>>
          tpu.wait_indirect_dma semaphore(%arg13 : memref<!tpu.dma_semaphore, #tpu.memory_space<semaphore_mem>>) src(%dma_wait3A_167 : memref<10000x128xf32, #tpu.memory_space<hbm>>) dst(%dma_wait3A_161 : memref<128x128xf32, #tpu.memory_space<vmem>>)
          %dma_start3A = arith.constant 1 : i32
          %dma_start3A_168 = arith.constant 1 : i32
          %dma_start3A_169 = arith.constant 0 : i32
          %dma_start3A_170 = arith.constant 0 : i32
          %dma_start3A_171 = tpu.memref_slice %arg9[%dma_start3A, %dma_start3A_169, %dma_start3A_170] : memref<2x128x128xf32, #tpu.memory_space<vmem>> -> memref<1x128x128xf32, #tpu.memory_space<vmem>>
          %dma_start3A_172 = tpu.memref_squeeze %dma_start3A_171 : memref<1x128x128xf32, #tpu.memory_space<vmem>> -> memref<128x128xf32, #tpu.memory_space<vmem>>
          %dma_start3A_173 = arith.constant 0 : i32
          %dma_start3A_174 = tpu.memref_slice %arg8[%dma_start3A_168, %dma_start3A_173] : memref<2x128xi32, #tpu.memory_space<vmem>> -> memref<1x128xi32, #tpu.memory_space<vmem>>
          %dma_start3A_175 = tpu.memref_squeeze %dma_start3A_174 : memref<1x128xi32, #tpu.memory_space<vmem>> -> memref<128xi32, #tpu.memory_space<vmem>>
          %dma_start3A_176 = arith.constant 0 : i32
          %dma_start3A_177 = arith.constant 0 : i32
          %dma_start3A_178 = tpu.memref_slice %arg11[%dma_start3A_176, %dma_start3A_177] : memref<10000x128xf32, #tpu.memory_space<vmem_shared>> -> memref<10000x128xf32, #tpu.memory_space<vmem_shared>>
          tpu.enqueue_indirect_dma source(%dma_start3A_172 : memref<128x128xf32, #tpu.memory_space<vmem>>) target(%dma_start3A_178 : memref<10000x128xf32, #tpu.memory_space<vmem_shared>>) offsets(%dma_start3A_175 : memref<128xi32, #tpu.memory_space<vmem>>) semaphore(%arg15 : memref<!tpu.dma_semaphore, #tpu.memory_space<semaphore_mem>>) {add = true}
        } else {
        }
        %eq3A_129 = arith.constant 1 : i32
        %eq3A_130 = arith.cmpi eq, %rem3A_104, %eq3A_129 : i32
        %ge3A_131 = arith.constant 2 : i32
        %ge3A_132 = arith.cmpi sge, %scan3A_103, %ge3A_131 : i32
        %and3A_133 = arith.andi %eq3A_130, %ge3A_132 : i1
        %lt3A_134 = arith.cmpi slt, %scan3A_103, %add3A_67 : i32
        %and3A_135 = arith.andi %and3A_133, %lt3A_134 : i1
        %convert_element_type3A_136 = arith.extui %and3A_135 : i1 to i32
        %cond3A_137 = arith.constant 0 : i32
        %cond3A_138 = arith.cmpi ne, %convert_element_type3A_136, %cond3A_137 : i32
        scf.if %cond3A_138 {
          %dma_wait3A_156 = arith.constant 1 : i32
          %dma_wait3A_157 = arith.constant 1 : i32
          %dma_wait3A_158 = arith.constant 0 : i32
          %dma_wait3A_159 = arith.constant 0 : i32
          %dma_wait3A_160 = tpu.memref_slice %arg9[%dma_wait3A_156, %dma_wait3A_158, %dma_wait3A_159] : memref<2x128x128xf32, #tpu.memory_space<vmem>> -> memref<1x128x128xf32, #tpu.memory_space<vmem>>
          %dma_wait3A_161 = tpu.memref_squeeze %dma_wait3A_160 : memref<1x128x128xf32, #tpu.memory_space<vmem>> -> memref<128x128xf32, #tpu.memory_space<vmem>>
          %dma_wait3A_162 = arith.constant 0 : i32
          %dma_wait3A_163 = tpu.memref_slice %arg8[%dma_wait3A_157, %dma_wait3A_162] : memref<2x128xi32, #tpu.memory_space<vmem>> -> memref<1x128xi32, #tpu.memory_space<vmem>>
          %dma_wait3A_164 = tpu.memref_squeeze %dma_wait3A_163 : memref<1x128xi32, #tpu.memory_space<vmem>> -> memref<128xi32, #tpu.memory_space<vmem>>
          %dma_wait3A_165 = arith.constant 0 : i32
          %dma_wait3A_166 = arith.constant 0 : i32
          %dma_wait3A_167 = tpu.memref_slice %arg11[%dma_wait3A_165, %dma_wait3A_166] : memref<10000x128xf32, #tpu.memory_space<vmem_shared>> -> memref<10000x128xf32, #tpu.memory_space<vmem_shared>>
          tpu.wait_indirect_dma semaphore(%arg15 : memref<!tpu.dma_semaphore, #tpu.memory_space<semaphore_mem>>) src(%dma_wait3A_161 : memref<128x128xf32, #tpu.memory_space<vmem>>) dst(%dma_wait3A_167 : memref<10000x128xf32, #tpu.memory_space<vmem_shared>>)
        } else {
        }
        %eq3A_139 = arith.constant 1 : i32
        %eq3A_140 = arith.cmpi eq, %rem3A_104, %eq3A_139 : i32
        %lt3A_141 = arith.cmpi slt, %scan3A_103, %add3A_67 : i32
        %and3A_142 = arith.andi %eq3A_140, %lt3A_141 : i1
        %convert_element_type3A_143 = arith.extui %and3A_142 : i1 to i32
        %cond3A_144 = arith.constant 0 : i32
        %cond3A_145 = arith.cmpi ne, %convert_element_type3A_143, %cond3A_144 : i32
        scf.if %cond3A_145 {
          %add3A_156 = arith.addi %add3A_74, %scan3A_103 : i32
          %mul3A_157 = arith.constant 128 : i32
          %mul3A_158 = arith.muli %add3A_156, %mul3A_157 : i32
          %multiple_of3A_159 = tpu.assume_multiple %mul3A_158, 128 : i32
          %run_scoped3A = arith.constant 1 : i32
          "tpu.region"() ({
            %run_scoped3A_172 = tpu.sem_alloc : memref<!tpu.dma_semaphore, #tpu.memory_space<semaphore_mem>>
            %dma_start3A_173 = arith.constant 0 : i32
            %dma_start3A_174 = tpu.memref_slice %arg7[%run_scoped3A, %dma_start3A_173] : memref<2x128xi32, #tpu.memory_space<vmem>> -> memref<1x128xi32, #tpu.memory_space<vmem>>
            %dma_start3A_175 = tpu.memref_squeeze %dma_start3A_174 : memref<1x128xi32, #tpu.memory_space<vmem>> -> memref<128xi32, #tpu.memory_space<vmem>>
            %dma_start3A_176 = tpu.memref_slice %arg3[%multiple_of3A_159] : memref<320000xi32, #tpu.memory_space<hbm>> -> memref<128xi32, #tpu.memory_space<hbm>>
            %dma_start3A_177 = arith.constant 0 : i32
            %dma_start3A_178 = tpu.memref_slice %arg7[%run_scoped3A, %dma_start3A_177] : memref<2x128xi32, #tpu.memory_space<vmem>> -> memref<1x128xi32, #tpu.memory_space<vmem>>
            %dma_start3A_179 = tpu.memref_squeeze %dma_start3A_178 : memref<1x128xi32, #tpu.memory_space<vmem>> -> memref<128xi32, #tpu.memory_space<vmem>>
            %dma_start3A_180 = tpu.memref_slice %arg3[%multiple_of3A_159] : memref<320000xi32, #tpu.memory_space<hbm>> -> memref<128xi32, #tpu.memory_space<hbm>>
            tpu.enqueue_dma source(%dma_start3A_180 : memref<128xi32, #tpu.memory_space<hbm>>) target(%dma_start3A_179 : memref<128xi32, #tpu.memory_space<vmem>>) target_semaphore(%run_scoped3A_172 : memref<!tpu.dma_semaphore, #tpu.memory_space<semaphore_mem>>)
            %dma_wait3A_181 = arith.constant 0 : i32
            %dma_wait3A_182 = tpu.memref_slice %arg7[%run_scoped3A, %dma_wait3A_181] : memref<2x128xi32, #tpu.memory_space<vmem>> -> memref<1x128xi32, #tpu.memory_space<vmem>>
            %dma_wait3A_183 = tpu.memref_squeeze %dma_wait3A_182 : memref<1x128xi32, #tpu.memory_space<vmem>> -> memref<128xi32, #tpu.memory_space<vmem>>
            %dma_wait3A_184 = tpu.memref_slice %arg3[%multiple_of3A_159] : memref<320000xi32, #tpu.memory_space<hbm>> -> memref<128xi32, #tpu.memory_space<hbm>>
            %dma_wait3A_185 = arith.constant 0 : i32
            %dma_wait3A_186 = tpu.memref_slice %arg7[%run_scoped3A, %dma_wait3A_185] : memref<2x128xi32, #tpu.memory_space<vmem>> -> memref<1x128xi32, #tpu.memory_space<vmem>>
            %dma_wait3A_187 = tpu.memref_squeeze %dma_wait3A_186 : memref<1x128xi32, #tpu.memory_space<vmem>> -> memref<128xi32, #tpu.memory_space<vmem>>
            %dma_wait3A_188 = tpu.memref_slice %arg3[%multiple_of3A_159] : memref<320000xi32, #tpu.memory_space<hbm>> -> memref<128xi32, #tpu.memory_space<hbm>>
            tpu.wait_dma2 semaphore(%run_scoped3A_172 : memref<!tpu.dma_semaphore, #tpu.memory_space<semaphore_mem>>) src(%dma_wait3A_188 : memref<128xi32, #tpu.memory_space<hbm>>) dst(%dma_wait3A_187 : memref<128xi32, #tpu.memory_space<vmem>>)
            tpu.yield
          }) : () -> ()
          %run_scoped3A_160 = arith.constant 1 : i32
          "tpu.region"() ({
            %run_scoped3A_172 = tpu.sem_alloc : memref<!tpu.dma_semaphore, #tpu.memory_space<semaphore_mem>>
            %dma_start3A_173 = arith.constant 0 : i32
            %dma_start3A_174 = tpu.memref_slice %arg8[%run_scoped3A_160, %dma_start3A_173] : memref<2x128xi32, #tpu.memory_space<vmem>> -> memref<1x128xi32, #tpu.memory_space<vmem>>
            %dma_start3A_175 = tpu.memref_squeeze %dma_start3A_174 : memref<1x128xi32, #tpu.memory_space<vmem>> -> memref<128xi32, #tpu.memory_space<vmem>>
            %dma_start3A_176 = tpu.memref_slice %arg4[%multiple_of3A_159] : memref<320000xi32, #tpu.memory_space<hbm>> -> memref<128xi32, #tpu.memory_space<hbm>>
            %dma_start3A_177 = arith.constant 0 : i32
            %dma_start3A_178 = tpu.memref_slice %arg8[%run_scoped3A_160, %dma_start3A_177] : memref<2x128xi32, #tpu.memory_space<vmem>> -> memref<1x128xi32, #tpu.memory_space<vmem>>
            %dma_start3A_179 = tpu.memref_squeeze %dma_start3A_178 : memref<1x128xi32, #tpu.memory_space<vmem>> -> memref<128xi32, #tpu.memory_space<vmem>>
            %dma_start3A_180 = tpu.memref_slice %arg4[%multiple_of3A_159] : memref<320000xi32, #tpu.memory_space<hbm>> -> memref<128xi32, #tpu.memory_space<hbm>>
            tpu.enqueue_dma source(%dma_start3A_180 : memref<128xi32, #tpu.memory_space<hbm>>) target(%dma_start3A_179 : memref<128xi32, #tpu.memory_space<vmem>>) target_semaphore(%run_scoped3A_172 : memref<!tpu.dma_semaphore, #tpu.memory_space<semaphore_mem>>)
            %dma_wait3A_181 = arith.constant 0 : i32
            %dma_wait3A_182 = tpu.memref_slice %arg8[%run_scoped3A_160, %dma_wait3A_181] : memref<2x128xi32, #tpu.memory_space<vmem>> -> memref<1x128xi32, #tpu.memory_space<vmem>>
            %dma_wait3A_183 = tpu.memref_squeeze %dma_wait3A_182 : memref<1x128xi32, #tpu.memory_space<vmem>> -> memref<128xi32, #tpu.memory_space<vmem>>
            %dma_wait3A_184 = tpu.memref_slice %arg4[%multiple_of3A_159] : memref<320000xi32, #tpu.memory_space<hbm>> -> memref<128xi32, #tpu.memory_space<hbm>>
            %dma_wait3A_185 = arith.constant 0 : i32
            %dma_wait3A_186 = tpu.memref_slice %arg8[%run_scoped3A_160, %dma_wait3A_185] : memref<2x128xi32, #tpu.memory_space<vmem>> -> memref<1x128xi32, #tpu.memory_space<vmem>>
            %dma_wait3A_187 = tpu.memref_squeeze %dma_wait3A_186 : memref<1x128xi32, #tpu.memory_space<vmem>> -> memref<128xi32, #tpu.memory_space<vmem>>
            %dma_wait3A_188 = tpu.memref_slice %arg4[%multiple_of3A_159] : memref<320000xi32, #tpu.memory_space<hbm>> -> memref<128xi32, #tpu.memory_space<hbm>>
            tpu.wait_dma2 semaphore(%run_scoped3A_172 : memref<!tpu.dma_semaphore, #tpu.memory_space<semaphore_mem>>) src(%dma_wait3A_188 : memref<128xi32, #tpu.memory_space<hbm>>) dst(%dma_wait3A_187 : memref<128xi32, #tpu.memory_space<vmem>>)
            tpu.yield
          }) : () -> ()
          %dma_start3A = arith.constant 1 : i32
          %dma_start3A_161 = arith.constant 1 : i32
          %dma_start3A_162 = arith.constant 0 : i32
          %dma_start3A_163 = arith.constant 0 : i32
          %dma_start3A_164 = tpu.memref_slice %arg9[%dma_start3A_161, %dma_start3A_162, %dma_start3A_163] : memref<2x128x128xf32, #tpu.memory_space<vmem>> -> memref<1x128x128xf32, #tpu.memory_space<vmem>>
          %dma_start3A_165 = tpu.memref_squeeze %dma_start3A_164 : memref<1x128x128xf32, #tpu.memory_space<vmem>> -> memref<128x128xf32, #tpu.memory_space<vmem>>
          %dma_start3A_166 = arith.constant 0 : i32
          %dma_start3A_167 = tpu.memref_slice %arg7[%dma_start3A, %dma_start3A_166] : memref<2x128xi32, #tpu.memory_space<vmem>> -> memref<1x128xi32, #tpu.memory_space<vmem>>
          %dma_start3A_168 = tpu.memref_squeeze %dma_start3A_167 : memref<1x128xi32, #tpu.memory_space<vmem>> -> memref<128xi32, #tpu.memory_space<vmem>>
          %dma_start3A_169 = arith.constant 0 : i32
          %dma_start3A_170 = arith.constant 0 : i32
          %dma_start3A_171 = tpu.memref_slice %arg2[%dma_start3A_169, %dma_start3A_170] : memref<10000x128xf32, #tpu.memory_space<hbm>> -> memref<10000x128xf32, #tpu.memory_space<hbm>>
          tpu.enqueue_indirect_dma source(%dma_start3A_171 : memref<10000x128xf32, #tpu.memory_space<hbm>>) target(%dma_start3A_165 : memref<128x128xf32, #tpu.memory_space<vmem>>) offsets(%dma_start3A_168 : memref<128xi32, #tpu.memory_space<vmem>>) semaphore(%arg13 : memref<!tpu.dma_semaphore, #tpu.memory_space<semaphore_mem>>)
        } else {
        }
        %eq3A_146 = arith.constant 1 : i32
        %eq3A_147 = arith.cmpi eq, %rem3A_104, %eq3A_146 : i32
        %ge3A_148 = arith.constant 1 : i32
        %ge3A_149 = arith.cmpi sge, %scan3A_103, %ge3A_148 : i32
        %and3A_150 = arith.andi %eq3A_147, %ge3A_149 : i1
        %le3A_151 = arith.cmpi sle, %scan3A_103, %add3A_67 : i32
        %and3A_152 = arith.andi %and3A_150, %le3A_151 : i1
        %convert_element_type3A_153 = arith.extui %and3A_152 : i1 to i32
        %cond3A_154 = arith.constant 0 : i32
        %cond3A_155 = arith.cmpi ne, %convert_element_type3A_153, %cond3A_154 : i32
        scf.if %cond3A_155 {
          %dma_wait3A_156 = arith.constant 0 : i32
          %dma_wait3A_157 = arith.constant 0 : i32
          %dma_wait3A_158 = arith.constant 0 : i32
          %dma_wait3A_159 = arith.constant 0 : i32
          %dma_wait3A_160 = tpu.memref_slice %arg9[%dma_wait3A_157, %dma_wait3A_158, %dma_wait3A_159] : memref<2x128x128xf32, #tpu.memory_space<vmem>> -> memref<1x128x128xf32, #tpu.memory_space<vmem>>
          %dma_wait3A_161 = tpu.memref_squeeze %dma_wait3A_160 : memref<1x128x128xf32, #tpu.memory_space<vmem>> -> memref<128x128xf32, #tpu.memory_space<vmem>>
          %dma_wait3A_162 = arith.constant 0 : i32
          %dma_wait3A_163 = tpu.memref_slice %arg7[%dma_wait3A_156, %dma_wait3A_162] : memref<2x128xi32, #tpu.memory_space<vmem>> -> memref<1x128xi32, #tpu.memory_space<vmem>>
          %dma_wait3A_164 = tpu.memref_squeeze %dma_wait3A_163 : memref<1x128xi32, #tpu.memory_space<vmem>> -> memref<128xi32, #tpu.memory_space<vmem>>
          %dma_wait3A_165 = arith.constant 0 : i32
          %dma_wait3A_166 = arith.constant 0 : i32
          %dma_wait3A_167 = tpu.memref_slice %arg2[%dma_wait3A_165, %dma_wait3A_166] : memref<10000x128xf32, #tpu.memory_space<hbm>> -> memref<10000x128xf32, #tpu.memory_space<hbm>>
          tpu.wait_indirect_dma semaphore(%arg12 : memref<!tpu.dma_semaphore, #tpu.memory_space<semaphore_mem>>) src(%dma_wait3A_167 : memref<10000x128xf32, #tpu.memory_space<hbm>>) dst(%dma_wait3A_161 : memref<128x128xf32, #tpu.memory_space<vmem>>)
          %dma_start3A = arith.constant 0 : i32
          %dma_start3A_168 = arith.constant 0 : i32
          %dma_start3A_169 = arith.constant 0 : i32
          %dma_start3A_170 = arith.constant 0 : i32
          %dma_start3A_171 = tpu.memref_slice %arg9[%dma_start3A, %dma_start3A_169, %dma_start3A_170] : memref<2x128x128xf32, #tpu.memory_space<vmem>> -> memref<1x128x128xf32, #tpu.memory_space<vmem>>
          %dma_start3A_172 = tpu.memref_squeeze %dma_start3A_171 : memref<1x128x128xf32, #tpu.memory_space<vmem>> -> memref<128x128xf32, #tpu.memory_space<vmem>>
          %dma_start3A_173 = arith.constant 0 : i32
          %dma_start3A_174 = tpu.memref_slice %arg8[%dma_start3A_168, %dma_start3A_173] : memref<2x128xi32, #tpu.memory_space<vmem>> -> memref<1x128xi32, #tpu.memory_space<vmem>>
          %dma_start3A_175 = tpu.memref_squeeze %dma_start3A_174 : memref<1x128xi32, #tpu.memory_space<vmem>> -> memref<128xi32, #tpu.memory_space<vmem>>
          %dma_start3A_176 = arith.constant 0 : i32
          %dma_start3A_177 = arith.constant 0 : i32
          %dma_start3A_178 = tpu.memref_slice %arg11[%dma_start3A_176, %dma_start3A_177] : memref<10000x128xf32, #tpu.memory_space<vmem_shared>> -> memref<10000x128xf32, #tpu.memory_space<vmem_shared>>
          tpu.enqueue_indirect_dma source(%dma_start3A_172 : memref<128x128xf32, #tpu.memory_space<vmem>>) target(%dma_start3A_178 : memref<10000x128xf32, #tpu.memory_space<vmem_shared>>) offsets(%dma_start3A_175 : memref<128xi32, #tpu.memory_space<vmem>>) semaphore(%arg14 : memref<!tpu.dma_semaphore, #tpu.memory_space<semaphore_mem>>) {add = true}
        } else {
        }
      }
      %scan3A_79 = arith.constant 80 : i32
      %dma_wait3A = arith.constant 0 : i32
      %dma_wait3A_80 = arith.constant 0 : i32
      %dma_wait3A_81 = arith.constant 0 : i32
      %dma_wait3A_82 = arith.constant 0 : i32
      %dma_wait3A_83 = tpu.memref_slice %arg9[%dma_wait3A, %dma_wait3A_81, %dma_wait3A_82] : memref<2x128x128xf32, #tpu.memory_space<vmem>> -> memref<1x128x128xf32, #tpu.memory_space<vmem>>
      %dma_wait3A_84 = tpu.memref_squeeze %dma_wait3A_83 : memref<1x128x128xf32, #tpu.memory_space<vmem>> -> memref<128x128xf32, #tpu.memory_space<vmem>>
      %dma_wait3A_85 = arith.constant 0 : i32
      %dma_wait3A_86 = tpu.memref_slice %arg8[%dma_wait3A_80, %dma_wait3A_85] : memref<2x128xi32, #tpu.memory_space<vmem>> -> memref<1x128xi32, #tpu.memory_space<vmem>>
      %dma_wait3A_87 = tpu.memref_squeeze %dma_wait3A_86 : memref<1x128xi32, #tpu.memory_space<vmem>> -> memref<128xi32, #tpu.memory_space<vmem>>
      %dma_wait3A_88 = arith.constant 0 : i32
      %dma_wait3A_89 = arith.constant 0 : i32
      %dma_wait3A_90 = tpu.memref_slice %arg11[%dma_wait3A_88, %dma_wait3A_89] : memref<10000x128xf32, #tpu.memory_space<vmem_shared>> -> memref<10000x128xf32, #tpu.memory_space<vmem_shared>>
      tpu.wait_indirect_dma semaphore(%arg14 : memref<!tpu.dma_semaphore, #tpu.memory_space<semaphore_mem>>) src(%dma_wait3A_84 : memref<128x128xf32, #tpu.memory_space<vmem>>) dst(%dma_wait3A_90 : memref<10000x128xf32, #tpu.memory_space<vmem_shared>>)
      %dma_wait3A_91 = arith.constant 1 : i32
      %dma_wait3A_92 = arith.constant 1 : i32
      %dma_wait3A_93 = arith.constant 0 : i32
      %dma_wait3A_94 = arith.constant 0 : i32
      %dma_wait3A_95 = tpu.memref_slice %arg9[%dma_wait3A_91, %dma_wait3A_93, %dma_wait3A_94] : memref<2x128x128xf32, #tpu.memory_space<vmem>> -> memref<1x128x128xf32, #tpu.memory_space<vmem>>
      %dma_wait3A_96 = tpu.memref_squeeze %dma_wait3A_95 : memref<1x128x128xf32, #tpu.memory_space<vmem>> -> memref<128x128xf32, #tpu.memory_space<vmem>>
      %dma_wait3A_97 = arith.constant 0 : i32
      %dma_wait3A_98 = tpu.memref_slice %arg8[%dma_wait3A_92, %dma_wait3A_97] : memref<2x128xi32, #tpu.memory_space<vmem>> -> memref<1x128xi32, #tpu.memory_space<vmem>>
      %dma_wait3A_99 = tpu.memref_squeeze %dma_wait3A_98 : memref<1x128xi32, #tpu.memory_space<vmem>> -> memref<128xi32, #tpu.memory_space<vmem>>
      %dma_wait3A_100 = arith.constant 0 : i32
      %dma_wait3A_101 = arith.constant 0 : i32
      %dma_wait3A_102 = tpu.memref_slice %arg11[%dma_wait3A_100, %dma_wait3A_101] : memref<10000x128xf32, #tpu.memory_space<vmem_shared>> -> memref<10000x128xf32, #tpu.memory_space<vmem_shared>>
      tpu.wait_indirect_dma semaphore(%arg15 : memref<!tpu.dma_semaphore, #tpu.memory_space<semaphore_mem>>) src(%dma_wait3A_96 : memref<128x128xf32, #tpu.memory_space<vmem>>) dst(%dma_wait3A_102 : memref<10000x128xf32, #tpu.memory_space<vmem_shared>>)
    } else {
    }
    %barrier3A_32 = arith.constant 0 : index
    tpu.barrier barrier_id(%barrier3A_32)
    %mul3A_33 = arith.constant 78 : i32
    %mul3A_34 = arith.muli %arg1, %mul3A_33 : i32
    %min3A_35 = arith.constant 2 : i32
    %min3A_36 = arith.minsi %arg1, %min3A_35 : i32
    %add3A_37 = arith.addi %mul3A_34, %min3A_36 : i32
    %mul3A_38 = arith.constant 8 : i32
    %mul3A_39 = arith.muli %add3A_37, %mul3A_38 : i32
    %add3A_40 = arith.constant 0 : i32
    %add3A_41 = arith.addi %mul3A_39, %add3A_40 : i32
    %multiple_of3A_42 = tpu.assume_multiple %add3A_41, 8 : i32
    "tpu.region"() ({
      %run_scoped3A = tpu.sem_alloc : memref<!tpu.dma_semaphore, #tpu.memory_space<semaphore_mem>>
      %dma_start3A = arith.constant 0 : i32
      %dma_start3A_63 = tpu.memref_slice %arg11[%multiple_of3A_42, %dma_start3A] : memref<10000x128xf32, #tpu.memory_space<vmem_shared>> -> memref<104x128xf32, #tpu.memory_space<vmem_shared>>
      %dma_start3A_64 = arith.constant 0 : i32
      %dma_start3A_65 = tpu.memref_slice %arg11[%multiple_of3A_42, %dma_start3A_64] : memref<10000x128xf32, #tpu.memory_space<vmem_shared>> -> memref<104x128xf32, #tpu.memory_space<vmem_shared>>
      tpu.enqueue_dma source(%dma_start3A_65 : memref<104x128xf32, #tpu.memory_space<vmem_shared>>) target(%arg10 : memref<104x128xf32, #tpu.memory_space<vmem>>) target_semaphore(%run_scoped3A : memref<!tpu.dma_semaphore, #tpu.memory_space<semaphore_mem>>)
      %dma_wait3A = arith.constant 0 : i32
      %dma_wait3A_66 = tpu.memref_slice %arg11[%multiple_of3A_42, %dma_wait3A] : memref<10000x128xf32, #tpu.memory_space<vmem_shared>> -> memref<104x128xf32, #tpu.memory_space<vmem_shared>>
      %dma_wait3A_67 = arith.constant 0 : i32
      %dma_wait3A_68 = tpu.memref_slice %arg11[%multiple_of3A_42, %dma_wait3A_67] : memref<10000x128xf32, #tpu.memory_space<vmem_shared>> -> memref<104x128xf32, #tpu.memory_space<vmem_shared>>
      tpu.wait_dma2 semaphore(%run_scoped3A : memref<!tpu.dma_semaphore, #tpu.memory_space<semaphore_mem>>) src(%dma_wait3A_68 : memref<104x128xf32, #tpu.memory_space<vmem_shared>>) dst(%arg10 : memref<104x128xf32, #tpu.memory_space<vmem>>)
      tpu.yield
    }) : () -> ()
    "tpu.region"() ({
      %run_scoped3A = tpu.sem_alloc : memref<!tpu.dma_semaphore, #tpu.memory_space<semaphore_mem>>
      %dma_start3A = arith.constant 0 : i32
      %dma_start3A_63 = tpu.memref_slice %arg6[%arg0, %multiple_of3A_42, %dma_start3A] : memref<2x10000x128xf32, #tpu.memory_space<hbm>> -> memref<1x104x128xf32, #tpu.memory_space<hbm>>
      %dma_start3A_64 = tpu.memref_squeeze %dma_start3A_63 : memref<1x104x128xf32, #tpu.memory_space<hbm>> -> memref<104x128xf32, #tpu.memory_space<hbm>>
      %dma_start3A_65 = arith.constant 0 : i32
      %dma_start3A_66 = tpu.memref_slice %arg6[%arg0, %multiple_of3A_42, %dma_start3A_65] : memref<2x10000x128xf32, #tpu.memory_space<hbm>> -> memref<1x104x128xf32, #tpu.memory_space<hbm>>
      %dma_start3A_67 = tpu.memref_squeeze %dma_start3A_66 : memref<1x104x128xf32, #tpu.memory_space<hbm>> -> memref<104x128xf32, #tpu.memory_space<hbm>>
      tpu.enqueue_dma source(%arg10 : memref<104x128xf32, #tpu.memory_space<vmem>>) target(%dma_start3A_67 : memref<104x128xf32, #tpu.memory_space<hbm>>) target_semaphore(%run_scoped3A : memref<!tpu.dma_semaphore, #tpu.memory_space<semaphore_mem>>)
      %dma_wait3A = arith.constant 0 : i32
      %dma_wait3A_68 = tpu.memref_slice %arg6[%arg0, %multiple_of3A_42, %dma_wait3A] : memref<2x10000x128xf32, #tpu.memory_space<hbm>> -> memref<1x104x128xf32, #tpu.memory_space<hbm>>
      %dma_wait3A_69 = tpu.memref_squeeze %dma_wait3A_68 : memref<1x104x128xf32, #tpu.memory_space<hbm>> -> memref<104x128xf32, #tpu.memory_space<hbm>>
      %dma_wait3A_70 = arith.constant 0 : i32
      %dma_wait3A_71 = tpu.memref_slice %arg6[%arg0, %multiple_of3A_42, %dma_wait3A_70] : memref<2x10000x128xf32, #tpu.memory_space<hbm>> -> memref<1x104x128xf32, #tpu.memory_space<hbm>>
      %dma_wait3A_72 = tpu.memref_squeeze %dma_wait3A_71 : memref<1x104x128xf32, #tpu.memory_space<hbm>> -> memref<104x128xf32, #tpu.memory_space<hbm>>
      tpu.wait_dma2 semaphore(%run_scoped3A : memref<!tpu.dma_semaphore, #tpu.memory_space<semaphore_mem>>) src(%arg10 : memref<104x128xf32, #tpu.memory_space<vmem>>) dst(%dma_wait3A_72 : memref<104x128xf32, #tpu.memory_space<hbm>>)
      tpu.yield
    }) : () -> ()
    %add3A_43 = arith.constant 104 : i32
    %add3A_44 = arith.addi %mul3A_39, %add3A_43 : i32
    %multiple_of3A_45 = tpu.assume_multiple %add3A_44, 8 : i32
    "tpu.region"() ({
      %run_scoped3A = tpu.sem_alloc : memref<!tpu.dma_semaphore, #tpu.memory_space<semaphore_mem>>
      %dma_start3A = arith.constant 0 : i32
      %dma_start3A_63 = tpu.memref_slice %arg11[%multiple_of3A_45, %dma_start3A] : memref<10000x128xf32, #tpu.memory_space<vmem_shared>> -> memref<104x128xf32, #tpu.memory_space<vmem_shared>>
      %dma_start3A_64 = arith.constant 0 : i32
      %dma_start3A_65 = tpu.memref_slice %arg11[%multiple_of3A_45, %dma_start3A_64] : memref<10000x128xf32, #tpu.memory_space<vmem_shared>> -> memref<104x128xf32, #tpu.memory_space<vmem_shared>>
      tpu.enqueue_dma source(%dma_start3A_65 : memref<104x128xf32, #tpu.memory_space<vmem_shared>>) target(%arg10 : memref<104x128xf32, #tpu.memory_space<vmem>>) target_semaphore(%run_scoped3A : memref<!tpu.dma_semaphore, #tpu.memory_space<semaphore_mem>>)
      %dma_wait3A = arith.constant 0 : i32
      %dma_wait3A_66 = tpu.memref_slice %arg11[%multiple_of3A_45, %dma_wait3A] : memref<10000x128xf32, #tpu.memory_space<vmem_shared>> -> memref<104x128xf32, #tpu.memory_space<vmem_shared>>
      %dma_wait3A_67 = arith.constant 0 : i32
      %dma_wait3A_68 = tpu.memref_slice %arg11[%multiple_of3A_45, %dma_wait3A_67] : memref<10000x128xf32, #tpu.memory_space<vmem_shared>> -> memref<104x128xf32, #tpu.memory_space<vmem_shared>>
      tpu.wait_dma2 semaphore(%run_scoped3A : memref<!tpu.dma_semaphore, #tpu.memory_space<semaphore_mem>>) src(%dma_wait3A_68 : memref<104x128xf32, #tpu.memory_space<vmem_shared>>) dst(%arg10 : memref<104x128xf32, #tpu.memory_space<vmem>>)
      tpu.yield
    }) : () -> ()
    "tpu.region"() ({
      %run_scoped3A = tpu.sem_alloc : memref<!tpu.dma_semaphore, #tpu.memory_space<semaphore_mem>>
      %dma_start3A = arith.constant 0 : i32
      %dma_start3A_63 = tpu.memref_slice %arg6[%arg0, %multiple_of3A_45, %dma_start3A] : memref<2x10000x128xf32, #tpu.memory_space<hbm>> -> memref<1x104x128xf32, #tpu.memory_space<hbm>>
      %dma_start3A_64 = tpu.memref_squeeze %dma_start3A_63 : memref<1x104x128xf32, #tpu.memory_space<hbm>> -> memref<104x128xf32, #tpu.memory_space<hbm>>
      %dma_start3A_65 = arith.constant 0 : i32
      %dma_start3A_66 = tpu.memref_slice %arg6[%arg0, %multiple_of3A_45, %dma_start3A_65] : memref<2x10000x128xf32, #tpu.memory_space<hbm>> -> memref<1x104x128xf32, #tpu.memory_space<hbm>>
      %dma_start3A_67 = tpu.memref_squeeze %dma_start3A_66 : memref<1x104x128xf32, #tpu.memory_space<hbm>> -> memref<104x128xf32, #tpu.memory_space<hbm>>
      tpu.enqueue_dma source(%arg10 : memref<104x128xf32, #tpu.memory_space<vmem>>) target(%dma_start3A_67 : memref<104x128xf32, #tpu.memory_space<hbm>>) target_semaphore(%run_scoped3A : memref<!tpu.dma_semaphore, #tpu.memory_space<semaphore_mem>>)
      %dma_wait3A = arith.constant 0 : i32
      %dma_wait3A_68 = tpu.memref_slice %arg6[%arg0, %multiple_of3A_45, %dma_wait3A] : memref<2x10000x128xf32, #tpu.memory_space<hbm>> -> memref<1x104x128xf32, #tpu.memory_space<hbm>>
      %dma_wait3A_69 = tpu.memref_squeeze %dma_wait3A_68 : memref<1x104x128xf32, #tpu.memory_space<hbm>> -> memref<104x128xf32, #tpu.memory_space<hbm>>
      %dma_wait3A_70 = arith.constant 0 : i32
      %dma_wait3A_71 = tpu.memref_slice %arg6[%arg0, %multiple_of3A_45, %dma_wait3A_70] : memref<2x10000x128xf32, #tpu.memory_space<hbm>> -> memref<1x104x128xf32, #tpu.memory_space<hbm>>
      %dma_wait3A_72 = tpu.memref_squeeze %dma_wait3A_71 : memref<1x104x128xf32, #tpu.memory_space<hbm>> -> memref<104x128xf32, #tpu.memory_space<hbm>>
      tpu.wait_dma2 semaphore(%run_scoped3A : memref<!tpu.dma_semaphore, #tpu.memory_space<semaphore_mem>>) src(%arg10 : memref<104x128xf32, #tpu.memory_space<vmem>>) dst(%dma_wait3A_72 : memref<104x128xf32, #tpu.memory_space<hbm>>)
      tpu.yield
    }) : () -> ()
    %add3A_46 = arith.constant 208 : i32
    %add3A_47 = arith.addi %mul3A_39, %add3A_46 : i32
    %multiple_of3A_48 = tpu.assume_multiple %add3A_47, 8 : i32
    "tpu.region"() ({
      %run_scoped3A = tpu.sem_alloc : memref<!tpu.dma_semaphore, #tpu.memory_space<semaphore_mem>>
      %dma_start3A = arith.constant 0 : i32
      %dma_start3A_63 = tpu.memref_slice %arg11[%multiple_of3A_48, %dma_start3A] : memref<10000x128xf32, #tpu.memory_space<vmem_shared>> -> memref<104x128xf32, #tpu.memory_space<vmem_shared>>
      %dma_start3A_64 = arith.constant 0 : i32
      %dma_start3A_65 = tpu.memref_slice %arg11[%multiple_of3A_48, %dma_start3A_64] : memref<10000x128xf32, #tpu.memory_space<vmem_shared>> -> memref<104x128xf32, #tpu.memory_space<vmem_shared>>
      tpu.enqueue_dma source(%dma_start3A_65 : memref<104x128xf32, #tpu.memory_space<vmem_shared>>) target(%arg10 : memref<104x128xf32, #tpu.memory_space<vmem>>) target_semaphore(%run_scoped3A : memref<!tpu.dma_semaphore, #tpu.memory_space<semaphore_mem>>)
      %dma_wait3A = arith.constant 0 : i32
      %dma_wait3A_66 = tpu.memref_slice %arg11[%multiple_of3A_48, %dma_wait3A] : memref<10000x128xf32, #tpu.memory_space<vmem_shared>> -> memref<104x128xf32, #tpu.memory_space<vmem_shared>>
      %dma_wait3A_67 = arith.constant 0 : i32
      %dma_wait3A_68 = tpu.memref_slice %arg11[%multiple_of3A_48, %dma_wait3A_67] : memref<10000x128xf32, #tpu.memory_space<vmem_shared>> -> memref<104x128xf32, #tpu.memory_space<vmem_shared>>
      tpu.wait_dma2 semaphore(%run_scoped3A : memref<!tpu.dma_semaphore, #tpu.memory_space<semaphore_mem>>) src(%dma_wait3A_68 : memref<104x128xf32, #tpu.memory_space<vmem_shared>>) dst(%arg10 : memref<104x128xf32, #tpu.memory_space<vmem>>)
      tpu.yield
    }) : () -> ()
    "tpu.region"() ({
      %run_scoped3A = tpu.sem_alloc : memref<!tpu.dma_semaphore, #tpu.memory_space<semaphore_mem>>
      %dma_start3A = arith.constant 0 : i32
      %dma_start3A_63 = tpu.memref_slice %arg6[%arg0, %multiple_of3A_48, %dma_start3A] : memref<2x10000x128xf32, #tpu.memory_space<hbm>> -> memref<1x104x128xf32, #tpu.memory_space<hbm>>
      %dma_start3A_64 = tpu.memref_squeeze %dma_start3A_63 : memref<1x104x128xf32, #tpu.memory_space<hbm>> -> memref<104x128xf32, #tpu.memory_space<hbm>>
      %dma_start3A_65 = arith.constant 0 : i32
      %dma_start3A_66 = tpu.memref_slice %arg6[%arg0, %multiple_of3A_48, %dma_start3A_65] : memref<2x10000x128xf32, #tpu.memory_space<hbm>> -> memref<1x104x128xf32, #tpu.memory_space<hbm>>
      %dma_start3A_67 = tpu.memref_squeeze %dma_start3A_66 : memref<1x104x128xf32, #tpu.memory_space<hbm>> -> memref<104x128xf32, #tpu.memory_space<hbm>>
      tpu.enqueue_dma source(%arg10 : memref<104x128xf32, #tpu.memory_space<vmem>>) target(%dma_start3A_67 : memref<104x128xf32, #tpu.memory_space<hbm>>) target_semaphore(%run_scoped3A : memref<!tpu.dma_semaphore, #tpu.memory_space<semaphore_mem>>)
      %dma_wait3A = arith.constant 0 : i32
      %dma_wait3A_68 = tpu.memref_slice %arg6[%arg0, %multiple_of3A_48, %dma_wait3A] : memref<2x10000x128xf32, #tpu.memory_space<hbm>> -> memref<1x104x128xf32, #tpu.memory_space<hbm>>
      %dma_wait3A_69 = tpu.memref_squeeze %dma_wait3A_68 : memref<1x104x128xf32, #tpu.memory_space<hbm>> -> memref<104x128xf32, #tpu.memory_space<hbm>>
      %dma_wait3A_70 = arith.constant 0 : i32
      %dma_wait3A_71 = tpu.memref_slice %arg6[%arg0, %multiple_of3A_48, %dma_wait3A_70] : memref<2x10000x128xf32, #tpu.memory_space<hbm>> -> memref<1x104x128xf32, #tpu.memory_space<hbm>>
      %dma_wait3A_72 = tpu.memref_squeeze %dma_wait3A_71 : memref<1x104x128xf32, #tpu.memory_space<hbm>> -> memref<104x128xf32, #tpu.memory_space<hbm>>
      tpu.wait_dma2 semaphore(%run_scoped3A : memref<!tpu.dma_semaphore, #tpu.memory_space<semaphore_mem>>) src(%arg10 : memref<104x128xf32, #tpu.memory_space<vmem>>) dst(%dma_wait3A_72 : memref<104x128xf32, #tpu.memory_space<hbm>>)
      tpu.yield
    }) : () -> ()
    %add3A_49 = arith.constant 312 : i32
    %add3A_50 = arith.addi %mul3A_39, %add3A_49 : i32
    %multiple_of3A_51 = tpu.assume_multiple %add3A_50, 8 : i32
    "tpu.region"() ({
      %run_scoped3A = tpu.sem_alloc : memref<!tpu.dma_semaphore, #tpu.memory_space<semaphore_mem>>
      %dma_start3A = arith.constant 0 : i32
      %dma_start3A_63 = tpu.memref_slice %arg11[%multiple_of3A_51, %dma_start3A] : memref<10000x128xf32, #tpu.memory_space<vmem_shared>> -> memref<104x128xf32, #tpu.memory_space<vmem_shared>>
      %dma_start3A_64 = arith.constant 0 : i32
      %dma_start3A_65 = tpu.memref_slice %arg11[%multiple_of3A_51, %dma_start3A_64] : memref<10000x128xf32, #tpu.memory_space<vmem_shared>> -> memref<104x128xf32, #tpu.memory_space<vmem_shared>>
      tpu.enqueue_dma source(%dma_start3A_65 : memref<104x128xf32, #tpu.memory_space<vmem_shared>>) target(%arg10 : memref<104x128xf32, #tpu.memory_space<vmem>>) target_semaphore(%run_scoped3A : memref<!tpu.dma_semaphore, #tpu.memory_space<semaphore_mem>>)
      %dma_wait3A = arith.constant 0 : i32
      %dma_wait3A_66 = tpu.memref_slice %arg11[%multiple_of3A_51, %dma_wait3A] : memref<10000x128xf32, #tpu.memory_space<vmem_shared>> -> memref<104x128xf32, #tpu.memory_space<vmem_shared>>
      %dma_wait3A_67 = arith.constant 0 : i32
      %dma_wait3A_68 = tpu.memref_slice %arg11[%multiple_of3A_51, %dma_wait3A_67] : memref<10000x128xf32, #tpu.memory_space<vmem_shared>> -> memref<104x128xf32, #tpu.memory_space<vmem_shared>>
      tpu.wait_dma2 semaphore(%run_scoped3A : memref<!tpu.dma_semaphore, #tpu.memory_space<semaphore_mem>>) src(%dma_wait3A_68 : memref<104x128xf32, #tpu.memory_space<vmem_shared>>) dst(%arg10 : memref<104x128xf32, #tpu.memory_space<vmem>>)
      tpu.yield
    }) : () -> ()
    "tpu.region"() ({
      %run_scoped3A = tpu.sem_alloc : memref<!tpu.dma_semaphore, #tpu.memory_space<semaphore_mem>>
      %dma_start3A = arith.constant 0 : i32
      %dma_start3A_63 = tpu.memref_slice %arg6[%arg0, %multiple_of3A_51, %dma_start3A] : memref<2x10000x128xf32, #tpu.memory_space<hbm>> -> memref<1x104x128xf32, #tpu.memory_space<hbm>>
      %dma_start3A_64 = tpu.memref_squeeze %dma_start3A_63 : memref<1x104x128xf32, #tpu.memory_space<hbm>> -> memref<104x128xf32, #tpu.memory_space<hbm>>
      %dma_start3A_65 = arith.constant 0 : i32
      %dma_start3A_66 = tpu.memref_slice %arg6[%arg0, %multiple_of3A_51, %dma_start3A_65] : memref<2x10000x128xf32, #tpu.memory_space<hbm>> -> memref<1x104x128xf32, #tpu.memory_space<hbm>>
      %dma_start3A_67 = tpu.memref_squeeze %dma_start3A_66 : memref<1x104x128xf32, #tpu.memory_space<hbm>> -> memref<104x128xf32, #tpu.memory_space<hbm>>
      tpu.enqueue_dma source(%arg10 : memref<104x128xf32, #tpu.memory_space<vmem>>) target(%dma_start3A_67 : memref<104x128xf32, #tpu.memory_space<hbm>>) target_semaphore(%run_scoped3A : memref<!tpu.dma_semaphore, #tpu.memory_space<semaphore_mem>>)
      %dma_wait3A = arith.constant 0 : i32
      %dma_wait3A_68 = tpu.memref_slice %arg6[%arg0, %multiple_of3A_51, %dma_wait3A] : memref<2x10000x128xf32, #tpu.memory_space<hbm>> -> memref<1x104x128xf32, #tpu.memory_space<hbm>>
      %dma_wait3A_69 = tpu.memref_squeeze %dma_wait3A_68 : memref<1x104x128xf32, #tpu.memory_space<hbm>> -> memref<104x128xf32, #tpu.memory_space<hbm>>
      %dma_wait3A_70 = arith.constant 0 : i32
      %dma_wait3A_71 = tpu.memref_slice %arg6[%arg0, %multiple_of3A_51, %dma_wait3A_70] : memref<2x10000x128xf32, #tpu.memory_space<hbm>> -> memref<1x104x128xf32, #tpu.memory_space<hbm>>
      %dma_wait3A_72 = tpu.memref_squeeze %dma_wait3A_71 : memref<1x104x128xf32, #tpu.memory_space<hbm>> -> memref<104x128xf32, #tpu.memory_space<hbm>>
      tpu.wait_dma2 semaphore(%run_scoped3A : memref<!tpu.dma_semaphore, #tpu.memory_space<semaphore_mem>>) src(%arg10 : memref<104x128xf32, #tpu.memory_space<vmem>>) dst(%dma_wait3A_72 : memref<104x128xf32, #tpu.memory_space<hbm>>)
      tpu.yield
    }) : () -> ()
    %add3A_52 = arith.constant 416 : i32
    %add3A_53 = arith.addi %mul3A_39, %add3A_52 : i32
    %multiple_of3A_54 = tpu.assume_multiple %add3A_53, 8 : i32
    "tpu.region"() ({
      %run_scoped3A = tpu.sem_alloc : memref<!tpu.dma_semaphore, #tpu.memory_space<semaphore_mem>>
      %dma_start3A = arith.constant 0 : i32
      %dma_start3A_63 = tpu.memref_slice %arg11[%multiple_of3A_54, %dma_start3A] : memref<10000x128xf32, #tpu.memory_space<vmem_shared>> -> memref<104x128xf32, #tpu.memory_space<vmem_shared>>
      %dma_start3A_64 = arith.constant 0 : i32
      %dma_start3A_65 = tpu.memref_slice %arg11[%multiple_of3A_54, %dma_start3A_64] : memref<10000x128xf32, #tpu.memory_space<vmem_shared>> -> memref<104x128xf32, #tpu.memory_space<vmem_shared>>
      tpu.enqueue_dma source(%dma_start3A_65 : memref<104x128xf32, #tpu.memory_space<vmem_shared>>) target(%arg10 : memref<104x128xf32, #tpu.memory_space<vmem>>) target_semaphore(%run_scoped3A : memref<!tpu.dma_semaphore, #tpu.memory_space<semaphore_mem>>)
      %dma_wait3A = arith.constant 0 : i32
      %dma_wait3A_66 = tpu.memref_slice %arg11[%multiple_of3A_54, %dma_wait3A] : memref<10000x128xf32, #tpu.memory_space<vmem_shared>> -> memref<104x128xf32, #tpu.memory_space<vmem_shared>>
      %dma_wait3A_67 = arith.constant 0 : i32
      %dma_wait3A_68 = tpu.memref_slice %arg11[%multiple_of3A_54, %dma_wait3A_67] : memref<10000x128xf32, #tpu.memory_space<vmem_shared>> -> memref<104x128xf32, #tpu.memory_space<vmem_shared>>
      tpu.wait_dma2 semaphore(%run_scoped3A : memref<!tpu.dma_semaphore, #tpu.memory_space<semaphore_mem>>) src(%dma_wait3A_68 : memref<104x128xf32, #tpu.memory_space<vmem_shared>>) dst(%arg10 : memref<104x128xf32, #tpu.memory_space<vmem>>)
      tpu.yield
    }) : () -> ()
    "tpu.region"() ({
      %run_scoped3A = tpu.sem_alloc : memref<!tpu.dma_semaphore, #tpu.memory_space<semaphore_mem>>
      %dma_start3A = arith.constant 0 : i32
      %dma_start3A_63 = tpu.memref_slice %arg6[%arg0, %multiple_of3A_54, %dma_start3A] : memref<2x10000x128xf32, #tpu.memory_space<hbm>> -> memref<1x104x128xf32, #tpu.memory_space<hbm>>
      %dma_start3A_64 = tpu.memref_squeeze %dma_start3A_63 : memref<1x104x128xf32, #tpu.memory_space<hbm>> -> memref<104x128xf32, #tpu.memory_space<hbm>>
      %dma_start3A_65 = arith.constant 0 : i32
      %dma_start3A_66 = tpu.memref_slice %arg6[%arg0, %multiple_of3A_54, %dma_start3A_65] : memref<2x10000x128xf32, #tpu.memory_space<hbm>> -> memref<1x104x128xf32, #tpu.memory_space<hbm>>
      %dma_start3A_67 = tpu.memref_squeeze %dma_start3A_66 : memref<1x104x128xf32, #tpu.memory_space<hbm>> -> memref<104x128xf32, #tpu.memory_space<hbm>>
      tpu.enqueue_dma source(%arg10 : memref<104x128xf32, #tpu.memory_space<vmem>>) target(%dma_start3A_67 : memref<104x128xf32, #tpu.memory_space<hbm>>) target_semaphore(%run_scoped3A : memref<!tpu.dma_semaphore, #tpu.memory_space<semaphore_mem>>)
      %dma_wait3A = arith.constant 0 : i32
      %dma_wait3A_68 = tpu.memref_slice %arg6[%arg0, %multiple_of3A_54, %dma_wait3A] : memref<2x10000x128xf32, #tpu.memory_space<hbm>> -> memref<1x104x128xf32, #tpu.memory_space<hbm>>
      %dma_wait3A_69 = tpu.memref_squeeze %dma_wait3A_68 : memref<1x104x128xf32, #tpu.memory_space<hbm>> -> memref<104x128xf32, #tpu.memory_space<hbm>>
      %dma_wait3A_70 = arith.constant 0 : i32
      %dma_wait3A_71 = tpu.memref_slice %arg6[%arg0, %multiple_of3A_54, %dma_wait3A_70] : memref<2x10000x128xf32, #tpu.memory_space<hbm>> -> memref<1x104x128xf32, #tpu.memory_space<hbm>>
      %dma_wait3A_72 = tpu.memref_squeeze %dma_wait3A_71 : memref<1x104x128xf32, #tpu.memory_space<hbm>> -> memref<104x128xf32, #tpu.memory_space<hbm>>
      tpu.wait_dma2 semaphore(%run_scoped3A : memref<!tpu.dma_semaphore, #tpu.memory_space<semaphore_mem>>) src(%arg10 : memref<104x128xf32, #tpu.memory_space<vmem>>) dst(%dma_wait3A_72 : memref<104x128xf32, #tpu.memory_space<hbm>>)
      tpu.yield
    }) : () -> ()
    %add3A_55 = arith.constant 520 : i32
    %add3A_56 = arith.addi %mul3A_39, %add3A_55 : i32
    %multiple_of3A_57 = tpu.assume_multiple %add3A_56, 8 : i32
    "tpu.region"() ({
      %run_scoped3A = tpu.sem_alloc : memref<!tpu.dma_semaphore, #tpu.memory_space<semaphore_mem>>
      %dma_start3A = arith.constant 0 : i32
      %dma_start3A_63 = tpu.memref_slice %arg11[%multiple_of3A_57, %dma_start3A] : memref<10000x128xf32, #tpu.memory_space<vmem_shared>> -> memref<104x128xf32, #tpu.memory_space<vmem_shared>>
      %dma_start3A_64 = arith.constant 0 : i32
      %dma_start3A_65 = tpu.memref_slice %arg11[%multiple_of3A_57, %dma_start3A_64] : memref<10000x128xf32, #tpu.memory_space<vmem_shared>> -> memref<104x128xf32, #tpu.memory_space<vmem_shared>>
      tpu.enqueue_dma source(%dma_start3A_65 : memref<104x128xf32, #tpu.memory_space<vmem_shared>>) target(%arg10 : memref<104x128xf32, #tpu.memory_space<vmem>>) target_semaphore(%run_scoped3A : memref<!tpu.dma_semaphore, #tpu.memory_space<semaphore_mem>>)
      %dma_wait3A = arith.constant 0 : i32
      %dma_wait3A_66 = tpu.memref_slice %arg11[%multiple_of3A_57, %dma_wait3A] : memref<10000x128xf32, #tpu.memory_space<vmem_shared>> -> memref<104x128xf32, #tpu.memory_space<vmem_shared>>
      %dma_wait3A_67 = arith.constant 0 : i32
      %dma_wait3A_68 = tpu.memref_slice %arg11[%multiple_of3A_57, %dma_wait3A_67] : memref<10000x128xf32, #tpu.memory_space<vmem_shared>> -> memref<104x128xf32, #tpu.memory_space<vmem_shared>>
      tpu.wait_dma2 semaphore(%run_scoped3A : memref<!tpu.dma_semaphore, #tpu.memory_space<semaphore_mem>>) src(%dma_wait3A_68 : memref<104x128xf32, #tpu.memory_space<vmem_shared>>) dst(%arg10 : memref<104x128xf32, #tpu.memory_space<vmem>>)
      tpu.yield
    }) : () -> ()
    "tpu.region"() ({
      %run_scoped3A = tpu.sem_alloc : memref<!tpu.dma_semaphore, #tpu.memory_space<semaphore_mem>>
      %dma_start3A = arith.constant 0 : i32
      %dma_start3A_63 = tpu.memref_slice %arg6[%arg0, %multiple_of3A_57, %dma_start3A] : memref<2x10000x128xf32, #tpu.memory_space<hbm>> -> memref<1x104x128xf32, #tpu.memory_space<hbm>>
      %dma_start3A_64 = tpu.memref_squeeze %dma_start3A_63 : memref<1x104x128xf32, #tpu.memory_space<hbm>> -> memref<104x128xf32, #tpu.memory_space<hbm>>
      %dma_start3A_65 = arith.constant 0 : i32
      %dma_start3A_66 = tpu.memref_slice %arg6[%arg0, %multiple_of3A_57, %dma_start3A_65] : memref<2x10000x128xf32, #tpu.memory_space<hbm>> -> memref<1x104x128xf32, #tpu.memory_space<hbm>>
      %dma_start3A_67 = tpu.memref_squeeze %dma_start3A_66 : memref<1x104x128xf32, #tpu.memory_space<hbm>> -> memref<104x128xf32, #tpu.memory_space<hbm>>
      tpu.enqueue_dma source(%arg10 : memref<104x128xf32, #tpu.memory_space<vmem>>) target(%dma_start3A_67 : memref<104x128xf32, #tpu.memory_space<hbm>>) target_semaphore(%run_scoped3A : memref<!tpu.dma_semaphore, #tpu.memory_space<semaphore_mem>>)
      %dma_wait3A = arith.constant 0 : i32
      %dma_wait3A_68 = tpu.memref_slice %arg6[%arg0, %multiple_of3A_57, %dma_wait3A] : memref<2x10000x128xf32, #tpu.memory_space<hbm>> -> memref<1x104x128xf32, #tpu.memory_space<hbm>>
      %dma_wait3A_69 = tpu.memref_squeeze %dma_wait3A_68 : memref<1x104x128xf32, #tpu.memory_space<hbm>> -> memref<104x128xf32, #tpu.memory_space<hbm>>
      %dma_wait3A_70 = arith.constant 0 : i32
      %dma_wait3A_71 = tpu.memref_slice %arg6[%arg0, %multiple_of3A_57, %dma_wait3A_70] : memref<2x10000x128xf32, #tpu.memory_space<hbm>> -> memref<1x104x128xf32, #tpu.memory_space<hbm>>
      %dma_wait3A_72 = tpu.memref_squeeze %dma_wait3A_71 : memref<1x104x128xf32, #tpu.memory_space<hbm>> -> memref<104x128xf32, #tpu.memory_space<hbm>>
      tpu.wait_dma2 semaphore(%run_scoped3A : memref<!tpu.dma_semaphore, #tpu.memory_space<semaphore_mem>>) src(%arg10 : memref<104x128xf32, #tpu.memory_space<vmem>>) dst(%dma_wait3A_72 : memref<104x128xf32, #tpu.memory_space<hbm>>)
      tpu.yield
    }) : () -> ()
    %lt3A_58 = arith.constant 2 : i32
    %lt3A_59 = arith.cmpi slt, %arg1, %lt3A_58 : i32
    %convert_element_type3A_60 = arith.extui %lt3A_59 : i1 to i32
    %cond3A_61 = arith.constant 0 : i32
    %cond3A_62 = arith.cmpi ne, %convert_element_type3A_60, %cond3A_61 : i32
    scf.if %cond3A_62 {
      %add3A_63 = arith.constant 624 : i32
      %add3A_64 = arith.addi %mul3A_39, %add3A_63 : i32
      %multiple_of3A_65 = tpu.assume_multiple %add3A_64, 8 : i32
      "tpu.region"() ({
        %run_scoped3A = tpu.sem_alloc : memref<!tpu.dma_semaphore, #tpu.memory_space<semaphore_mem>>
        %dma_start3A = arith.constant 0 : i32
        %dma_start3A_66 = arith.constant 0 : i32
        %dma_start3A_67 = tpu.memref_slice %arg10[%dma_start3A, %dma_start3A_66] : memref<104x128xf32, #tpu.memory_space<vmem>> -> memref<8x128xf32, #tpu.memory_space<vmem>>
        %dma_start3A_68 = arith.constant 0 : i32
        %dma_start3A_69 = tpu.memref_slice %arg11[%multiple_of3A_65, %dma_start3A_68] : memref<10000x128xf32, #tpu.memory_space<vmem_shared>> -> memref<8x128xf32, #tpu.memory_space<vmem_shared>>
        %dma_start3A_70 = arith.constant 0 : i32
        %dma_start3A_71 = arith.constant 0 : i32
        %dma_start3A_72 = tpu.memref_slice %arg10[%dma_start3A_70, %dma_start3A_71] : memref<104x128xf32, #tpu.memory_space<vmem>> -> memref<8x128xf32, #tpu.memory_space<vmem>>
        %dma_start3A_73 = arith.constant 0 : i32
        %dma_start3A_74 = tpu.memref_slice %arg11[%multiple_of3A_65, %dma_start3A_73] : memref<10000x128xf32, #tpu.memory_space<vmem_shared>> -> memref<8x128xf32, #tpu.memory_space<vmem_shared>>
        tpu.enqueue_dma source(%dma_start3A_74 : memref<8x128xf32, #tpu.memory_space<vmem_shared>>) target(%dma_start3A_72 : memref<8x128xf32, #tpu.memory_space<vmem>>) target_semaphore(%run_scoped3A : memref<!tpu.dma_semaphore, #tpu.memory_space<semaphore_mem>>)
        %dma_wait3A = arith.constant 0 : i32
        %dma_wait3A_75 = arith.constant 0 : i32
        %dma_wait3A_76 = tpu.memref_slice %arg10[%dma_wait3A, %dma_wait3A_75] : memref<104x128xf32, #tpu.memory_space<vmem>> -> memref<8x128xf32, #tpu.memory_space<vmem>>
        %dma_wait3A_77 = arith.constant 0 : i32
        %dma_wait3A_78 = tpu.memref_slice %arg11[%multiple_of3A_65, %dma_wait3A_77] : memref<10000x128xf32, #tpu.memory_space<vmem_shared>> -> memref<8x128xf32, #tpu.memory_space<vmem_shared>>
        %dma_wait3A_79 = arith.constant 0 : i32
        %dma_wait3A_80 = arith.constant 0 : i32
        %dma_wait3A_81 = tpu.memref_slice %arg10[%dma_wait3A_79, %dma_wait3A_80] : memref<104x128xf32, #tpu.memory_space<vmem>> -> memref<8x128xf32, #tpu.memory_space<vmem>>
        %dma_wait3A_82 = arith.constant 0 : i32
        %dma_wait3A_83 = tpu.memref_slice %arg11[%multiple_of3A_65, %dma_wait3A_82] : memref<10000x128xf32, #tpu.memory_space<vmem_shared>> -> memref<8x128xf32, #tpu.memory_space<vmem_shared>>
        tpu.wait_dma2 semaphore(%run_scoped3A : memref<!tpu.dma_semaphore, #tpu.memory_space<semaphore_mem>>) src(%dma_wait3A_83 : memref<8x128xf32, #tpu.memory_space<vmem_shared>>) dst(%dma_wait3A_81 : memref<8x128xf32, #tpu.memory_space<vmem>>)
        tpu.yield
      }) : () -> ()
      "tpu.region"() ({
        %run_scoped3A = tpu.sem_alloc : memref<!tpu.dma_semaphore, #tpu.memory_space<semaphore_mem>>
        %dma_start3A = arith.constant 0 : i32
        %dma_start3A_66 = arith.constant 0 : i32
        %dma_start3A_67 = tpu.memref_slice %arg10[%dma_start3A, %dma_start3A_66] : memref<104x128xf32, #tpu.memory_space<vmem>> -> memref<8x128xf32, #tpu.memory_space<vmem>>
        %dma_start3A_68 = arith.constant 0 : i32
        %dma_start3A_69 = tpu.memref_slice %arg6[%arg0, %multiple_of3A_65, %dma_start3A_68] : memref<2x10000x128xf32, #tpu.memory_space<hbm>> -> memref<1x8x128xf32, #tpu.memory_space<hbm>>
        %dma_start3A_70 = tpu.memref_squeeze %dma_start3A_69 : memref<1x8x128xf32, #tpu.memory_space<hbm>> -> memref<8x128xf32, #tpu.memory_space<hbm>>
        %dma_start3A_71 = arith.constant 0 : i32
        %dma_start3A_72 = tpu.memref_slice %arg6[%arg0, %multiple_of3A_65, %dma_start3A_71] : memref<2x10000x128xf32, #tpu.memory_space<hbm>> -> memref<1x8x128xf32, #tpu.memory_space<hbm>>
        %dma_start3A_73 = tpu.memref_squeeze %dma_start3A_72 : memref<1x8x128xf32, #tpu.memory_space<hbm>> -> memref<8x128xf32, #tpu.memory_space<hbm>>
        %dma_start3A_74 = arith.constant 0 : i32
        %dma_start3A_75 = arith.constant 0 : i32
        %dma_start3A_76 = tpu.memref_slice %arg10[%dma_start3A_74, %dma_start3A_75] : memref<104x128xf32, #tpu.memory_space<vmem>> -> memref<8x128xf32, #tpu.memory_space<vmem>>
        tpu.enqueue_dma source(%dma_start3A_76 : memref<8x128xf32, #tpu.memory_space<vmem>>) target(%dma_start3A_73 : memref<8x128xf32, #tpu.memory_space<hbm>>) target_semaphore(%run_scoped3A : memref<!tpu.dma_semaphore, #tpu.memory_space<semaphore_mem>>)
        %dma_wait3A = arith.constant 0 : i32
        %dma_wait3A_77 = arith.constant 0 : i32
        %dma_wait3A_78 = tpu.memref_slice %arg10[%dma_wait3A, %dma_wait3A_77] : memref<104x128xf32, #tpu.memory_space<vmem>> -> memref<8x128xf32, #tpu.memory_space<vmem>>
        %dma_wait3A_79 = arith.constant 0 : i32
        %dma_wait3A_80 = tpu.memref_slice %arg6[%arg0, %multiple_of3A_65, %dma_wait3A_79] : memref<2x10000x128xf32, #tpu.memory_space<hbm>> -> memref<1x8x128xf32, #tpu.memory_space<hbm>>
        %dma_wait3A_81 = tpu.memref_squeeze %dma_wait3A_80 : memref<1x8x128xf32, #tpu.memory_space<hbm>> -> memref<8x128xf32, #tpu.memory_space<hbm>>
        %dma_wait3A_82 = arith.constant 0 : i32
        %dma_wait3A_83 = tpu.memref_slice %arg6[%arg0, %multiple_of3A_65, %dma_wait3A_82] : memref<2x10000x128xf32, #tpu.memory_space<hbm>> -> memref<1x8x128xf32, #tpu.memory_space<hbm>>
        %dma_wait3A_84 = tpu.memref_squeeze %dma_wait3A_83 : memref<1x8x128xf32, #tpu.memory_space<hbm>> -> memref<8x128xf32, #tpu.memory_space<hbm>>
        %dma_wait3A_85 = arith.constant 0 : i32
        %dma_wait3A_86 = arith.constant 0 : i32
        %dma_wait3A_87 = tpu.memref_slice %arg10[%dma_wait3A_85, %dma_wait3A_86] : memref<104x128xf32, #tpu.memory_space<vmem>> -> memref<8x128xf32, #tpu.memory_space<vmem>>
        tpu.wait_dma2 semaphore(%run_scoped3A : memref<!tpu.dma_semaphore, #tpu.memory_space<semaphore_mem>>) src(%dma_wait3A_87 : memref<8x128xf32, #tpu.memory_space<vmem>>) dst(%dma_wait3A_84 : memref<8x128xf32, #tpu.memory_space<hbm>>)
        tpu.yield
      }) : () -> ()
    } else {
    }
    return
  }
}

#map = affine_map<(d0, d1) -> (0, 0)>
#map1 = affine_map<(d0, d1) -> (0)>
#map2 = affine_map<(d0, d1) -> (0, 0, 0)>
module attributes {stable_mosaic.version = 14 : i64} {
  func.func @sc_mp2(%arg0: i32, %arg1: i32, %arg2: memref<10000x128xf32, #tpu.memory_space<hbm>>, %arg3: memref<10000x128xf32, #tpu.memory_space<hbm>>, %arg4: memref<320000xi32, #tpu.memory_space<hbm>>, %arg5: memref<320000xi32, #tpu.memory_space<hbm>>, %arg6: memref<104x128xf32, #tpu.memory_space<hbm>>, %arg7: memref<2x10000x128xf32, #tpu.memory_space<hbm>>, %arg8: memref<2x128xi32, #tpu.memory_space<vmem>>, %arg9: memref<2x128xi32, #tpu.memory_space<vmem>>, %arg10: memref<2x128x128xf32, #tpu.memory_space<vmem>>, %arg11: memref<104x128xf32, #tpu.memory_space<vmem>>, %arg12: memref<10000x128xf32, #tpu.memory_space<vmem_shared>>, %arg13: memref<!tpu.dma_semaphore, #tpu.memory_space<semaphore_mem>>, %arg14: memref<!tpu.dma_semaphore, #tpu.memory_space<semaphore_mem>>, %arg15: memref<!tpu.dma_semaphore, #tpu.memory_space<semaphore_mem>>, %arg16: memref<!tpu.dma_semaphore, #tpu.memory_space<semaphore_mem>>) attributes {dimension_semantics = [#tpu.dimension_semantics<core_parallel>, #tpu.dimension_semantics<subcore_parallel>], iteration_bounds = array<i64: 2, 16>, scalar_prefetch = 0 : i64, scratch_operands = 9 : i64, tpu.core_type = #tpu.core_type<sc_vector_subcore>, window_params = [{transform_indices = #map}, {transform_indices = #map}, {transform_indices = #map1}, {transform_indices = #map1}, {transform_indices = #map}, {transform_indices = #map2}]} {
    "tpu.region"() ({
      %run_scoped3A = tpu.sem_alloc : memref<!tpu.dma_semaphore, #tpu.memory_space<semaphore_mem>>
      tpu.enqueue_dma source(%arg6 : memref<104x128xf32, #tpu.memory_space<hbm>>) target(%arg11 : memref<104x128xf32, #tpu.memory_space<vmem>>) target_semaphore(%run_scoped3A : memref<!tpu.dma_semaphore, #tpu.memory_space<semaphore_mem>>)
      tpu.wait_dma2 semaphore(%run_scoped3A : memref<!tpu.dma_semaphore, #tpu.memory_space<semaphore_mem>>) src(%arg6 : memref<104x128xf32, #tpu.memory_space<hbm>>) dst(%arg11 : memref<104x128xf32, #tpu.memory_space<vmem>>)
      tpu.yield
    }) : () -> ()
    %mul3A = arith.constant 78 : i32
    %mul3A_0 = arith.muli %arg1, %mul3A : i32
    %min3A = arith.constant 2 : i32
    %min3A_1 = arith.minsi %arg1, %min3A : i32
    %add3A = arith.addi %mul3A_0, %min3A_1 : i32
    %mul3A_2 = arith.constant 8 : i32
    %mul3A_3 = arith.muli %add3A, %mul3A_2 : i32
    %add3A_4 = arith.constant 0 : i32
    %add3A_5 = arith.addi %mul3A_3, %add3A_4 : i32
    %multiple_of3A = tpu.assume_multiple %add3A_5, 8 : i32
    "tpu.region"() ({
      %run_scoped3A = tpu.sem_alloc : memref<!tpu.dma_semaphore, #tpu.memory_space<semaphore_mem>>
      %dma_start3A = arith.constant 0 : i32
      %dma_start3A_63 = tpu.memref_slice %arg12[%multiple_of3A, %dma_start3A] : memref<10000x128xf32, #tpu.memory_space<vmem_shared>> -> memref<104x128xf32, #tpu.memory_space<vmem_shared>>
      %dma_start3A_64 = arith.constant 0 : i32
      %dma_start3A_65 = tpu.memref_slice %arg12[%multiple_of3A, %dma_start3A_64] : memref<10000x128xf32, #tpu.memory_space<vmem_shared>> -> memref<104x128xf32, #tpu.memory_space<vmem_shared>>
      tpu.enqueue_dma source(%arg11 : memref<104x128xf32, #tpu.memory_space<vmem>>) target(%dma_start3A_65 : memref<104x128xf32, #tpu.memory_space<vmem_shared>>) target_semaphore(%run_scoped3A : memref<!tpu.dma_semaphore, #tpu.memory_space<semaphore_mem>>)
      %dma_wait3A = arith.constant 0 : i32
      %dma_wait3A_66 = tpu.memref_slice %arg12[%multiple_of3A, %dma_wait3A] : memref<10000x128xf32, #tpu.memory_space<vmem_shared>> -> memref<104x128xf32, #tpu.memory_space<vmem_shared>>
      %dma_wait3A_67 = arith.constant 0 : i32
      %dma_wait3A_68 = tpu.memref_slice %arg12[%multiple_of3A, %dma_wait3A_67] : memref<10000x128xf32, #tpu.memory_space<vmem_shared>> -> memref<104x128xf32, #tpu.memory_space<vmem_shared>>
      tpu.wait_dma2 semaphore(%run_scoped3A : memref<!tpu.dma_semaphore, #tpu.memory_space<semaphore_mem>>) src(%arg11 : memref<104x128xf32, #tpu.memory_space<vmem>>) dst(%dma_wait3A_68 : memref<104x128xf32, #tpu.memory_space<vmem_shared>>)
      tpu.yield
    }) : () -> ()
    %add3A_6 = arith.constant 104 : i32
    %add3A_7 = arith.addi %mul3A_3, %add3A_6 : i32
    %multiple_of3A_8 = tpu.assume_multiple %add3A_7, 8 : i32
    "tpu.region"() ({
      %run_scoped3A = tpu.sem_alloc : memref<!tpu.dma_semaphore, #tpu.memory_space<semaphore_mem>>
      %dma_start3A = arith.constant 0 : i32
      %dma_start3A_63 = tpu.memref_slice %arg12[%multiple_of3A_8, %dma_start3A] : memref<10000x128xf32, #tpu.memory_space<vmem_shared>> -> memref<104x128xf32, #tpu.memory_space<vmem_shared>>
      %dma_start3A_64 = arith.constant 0 : i32
      %dma_start3A_65 = tpu.memref_slice %arg12[%multiple_of3A_8, %dma_start3A_64] : memref<10000x128xf32, #tpu.memory_space<vmem_shared>> -> memref<104x128xf32, #tpu.memory_space<vmem_shared>>
      tpu.enqueue_dma source(%arg11 : memref<104x128xf32, #tpu.memory_space<vmem>>) target(%dma_start3A_65 : memref<104x128xf32, #tpu.memory_space<vmem_shared>>) target_semaphore(%run_scoped3A : memref<!tpu.dma_semaphore, #tpu.memory_space<semaphore_mem>>)
      %dma_wait3A = arith.constant 0 : i32
      %dma_wait3A_66 = tpu.memref_slice %arg12[%multiple_of3A_8, %dma_wait3A] : memref<10000x128xf32, #tpu.memory_space<vmem_shared>> -> memref<104x128xf32, #tpu.memory_space<vmem_shared>>
      %dma_wait3A_67 = arith.constant 0 : i32
      %dma_wait3A_68 = tpu.memref_slice %arg12[%multiple_of3A_8, %dma_wait3A_67] : memref<10000x128xf32, #tpu.memory_space<vmem_shared>> -> memref<104x128xf32, #tpu.memory_space<vmem_shared>>
      tpu.wait_dma2 semaphore(%run_scoped3A : memref<!tpu.dma_semaphore, #tpu.memory_space<semaphore_mem>>) src(%arg11 : memref<104x128xf32, #tpu.memory_space<vmem>>) dst(%dma_wait3A_68 : memref<104x128xf32, #tpu.memory_space<vmem_shared>>)
      tpu.yield
    }) : () -> ()
    %add3A_9 = arith.constant 208 : i32
    %add3A_10 = arith.addi %mul3A_3, %add3A_9 : i32
    %multiple_of3A_11 = tpu.assume_multiple %add3A_10, 8 : i32
    "tpu.region"() ({
      %run_scoped3A = tpu.sem_alloc : memref<!tpu.dma_semaphore, #tpu.memory_space<semaphore_mem>>
      %dma_start3A = arith.constant 0 : i32
      %dma_start3A_63 = tpu.memref_slice %arg12[%multiple_of3A_11, %dma_start3A] : memref<10000x128xf32, #tpu.memory_space<vmem_shared>> -> memref<104x128xf32, #tpu.memory_space<vmem_shared>>
      %dma_start3A_64 = arith.constant 0 : i32
      %dma_start3A_65 = tpu.memref_slice %arg12[%multiple_of3A_11, %dma_start3A_64] : memref<10000x128xf32, #tpu.memory_space<vmem_shared>> -> memref<104x128xf32, #tpu.memory_space<vmem_shared>>
      tpu.enqueue_dma source(%arg11 : memref<104x128xf32, #tpu.memory_space<vmem>>) target(%dma_start3A_65 : memref<104x128xf32, #tpu.memory_space<vmem_shared>>) target_semaphore(%run_scoped3A : memref<!tpu.dma_semaphore, #tpu.memory_space<semaphore_mem>>)
      %dma_wait3A = arith.constant 0 : i32
      %dma_wait3A_66 = tpu.memref_slice %arg12[%multiple_of3A_11, %dma_wait3A] : memref<10000x128xf32, #tpu.memory_space<vmem_shared>> -> memref<104x128xf32, #tpu.memory_space<vmem_shared>>
      %dma_wait3A_67 = arith.constant 0 : i32
      %dma_wait3A_68 = tpu.memref_slice %arg12[%multiple_of3A_11, %dma_wait3A_67] : memref<10000x128xf32, #tpu.memory_space<vmem_shared>> -> memref<104x128xf32, #tpu.memory_space<vmem_shared>>
      tpu.wait_dma2 semaphore(%run_scoped3A : memref<!tpu.dma_semaphore, #tpu.memory_space<semaphore_mem>>) src(%arg11 : memref<104x128xf32, #tpu.memory_space<vmem>>) dst(%dma_wait3A_68 : memref<104x128xf32, #tpu.memory_space<vmem_shared>>)
      tpu.yield
    }) : () -> ()
    %add3A_12 = arith.constant 312 : i32
    %add3A_13 = arith.addi %mul3A_3, %add3A_12 : i32
    %multiple_of3A_14 = tpu.assume_multiple %add3A_13, 8 : i32
    "tpu.region"() ({
      %run_scoped3A = tpu.sem_alloc : memref<!tpu.dma_semaphore, #tpu.memory_space<semaphore_mem>>
      %dma_start3A = arith.constant 0 : i32
      %dma_start3A_63 = tpu.memref_slice %arg12[%multiple_of3A_14, %dma_start3A] : memref<10000x128xf32, #tpu.memory_space<vmem_shared>> -> memref<104x128xf32, #tpu.memory_space<vmem_shared>>
      %dma_start3A_64 = arith.constant 0 : i32
      %dma_start3A_65 = tpu.memref_slice %arg12[%multiple_of3A_14, %dma_start3A_64] : memref<10000x128xf32, #tpu.memory_space<vmem_shared>> -> memref<104x128xf32, #tpu.memory_space<vmem_shared>>
      tpu.enqueue_dma source(%arg11 : memref<104x128xf32, #tpu.memory_space<vmem>>) target(%dma_start3A_65 : memref<104x128xf32, #tpu.memory_space<vmem_shared>>) target_semaphore(%run_scoped3A : memref<!tpu.dma_semaphore, #tpu.memory_space<semaphore_mem>>)
      %dma_wait3A = arith.constant 0 : i32
      %dma_wait3A_66 = tpu.memref_slice %arg12[%multiple_of3A_14, %dma_wait3A] : memref<10000x128xf32, #tpu.memory_space<vmem_shared>> -> memref<104x128xf32, #tpu.memory_space<vmem_shared>>
      %dma_wait3A_67 = arith.constant 0 : i32
      %dma_wait3A_68 = tpu.memref_slice %arg12[%multiple_of3A_14, %dma_wait3A_67] : memref<10000x128xf32, #tpu.memory_space<vmem_shared>> -> memref<104x128xf32, #tpu.memory_space<vmem_shared>>
      tpu.wait_dma2 semaphore(%run_scoped3A : memref<!tpu.dma_semaphore, #tpu.memory_space<semaphore_mem>>) src(%arg11 : memref<104x128xf32, #tpu.memory_space<vmem>>) dst(%dma_wait3A_68 : memref<104x128xf32, #tpu.memory_space<vmem_shared>>)
      tpu.yield
    }) : () -> ()
    %add3A_15 = arith.constant 416 : i32
    %add3A_16 = arith.addi %mul3A_3, %add3A_15 : i32
    %multiple_of3A_17 = tpu.assume_multiple %add3A_16, 8 : i32
    "tpu.region"() ({
      %run_scoped3A = tpu.sem_alloc : memref<!tpu.dma_semaphore, #tpu.memory_space<semaphore_mem>>
      %dma_start3A = arith.constant 0 : i32
      %dma_start3A_63 = tpu.memref_slice %arg12[%multiple_of3A_17, %dma_start3A] : memref<10000x128xf32, #tpu.memory_space<vmem_shared>> -> memref<104x128xf32, #tpu.memory_space<vmem_shared>>
      %dma_start3A_64 = arith.constant 0 : i32
      %dma_start3A_65 = tpu.memref_slice %arg12[%multiple_of3A_17, %dma_start3A_64] : memref<10000x128xf32, #tpu.memory_space<vmem_shared>> -> memref<104x128xf32, #tpu.memory_space<vmem_shared>>
      tpu.enqueue_dma source(%arg11 : memref<104x128xf32, #tpu.memory_space<vmem>>) target(%dma_start3A_65 : memref<104x128xf32, #tpu.memory_space<vmem_shared>>) target_semaphore(%run_scoped3A : memref<!tpu.dma_semaphore, #tpu.memory_space<semaphore_mem>>)
      %dma_wait3A = arith.constant 0 : i32
      %dma_wait3A_66 = tpu.memref_slice %arg12[%multiple_of3A_17, %dma_wait3A] : memref<10000x128xf32, #tpu.memory_space<vmem_shared>> -> memref<104x128xf32, #tpu.memory_space<vmem_shared>>
      %dma_wait3A_67 = arith.constant 0 : i32
      %dma_wait3A_68 = tpu.memref_slice %arg12[%multiple_of3A_17, %dma_wait3A_67] : memref<10000x128xf32, #tpu.memory_space<vmem_shared>> -> memref<104x128xf32, #tpu.memory_space<vmem_shared>>
      tpu.wait_dma2 semaphore(%run_scoped3A : memref<!tpu.dma_semaphore, #tpu.memory_space<semaphore_mem>>) src(%arg11 : memref<104x128xf32, #tpu.memory_space<vmem>>) dst(%dma_wait3A_68 : memref<104x128xf32, #tpu.memory_space<vmem_shared>>)
      tpu.yield
    }) : () -> ()
    %add3A_18 = arith.constant 520 : i32
    %add3A_19 = arith.addi %mul3A_3, %add3A_18 : i32
    %multiple_of3A_20 = tpu.assume_multiple %add3A_19, 8 : i32
    "tpu.region"() ({
      %run_scoped3A = tpu.sem_alloc : memref<!tpu.dma_semaphore, #tpu.memory_space<semaphore_mem>>
      %dma_start3A = arith.constant 0 : i32
      %dma_start3A_63 = tpu.memref_slice %arg12[%multiple_of3A_20, %dma_start3A] : memref<10000x128xf32, #tpu.memory_space<vmem_shared>> -> memref<104x128xf32, #tpu.memory_space<vmem_shared>>
      %dma_start3A_64 = arith.constant 0 : i32
      %dma_start3A_65 = tpu.memref_slice %arg12[%multiple_of3A_20, %dma_start3A_64] : memref<10000x128xf32, #tpu.memory_space<vmem_shared>> -> memref<104x128xf32, #tpu.memory_space<vmem_shared>>
      tpu.enqueue_dma source(%arg11 : memref<104x128xf32, #tpu.memory_space<vmem>>) target(%dma_start3A_65 : memref<104x128xf32, #tpu.memory_space<vmem_shared>>) target_semaphore(%run_scoped3A : memref<!tpu.dma_semaphore, #tpu.memory_space<semaphore_mem>>)
      %dma_wait3A = arith.constant 0 : i32
      %dma_wait3A_66 = tpu.memref_slice %arg12[%multiple_of3A_20, %dma_wait3A] : memref<10000x128xf32, #tpu.memory_space<vmem_shared>> -> memref<104x128xf32, #tpu.memory_space<vmem_shared>>
      %dma_wait3A_67 = arith.constant 0 : i32
      %dma_wait3A_68 = tpu.memref_slice %arg12[%multiple_of3A_20, %dma_wait3A_67] : memref<10000x128xf32, #tpu.memory_space<vmem_shared>> -> memref<104x128xf32, #tpu.memory_space<vmem_shared>>
      tpu.wait_dma2 semaphore(%run_scoped3A : memref<!tpu.dma_semaphore, #tpu.memory_space<semaphore_mem>>) src(%arg11 : memref<104x128xf32, #tpu.memory_space<vmem>>) dst(%dma_wait3A_68 : memref<104x128xf32, #tpu.memory_space<vmem_shared>>)
      tpu.yield
    }) : () -> ()
    %lt3A = arith.constant 2 : i32
    %lt3A_21 = arith.cmpi slt, %arg1, %lt3A : i32
    %convert_element_type3A = arith.extui %lt3A_21 : i1 to i32
    %cond3A = arith.constant 0 : i32
    %cond3A_22 = arith.cmpi ne, %convert_element_type3A, %cond3A : i32
    scf.if %cond3A_22 {
      %add3A_63 = arith.constant 624 : i32
      %add3A_64 = arith.addi %mul3A_3, %add3A_63 : i32
      %multiple_of3A_65 = tpu.assume_multiple %add3A_64, 8 : i32
      "tpu.region"() ({
        %run_scoped3A = tpu.sem_alloc : memref<!tpu.dma_semaphore, #tpu.memory_space<semaphore_mem>>
        %dma_start3A = arith.constant 0 : i32
        %dma_start3A_66 = arith.constant 0 : i32
        %dma_start3A_67 = tpu.memref_slice %arg11[%dma_start3A, %dma_start3A_66] : memref<104x128xf32, #tpu.memory_space<vmem>> -> memref<8x128xf32, #tpu.memory_space<vmem>>
        %dma_start3A_68 = arith.constant 0 : i32
        %dma_start3A_69 = tpu.memref_slice %arg12[%multiple_of3A_65, %dma_start3A_68] : memref<10000x128xf32, #tpu.memory_space<vmem_shared>> -> memref<8x128xf32, #tpu.memory_space<vmem_shared>>
        %dma_start3A_70 = arith.constant 0 : i32
        %dma_start3A_71 = tpu.memref_slice %arg12[%multiple_of3A_65, %dma_start3A_70] : memref<10000x128xf32, #tpu.memory_space<vmem_shared>> -> memref<8x128xf32, #tpu.memory_space<vmem_shared>>
        %dma_start3A_72 = arith.constant 0 : i32
        %dma_start3A_73 = arith.constant 0 : i32
        %dma_start3A_74 = tpu.memref_slice %arg11[%dma_start3A_72, %dma_start3A_73] : memref<104x128xf32, #tpu.memory_space<vmem>> -> memref<8x128xf32, #tpu.memory_space<vmem>>
        tpu.enqueue_dma source(%dma_start3A_74 : memref<8x128xf32, #tpu.memory_space<vmem>>) target(%dma_start3A_71 : memref<8x128xf32, #tpu.memory_space<vmem_shared>>) target_semaphore(%run_scoped3A : memref<!tpu.dma_semaphore, #tpu.memory_space<semaphore_mem>>)
        %dma_wait3A = arith.constant 0 : i32
        %dma_wait3A_75 = arith.constant 0 : i32
        %dma_wait3A_76 = tpu.memref_slice %arg11[%dma_wait3A, %dma_wait3A_75] : memref<104x128xf32, #tpu.memory_space<vmem>> -> memref<8x128xf32, #tpu.memory_space<vmem>>
        %dma_wait3A_77 = arith.constant 0 : i32
        %dma_wait3A_78 = tpu.memref_slice %arg12[%multiple_of3A_65, %dma_wait3A_77] : memref<10000x128xf32, #tpu.memory_space<vmem_shared>> -> memref<8x128xf32, #tpu.memory_space<vmem_shared>>
        %dma_wait3A_79 = arith.constant 0 : i32
        %dma_wait3A_80 = tpu.memref_slice %arg12[%multiple_of3A_65, %dma_wait3A_79] : memref<10000x128xf32, #tpu.memory_space<vmem_shared>> -> memref<8x128xf32, #tpu.memory_space<vmem_shared>>
        %dma_wait3A_81 = arith.constant 0 : i32
        %dma_wait3A_82 = arith.constant 0 : i32
        %dma_wait3A_83 = tpu.memref_slice %arg11[%dma_wait3A_81, %dma_wait3A_82] : memref<104x128xf32, #tpu.memory_space<vmem>> -> memref<8x128xf32, #tpu.memory_space<vmem>>
        tpu.wait_dma2 semaphore(%run_scoped3A : memref<!tpu.dma_semaphore, #tpu.memory_space<semaphore_mem>>) src(%dma_wait3A_83 : memref<8x128xf32, #tpu.memory_space<vmem>>) dst(%dma_wait3A_80 : memref<8x128xf32, #tpu.memory_space<vmem_shared>>)
        tpu.yield
      }) : () -> ()
    } else {
    }
    %barrier3A = arith.constant 0 : index
    tpu.barrier barrier_id(%barrier3A)
    %eq3A = arith.constant 0 : i32
    %eq3A_23 = arith.cmpi eq, %arg0, %eq3A : i32
    %convert_element_type3A_24 = arith.extui %eq3A_23 : i1 to i32
    %cond3A_25 = arith.constant 0 : i32
    %cond3A_26 = arith.cmpi ne, %convert_element_type3A_24, %cond3A_25 : i32
    scf.if %cond3A_26 {
      %lt3A_63 = arith.constant 4 : i32
      %lt3A_64 = arith.cmpi slt, %arg1, %lt3A_63 : i32
      %jit3A = arith.constant 1 : i32
      %jit3A_65 = arith.constant 0 : i32
      %select_n3A = arith.select %lt3A_64, %jit3A, %jit3A_65 : i32
      %add3A_66 = arith.constant 156 : i32
      %add3A_67 = arith.addi %add3A_66, %select_n3A : i32
      %mul3A_68 = arith.constant 156 : i32
      %mul3A_69 = arith.muli %arg1, %mul3A_68 : i32
      %min3A_70 = arith.constant 4 : i32
      %min3A_71 = arith.minsi %arg1, %min3A_70 : i32
      %add3A_72 = arith.addi %mul3A_69, %min3A_71 : i32
      %scan3A = arith.constant 0 : i32
      %scan3A_73 = arith.constant 0 : i32
      %scan3A_74 = arith.constant 158 : i32
      %scan3A_75 = arith.addi %scan3A_73, %scan3A_74 : i32
      %scan3A_76 = arith.constant 1 : i32
      scf.for %scan3A_101 = %scan3A_73 to %scan3A_75 step %scan3A_76  : i32 {
        %rem3A = arith.constant 2 : i32
        %rem3A_102 = arith.remsi %scan3A_101, %rem3A : i32
        %eq3A_103 = arith.constant 0 : i32
        %eq3A_104 = arith.cmpi eq, %rem3A_102, %eq3A_103 : i32
        %ge3A = arith.constant 2 : i32
        %ge3A_105 = arith.cmpi sge, %scan3A_101, %ge3A : i32
        %and3A = arith.andi %eq3A_104, %ge3A_105 : i1
        %lt3A_106 = arith.cmpi slt, %scan3A_101, %add3A_67 : i32
        %and3A_107 = arith.andi %and3A, %lt3A_106 : i1
        %convert_element_type3A_108 = arith.extui %and3A_107 : i1 to i32
        %cond3A_109 = arith.constant 0 : i32
        %cond3A_110 = arith.cmpi ne, %convert_element_type3A_108, %cond3A_109 : i32
        scf.if %cond3A_110 {
          %dma_wait3A_154 = arith.constant 0 : i32
          %dma_wait3A_155 = arith.constant 0 : i32
          %dma_wait3A_156 = arith.constant 0 : i32
          %dma_wait3A_157 = arith.constant 0 : i32
          %dma_wait3A_158 = tpu.memref_slice %arg10[%dma_wait3A_154, %dma_wait3A_156, %dma_wait3A_157] : memref<2x128x128xf32, #tpu.memory_space<vmem>> -> memref<1x128x128xf32, #tpu.memory_space<vmem>>
          %dma_wait3A_159 = tpu.memref_squeeze %dma_wait3A_158 : memref<1x128x128xf32, #tpu.memory_space<vmem>> -> memref<128x128xf32, #tpu.memory_space<vmem>>
          %dma_wait3A_160 = arith.constant 0 : i32
          %dma_wait3A_161 = tpu.memref_slice %arg9[%dma_wait3A_155, %dma_wait3A_160] : memref<2x128xi32, #tpu.memory_space<vmem>> -> memref<1x128xi32, #tpu.memory_space<vmem>>
          %dma_wait3A_162 = tpu.memref_squeeze %dma_wait3A_161 : memref<1x128xi32, #tpu.memory_space<vmem>> -> memref<128xi32, #tpu.memory_space<vmem>>
          %dma_wait3A_163 = arith.constant 0 : i32
          %dma_wait3A_164 = arith.constant 0 : i32
          %dma_wait3A_165 = tpu.memref_slice %arg12[%dma_wait3A_163, %dma_wait3A_164] : memref<10000x128xf32, #tpu.memory_space<vmem_shared>> -> memref<10000x128xf32, #tpu.memory_space<vmem_shared>>
          tpu.wait_indirect_dma semaphore(%arg15 : memref<!tpu.dma_semaphore, #tpu.memory_space<semaphore_mem>>) src(%dma_wait3A_159 : memref<128x128xf32, #tpu.memory_space<vmem>>) dst(%dma_wait3A_165 : memref<10000x128xf32, #tpu.memory_space<vmem_shared>>)
        } else {
        }
        %eq3A_111 = arith.constant 0 : i32
        %eq3A_112 = arith.cmpi eq, %rem3A_102, %eq3A_111 : i32
        %lt3A_113 = arith.cmpi slt, %scan3A_101, %add3A_67 : i32
        %and3A_114 = arith.andi %eq3A_112, %lt3A_113 : i1
        %convert_element_type3A_115 = arith.extui %and3A_114 : i1 to i32
        %cond3A_116 = arith.constant 0 : i32
        %cond3A_117 = arith.cmpi ne, %convert_element_type3A_115, %cond3A_116 : i32
        scf.if %cond3A_117 {
          %add3A_154 = arith.addi %add3A_72, %scan3A_101 : i32
          %mul3A_155 = arith.constant 128 : i32
          %mul3A_156 = arith.muli %add3A_154, %mul3A_155 : i32
          %multiple_of3A_157 = tpu.assume_multiple %mul3A_156, 128 : i32
          %run_scoped3A = arith.constant 0 : i32
          "tpu.region"() ({
            %run_scoped3A_170 = tpu.sem_alloc : memref<!tpu.dma_semaphore, #tpu.memory_space<semaphore_mem>>
            %dma_start3A_171 = arith.constant 0 : i32
            %dma_start3A_172 = tpu.memref_slice %arg8[%run_scoped3A, %dma_start3A_171] : memref<2x128xi32, #tpu.memory_space<vmem>> -> memref<1x128xi32, #tpu.memory_space<vmem>>
            %dma_start3A_173 = tpu.memref_squeeze %dma_start3A_172 : memref<1x128xi32, #tpu.memory_space<vmem>> -> memref<128xi32, #tpu.memory_space<vmem>>
            %dma_start3A_174 = tpu.memref_slice %arg4[%multiple_of3A_157] : memref<320000xi32, #tpu.memory_space<hbm>> -> memref<128xi32, #tpu.memory_space<hbm>>
            %dma_start3A_175 = arith.constant 0 : i32
            %dma_start3A_176 = tpu.memref_slice %arg8[%run_scoped3A, %dma_start3A_175] : memref<2x128xi32, #tpu.memory_space<vmem>> -> memref<1x128xi32, #tpu.memory_space<vmem>>
            %dma_start3A_177 = tpu.memref_squeeze %dma_start3A_176 : memref<1x128xi32, #tpu.memory_space<vmem>> -> memref<128xi32, #tpu.memory_space<vmem>>
            %dma_start3A_178 = tpu.memref_slice %arg4[%multiple_of3A_157] : memref<320000xi32, #tpu.memory_space<hbm>> -> memref<128xi32, #tpu.memory_space<hbm>>
            tpu.enqueue_dma source(%dma_start3A_178 : memref<128xi32, #tpu.memory_space<hbm>>) target(%dma_start3A_177 : memref<128xi32, #tpu.memory_space<vmem>>) target_semaphore(%run_scoped3A_170 : memref<!tpu.dma_semaphore, #tpu.memory_space<semaphore_mem>>)
            %dma_wait3A_179 = arith.constant 0 : i32
            %dma_wait3A_180 = tpu.memref_slice %arg8[%run_scoped3A, %dma_wait3A_179] : memref<2x128xi32, #tpu.memory_space<vmem>> -> memref<1x128xi32, #tpu.memory_space<vmem>>
            %dma_wait3A_181 = tpu.memref_squeeze %dma_wait3A_180 : memref<1x128xi32, #tpu.memory_space<vmem>> -> memref<128xi32, #tpu.memory_space<vmem>>
            %dma_wait3A_182 = tpu.memref_slice %arg4[%multiple_of3A_157] : memref<320000xi32, #tpu.memory_space<hbm>> -> memref<128xi32, #tpu.memory_space<hbm>>
            %dma_wait3A_183 = arith.constant 0 : i32
            %dma_wait3A_184 = tpu.memref_slice %arg8[%run_scoped3A, %dma_wait3A_183] : memref<2x128xi32, #tpu.memory_space<vmem>> -> memref<1x128xi32, #tpu.memory_space<vmem>>
            %dma_wait3A_185 = tpu.memref_squeeze %dma_wait3A_184 : memref<1x128xi32, #tpu.memory_space<vmem>> -> memref<128xi32, #tpu.memory_space<vmem>>
            %dma_wait3A_186 = tpu.memref_slice %arg4[%multiple_of3A_157] : memref<320000xi32, #tpu.memory_space<hbm>> -> memref<128xi32, #tpu.memory_space<hbm>>
            tpu.wait_dma2 semaphore(%run_scoped3A_170 : memref<!tpu.dma_semaphore, #tpu.memory_space<semaphore_mem>>) src(%dma_wait3A_186 : memref<128xi32, #tpu.memory_space<hbm>>) dst(%dma_wait3A_185 : memref<128xi32, #tpu.memory_space<vmem>>)
            tpu.yield
          }) : () -> ()
          %run_scoped3A_158 = arith.constant 0 : i32
          "tpu.region"() ({
            %run_scoped3A_170 = tpu.sem_alloc : memref<!tpu.dma_semaphore, #tpu.memory_space<semaphore_mem>>
            %dma_start3A_171 = arith.constant 0 : i32
            %dma_start3A_172 = tpu.memref_slice %arg9[%run_scoped3A_158, %dma_start3A_171] : memref<2x128xi32, #tpu.memory_space<vmem>> -> memref<1x128xi32, #tpu.memory_space<vmem>>
            %dma_start3A_173 = tpu.memref_squeeze %dma_start3A_172 : memref<1x128xi32, #tpu.memory_space<vmem>> -> memref<128xi32, #tpu.memory_space<vmem>>
            %dma_start3A_174 = tpu.memref_slice %arg5[%multiple_of3A_157] : memref<320000xi32, #tpu.memory_space<hbm>> -> memref<128xi32, #tpu.memory_space<hbm>>
            %dma_start3A_175 = arith.constant 0 : i32
            %dma_start3A_176 = tpu.memref_slice %arg9[%run_scoped3A_158, %dma_start3A_175] : memref<2x128xi32, #tpu.memory_space<vmem>> -> memref<1x128xi32, #tpu.memory_space<vmem>>
            %dma_start3A_177 = tpu.memref_squeeze %dma_start3A_176 : memref<1x128xi32, #tpu.memory_space<vmem>> -> memref<128xi32, #tpu.memory_space<vmem>>
            %dma_start3A_178 = tpu.memref_slice %arg5[%multiple_of3A_157] : memref<320000xi32, #tpu.memory_space<hbm>> -> memref<128xi32, #tpu.memory_space<hbm>>
            tpu.enqueue_dma source(%dma_start3A_178 : memref<128xi32, #tpu.memory_space<hbm>>) target(%dma_start3A_177 : memref<128xi32, #tpu.memory_space<vmem>>) target_semaphore(%run_scoped3A_170 : memref<!tpu.dma_semaphore, #tpu.memory_space<semaphore_mem>>)
            %dma_wait3A_179 = arith.constant 0 : i32
            %dma_wait3A_180 = tpu.memref_slice %arg9[%run_scoped3A_158, %dma_wait3A_179] : memref<2x128xi32, #tpu.memory_space<vmem>> -> memref<1x128xi32, #tpu.memory_space<vmem>>
            %dma_wait3A_181 = tpu.memref_squeeze %dma_wait3A_180 : memref<1x128xi32, #tpu.memory_space<vmem>> -> memref<128xi32, #tpu.memory_space<vmem>>
            %dma_wait3A_182 = tpu.memref_slice %arg5[%multiple_of3A_157] : memref<320000xi32, #tpu.memory_space<hbm>> -> memref<128xi32, #tpu.memory_space<hbm>>
            %dma_wait3A_183 = arith.constant 0 : i32
            %dma_wait3A_184 = tpu.memref_slice %arg9[%run_scoped3A_158, %dma_wait3A_183] : memref<2x128xi32, #tpu.memory_space<vmem>> -> memref<1x128xi32, #tpu.memory_space<vmem>>
            %dma_wait3A_185 = tpu.memref_squeeze %dma_wait3A_184 : memref<1x128xi32, #tpu.memory_space<vmem>> -> memref<128xi32, #tpu.memory_space<vmem>>
            %dma_wait3A_186 = tpu.memref_slice %arg5[%multiple_of3A_157] : memref<320000xi32, #tpu.memory_space<hbm>> -> memref<128xi32, #tpu.memory_space<hbm>>
            tpu.wait_dma2 semaphore(%run_scoped3A_170 : memref<!tpu.dma_semaphore, #tpu.memory_space<semaphore_mem>>) src(%dma_wait3A_186 : memref<128xi32, #tpu.memory_space<hbm>>) dst(%dma_wait3A_185 : memref<128xi32, #tpu.memory_space<vmem>>)
            tpu.yield
          }) : () -> ()
          %dma_start3A = arith.constant 0 : i32
          %dma_start3A_159 = arith.constant 0 : i32
          %dma_start3A_160 = arith.constant 0 : i32
          %dma_start3A_161 = arith.constant 0 : i32
          %dma_start3A_162 = tpu.memref_slice %arg10[%dma_start3A_159, %dma_start3A_160, %dma_start3A_161] : memref<2x128x128xf32, #tpu.memory_space<vmem>> -> memref<1x128x128xf32, #tpu.memory_space<vmem>>
          %dma_start3A_163 = tpu.memref_squeeze %dma_start3A_162 : memref<1x128x128xf32, #tpu.memory_space<vmem>> -> memref<128x128xf32, #tpu.memory_space<vmem>>
          %dma_start3A_164 = arith.constant 0 : i32
          %dma_start3A_165 = tpu.memref_slice %arg8[%dma_start3A, %dma_start3A_164] : memref<2x128xi32, #tpu.memory_space<vmem>> -> memref<1x128xi32, #tpu.memory_space<vmem>>
          %dma_start3A_166 = tpu.memref_squeeze %dma_start3A_165 : memref<1x128xi32, #tpu.memory_space<vmem>> -> memref<128xi32, #tpu.memory_space<vmem>>
          %dma_start3A_167 = arith.constant 0 : i32
          %dma_start3A_168 = arith.constant 0 : i32
          %dma_start3A_169 = tpu.memref_slice %arg2[%dma_start3A_167, %dma_start3A_168] : memref<10000x128xf32, #tpu.memory_space<hbm>> -> memref<10000x128xf32, #tpu.memory_space<hbm>>
          tpu.enqueue_indirect_dma source(%dma_start3A_169 : memref<10000x128xf32, #tpu.memory_space<hbm>>) target(%dma_start3A_163 : memref<128x128xf32, #tpu.memory_space<vmem>>) offsets(%dma_start3A_166 : memref<128xi32, #tpu.memory_space<vmem>>) semaphore(%arg13 : memref<!tpu.dma_semaphore, #tpu.memory_space<semaphore_mem>>)
        } else {
        }
        %eq3A_118 = arith.constant 0 : i32
        %eq3A_119 = arith.cmpi eq, %rem3A_102, %eq3A_118 : i32
        %ge3A_120 = arith.constant 1 : i32
        %ge3A_121 = arith.cmpi sge, %scan3A_101, %ge3A_120 : i32
        %and3A_122 = arith.andi %eq3A_119, %ge3A_121 : i1
        %le3A = arith.cmpi sle, %scan3A_101, %add3A_67 : i32
        %and3A_123 = arith.andi %and3A_122, %le3A : i1
        %convert_element_type3A_124 = arith.extui %and3A_123 : i1 to i32
        %cond3A_125 = arith.constant 0 : i32
        %cond3A_126 = arith.cmpi ne, %convert_element_type3A_124, %cond3A_125 : i32
        scf.if %cond3A_126 {
          %dma_wait3A_154 = arith.constant 1 : i32
          %dma_wait3A_155 = arith.constant 1 : i32
          %dma_wait3A_156 = arith.constant 0 : i32
          %dma_wait3A_157 = arith.constant 0 : i32
          %dma_wait3A_158 = tpu.memref_slice %arg10[%dma_wait3A_155, %dma_wait3A_156, %dma_wait3A_157] : memref<2x128x128xf32, #tpu.memory_space<vmem>> -> memref<1x128x128xf32, #tpu.memory_space<vmem>>
          %dma_wait3A_159 = tpu.memref_squeeze %dma_wait3A_158 : memref<1x128x128xf32, #tpu.memory_space<vmem>> -> memref<128x128xf32, #tpu.memory_space<vmem>>
          %dma_wait3A_160 = arith.constant 0 : i32
          %dma_wait3A_161 = tpu.memref_slice %arg8[%dma_wait3A_154, %dma_wait3A_160] : memref<2x128xi32, #tpu.memory_space<vmem>> -> memref<1x128xi32, #tpu.memory_space<vmem>>
          %dma_wait3A_162 = tpu.memref_squeeze %dma_wait3A_161 : memref<1x128xi32, #tpu.memory_space<vmem>> -> memref<128xi32, #tpu.memory_space<vmem>>
          %dma_wait3A_163 = arith.constant 0 : i32
          %dma_wait3A_164 = arith.constant 0 : i32
          %dma_wait3A_165 = tpu.memref_slice %arg2[%dma_wait3A_163, %dma_wait3A_164] : memref<10000x128xf32, #tpu.memory_space<hbm>> -> memref<10000x128xf32, #tpu.memory_space<hbm>>
          tpu.wait_indirect_dma semaphore(%arg14 : memref<!tpu.dma_semaphore, #tpu.memory_space<semaphore_mem>>) src(%dma_wait3A_165 : memref<10000x128xf32, #tpu.memory_space<hbm>>) dst(%dma_wait3A_159 : memref<128x128xf32, #tpu.memory_space<vmem>>)
          %dma_start3A = arith.constant 1 : i32
          %dma_start3A_166 = arith.constant 1 : i32
          %dma_start3A_167 = arith.constant 0 : i32
          %dma_start3A_168 = arith.constant 0 : i32
          %dma_start3A_169 = tpu.memref_slice %arg10[%dma_start3A, %dma_start3A_167, %dma_start3A_168] : memref<2x128x128xf32, #tpu.memory_space<vmem>> -> memref<1x128x128xf32, #tpu.memory_space<vmem>>
          %dma_start3A_170 = tpu.memref_squeeze %dma_start3A_169 : memref<1x128x128xf32, #tpu.memory_space<vmem>> -> memref<128x128xf32, #tpu.memory_space<vmem>>
          %dma_start3A_171 = arith.constant 0 : i32
          %dma_start3A_172 = tpu.memref_slice %arg9[%dma_start3A_166, %dma_start3A_171] : memref<2x128xi32, #tpu.memory_space<vmem>> -> memref<1x128xi32, #tpu.memory_space<vmem>>
          %dma_start3A_173 = tpu.memref_squeeze %dma_start3A_172 : memref<1x128xi32, #tpu.memory_space<vmem>> -> memref<128xi32, #tpu.memory_space<vmem>>
          %dma_start3A_174 = arith.constant 0 : i32
          %dma_start3A_175 = arith.constant 0 : i32
          %dma_start3A_176 = tpu.memref_slice %arg12[%dma_start3A_174, %dma_start3A_175] : memref<10000x128xf32, #tpu.memory_space<vmem_shared>> -> memref<10000x128xf32, #tpu.memory_space<vmem_shared>>
          tpu.enqueue_indirect_dma source(%dma_start3A_170 : memref<128x128xf32, #tpu.memory_space<vmem>>) target(%dma_start3A_176 : memref<10000x128xf32, #tpu.memory_space<vmem_shared>>) offsets(%dma_start3A_173 : memref<128xi32, #tpu.memory_space<vmem>>) semaphore(%arg16 : memref<!tpu.dma_semaphore, #tpu.memory_space<semaphore_mem>>) {add = true}
        } else {
        }
        %eq3A_127 = arith.constant 1 : i32
        %eq3A_128 = arith.cmpi eq, %rem3A_102, %eq3A_127 : i32
        %ge3A_129 = arith.constant 2 : i32
        %ge3A_130 = arith.cmpi sge, %scan3A_101, %ge3A_129 : i32
        %and3A_131 = arith.andi %eq3A_128, %ge3A_130 : i1
        %lt3A_132 = arith.cmpi slt, %scan3A_101, %add3A_67 : i32
        %and3A_133 = arith.andi %and3A_131, %lt3A_132 : i1
        %convert_element_type3A_134 = arith.extui %and3A_133 : i1 to i32
        %cond3A_135 = arith.constant 0 : i32
        %cond3A_136 = arith.cmpi ne, %convert_element_type3A_134, %cond3A_135 : i32
        scf.if %cond3A_136 {
          %dma_wait3A_154 = arith.constant 1 : i32
          %dma_wait3A_155 = arith.constant 1 : i32
          %dma_wait3A_156 = arith.constant 0 : i32
          %dma_wait3A_157 = arith.constant 0 : i32
          %dma_wait3A_158 = tpu.memref_slice %arg10[%dma_wait3A_154, %dma_wait3A_156, %dma_wait3A_157] : memref<2x128x128xf32, #tpu.memory_space<vmem>> -> memref<1x128x128xf32, #tpu.memory_space<vmem>>
          %dma_wait3A_159 = tpu.memref_squeeze %dma_wait3A_158 : memref<1x128x128xf32, #tpu.memory_space<vmem>> -> memref<128x128xf32, #tpu.memory_space<vmem>>
          %dma_wait3A_160 = arith.constant 0 : i32
          %dma_wait3A_161 = tpu.memref_slice %arg9[%dma_wait3A_155, %dma_wait3A_160] : memref<2x128xi32, #tpu.memory_space<vmem>> -> memref<1x128xi32, #tpu.memory_space<vmem>>
          %dma_wait3A_162 = tpu.memref_squeeze %dma_wait3A_161 : memref<1x128xi32, #tpu.memory_space<vmem>> -> memref<128xi32, #tpu.memory_space<vmem>>
          %dma_wait3A_163 = arith.constant 0 : i32
          %dma_wait3A_164 = arith.constant 0 : i32
          %dma_wait3A_165 = tpu.memref_slice %arg12[%dma_wait3A_163, %dma_wait3A_164] : memref<10000x128xf32, #tpu.memory_space<vmem_shared>> -> memref<10000x128xf32, #tpu.memory_space<vmem_shared>>
          tpu.wait_indirect_dma semaphore(%arg16 : memref<!tpu.dma_semaphore, #tpu.memory_space<semaphore_mem>>) src(%dma_wait3A_159 : memref<128x128xf32, #tpu.memory_space<vmem>>) dst(%dma_wait3A_165 : memref<10000x128xf32, #tpu.memory_space<vmem_shared>>)
        } else {
        }
        %eq3A_137 = arith.constant 1 : i32
        %eq3A_138 = arith.cmpi eq, %rem3A_102, %eq3A_137 : i32
        %lt3A_139 = arith.cmpi slt, %scan3A_101, %add3A_67 : i32
        %and3A_140 = arith.andi %eq3A_138, %lt3A_139 : i1
        %convert_element_type3A_141 = arith.extui %and3A_140 : i1 to i32
        %cond3A_142 = arith.constant 0 : i32
        %cond3A_143 = arith.cmpi ne, %convert_element_type3A_141, %cond3A_142 : i32
        scf.if %cond3A_143 {
          %add3A_154 = arith.addi %add3A_72, %scan3A_101 : i32
          %mul3A_155 = arith.constant 128 : i32
          %mul3A_156 = arith.muli %add3A_154, %mul3A_155 : i32
          %multiple_of3A_157 = tpu.assume_multiple %mul3A_156, 128 : i32
          %run_scoped3A = arith.constant 1 : i32
          "tpu.region"() ({
            %run_scoped3A_170 = tpu.sem_alloc : memref<!tpu.dma_semaphore, #tpu.memory_space<semaphore_mem>>
            %dma_start3A_171 = arith.constant 0 : i32
            %dma_start3A_172 = tpu.memref_slice %arg8[%run_scoped3A, %dma_start3A_171] : memref<2x128xi32, #tpu.memory_space<vmem>> -> memref<1x128xi32, #tpu.memory_space<vmem>>
            %dma_start3A_173 = tpu.memref_squeeze %dma_start3A_172 : memref<1x128xi32, #tpu.memory_space<vmem>> -> memref<128xi32, #tpu.memory_space<vmem>>
            %dma_start3A_174 = tpu.memref_slice %arg4[%multiple_of3A_157] : memref<320000xi32, #tpu.memory_space<hbm>> -> memref<128xi32, #tpu.memory_space<hbm>>
            %dma_start3A_175 = arith.constant 0 : i32
            %dma_start3A_176 = tpu.memref_slice %arg8[%run_scoped3A, %dma_start3A_175] : memref<2x128xi32, #tpu.memory_space<vmem>> -> memref<1x128xi32, #tpu.memory_space<vmem>>
            %dma_start3A_177 = tpu.memref_squeeze %dma_start3A_176 : memref<1x128xi32, #tpu.memory_space<vmem>> -> memref<128xi32, #tpu.memory_space<vmem>>
            %dma_start3A_178 = tpu.memref_slice %arg4[%multiple_of3A_157] : memref<320000xi32, #tpu.memory_space<hbm>> -> memref<128xi32, #tpu.memory_space<hbm>>
            tpu.enqueue_dma source(%dma_start3A_178 : memref<128xi32, #tpu.memory_space<hbm>>) target(%dma_start3A_177 : memref<128xi32, #tpu.memory_space<vmem>>) target_semaphore(%run_scoped3A_170 : memref<!tpu.dma_semaphore, #tpu.memory_space<semaphore_mem>>)
            %dma_wait3A_179 = arith.constant 0 : i32
            %dma_wait3A_180 = tpu.memref_slice %arg8[%run_scoped3A, %dma_wait3A_179] : memref<2x128xi32, #tpu.memory_space<vmem>> -> memref<1x128xi32, #tpu.memory_space<vmem>>
            %dma_wait3A_181 = tpu.memref_squeeze %dma_wait3A_180 : memref<1x128xi32, #tpu.memory_space<vmem>> -> memref<128xi32, #tpu.memory_space<vmem>>
            %dma_wait3A_182 = tpu.memref_slice %arg4[%multiple_of3A_157] : memref<320000xi32, #tpu.memory_space<hbm>> -> memref<128xi32, #tpu.memory_space<hbm>>
            %dma_wait3A_183 = arith.constant 0 : i32
            %dma_wait3A_184 = tpu.memref_slice %arg8[%run_scoped3A, %dma_wait3A_183] : memref<2x128xi32, #tpu.memory_space<vmem>> -> memref<1x128xi32, #tpu.memory_space<vmem>>
            %dma_wait3A_185 = tpu.memref_squeeze %dma_wait3A_184 : memref<1x128xi32, #tpu.memory_space<vmem>> -> memref<128xi32, #tpu.memory_space<vmem>>
            %dma_wait3A_186 = tpu.memref_slice %arg4[%multiple_of3A_157] : memref<320000xi32, #tpu.memory_space<hbm>> -> memref<128xi32, #tpu.memory_space<hbm>>
            tpu.wait_dma2 semaphore(%run_scoped3A_170 : memref<!tpu.dma_semaphore, #tpu.memory_space<semaphore_mem>>) src(%dma_wait3A_186 : memref<128xi32, #tpu.memory_space<hbm>>) dst(%dma_wait3A_185 : memref<128xi32, #tpu.memory_space<vmem>>)
            tpu.yield
          }) : () -> ()
          %run_scoped3A_158 = arith.constant 1 : i32
          "tpu.region"() ({
            %run_scoped3A_170 = tpu.sem_alloc : memref<!tpu.dma_semaphore, #tpu.memory_space<semaphore_mem>>
            %dma_start3A_171 = arith.constant 0 : i32
            %dma_start3A_172 = tpu.memref_slice %arg9[%run_scoped3A_158, %dma_start3A_171] : memref<2x128xi32, #tpu.memory_space<vmem>> -> memref<1x128xi32, #tpu.memory_space<vmem>>
            %dma_start3A_173 = tpu.memref_squeeze %dma_start3A_172 : memref<1x128xi32, #tpu.memory_space<vmem>> -> memref<128xi32, #tpu.memory_space<vmem>>
            %dma_start3A_174 = tpu.memref_slice %arg5[%multiple_of3A_157] : memref<320000xi32, #tpu.memory_space<hbm>> -> memref<128xi32, #tpu.memory_space<hbm>>
            %dma_start3A_175 = arith.constant 0 : i32
            %dma_start3A_176 = tpu.memref_slice %arg9[%run_scoped3A_158, %dma_start3A_175] : memref<2x128xi32, #tpu.memory_space<vmem>> -> memref<1x128xi32, #tpu.memory_space<vmem>>
            %dma_start3A_177 = tpu.memref_squeeze %dma_start3A_176 : memref<1x128xi32, #tpu.memory_space<vmem>> -> memref<128xi32, #tpu.memory_space<vmem>>
            %dma_start3A_178 = tpu.memref_slice %arg5[%multiple_of3A_157] : memref<320000xi32, #tpu.memory_space<hbm>> -> memref<128xi32, #tpu.memory_space<hbm>>
            tpu.enqueue_dma source(%dma_start3A_178 : memref<128xi32, #tpu.memory_space<hbm>>) target(%dma_start3A_177 : memref<128xi32, #tpu.memory_space<vmem>>) target_semaphore(%run_scoped3A_170 : memref<!tpu.dma_semaphore, #tpu.memory_space<semaphore_mem>>)
            %dma_wait3A_179 = arith.constant 0 : i32
            %dma_wait3A_180 = tpu.memref_slice %arg9[%run_scoped3A_158, %dma_wait3A_179] : memref<2x128xi32, #tpu.memory_space<vmem>> -> memref<1x128xi32, #tpu.memory_space<vmem>>
            %dma_wait3A_181 = tpu.memref_squeeze %dma_wait3A_180 : memref<1x128xi32, #tpu.memory_space<vmem>> -> memref<128xi32, #tpu.memory_space<vmem>>
            %dma_wait3A_182 = tpu.memref_slice %arg5[%multiple_of3A_157] : memref<320000xi32, #tpu.memory_space<hbm>> -> memref<128xi32, #tpu.memory_space<hbm>>
            %dma_wait3A_183 = arith.constant 0 : i32
            %dma_wait3A_184 = tpu.memref_slice %arg9[%run_scoped3A_158, %dma_wait3A_183] : memref<2x128xi32, #tpu.memory_space<vmem>> -> memref<1x128xi32, #tpu.memory_space<vmem>>
            %dma_wait3A_185 = tpu.memref_squeeze %dma_wait3A_184 : memref<1x128xi32, #tpu.memory_space<vmem>> -> memref<128xi32, #tpu.memory_space<vmem>>
            %dma_wait3A_186 = tpu.memref_slice %arg5[%multiple_of3A_157] : memref<320000xi32, #tpu.memory_space<hbm>> -> memref<128xi32, #tpu.memory_space<hbm>>
            tpu.wait_dma2 semaphore(%run_scoped3A_170 : memref<!tpu.dma_semaphore, #tpu.memory_space<semaphore_mem>>) src(%dma_wait3A_186 : memref<128xi32, #tpu.memory_space<hbm>>) dst(%dma_wait3A_185 : memref<128xi32, #tpu.memory_space<vmem>>)
            tpu.yield
          }) : () -> ()
          %dma_start3A = arith.constant 1 : i32
          %dma_start3A_159 = arith.constant 1 : i32
          %dma_start3A_160 = arith.constant 0 : i32
          %dma_start3A_161 = arith.constant 0 : i32
          %dma_start3A_162 = tpu.memref_slice %arg10[%dma_start3A_159, %dma_start3A_160, %dma_start3A_161] : memref<2x128x128xf32, #tpu.memory_space<vmem>> -> memref<1x128x128xf32, #tpu.memory_space<vmem>>
          %dma_start3A_163 = tpu.memref_squeeze %dma_start3A_162 : memref<1x128x128xf32, #tpu.memory_space<vmem>> -> memref<128x128xf32, #tpu.memory_space<vmem>>
          %dma_start3A_164 = arith.constant 0 : i32
          %dma_start3A_165 = tpu.memref_slice %arg8[%dma_start3A, %dma_start3A_164] : memref<2x128xi32, #tpu.memory_space<vmem>> -> memref<1x128xi32, #tpu.memory_space<vmem>>
          %dma_start3A_166 = tpu.memref_squeeze %dma_start3A_165 : memref<1x128xi32, #tpu.memory_space<vmem>> -> memref<128xi32, #tpu.memory_space<vmem>>
          %dma_start3A_167 = arith.constant 0 : i32
          %dma_start3A_168 = arith.constant 0 : i32
          %dma_start3A_169 = tpu.memref_slice %arg2[%dma_start3A_167, %dma_start3A_168] : memref<10000x128xf32, #tpu.memory_space<hbm>> -> memref<10000x128xf32, #tpu.memory_space<hbm>>
          tpu.enqueue_indirect_dma source(%dma_start3A_169 : memref<10000x128xf32, #tpu.memory_space<hbm>>) target(%dma_start3A_163 : memref<128x128xf32, #tpu.memory_space<vmem>>) offsets(%dma_start3A_166 : memref<128xi32, #tpu.memory_space<vmem>>) semaphore(%arg14 : memref<!tpu.dma_semaphore, #tpu.memory_space<semaphore_mem>>)
        } else {
        }
        %eq3A_144 = arith.constant 1 : i32
        %eq3A_145 = arith.cmpi eq, %rem3A_102, %eq3A_144 : i32
        %ge3A_146 = arith.constant 1 : i32
        %ge3A_147 = arith.cmpi sge, %scan3A_101, %ge3A_146 : i32
        %and3A_148 = arith.andi %eq3A_145, %ge3A_147 : i1
        %le3A_149 = arith.cmpi sle, %scan3A_101, %add3A_67 : i32
        %and3A_150 = arith.andi %and3A_148, %le3A_149 : i1
        %convert_element_type3A_151 = arith.extui %and3A_150 : i1 to i32
        %cond3A_152 = arith.constant 0 : i32
        %cond3A_153 = arith.cmpi ne, %convert_element_type3A_151, %cond3A_152 : i32
        scf.if %cond3A_153 {
          %dma_wait3A_154 = arith.constant 0 : i32
          %dma_wait3A_155 = arith.constant 0 : i32
          %dma_wait3A_156 = arith.constant 0 : i32
          %dma_wait3A_157 = arith.constant 0 : i32
          %dma_wait3A_158 = tpu.memref_slice %arg10[%dma_wait3A_155, %dma_wait3A_156, %dma_wait3A_157] : memref<2x128x128xf32, #tpu.memory_space<vmem>> -> memref<1x128x128xf32, #tpu.memory_space<vmem>>
          %dma_wait3A_159 = tpu.memref_squeeze %dma_wait3A_158 : memref<1x128x128xf32, #tpu.memory_space<vmem>> -> memref<128x128xf32, #tpu.memory_space<vmem>>
          %dma_wait3A_160 = arith.constant 0 : i32
          %dma_wait3A_161 = tpu.memref_slice %arg8[%dma_wait3A_154, %dma_wait3A_160] : memref<2x128xi32, #tpu.memory_space<vmem>> -> memref<1x128xi32, #tpu.memory_space<vmem>>
          %dma_wait3A_162 = tpu.memref_squeeze %dma_wait3A_161 : memref<1x128xi32, #tpu.memory_space<vmem>> -> memref<128xi32, #tpu.memory_space<vmem>>
          %dma_wait3A_163 = arith.constant 0 : i32
          %dma_wait3A_164 = arith.constant 0 : i32
          %dma_wait3A_165 = tpu.memref_slice %arg2[%dma_wait3A_163, %dma_wait3A_164] : memref<10000x128xf32, #tpu.memory_space<hbm>> -> memref<10000x128xf32, #tpu.memory_space<hbm>>
          tpu.wait_indirect_dma semaphore(%arg13 : memref<!tpu.dma_semaphore, #tpu.memory_space<semaphore_mem>>) src(%dma_wait3A_165 : memref<10000x128xf32, #tpu.memory_space<hbm>>) dst(%dma_wait3A_159 : memref<128x128xf32, #tpu.memory_space<vmem>>)
          %dma_start3A = arith.constant 0 : i32
          %dma_start3A_166 = arith.constant 0 : i32
          %dma_start3A_167 = arith.constant 0 : i32
          %dma_start3A_168 = arith.constant 0 : i32
          %dma_start3A_169 = tpu.memref_slice %arg10[%dma_start3A, %dma_start3A_167, %dma_start3A_168] : memref<2x128x128xf32, #tpu.memory_space<vmem>> -> memref<1x128x128xf32, #tpu.memory_space<vmem>>
          %dma_start3A_170 = tpu.memref_squeeze %dma_start3A_169 : memref<1x128x128xf32, #tpu.memory_space<vmem>> -> memref<128x128xf32, #tpu.memory_space<vmem>>
          %dma_start3A_171 = arith.constant 0 : i32
          %dma_start3A_172 = tpu.memref_slice %arg9[%dma_start3A_166, %dma_start3A_171] : memref<2x128xi32, #tpu.memory_space<vmem>> -> memref<1x128xi32, #tpu.memory_space<vmem>>
          %dma_start3A_173 = tpu.memref_squeeze %dma_start3A_172 : memref<1x128xi32, #tpu.memory_space<vmem>> -> memref<128xi32, #tpu.memory_space<vmem>>
          %dma_start3A_174 = arith.constant 0 : i32
          %dma_start3A_175 = arith.constant 0 : i32
          %dma_start3A_176 = tpu.memref_slice %arg12[%dma_start3A_174, %dma_start3A_175] : memref<10000x128xf32, #tpu.memory_space<vmem_shared>> -> memref<10000x128xf32, #tpu.memory_space<vmem_shared>>
          tpu.enqueue_indirect_dma source(%dma_start3A_170 : memref<128x128xf32, #tpu.memory_space<vmem>>) target(%dma_start3A_176 : memref<10000x128xf32, #tpu.memory_space<vmem_shared>>) offsets(%dma_start3A_173 : memref<128xi32, #tpu.memory_space<vmem>>) semaphore(%arg15 : memref<!tpu.dma_semaphore, #tpu.memory_space<semaphore_mem>>) {add = true}
        } else {
        }
      }
      %scan3A_77 = arith.constant 158 : i32
      %dma_wait3A = arith.constant 0 : i32
      %dma_wait3A_78 = arith.constant 0 : i32
      %dma_wait3A_79 = arith.constant 0 : i32
      %dma_wait3A_80 = arith.constant 0 : i32
      %dma_wait3A_81 = tpu.memref_slice %arg10[%dma_wait3A, %dma_wait3A_79, %dma_wait3A_80] : memref<2x128x128xf32, #tpu.memory_space<vmem>> -> memref<1x128x128xf32, #tpu.memory_space<vmem>>
      %dma_wait3A_82 = tpu.memref_squeeze %dma_wait3A_81 : memref<1x128x128xf32, #tpu.memory_space<vmem>> -> memref<128x128xf32, #tpu.memory_space<vmem>>
      %dma_wait3A_83 = arith.constant 0 : i32
      %dma_wait3A_84 = tpu.memref_slice %arg9[%dma_wait3A_78, %dma_wait3A_83] : memref<2x128xi32, #tpu.memory_space<vmem>> -> memref<1x128xi32, #tpu.memory_space<vmem>>
      %dma_wait3A_85 = tpu.memref_squeeze %dma_wait3A_84 : memref<1x128xi32, #tpu.memory_space<vmem>> -> memref<128xi32, #tpu.memory_space<vmem>>
      %dma_wait3A_86 = arith.constant 0 : i32
      %dma_wait3A_87 = arith.constant 0 : i32
      %dma_wait3A_88 = tpu.memref_slice %arg12[%dma_wait3A_86, %dma_wait3A_87] : memref<10000x128xf32, #tpu.memory_space<vmem_shared>> -> memref<10000x128xf32, #tpu.memory_space<vmem_shared>>
      tpu.wait_indirect_dma semaphore(%arg15 : memref<!tpu.dma_semaphore, #tpu.memory_space<semaphore_mem>>) src(%dma_wait3A_82 : memref<128x128xf32, #tpu.memory_space<vmem>>) dst(%dma_wait3A_88 : memref<10000x128xf32, #tpu.memory_space<vmem_shared>>)
      %dma_wait3A_89 = arith.constant 1 : i32
      %dma_wait3A_90 = arith.constant 1 : i32
      %dma_wait3A_91 = arith.constant 0 : i32
      %dma_wait3A_92 = arith.constant 0 : i32
      %dma_wait3A_93 = tpu.memref_slice %arg10[%dma_wait3A_89, %dma_wait3A_91, %dma_wait3A_92] : memref<2x128x128xf32, #tpu.memory_space<vmem>> -> memref<1x128x128xf32, #tpu.memory_space<vmem>>
      %dma_wait3A_94 = tpu.memref_squeeze %dma_wait3A_93 : memref<1x128x128xf32, #tpu.memory_space<vmem>> -> memref<128x128xf32, #tpu.memory_space<vmem>>
      %dma_wait3A_95 = arith.constant 0 : i32
      %dma_wait3A_96 = tpu.memref_slice %arg9[%dma_wait3A_90, %dma_wait3A_95] : memref<2x128xi32, #tpu.memory_space<vmem>> -> memref<1x128xi32, #tpu.memory_space<vmem>>
      %dma_wait3A_97 = tpu.memref_squeeze %dma_wait3A_96 : memref<1x128xi32, #tpu.memory_space<vmem>> -> memref<128xi32, #tpu.memory_space<vmem>>
      %dma_wait3A_98 = arith.constant 0 : i32
      %dma_wait3A_99 = arith.constant 0 : i32
      %dma_wait3A_100 = tpu.memref_slice %arg12[%dma_wait3A_98, %dma_wait3A_99] : memref<10000x128xf32, #tpu.memory_space<vmem_shared>> -> memref<10000x128xf32, #tpu.memory_space<vmem_shared>>
      tpu.wait_indirect_dma semaphore(%arg16 : memref<!tpu.dma_semaphore, #tpu.memory_space<semaphore_mem>>) src(%dma_wait3A_94 : memref<128x128xf32, #tpu.memory_space<vmem>>) dst(%dma_wait3A_100 : memref<10000x128xf32, #tpu.memory_space<vmem_shared>>)
    } else {
    }
    %eq3A_27 = arith.constant 1 : i32
    %eq3A_28 = arith.cmpi eq, %arg0, %eq3A_27 : i32
    %convert_element_type3A_29 = arith.extui %eq3A_28 : i1 to i32
    %cond3A_30 = arith.constant 0 : i32
    %cond3A_31 = arith.cmpi ne, %convert_element_type3A_29, %cond3A_30 : i32
    scf.if %cond3A_31 {
      %lt3A_63 = arith.constant 4 : i32
      %lt3A_64 = arith.cmpi slt, %arg1, %lt3A_63 : i32
      %jit3A = arith.constant 1 : i32
      %jit3A_65 = arith.constant 0 : i32
      %select_n3A = arith.select %lt3A_64, %jit3A, %jit3A_65 : i32
      %add3A_66 = arith.constant 156 : i32
      %add3A_67 = arith.addi %add3A_66, %select_n3A : i32
      %mul3A_68 = arith.constant 156 : i32
      %mul3A_69 = arith.muli %arg1, %mul3A_68 : i32
      %min3A_70 = arith.constant 4 : i32
      %min3A_71 = arith.minsi %arg1, %min3A_70 : i32
      %add3A_72 = arith.addi %mul3A_69, %min3A_71 : i32
      %scan3A = arith.constant 0 : i32
      %scan3A_73 = arith.constant 0 : i32
      %scan3A_74 = arith.constant 158 : i32
      %scan3A_75 = arith.addi %scan3A_73, %scan3A_74 : i32
      %scan3A_76 = arith.constant 1 : i32
      scf.for %scan3A_101 = %scan3A_73 to %scan3A_75 step %scan3A_76  : i32 {
        %rem3A = arith.constant 2 : i32
        %rem3A_102 = arith.remsi %scan3A_101, %rem3A : i32
        %eq3A_103 = arith.constant 0 : i32
        %eq3A_104 = arith.cmpi eq, %rem3A_102, %eq3A_103 : i32
        %ge3A = arith.constant 2 : i32
        %ge3A_105 = arith.cmpi sge, %scan3A_101, %ge3A : i32
        %and3A = arith.andi %eq3A_104, %ge3A_105 : i1
        %lt3A_106 = arith.cmpi slt, %scan3A_101, %add3A_67 : i32
        %and3A_107 = arith.andi %and3A, %lt3A_106 : i1
        %convert_element_type3A_108 = arith.extui %and3A_107 : i1 to i32
        %cond3A_109 = arith.constant 0 : i32
        %cond3A_110 = arith.cmpi ne, %convert_element_type3A_108, %cond3A_109 : i32
        scf.if %cond3A_110 {
          %dma_wait3A_154 = arith.constant 0 : i32
          %dma_wait3A_155 = arith.constant 0 : i32
          %dma_wait3A_156 = arith.constant 0 : i32
          %dma_wait3A_157 = arith.constant 0 : i32
          %dma_wait3A_158 = tpu.memref_slice %arg10[%dma_wait3A_154, %dma_wait3A_156, %dma_wait3A_157] : memref<2x128x128xf32, #tpu.memory_space<vmem>> -> memref<1x128x128xf32, #tpu.memory_space<vmem>>
          %dma_wait3A_159 = tpu.memref_squeeze %dma_wait3A_158 : memref<1x128x128xf32, #tpu.memory_space<vmem>> -> memref<128x128xf32, #tpu.memory_space<vmem>>
          %dma_wait3A_160 = arith.constant 0 : i32
          %dma_wait3A_161 = tpu.memref_slice %arg9[%dma_wait3A_155, %dma_wait3A_160] : memref<2x128xi32, #tpu.memory_space<vmem>> -> memref<1x128xi32, #tpu.memory_space<vmem>>
          %dma_wait3A_162 = tpu.memref_squeeze %dma_wait3A_161 : memref<1x128xi32, #tpu.memory_space<vmem>> -> memref<128xi32, #tpu.memory_space<vmem>>
          %dma_wait3A_163 = arith.constant 0 : i32
          %dma_wait3A_164 = arith.constant 0 : i32
          %dma_wait3A_165 = tpu.memref_slice %arg12[%dma_wait3A_163, %dma_wait3A_164] : memref<10000x128xf32, #tpu.memory_space<vmem_shared>> -> memref<10000x128xf32, #tpu.memory_space<vmem_shared>>
          tpu.wait_indirect_dma semaphore(%arg15 : memref<!tpu.dma_semaphore, #tpu.memory_space<semaphore_mem>>) src(%dma_wait3A_159 : memref<128x128xf32, #tpu.memory_space<vmem>>) dst(%dma_wait3A_165 : memref<10000x128xf32, #tpu.memory_space<vmem_shared>>)
        } else {
        }
        %eq3A_111 = arith.constant 0 : i32
        %eq3A_112 = arith.cmpi eq, %rem3A_102, %eq3A_111 : i32
        %lt3A_113 = arith.cmpi slt, %scan3A_101, %add3A_67 : i32
        %and3A_114 = arith.andi %eq3A_112, %lt3A_113 : i1
        %convert_element_type3A_115 = arith.extui %and3A_114 : i1 to i32
        %cond3A_116 = arith.constant 0 : i32
        %cond3A_117 = arith.cmpi ne, %convert_element_type3A_115, %cond3A_116 : i32
        scf.if %cond3A_117 {
          %add3A_154 = arith.addi %add3A_72, %scan3A_101 : i32
          %mul3A_155 = arith.constant 128 : i32
          %mul3A_156 = arith.muli %add3A_154, %mul3A_155 : i32
          %multiple_of3A_157 = tpu.assume_multiple %mul3A_156, 128 : i32
          %run_scoped3A = arith.constant 0 : i32
          "tpu.region"() ({
            %run_scoped3A_170 = tpu.sem_alloc : memref<!tpu.dma_semaphore, #tpu.memory_space<semaphore_mem>>
            %dma_start3A_171 = arith.constant 0 : i32
            %dma_start3A_172 = tpu.memref_slice %arg8[%run_scoped3A, %dma_start3A_171] : memref<2x128xi32, #tpu.memory_space<vmem>> -> memref<1x128xi32, #tpu.memory_space<vmem>>
            %dma_start3A_173 = tpu.memref_squeeze %dma_start3A_172 : memref<1x128xi32, #tpu.memory_space<vmem>> -> memref<128xi32, #tpu.memory_space<vmem>>
            %dma_start3A_174 = tpu.memref_slice %arg4[%multiple_of3A_157] : memref<320000xi32, #tpu.memory_space<hbm>> -> memref<128xi32, #tpu.memory_space<hbm>>
            %dma_start3A_175 = arith.constant 0 : i32
            %dma_start3A_176 = tpu.memref_slice %arg8[%run_scoped3A, %dma_start3A_175] : memref<2x128xi32, #tpu.memory_space<vmem>> -> memref<1x128xi32, #tpu.memory_space<vmem>>
            %dma_start3A_177 = tpu.memref_squeeze %dma_start3A_176 : memref<1x128xi32, #tpu.memory_space<vmem>> -> memref<128xi32, #tpu.memory_space<vmem>>
            %dma_start3A_178 = tpu.memref_slice %arg4[%multiple_of3A_157] : memref<320000xi32, #tpu.memory_space<hbm>> -> memref<128xi32, #tpu.memory_space<hbm>>
            tpu.enqueue_dma source(%dma_start3A_178 : memref<128xi32, #tpu.memory_space<hbm>>) target(%dma_start3A_177 : memref<128xi32, #tpu.memory_space<vmem>>) target_semaphore(%run_scoped3A_170 : memref<!tpu.dma_semaphore, #tpu.memory_space<semaphore_mem>>)
            %dma_wait3A_179 = arith.constant 0 : i32
            %dma_wait3A_180 = tpu.memref_slice %arg8[%run_scoped3A, %dma_wait3A_179] : memref<2x128xi32, #tpu.memory_space<vmem>> -> memref<1x128xi32, #tpu.memory_space<vmem>>
            %dma_wait3A_181 = tpu.memref_squeeze %dma_wait3A_180 : memref<1x128xi32, #tpu.memory_space<vmem>> -> memref<128xi32, #tpu.memory_space<vmem>>
            %dma_wait3A_182 = tpu.memref_slice %arg4[%multiple_of3A_157] : memref<320000xi32, #tpu.memory_space<hbm>> -> memref<128xi32, #tpu.memory_space<hbm>>
            %dma_wait3A_183 = arith.constant 0 : i32
            %dma_wait3A_184 = tpu.memref_slice %arg8[%run_scoped3A, %dma_wait3A_183] : memref<2x128xi32, #tpu.memory_space<vmem>> -> memref<1x128xi32, #tpu.memory_space<vmem>>
            %dma_wait3A_185 = tpu.memref_squeeze %dma_wait3A_184 : memref<1x128xi32, #tpu.memory_space<vmem>> -> memref<128xi32, #tpu.memory_space<vmem>>
            %dma_wait3A_186 = tpu.memref_slice %arg4[%multiple_of3A_157] : memref<320000xi32, #tpu.memory_space<hbm>> -> memref<128xi32, #tpu.memory_space<hbm>>
            tpu.wait_dma2 semaphore(%run_scoped3A_170 : memref<!tpu.dma_semaphore, #tpu.memory_space<semaphore_mem>>) src(%dma_wait3A_186 : memref<128xi32, #tpu.memory_space<hbm>>) dst(%dma_wait3A_185 : memref<128xi32, #tpu.memory_space<vmem>>)
            tpu.yield
          }) : () -> ()
          %run_scoped3A_158 = arith.constant 0 : i32
          "tpu.region"() ({
            %run_scoped3A_170 = tpu.sem_alloc : memref<!tpu.dma_semaphore, #tpu.memory_space<semaphore_mem>>
            %dma_start3A_171 = arith.constant 0 : i32
            %dma_start3A_172 = tpu.memref_slice %arg9[%run_scoped3A_158, %dma_start3A_171] : memref<2x128xi32, #tpu.memory_space<vmem>> -> memref<1x128xi32, #tpu.memory_space<vmem>>
            %dma_start3A_173 = tpu.memref_squeeze %dma_start3A_172 : memref<1x128xi32, #tpu.memory_space<vmem>> -> memref<128xi32, #tpu.memory_space<vmem>>
            %dma_start3A_174 = tpu.memref_slice %arg5[%multiple_of3A_157] : memref<320000xi32, #tpu.memory_space<hbm>> -> memref<128xi32, #tpu.memory_space<hbm>>
            %dma_start3A_175 = arith.constant 0 : i32
            %dma_start3A_176 = tpu.memref_slice %arg9[%run_scoped3A_158, %dma_start3A_175] : memref<2x128xi32, #tpu.memory_space<vmem>> -> memref<1x128xi32, #tpu.memory_space<vmem>>
            %dma_start3A_177 = tpu.memref_squeeze %dma_start3A_176 : memref<1x128xi32, #tpu.memory_space<vmem>> -> memref<128xi32, #tpu.memory_space<vmem>>
            %dma_start3A_178 = tpu.memref_slice %arg5[%multiple_of3A_157] : memref<320000xi32, #tpu.memory_space<hbm>> -> memref<128xi32, #tpu.memory_space<hbm>>
            tpu.enqueue_dma source(%dma_start3A_178 : memref<128xi32, #tpu.memory_space<hbm>>) target(%dma_start3A_177 : memref<128xi32, #tpu.memory_space<vmem>>) target_semaphore(%run_scoped3A_170 : memref<!tpu.dma_semaphore, #tpu.memory_space<semaphore_mem>>)
            %dma_wait3A_179 = arith.constant 0 : i32
            %dma_wait3A_180 = tpu.memref_slice %arg9[%run_scoped3A_158, %dma_wait3A_179] : memref<2x128xi32, #tpu.memory_space<vmem>> -> memref<1x128xi32, #tpu.memory_space<vmem>>
            %dma_wait3A_181 = tpu.memref_squeeze %dma_wait3A_180 : memref<1x128xi32, #tpu.memory_space<vmem>> -> memref<128xi32, #tpu.memory_space<vmem>>
            %dma_wait3A_182 = tpu.memref_slice %arg5[%multiple_of3A_157] : memref<320000xi32, #tpu.memory_space<hbm>> -> memref<128xi32, #tpu.memory_space<hbm>>
            %dma_wait3A_183 = arith.constant 0 : i32
            %dma_wait3A_184 = tpu.memref_slice %arg9[%run_scoped3A_158, %dma_wait3A_183] : memref<2x128xi32, #tpu.memory_space<vmem>> -> memref<1x128xi32, #tpu.memory_space<vmem>>
            %dma_wait3A_185 = tpu.memref_squeeze %dma_wait3A_184 : memref<1x128xi32, #tpu.memory_space<vmem>> -> memref<128xi32, #tpu.memory_space<vmem>>
            %dma_wait3A_186 = tpu.memref_slice %arg5[%multiple_of3A_157] : memref<320000xi32, #tpu.memory_space<hbm>> -> memref<128xi32, #tpu.memory_space<hbm>>
            tpu.wait_dma2 semaphore(%run_scoped3A_170 : memref<!tpu.dma_semaphore, #tpu.memory_space<semaphore_mem>>) src(%dma_wait3A_186 : memref<128xi32, #tpu.memory_space<hbm>>) dst(%dma_wait3A_185 : memref<128xi32, #tpu.memory_space<vmem>>)
            tpu.yield
          }) : () -> ()
          %dma_start3A = arith.constant 0 : i32
          %dma_start3A_159 = arith.constant 0 : i32
          %dma_start3A_160 = arith.constant 0 : i32
          %dma_start3A_161 = arith.constant 0 : i32
          %dma_start3A_162 = tpu.memref_slice %arg10[%dma_start3A_159, %dma_start3A_160, %dma_start3A_161] : memref<2x128x128xf32, #tpu.memory_space<vmem>> -> memref<1x128x128xf32, #tpu.memory_space<vmem>>
          %dma_start3A_163 = tpu.memref_squeeze %dma_start3A_162 : memref<1x128x128xf32, #tpu.memory_space<vmem>> -> memref<128x128xf32, #tpu.memory_space<vmem>>
          %dma_start3A_164 = arith.constant 0 : i32
          %dma_start3A_165 = tpu.memref_slice %arg8[%dma_start3A, %dma_start3A_164] : memref<2x128xi32, #tpu.memory_space<vmem>> -> memref<1x128xi32, #tpu.memory_space<vmem>>
          %dma_start3A_166 = tpu.memref_squeeze %dma_start3A_165 : memref<1x128xi32, #tpu.memory_space<vmem>> -> memref<128xi32, #tpu.memory_space<vmem>>
          %dma_start3A_167 = arith.constant 0 : i32
          %dma_start3A_168 = arith.constant 0 : i32
          %dma_start3A_169 = tpu.memref_slice %arg3[%dma_start3A_167, %dma_start3A_168] : memref<10000x128xf32, #tpu.memory_space<hbm>> -> memref<10000x128xf32, #tpu.memory_space<hbm>>
          tpu.enqueue_indirect_dma source(%dma_start3A_169 : memref<10000x128xf32, #tpu.memory_space<hbm>>) target(%dma_start3A_163 : memref<128x128xf32, #tpu.memory_space<vmem>>) offsets(%dma_start3A_166 : memref<128xi32, #tpu.memory_space<vmem>>) semaphore(%arg13 : memref<!tpu.dma_semaphore, #tpu.memory_space<semaphore_mem>>)
        } else {
        }
        %eq3A_118 = arith.constant 0 : i32
        %eq3A_119 = arith.cmpi eq, %rem3A_102, %eq3A_118 : i32
        %ge3A_120 = arith.constant 1 : i32
        %ge3A_121 = arith.cmpi sge, %scan3A_101, %ge3A_120 : i32
        %and3A_122 = arith.andi %eq3A_119, %ge3A_121 : i1
        %le3A = arith.cmpi sle, %scan3A_101, %add3A_67 : i32
        %and3A_123 = arith.andi %and3A_122, %le3A : i1
        %convert_element_type3A_124 = arith.extui %and3A_123 : i1 to i32
        %cond3A_125 = arith.constant 0 : i32
        %cond3A_126 = arith.cmpi ne, %convert_element_type3A_124, %cond3A_125 : i32
        scf.if %cond3A_126 {
          %dma_wait3A_154 = arith.constant 1 : i32
          %dma_wait3A_155 = arith.constant 1 : i32
          %dma_wait3A_156 = arith.constant 0 : i32
          %dma_wait3A_157 = arith.constant 0 : i32
          %dma_wait3A_158 = tpu.memref_slice %arg10[%dma_wait3A_155, %dma_wait3A_156, %dma_wait3A_157] : memref<2x128x128xf32, #tpu.memory_space<vmem>> -> memref<1x128x128xf32, #tpu.memory_space<vmem>>
          %dma_wait3A_159 = tpu.memref_squeeze %dma_wait3A_158 : memref<1x128x128xf32, #tpu.memory_space<vmem>> -> memref<128x128xf32, #tpu.memory_space<vmem>>
          %dma_wait3A_160 = arith.constant 0 : i32
          %dma_wait3A_161 = tpu.memref_slice %arg8[%dma_wait3A_154, %dma_wait3A_160] : memref<2x128xi32, #tpu.memory_space<vmem>> -> memref<1x128xi32, #tpu.memory_space<vmem>>
          %dma_wait3A_162 = tpu.memref_squeeze %dma_wait3A_161 : memref<1x128xi32, #tpu.memory_space<vmem>> -> memref<128xi32, #tpu.memory_space<vmem>>
          %dma_wait3A_163 = arith.constant 0 : i32
          %dma_wait3A_164 = arith.constant 0 : i32
          %dma_wait3A_165 = tpu.memref_slice %arg3[%dma_wait3A_163, %dma_wait3A_164] : memref<10000x128xf32, #tpu.memory_space<hbm>> -> memref<10000x128xf32, #tpu.memory_space<hbm>>
          tpu.wait_indirect_dma semaphore(%arg14 : memref<!tpu.dma_semaphore, #tpu.memory_space<semaphore_mem>>) src(%dma_wait3A_165 : memref<10000x128xf32, #tpu.memory_space<hbm>>) dst(%dma_wait3A_159 : memref<128x128xf32, #tpu.memory_space<vmem>>)
          %dma_start3A = arith.constant 1 : i32
          %dma_start3A_166 = arith.constant 1 : i32
          %dma_start3A_167 = arith.constant 0 : i32
          %dma_start3A_168 = arith.constant 0 : i32
          %dma_start3A_169 = tpu.memref_slice %arg10[%dma_start3A, %dma_start3A_167, %dma_start3A_168] : memref<2x128x128xf32, #tpu.memory_space<vmem>> -> memref<1x128x128xf32, #tpu.memory_space<vmem>>
          %dma_start3A_170 = tpu.memref_squeeze %dma_start3A_169 : memref<1x128x128xf32, #tpu.memory_space<vmem>> -> memref<128x128xf32, #tpu.memory_space<vmem>>
          %dma_start3A_171 = arith.constant 0 : i32
          %dma_start3A_172 = tpu.memref_slice %arg9[%dma_start3A_166, %dma_start3A_171] : memref<2x128xi32, #tpu.memory_space<vmem>> -> memref<1x128xi32, #tpu.memory_space<vmem>>
          %dma_start3A_173 = tpu.memref_squeeze %dma_start3A_172 : memref<1x128xi32, #tpu.memory_space<vmem>> -> memref<128xi32, #tpu.memory_space<vmem>>
          %dma_start3A_174 = arith.constant 0 : i32
          %dma_start3A_175 = arith.constant 0 : i32
          %dma_start3A_176 = tpu.memref_slice %arg12[%dma_start3A_174, %dma_start3A_175] : memref<10000x128xf32, #tpu.memory_space<vmem_shared>> -> memref<10000x128xf32, #tpu.memory_space<vmem_shared>>
          tpu.enqueue_indirect_dma source(%dma_start3A_170 : memref<128x128xf32, #tpu.memory_space<vmem>>) target(%dma_start3A_176 : memref<10000x128xf32, #tpu.memory_space<vmem_shared>>) offsets(%dma_start3A_173 : memref<128xi32, #tpu.memory_space<vmem>>) semaphore(%arg16 : memref<!tpu.dma_semaphore, #tpu.memory_space<semaphore_mem>>) {add = true}
        } else {
        }
        %eq3A_127 = arith.constant 1 : i32
        %eq3A_128 = arith.cmpi eq, %rem3A_102, %eq3A_127 : i32
        %ge3A_129 = arith.constant 2 : i32
        %ge3A_130 = arith.cmpi sge, %scan3A_101, %ge3A_129 : i32
        %and3A_131 = arith.andi %eq3A_128, %ge3A_130 : i1
        %lt3A_132 = arith.cmpi slt, %scan3A_101, %add3A_67 : i32
        %and3A_133 = arith.andi %and3A_131, %lt3A_132 : i1
        %convert_element_type3A_134 = arith.extui %and3A_133 : i1 to i32
        %cond3A_135 = arith.constant 0 : i32
        %cond3A_136 = arith.cmpi ne, %convert_element_type3A_134, %cond3A_135 : i32
        scf.if %cond3A_136 {
          %dma_wait3A_154 = arith.constant 1 : i32
          %dma_wait3A_155 = arith.constant 1 : i32
          %dma_wait3A_156 = arith.constant 0 : i32
          %dma_wait3A_157 = arith.constant 0 : i32
          %dma_wait3A_158 = tpu.memref_slice %arg10[%dma_wait3A_154, %dma_wait3A_156, %dma_wait3A_157] : memref<2x128x128xf32, #tpu.memory_space<vmem>> -> memref<1x128x128xf32, #tpu.memory_space<vmem>>
          %dma_wait3A_159 = tpu.memref_squeeze %dma_wait3A_158 : memref<1x128x128xf32, #tpu.memory_space<vmem>> -> memref<128x128xf32, #tpu.memory_space<vmem>>
          %dma_wait3A_160 = arith.constant 0 : i32
          %dma_wait3A_161 = tpu.memref_slice %arg9[%dma_wait3A_155, %dma_wait3A_160] : memref<2x128xi32, #tpu.memory_space<vmem>> -> memref<1x128xi32, #tpu.memory_space<vmem>>
          %dma_wait3A_162 = tpu.memref_squeeze %dma_wait3A_161 : memref<1x128xi32, #tpu.memory_space<vmem>> -> memref<128xi32, #tpu.memory_space<vmem>>
          %dma_wait3A_163 = arith.constant 0 : i32
          %dma_wait3A_164 = arith.constant 0 : i32
          %dma_wait3A_165 = tpu.memref_slice %arg12[%dma_wait3A_163, %dma_wait3A_164] : memref<10000x128xf32, #tpu.memory_space<vmem_shared>> -> memref<10000x128xf32, #tpu.memory_space<vmem_shared>>
          tpu.wait_indirect_dma semaphore(%arg16 : memref<!tpu.dma_semaphore, #tpu.memory_space<semaphore_mem>>) src(%dma_wait3A_159 : memref<128x128xf32, #tpu.memory_space<vmem>>) dst(%dma_wait3A_165 : memref<10000x128xf32, #tpu.memory_space<vmem_shared>>)
        } else {
        }
        %eq3A_137 = arith.constant 1 : i32
        %eq3A_138 = arith.cmpi eq, %rem3A_102, %eq3A_137 : i32
        %lt3A_139 = arith.cmpi slt, %scan3A_101, %add3A_67 : i32
        %and3A_140 = arith.andi %eq3A_138, %lt3A_139 : i1
        %convert_element_type3A_141 = arith.extui %and3A_140 : i1 to i32
        %cond3A_142 = arith.constant 0 : i32
        %cond3A_143 = arith.cmpi ne, %convert_element_type3A_141, %cond3A_142 : i32
        scf.if %cond3A_143 {
          %add3A_154 = arith.addi %add3A_72, %scan3A_101 : i32
          %mul3A_155 = arith.constant 128 : i32
          %mul3A_156 = arith.muli %add3A_154, %mul3A_155 : i32
          %multiple_of3A_157 = tpu.assume_multiple %mul3A_156, 128 : i32
          %run_scoped3A = arith.constant 1 : i32
          "tpu.region"() ({
            %run_scoped3A_170 = tpu.sem_alloc : memref<!tpu.dma_semaphore, #tpu.memory_space<semaphore_mem>>
            %dma_start3A_171 = arith.constant 0 : i32
            %dma_start3A_172 = tpu.memref_slice %arg8[%run_scoped3A, %dma_start3A_171] : memref<2x128xi32, #tpu.memory_space<vmem>> -> memref<1x128xi32, #tpu.memory_space<vmem>>
            %dma_start3A_173 = tpu.memref_squeeze %dma_start3A_172 : memref<1x128xi32, #tpu.memory_space<vmem>> -> memref<128xi32, #tpu.memory_space<vmem>>
            %dma_start3A_174 = tpu.memref_slice %arg4[%multiple_of3A_157] : memref<320000xi32, #tpu.memory_space<hbm>> -> memref<128xi32, #tpu.memory_space<hbm>>
            %dma_start3A_175 = arith.constant 0 : i32
            %dma_start3A_176 = tpu.memref_slice %arg8[%run_scoped3A, %dma_start3A_175] : memref<2x128xi32, #tpu.memory_space<vmem>> -> memref<1x128xi32, #tpu.memory_space<vmem>>
            %dma_start3A_177 = tpu.memref_squeeze %dma_start3A_176 : memref<1x128xi32, #tpu.memory_space<vmem>> -> memref<128xi32, #tpu.memory_space<vmem>>
            %dma_start3A_178 = tpu.memref_slice %arg4[%multiple_of3A_157] : memref<320000xi32, #tpu.memory_space<hbm>> -> memref<128xi32, #tpu.memory_space<hbm>>
            tpu.enqueue_dma source(%dma_start3A_178 : memref<128xi32, #tpu.memory_space<hbm>>) target(%dma_start3A_177 : memref<128xi32, #tpu.memory_space<vmem>>) target_semaphore(%run_scoped3A_170 : memref<!tpu.dma_semaphore, #tpu.memory_space<semaphore_mem>>)
            %dma_wait3A_179 = arith.constant 0 : i32
            %dma_wait3A_180 = tpu.memref_slice %arg8[%run_scoped3A, %dma_wait3A_179] : memref<2x128xi32, #tpu.memory_space<vmem>> -> memref<1x128xi32, #tpu.memory_space<vmem>>
            %dma_wait3A_181 = tpu.memref_squeeze %dma_wait3A_180 : memref<1x128xi32, #tpu.memory_space<vmem>> -> memref<128xi32, #tpu.memory_space<vmem>>
            %dma_wait3A_182 = tpu.memref_slice %arg4[%multiple_of3A_157] : memref<320000xi32, #tpu.memory_space<hbm>> -> memref<128xi32, #tpu.memory_space<hbm>>
            %dma_wait3A_183 = arith.constant 0 : i32
            %dma_wait3A_184 = tpu.memref_slice %arg8[%run_scoped3A, %dma_wait3A_183] : memref<2x128xi32, #tpu.memory_space<vmem>> -> memref<1x128xi32, #tpu.memory_space<vmem>>
            %dma_wait3A_185 = tpu.memref_squeeze %dma_wait3A_184 : memref<1x128xi32, #tpu.memory_space<vmem>> -> memref<128xi32, #tpu.memory_space<vmem>>
            %dma_wait3A_186 = tpu.memref_slice %arg4[%multiple_of3A_157] : memref<320000xi32, #tpu.memory_space<hbm>> -> memref<128xi32, #tpu.memory_space<hbm>>
            tpu.wait_dma2 semaphore(%run_scoped3A_170 : memref<!tpu.dma_semaphore, #tpu.memory_space<semaphore_mem>>) src(%dma_wait3A_186 : memref<128xi32, #tpu.memory_space<hbm>>) dst(%dma_wait3A_185 : memref<128xi32, #tpu.memory_space<vmem>>)
            tpu.yield
          }) : () -> ()
          %run_scoped3A_158 = arith.constant 1 : i32
          "tpu.region"() ({
            %run_scoped3A_170 = tpu.sem_alloc : memref<!tpu.dma_semaphore, #tpu.memory_space<semaphore_mem>>
            %dma_start3A_171 = arith.constant 0 : i32
            %dma_start3A_172 = tpu.memref_slice %arg9[%run_scoped3A_158, %dma_start3A_171] : memref<2x128xi32, #tpu.memory_space<vmem>> -> memref<1x128xi32, #tpu.memory_space<vmem>>
            %dma_start3A_173 = tpu.memref_squeeze %dma_start3A_172 : memref<1x128xi32, #tpu.memory_space<vmem>> -> memref<128xi32, #tpu.memory_space<vmem>>
            %dma_start3A_174 = tpu.memref_slice %arg5[%multiple_of3A_157] : memref<320000xi32, #tpu.memory_space<hbm>> -> memref<128xi32, #tpu.memory_space<hbm>>
            %dma_start3A_175 = arith.constant 0 : i32
            %dma_start3A_176 = tpu.memref_slice %arg9[%run_scoped3A_158, %dma_start3A_175] : memref<2x128xi32, #tpu.memory_space<vmem>> -> memref<1x128xi32, #tpu.memory_space<vmem>>
            %dma_start3A_177 = tpu.memref_squeeze %dma_start3A_176 : memref<1x128xi32, #tpu.memory_space<vmem>> -> memref<128xi32, #tpu.memory_space<vmem>>
            %dma_start3A_178 = tpu.memref_slice %arg5[%multiple_of3A_157] : memref<320000xi32, #tpu.memory_space<hbm>> -> memref<128xi32, #tpu.memory_space<hbm>>
            tpu.enqueue_dma source(%dma_start3A_178 : memref<128xi32, #tpu.memory_space<hbm>>) target(%dma_start3A_177 : memref<128xi32, #tpu.memory_space<vmem>>) target_semaphore(%run_scoped3A_170 : memref<!tpu.dma_semaphore, #tpu.memory_space<semaphore_mem>>)
            %dma_wait3A_179 = arith.constant 0 : i32
            %dma_wait3A_180 = tpu.memref_slice %arg9[%run_scoped3A_158, %dma_wait3A_179] : memref<2x128xi32, #tpu.memory_space<vmem>> -> memref<1x128xi32, #tpu.memory_space<vmem>>
            %dma_wait3A_181 = tpu.memref_squeeze %dma_wait3A_180 : memref<1x128xi32, #tpu.memory_space<vmem>> -> memref<128xi32, #tpu.memory_space<vmem>>
            %dma_wait3A_182 = tpu.memref_slice %arg5[%multiple_of3A_157] : memref<320000xi32, #tpu.memory_space<hbm>> -> memref<128xi32, #tpu.memory_space<hbm>>
            %dma_wait3A_183 = arith.constant 0 : i32
            %dma_wait3A_184 = tpu.memref_slice %arg9[%run_scoped3A_158, %dma_wait3A_183] : memref<2x128xi32, #tpu.memory_space<vmem>> -> memref<1x128xi32, #tpu.memory_space<vmem>>
            %dma_wait3A_185 = tpu.memref_squeeze %dma_wait3A_184 : memref<1x128xi32, #tpu.memory_space<vmem>> -> memref<128xi32, #tpu.memory_space<vmem>>
            %dma_wait3A_186 = tpu.memref_slice %arg5[%multiple_of3A_157] : memref<320000xi32, #tpu.memory_space<hbm>> -> memref<128xi32, #tpu.memory_space<hbm>>
            tpu.wait_dma2 semaphore(%run_scoped3A_170 : memref<!tpu.dma_semaphore, #tpu.memory_space<semaphore_mem>>) src(%dma_wait3A_186 : memref<128xi32, #tpu.memory_space<hbm>>) dst(%dma_wait3A_185 : memref<128xi32, #tpu.memory_space<vmem>>)
            tpu.yield
          }) : () -> ()
          %dma_start3A = arith.constant 1 : i32
          %dma_start3A_159 = arith.constant 1 : i32
          %dma_start3A_160 = arith.constant 0 : i32
          %dma_start3A_161 = arith.constant 0 : i32
          %dma_start3A_162 = tpu.memref_slice %arg10[%dma_start3A_159, %dma_start3A_160, %dma_start3A_161] : memref<2x128x128xf32, #tpu.memory_space<vmem>> -> memref<1x128x128xf32, #tpu.memory_space<vmem>>
          %dma_start3A_163 = tpu.memref_squeeze %dma_start3A_162 : memref<1x128x128xf32, #tpu.memory_space<vmem>> -> memref<128x128xf32, #tpu.memory_space<vmem>>
          %dma_start3A_164 = arith.constant 0 : i32
          %dma_start3A_165 = tpu.memref_slice %arg8[%dma_start3A, %dma_start3A_164] : memref<2x128xi32, #tpu.memory_space<vmem>> -> memref<1x128xi32, #tpu.memory_space<vmem>>
          %dma_start3A_166 = tpu.memref_squeeze %dma_start3A_165 : memref<1x128xi32, #tpu.memory_space<vmem>> -> memref<128xi32, #tpu.memory_space<vmem>>
          %dma_start3A_167 = arith.constant 0 : i32
          %dma_start3A_168 = arith.constant 0 : i32
          %dma_start3A_169 = tpu.memref_slice %arg3[%dma_start3A_167, %dma_start3A_168] : memref<10000x128xf32, #tpu.memory_space<hbm>> -> memref<10000x128xf32, #tpu.memory_space<hbm>>
          tpu.enqueue_indirect_dma source(%dma_start3A_169 : memref<10000x128xf32, #tpu.memory_space<hbm>>) target(%dma_start3A_163 : memref<128x128xf32, #tpu.memory_space<vmem>>) offsets(%dma_start3A_166 : memref<128xi32, #tpu.memory_space<vmem>>) semaphore(%arg14 : memref<!tpu.dma_semaphore, #tpu.memory_space<semaphore_mem>>)
        } else {
        }
        %eq3A_144 = arith.constant 1 : i32
        %eq3A_145 = arith.cmpi eq, %rem3A_102, %eq3A_144 : i32
        %ge3A_146 = arith.constant 1 : i32
        %ge3A_147 = arith.cmpi sge, %scan3A_101, %ge3A_146 : i32
        %and3A_148 = arith.andi %eq3A_145, %ge3A_147 : i1
        %le3A_149 = arith.cmpi sle, %scan3A_101, %add3A_67 : i32
        %and3A_150 = arith.andi %and3A_148, %le3A_149 : i1
        %convert_element_type3A_151 = arith.extui %and3A_150 : i1 to i32
        %cond3A_152 = arith.constant 0 : i32
        %cond3A_153 = arith.cmpi ne, %convert_element_type3A_151, %cond3A_152 : i32
        scf.if %cond3A_153 {
          %dma_wait3A_154 = arith.constant 0 : i32
          %dma_wait3A_155 = arith.constant 0 : i32
          %dma_wait3A_156 = arith.constant 0 : i32
          %dma_wait3A_157 = arith.constant 0 : i32
          %dma_wait3A_158 = tpu.memref_slice %arg10[%dma_wait3A_155, %dma_wait3A_156, %dma_wait3A_157] : memref<2x128x128xf32, #tpu.memory_space<vmem>> -> memref<1x128x128xf32, #tpu.memory_space<vmem>>
          %dma_wait3A_159 = tpu.memref_squeeze %dma_wait3A_158 : memref<1x128x128xf32, #tpu.memory_space<vmem>> -> memref<128x128xf32, #tpu.memory_space<vmem>>
          %dma_wait3A_160 = arith.constant 0 : i32
          %dma_wait3A_161 = tpu.memref_slice %arg8[%dma_wait3A_154, %dma_wait3A_160] : memref<2x128xi32, #tpu.memory_space<vmem>> -> memref<1x128xi32, #tpu.memory_space<vmem>>
          %dma_wait3A_162 = tpu.memref_squeeze %dma_wait3A_161 : memref<1x128xi32, #tpu.memory_space<vmem>> -> memref<128xi32, #tpu.memory_space<vmem>>
          %dma_wait3A_163 = arith.constant 0 : i32
          %dma_wait3A_164 = arith.constant 0 : i32
          %dma_wait3A_165 = tpu.memref_slice %arg3[%dma_wait3A_163, %dma_wait3A_164] : memref<10000x128xf32, #tpu.memory_space<hbm>> -> memref<10000x128xf32, #tpu.memory_space<hbm>>
          tpu.wait_indirect_dma semaphore(%arg13 : memref<!tpu.dma_semaphore, #tpu.memory_space<semaphore_mem>>) src(%dma_wait3A_165 : memref<10000x128xf32, #tpu.memory_space<hbm>>) dst(%dma_wait3A_159 : memref<128x128xf32, #tpu.memory_space<vmem>>)
          %dma_start3A = arith.constant 0 : i32
          %dma_start3A_166 = arith.constant 0 : i32
          %dma_start3A_167 = arith.constant 0 : i32
          %dma_start3A_168 = arith.constant 0 : i32
          %dma_start3A_169 = tpu.memref_slice %arg10[%dma_start3A, %dma_start3A_167, %dma_start3A_168] : memref<2x128x128xf32, #tpu.memory_space<vmem>> -> memref<1x128x128xf32, #tpu.memory_space<vmem>>
          %dma_start3A_170 = tpu.memref_squeeze %dma_start3A_169 : memref<1x128x128xf32, #tpu.memory_space<vmem>> -> memref<128x128xf32, #tpu.memory_space<vmem>>
          %dma_start3A_171 = arith.constant 0 : i32
          %dma_start3A_172 = tpu.memref_slice %arg9[%dma_start3A_166, %dma_start3A_171] : memref<2x128xi32, #tpu.memory_space<vmem>> -> memref<1x128xi32, #tpu.memory_space<vmem>>
          %dma_start3A_173 = tpu.memref_squeeze %dma_start3A_172 : memref<1x128xi32, #tpu.memory_space<vmem>> -> memref<128xi32, #tpu.memory_space<vmem>>
          %dma_start3A_174 = arith.constant 0 : i32
          %dma_start3A_175 = arith.constant 0 : i32
          %dma_start3A_176 = tpu.memref_slice %arg12[%dma_start3A_174, %dma_start3A_175] : memref<10000x128xf32, #tpu.memory_space<vmem_shared>> -> memref<10000x128xf32, #tpu.memory_space<vmem_shared>>
          tpu.enqueue_indirect_dma source(%dma_start3A_170 : memref<128x128xf32, #tpu.memory_space<vmem>>) target(%dma_start3A_176 : memref<10000x128xf32, #tpu.memory_space<vmem_shared>>) offsets(%dma_start3A_173 : memref<128xi32, #tpu.memory_space<vmem>>) semaphore(%arg15 : memref<!tpu.dma_semaphore, #tpu.memory_space<semaphore_mem>>) {add = true}
        } else {
        }
      }
      %scan3A_77 = arith.constant 158 : i32
      %dma_wait3A = arith.constant 0 : i32
      %dma_wait3A_78 = arith.constant 0 : i32
      %dma_wait3A_79 = arith.constant 0 : i32
      %dma_wait3A_80 = arith.constant 0 : i32
      %dma_wait3A_81 = tpu.memref_slice %arg10[%dma_wait3A, %dma_wait3A_79, %dma_wait3A_80] : memref<2x128x128xf32, #tpu.memory_space<vmem>> -> memref<1x128x128xf32, #tpu.memory_space<vmem>>
      %dma_wait3A_82 = tpu.memref_squeeze %dma_wait3A_81 : memref<1x128x128xf32, #tpu.memory_space<vmem>> -> memref<128x128xf32, #tpu.memory_space<vmem>>
      %dma_wait3A_83 = arith.constant 0 : i32
      %dma_wait3A_84 = tpu.memref_slice %arg9[%dma_wait3A_78, %dma_wait3A_83] : memref<2x128xi32, #tpu.memory_space<vmem>> -> memref<1x128xi32, #tpu.memory_space<vmem>>
      %dma_wait3A_85 = tpu.memref_squeeze %dma_wait3A_84 : memref<1x128xi32, #tpu.memory_space<vmem>> -> memref<128xi32, #tpu.memory_space<vmem>>
      %dma_wait3A_86 = arith.constant 0 : i32
      %dma_wait3A_87 = arith.constant 0 : i32
      %dma_wait3A_88 = tpu.memref_slice %arg12[%dma_wait3A_86, %dma_wait3A_87] : memref<10000x128xf32, #tpu.memory_space<vmem_shared>> -> memref<10000x128xf32, #tpu.memory_space<vmem_shared>>
      tpu.wait_indirect_dma semaphore(%arg15 : memref<!tpu.dma_semaphore, #tpu.memory_space<semaphore_mem>>) src(%dma_wait3A_82 : memref<128x128xf32, #tpu.memory_space<vmem>>) dst(%dma_wait3A_88 : memref<10000x128xf32, #tpu.memory_space<vmem_shared>>)
      %dma_wait3A_89 = arith.constant 1 : i32
      %dma_wait3A_90 = arith.constant 1 : i32
      %dma_wait3A_91 = arith.constant 0 : i32
      %dma_wait3A_92 = arith.constant 0 : i32
      %dma_wait3A_93 = tpu.memref_slice %arg10[%dma_wait3A_89, %dma_wait3A_91, %dma_wait3A_92] : memref<2x128x128xf32, #tpu.memory_space<vmem>> -> memref<1x128x128xf32, #tpu.memory_space<vmem>>
      %dma_wait3A_94 = tpu.memref_squeeze %dma_wait3A_93 : memref<1x128x128xf32, #tpu.memory_space<vmem>> -> memref<128x128xf32, #tpu.memory_space<vmem>>
      %dma_wait3A_95 = arith.constant 0 : i32
      %dma_wait3A_96 = tpu.memref_slice %arg9[%dma_wait3A_90, %dma_wait3A_95] : memref<2x128xi32, #tpu.memory_space<vmem>> -> memref<1x128xi32, #tpu.memory_space<vmem>>
      %dma_wait3A_97 = tpu.memref_squeeze %dma_wait3A_96 : memref<1x128xi32, #tpu.memory_space<vmem>> -> memref<128xi32, #tpu.memory_space<vmem>>
      %dma_wait3A_98 = arith.constant 0 : i32
      %dma_wait3A_99 = arith.constant 0 : i32
      %dma_wait3A_100 = tpu.memref_slice %arg12[%dma_wait3A_98, %dma_wait3A_99] : memref<10000x128xf32, #tpu.memory_space<vmem_shared>> -> memref<10000x128xf32, #tpu.memory_space<vmem_shared>>
      tpu.wait_indirect_dma semaphore(%arg16 : memref<!tpu.dma_semaphore, #tpu.memory_space<semaphore_mem>>) src(%dma_wait3A_94 : memref<128x128xf32, #tpu.memory_space<vmem>>) dst(%dma_wait3A_100 : memref<10000x128xf32, #tpu.memory_space<vmem_shared>>)
    } else {
    }
    %barrier3A_32 = arith.constant 0 : index
    tpu.barrier barrier_id(%barrier3A_32)
    %mul3A_33 = arith.constant 78 : i32
    %mul3A_34 = arith.muli %arg1, %mul3A_33 : i32
    %min3A_35 = arith.constant 2 : i32
    %min3A_36 = arith.minsi %arg1, %min3A_35 : i32
    %add3A_37 = arith.addi %mul3A_34, %min3A_36 : i32
    %mul3A_38 = arith.constant 8 : i32
    %mul3A_39 = arith.muli %add3A_37, %mul3A_38 : i32
    %add3A_40 = arith.constant 0 : i32
    %add3A_41 = arith.addi %mul3A_39, %add3A_40 : i32
    %multiple_of3A_42 = tpu.assume_multiple %add3A_41, 8 : i32
    "tpu.region"() ({
      %run_scoped3A = tpu.sem_alloc : memref<!tpu.dma_semaphore, #tpu.memory_space<semaphore_mem>>
      %dma_start3A = arith.constant 0 : i32
      %dma_start3A_63 = tpu.memref_slice %arg12[%multiple_of3A_42, %dma_start3A] : memref<10000x128xf32, #tpu.memory_space<vmem_shared>> -> memref<104x128xf32, #tpu.memory_space<vmem_shared>>
      %dma_start3A_64 = arith.constant 0 : i32
      %dma_start3A_65 = tpu.memref_slice %arg12[%multiple_of3A_42, %dma_start3A_64] : memref<10000x128xf32, #tpu.memory_space<vmem_shared>> -> memref<104x128xf32, #tpu.memory_space<vmem_shared>>
      tpu.enqueue_dma source(%dma_start3A_65 : memref<104x128xf32, #tpu.memory_space<vmem_shared>>) target(%arg11 : memref<104x128xf32, #tpu.memory_space<vmem>>) target_semaphore(%run_scoped3A : memref<!tpu.dma_semaphore, #tpu.memory_space<semaphore_mem>>)
      %dma_wait3A = arith.constant 0 : i32
      %dma_wait3A_66 = tpu.memref_slice %arg12[%multiple_of3A_42, %dma_wait3A] : memref<10000x128xf32, #tpu.memory_space<vmem_shared>> -> memref<104x128xf32, #tpu.memory_space<vmem_shared>>
      %dma_wait3A_67 = arith.constant 0 : i32
      %dma_wait3A_68 = tpu.memref_slice %arg12[%multiple_of3A_42, %dma_wait3A_67] : memref<10000x128xf32, #tpu.memory_space<vmem_shared>> -> memref<104x128xf32, #tpu.memory_space<vmem_shared>>
      tpu.wait_dma2 semaphore(%run_scoped3A : memref<!tpu.dma_semaphore, #tpu.memory_space<semaphore_mem>>) src(%dma_wait3A_68 : memref<104x128xf32, #tpu.memory_space<vmem_shared>>) dst(%arg11 : memref<104x128xf32, #tpu.memory_space<vmem>>)
      tpu.yield
    }) : () -> ()
    "tpu.region"() ({
      %run_scoped3A = tpu.sem_alloc : memref<!tpu.dma_semaphore, #tpu.memory_space<semaphore_mem>>
      %dma_start3A = arith.constant 0 : i32
      %dma_start3A_63 = tpu.memref_slice %arg7[%arg0, %multiple_of3A_42, %dma_start3A] : memref<2x10000x128xf32, #tpu.memory_space<hbm>> -> memref<1x104x128xf32, #tpu.memory_space<hbm>>
      %dma_start3A_64 = tpu.memref_squeeze %dma_start3A_63 : memref<1x104x128xf32, #tpu.memory_space<hbm>> -> memref<104x128xf32, #tpu.memory_space<hbm>>
      %dma_start3A_65 = arith.constant 0 : i32
      %dma_start3A_66 = tpu.memref_slice %arg7[%arg0, %multiple_of3A_42, %dma_start3A_65] : memref<2x10000x128xf32, #tpu.memory_space<hbm>> -> memref<1x104x128xf32, #tpu.memory_space<hbm>>
      %dma_start3A_67 = tpu.memref_squeeze %dma_start3A_66 : memref<1x104x128xf32, #tpu.memory_space<hbm>> -> memref<104x128xf32, #tpu.memory_space<hbm>>
      tpu.enqueue_dma source(%arg11 : memref<104x128xf32, #tpu.memory_space<vmem>>) target(%dma_start3A_67 : memref<104x128xf32, #tpu.memory_space<hbm>>) target_semaphore(%run_scoped3A : memref<!tpu.dma_semaphore, #tpu.memory_space<semaphore_mem>>)
      %dma_wait3A = arith.constant 0 : i32
      %dma_wait3A_68 = tpu.memref_slice %arg7[%arg0, %multiple_of3A_42, %dma_wait3A] : memref<2x10000x128xf32, #tpu.memory_space<hbm>> -> memref<1x104x128xf32, #tpu.memory_space<hbm>>
      %dma_wait3A_69 = tpu.memref_squeeze %dma_wait3A_68 : memref<1x104x128xf32, #tpu.memory_space<hbm>> -> memref<104x128xf32, #tpu.memory_space<hbm>>
      %dma_wait3A_70 = arith.constant 0 : i32
      %dma_wait3A_71 = tpu.memref_slice %arg7[%arg0, %multiple_of3A_42, %dma_wait3A_70] : memref<2x10000x128xf32, #tpu.memory_space<hbm>> -> memref<1x104x128xf32, #tpu.memory_space<hbm>>
      %dma_wait3A_72 = tpu.memref_squeeze %dma_wait3A_71 : memref<1x104x128xf32, #tpu.memory_space<hbm>> -> memref<104x128xf32, #tpu.memory_space<hbm>>
      tpu.wait_dma2 semaphore(%run_scoped3A : memref<!tpu.dma_semaphore, #tpu.memory_space<semaphore_mem>>) src(%arg11 : memref<104x128xf32, #tpu.memory_space<vmem>>) dst(%dma_wait3A_72 : memref<104x128xf32, #tpu.memory_space<hbm>>)
      tpu.yield
    }) : () -> ()
    %add3A_43 = arith.constant 104 : i32
    %add3A_44 = arith.addi %mul3A_39, %add3A_43 : i32
    %multiple_of3A_45 = tpu.assume_multiple %add3A_44, 8 : i32
    "tpu.region"() ({
      %run_scoped3A = tpu.sem_alloc : memref<!tpu.dma_semaphore, #tpu.memory_space<semaphore_mem>>
      %dma_start3A = arith.constant 0 : i32
      %dma_start3A_63 = tpu.memref_slice %arg12[%multiple_of3A_45, %dma_start3A] : memref<10000x128xf32, #tpu.memory_space<vmem_shared>> -> memref<104x128xf32, #tpu.memory_space<vmem_shared>>
      %dma_start3A_64 = arith.constant 0 : i32
      %dma_start3A_65 = tpu.memref_slice %arg12[%multiple_of3A_45, %dma_start3A_64] : memref<10000x128xf32, #tpu.memory_space<vmem_shared>> -> memref<104x128xf32, #tpu.memory_space<vmem_shared>>
      tpu.enqueue_dma source(%dma_start3A_65 : memref<104x128xf32, #tpu.memory_space<vmem_shared>>) target(%arg11 : memref<104x128xf32, #tpu.memory_space<vmem>>) target_semaphore(%run_scoped3A : memref<!tpu.dma_semaphore, #tpu.memory_space<semaphore_mem>>)
      %dma_wait3A = arith.constant 0 : i32
      %dma_wait3A_66 = tpu.memref_slice %arg12[%multiple_of3A_45, %dma_wait3A] : memref<10000x128xf32, #tpu.memory_space<vmem_shared>> -> memref<104x128xf32, #tpu.memory_space<vmem_shared>>
      %dma_wait3A_67 = arith.constant 0 : i32
      %dma_wait3A_68 = tpu.memref_slice %arg12[%multiple_of3A_45, %dma_wait3A_67] : memref<10000x128xf32, #tpu.memory_space<vmem_shared>> -> memref<104x128xf32, #tpu.memory_space<vmem_shared>>
      tpu.wait_dma2 semaphore(%run_scoped3A : memref<!tpu.dma_semaphore, #tpu.memory_space<semaphore_mem>>) src(%dma_wait3A_68 : memref<104x128xf32, #tpu.memory_space<vmem_shared>>) dst(%arg11 : memref<104x128xf32, #tpu.memory_space<vmem>>)
      tpu.yield
    }) : () -> ()
    "tpu.region"() ({
      %run_scoped3A = tpu.sem_alloc : memref<!tpu.dma_semaphore, #tpu.memory_space<semaphore_mem>>
      %dma_start3A = arith.constant 0 : i32
      %dma_start3A_63 = tpu.memref_slice %arg7[%arg0, %multiple_of3A_45, %dma_start3A] : memref<2x10000x128xf32, #tpu.memory_space<hbm>> -> memref<1x104x128xf32, #tpu.memory_space<hbm>>
      %dma_start3A_64 = tpu.memref_squeeze %dma_start3A_63 : memref<1x104x128xf32, #tpu.memory_space<hbm>> -> memref<104x128xf32, #tpu.memory_space<hbm>>
      %dma_start3A_65 = arith.constant 0 : i32
      %dma_start3A_66 = tpu.memref_slice %arg7[%arg0, %multiple_of3A_45, %dma_start3A_65] : memref<2x10000x128xf32, #tpu.memory_space<hbm>> -> memref<1x104x128xf32, #tpu.memory_space<hbm>>
      %dma_start3A_67 = tpu.memref_squeeze %dma_start3A_66 : memref<1x104x128xf32, #tpu.memory_space<hbm>> -> memref<104x128xf32, #tpu.memory_space<hbm>>
      tpu.enqueue_dma source(%arg11 : memref<104x128xf32, #tpu.memory_space<vmem>>) target(%dma_start3A_67 : memref<104x128xf32, #tpu.memory_space<hbm>>) target_semaphore(%run_scoped3A : memref<!tpu.dma_semaphore, #tpu.memory_space<semaphore_mem>>)
      %dma_wait3A = arith.constant 0 : i32
      %dma_wait3A_68 = tpu.memref_slice %arg7[%arg0, %multiple_of3A_45, %dma_wait3A] : memref<2x10000x128xf32, #tpu.memory_space<hbm>> -> memref<1x104x128xf32, #tpu.memory_space<hbm>>
      %dma_wait3A_69 = tpu.memref_squeeze %dma_wait3A_68 : memref<1x104x128xf32, #tpu.memory_space<hbm>> -> memref<104x128xf32, #tpu.memory_space<hbm>>
      %dma_wait3A_70 = arith.constant 0 : i32
      %dma_wait3A_71 = tpu.memref_slice %arg7[%arg0, %multiple_of3A_45, %dma_wait3A_70] : memref<2x10000x128xf32, #tpu.memory_space<hbm>> -> memref<1x104x128xf32, #tpu.memory_space<hbm>>
      %dma_wait3A_72 = tpu.memref_squeeze %dma_wait3A_71 : memref<1x104x128xf32, #tpu.memory_space<hbm>> -> memref<104x128xf32, #tpu.memory_space<hbm>>
      tpu.wait_dma2 semaphore(%run_scoped3A : memref<!tpu.dma_semaphore, #tpu.memory_space<semaphore_mem>>) src(%arg11 : memref<104x128xf32, #tpu.memory_space<vmem>>) dst(%dma_wait3A_72 : memref<104x128xf32, #tpu.memory_space<hbm>>)
      tpu.yield
    }) : () -> ()
    %add3A_46 = arith.constant 208 : i32
    %add3A_47 = arith.addi %mul3A_39, %add3A_46 : i32
    %multiple_of3A_48 = tpu.assume_multiple %add3A_47, 8 : i32
    "tpu.region"() ({
      %run_scoped3A = tpu.sem_alloc : memref<!tpu.dma_semaphore, #tpu.memory_space<semaphore_mem>>
      %dma_start3A = arith.constant 0 : i32
      %dma_start3A_63 = tpu.memref_slice %arg12[%multiple_of3A_48, %dma_start3A] : memref<10000x128xf32, #tpu.memory_space<vmem_shared>> -> memref<104x128xf32, #tpu.memory_space<vmem_shared>>
      %dma_start3A_64 = arith.constant 0 : i32
      %dma_start3A_65 = tpu.memref_slice %arg12[%multiple_of3A_48, %dma_start3A_64] : memref<10000x128xf32, #tpu.memory_space<vmem_shared>> -> memref<104x128xf32, #tpu.memory_space<vmem_shared>>
      tpu.enqueue_dma source(%dma_start3A_65 : memref<104x128xf32, #tpu.memory_space<vmem_shared>>) target(%arg11 : memref<104x128xf32, #tpu.memory_space<vmem>>) target_semaphore(%run_scoped3A : memref<!tpu.dma_semaphore, #tpu.memory_space<semaphore_mem>>)
      %dma_wait3A = arith.constant 0 : i32
      %dma_wait3A_66 = tpu.memref_slice %arg12[%multiple_of3A_48, %dma_wait3A] : memref<10000x128xf32, #tpu.memory_space<vmem_shared>> -> memref<104x128xf32, #tpu.memory_space<vmem_shared>>
      %dma_wait3A_67 = arith.constant 0 : i32
      %dma_wait3A_68 = tpu.memref_slice %arg12[%multiple_of3A_48, %dma_wait3A_67] : memref<10000x128xf32, #tpu.memory_space<vmem_shared>> -> memref<104x128xf32, #tpu.memory_space<vmem_shared>>
      tpu.wait_dma2 semaphore(%run_scoped3A : memref<!tpu.dma_semaphore, #tpu.memory_space<semaphore_mem>>) src(%dma_wait3A_68 : memref<104x128xf32, #tpu.memory_space<vmem_shared>>) dst(%arg11 : memref<104x128xf32, #tpu.memory_space<vmem>>)
      tpu.yield
    }) : () -> ()
    "tpu.region"() ({
      %run_scoped3A = tpu.sem_alloc : memref<!tpu.dma_semaphore, #tpu.memory_space<semaphore_mem>>
      %dma_start3A = arith.constant 0 : i32
      %dma_start3A_63 = tpu.memref_slice %arg7[%arg0, %multiple_of3A_48, %dma_start3A] : memref<2x10000x128xf32, #tpu.memory_space<hbm>> -> memref<1x104x128xf32, #tpu.memory_space<hbm>>
      %dma_start3A_64 = tpu.memref_squeeze %dma_start3A_63 : memref<1x104x128xf32, #tpu.memory_space<hbm>> -> memref<104x128xf32, #tpu.memory_space<hbm>>
      %dma_start3A_65 = arith.constant 0 : i32
      %dma_start3A_66 = tpu.memref_slice %arg7[%arg0, %multiple_of3A_48, %dma_start3A_65] : memref<2x10000x128xf32, #tpu.memory_space<hbm>> -> memref<1x104x128xf32, #tpu.memory_space<hbm>>
      %dma_start3A_67 = tpu.memref_squeeze %dma_start3A_66 : memref<1x104x128xf32, #tpu.memory_space<hbm>> -> memref<104x128xf32, #tpu.memory_space<hbm>>
      tpu.enqueue_dma source(%arg11 : memref<104x128xf32, #tpu.memory_space<vmem>>) target(%dma_start3A_67 : memref<104x128xf32, #tpu.memory_space<hbm>>) target_semaphore(%run_scoped3A : memref<!tpu.dma_semaphore, #tpu.memory_space<semaphore_mem>>)
      %dma_wait3A = arith.constant 0 : i32
      %dma_wait3A_68 = tpu.memref_slice %arg7[%arg0, %multiple_of3A_48, %dma_wait3A] : memref<2x10000x128xf32, #tpu.memory_space<hbm>> -> memref<1x104x128xf32, #tpu.memory_space<hbm>>
      %dma_wait3A_69 = tpu.memref_squeeze %dma_wait3A_68 : memref<1x104x128xf32, #tpu.memory_space<hbm>> -> memref<104x128xf32, #tpu.memory_space<hbm>>
      %dma_wait3A_70 = arith.constant 0 : i32
      %dma_wait3A_71 = tpu.memref_slice %arg7[%arg0, %multiple_of3A_48, %dma_wait3A_70] : memref<2x10000x128xf32, #tpu.memory_space<hbm>> -> memref<1x104x128xf32, #tpu.memory_space<hbm>>
      %dma_wait3A_72 = tpu.memref_squeeze %dma_wait3A_71 : memref<1x104x128xf32, #tpu.memory_space<hbm>> -> memref<104x128xf32, #tpu.memory_space<hbm>>
      tpu.wait_dma2 semaphore(%run_scoped3A : memref<!tpu.dma_semaphore, #tpu.memory_space<semaphore_mem>>) src(%arg11 : memref<104x128xf32, #tpu.memory_space<vmem>>) dst(%dma_wait3A_72 : memref<104x128xf32, #tpu.memory_space<hbm>>)
      tpu.yield
    }) : () -> ()
    %add3A_49 = arith.constant 312 : i32
    %add3A_50 = arith.addi %mul3A_39, %add3A_49 : i32
    %multiple_of3A_51 = tpu.assume_multiple %add3A_50, 8 : i32
    "tpu.region"() ({
      %run_scoped3A = tpu.sem_alloc : memref<!tpu.dma_semaphore, #tpu.memory_space<semaphore_mem>>
      %dma_start3A = arith.constant 0 : i32
      %dma_start3A_63 = tpu.memref_slice %arg12[%multiple_of3A_51, %dma_start3A] : memref<10000x128xf32, #tpu.memory_space<vmem_shared>> -> memref<104x128xf32, #tpu.memory_space<vmem_shared>>
      %dma_start3A_64 = arith.constant 0 : i32
      %dma_start3A_65 = tpu.memref_slice %arg12[%multiple_of3A_51, %dma_start3A_64] : memref<10000x128xf32, #tpu.memory_space<vmem_shared>> -> memref<104x128xf32, #tpu.memory_space<vmem_shared>>
      tpu.enqueue_dma source(%dma_start3A_65 : memref<104x128xf32, #tpu.memory_space<vmem_shared>>) target(%arg11 : memref<104x128xf32, #tpu.memory_space<vmem>>) target_semaphore(%run_scoped3A : memref<!tpu.dma_semaphore, #tpu.memory_space<semaphore_mem>>)
      %dma_wait3A = arith.constant 0 : i32
      %dma_wait3A_66 = tpu.memref_slice %arg12[%multiple_of3A_51, %dma_wait3A] : memref<10000x128xf32, #tpu.memory_space<vmem_shared>> -> memref<104x128xf32, #tpu.memory_space<vmem_shared>>
      %dma_wait3A_67 = arith.constant 0 : i32
      %dma_wait3A_68 = tpu.memref_slice %arg12[%multiple_of3A_51, %dma_wait3A_67] : memref<10000x128xf32, #tpu.memory_space<vmem_shared>> -> memref<104x128xf32, #tpu.memory_space<vmem_shared>>
      tpu.wait_dma2 semaphore(%run_scoped3A : memref<!tpu.dma_semaphore, #tpu.memory_space<semaphore_mem>>) src(%dma_wait3A_68 : memref<104x128xf32, #tpu.memory_space<vmem_shared>>) dst(%arg11 : memref<104x128xf32, #tpu.memory_space<vmem>>)
      tpu.yield
    }) : () -> ()
    "tpu.region"() ({
      %run_scoped3A = tpu.sem_alloc : memref<!tpu.dma_semaphore, #tpu.memory_space<semaphore_mem>>
      %dma_start3A = arith.constant 0 : i32
      %dma_start3A_63 = tpu.memref_slice %arg7[%arg0, %multiple_of3A_51, %dma_start3A] : memref<2x10000x128xf32, #tpu.memory_space<hbm>> -> memref<1x104x128xf32, #tpu.memory_space<hbm>>
      %dma_start3A_64 = tpu.memref_squeeze %dma_start3A_63 : memref<1x104x128xf32, #tpu.memory_space<hbm>> -> memref<104x128xf32, #tpu.memory_space<hbm>>
      %dma_start3A_65 = arith.constant 0 : i32
      %dma_start3A_66 = tpu.memref_slice %arg7[%arg0, %multiple_of3A_51, %dma_start3A_65] : memref<2x10000x128xf32, #tpu.memory_space<hbm>> -> memref<1x104x128xf32, #tpu.memory_space<hbm>>
      %dma_start3A_67 = tpu.memref_squeeze %dma_start3A_66 : memref<1x104x128xf32, #tpu.memory_space<hbm>> -> memref<104x128xf32, #tpu.memory_space<hbm>>
      tpu.enqueue_dma source(%arg11 : memref<104x128xf32, #tpu.memory_space<vmem>>) target(%dma_start3A_67 : memref<104x128xf32, #tpu.memory_space<hbm>>) target_semaphore(%run_scoped3A : memref<!tpu.dma_semaphore, #tpu.memory_space<semaphore_mem>>)
      %dma_wait3A = arith.constant 0 : i32
      %dma_wait3A_68 = tpu.memref_slice %arg7[%arg0, %multiple_of3A_51, %dma_wait3A] : memref<2x10000x128xf32, #tpu.memory_space<hbm>> -> memref<1x104x128xf32, #tpu.memory_space<hbm>>
      %dma_wait3A_69 = tpu.memref_squeeze %dma_wait3A_68 : memref<1x104x128xf32, #tpu.memory_space<hbm>> -> memref<104x128xf32, #tpu.memory_space<hbm>>
      %dma_wait3A_70 = arith.constant 0 : i32
      %dma_wait3A_71 = tpu.memref_slice %arg7[%arg0, %multiple_of3A_51, %dma_wait3A_70] : memref<2x10000x128xf32, #tpu.memory_space<hbm>> -> memref<1x104x128xf32, #tpu.memory_space<hbm>>
      %dma_wait3A_72 = tpu.memref_squeeze %dma_wait3A_71 : memref<1x104x128xf32, #tpu.memory_space<hbm>> -> memref<104x128xf32, #tpu.memory_space<hbm>>
      tpu.wait_dma2 semaphore(%run_scoped3A : memref<!tpu.dma_semaphore, #tpu.memory_space<semaphore_mem>>) src(%arg11 : memref<104x128xf32, #tpu.memory_space<vmem>>) dst(%dma_wait3A_72 : memref<104x128xf32, #tpu.memory_space<hbm>>)
      tpu.yield
    }) : () -> ()
    %add3A_52 = arith.constant 416 : i32
    %add3A_53 = arith.addi %mul3A_39, %add3A_52 : i32
    %multiple_of3A_54 = tpu.assume_multiple %add3A_53, 8 : i32
    "tpu.region"() ({
      %run_scoped3A = tpu.sem_alloc : memref<!tpu.dma_semaphore, #tpu.memory_space<semaphore_mem>>
      %dma_start3A = arith.constant 0 : i32
      %dma_start3A_63 = tpu.memref_slice %arg12[%multiple_of3A_54, %dma_start3A] : memref<10000x128xf32, #tpu.memory_space<vmem_shared>> -> memref<104x128xf32, #tpu.memory_space<vmem_shared>>
      %dma_start3A_64 = arith.constant 0 : i32
      %dma_start3A_65 = tpu.memref_slice %arg12[%multiple_of3A_54, %dma_start3A_64] : memref<10000x128xf32, #tpu.memory_space<vmem_shared>> -> memref<104x128xf32, #tpu.memory_space<vmem_shared>>
      tpu.enqueue_dma source(%dma_start3A_65 : memref<104x128xf32, #tpu.memory_space<vmem_shared>>) target(%arg11 : memref<104x128xf32, #tpu.memory_space<vmem>>) target_semaphore(%run_scoped3A : memref<!tpu.dma_semaphore, #tpu.memory_space<semaphore_mem>>)
      %dma_wait3A = arith.constant 0 : i32
      %dma_wait3A_66 = tpu.memref_slice %arg12[%multiple_of3A_54, %dma_wait3A] : memref<10000x128xf32, #tpu.memory_space<vmem_shared>> -> memref<104x128xf32, #tpu.memory_space<vmem_shared>>
      %dma_wait3A_67 = arith.constant 0 : i32
      %dma_wait3A_68 = tpu.memref_slice %arg12[%multiple_of3A_54, %dma_wait3A_67] : memref<10000x128xf32, #tpu.memory_space<vmem_shared>> -> memref<104x128xf32, #tpu.memory_space<vmem_shared>>
      tpu.wait_dma2 semaphore(%run_scoped3A : memref<!tpu.dma_semaphore, #tpu.memory_space<semaphore_mem>>) src(%dma_wait3A_68 : memref<104x128xf32, #tpu.memory_space<vmem_shared>>) dst(%arg11 : memref<104x128xf32, #tpu.memory_space<vmem>>)
      tpu.yield
    }) : () -> ()
    "tpu.region"() ({
      %run_scoped3A = tpu.sem_alloc : memref<!tpu.dma_semaphore, #tpu.memory_space<semaphore_mem>>
      %dma_start3A = arith.constant 0 : i32
      %dma_start3A_63 = tpu.memref_slice %arg7[%arg0, %multiple_of3A_54, %dma_start3A] : memref<2x10000x128xf32, #tpu.memory_space<hbm>> -> memref<1x104x128xf32, #tpu.memory_space<hbm>>
      %dma_start3A_64 = tpu.memref_squeeze %dma_start3A_63 : memref<1x104x128xf32, #tpu.memory_space<hbm>> -> memref<104x128xf32, #tpu.memory_space<hbm>>
      %dma_start3A_65 = arith.constant 0 : i32
      %dma_start3A_66 = tpu.memref_slice %arg7[%arg0, %multiple_of3A_54, %dma_start3A_65] : memref<2x10000x128xf32, #tpu.memory_space<hbm>> -> memref<1x104x128xf32, #tpu.memory_space<hbm>>
      %dma_start3A_67 = tpu.memref_squeeze %dma_start3A_66 : memref<1x104x128xf32, #tpu.memory_space<hbm>> -> memref<104x128xf32, #tpu.memory_space<hbm>>
      tpu.enqueue_dma source(%arg11 : memref<104x128xf32, #tpu.memory_space<vmem>>) target(%dma_start3A_67 : memref<104x128xf32, #tpu.memory_space<hbm>>) target_semaphore(%run_scoped3A : memref<!tpu.dma_semaphore, #tpu.memory_space<semaphore_mem>>)
      %dma_wait3A = arith.constant 0 : i32
      %dma_wait3A_68 = tpu.memref_slice %arg7[%arg0, %multiple_of3A_54, %dma_wait3A] : memref<2x10000x128xf32, #tpu.memory_space<hbm>> -> memref<1x104x128xf32, #tpu.memory_space<hbm>>
      %dma_wait3A_69 = tpu.memref_squeeze %dma_wait3A_68 : memref<1x104x128xf32, #tpu.memory_space<hbm>> -> memref<104x128xf32, #tpu.memory_space<hbm>>
      %dma_wait3A_70 = arith.constant 0 : i32
      %dma_wait3A_71 = tpu.memref_slice %arg7[%arg0, %multiple_of3A_54, %dma_wait3A_70] : memref<2x10000x128xf32, #tpu.memory_space<hbm>> -> memref<1x104x128xf32, #tpu.memory_space<hbm>>
      %dma_wait3A_72 = tpu.memref_squeeze %dma_wait3A_71 : memref<1x104x128xf32, #tpu.memory_space<hbm>> -> memref<104x128xf32, #tpu.memory_space<hbm>>
      tpu.wait_dma2 semaphore(%run_scoped3A : memref<!tpu.dma_semaphore, #tpu.memory_space<semaphore_mem>>) src(%arg11 : memref<104x128xf32, #tpu.memory_space<vmem>>) dst(%dma_wait3A_72 : memref<104x128xf32, #tpu.memory_space<hbm>>)
      tpu.yield
    }) : () -> ()
    %add3A_55 = arith.constant 520 : i32
    %add3A_56 = arith.addi %mul3A_39, %add3A_55 : i32
    %multiple_of3A_57 = tpu.assume_multiple %add3A_56, 8 : i32
    "tpu.region"() ({
      %run_scoped3A = tpu.sem_alloc : memref<!tpu.dma_semaphore, #tpu.memory_space<semaphore_mem>>
      %dma_start3A = arith.constant 0 : i32
      %dma_start3A_63 = tpu.memref_slice %arg12[%multiple_of3A_57, %dma_start3A] : memref<10000x128xf32, #tpu.memory_space<vmem_shared>> -> memref<104x128xf32, #tpu.memory_space<vmem_shared>>
      %dma_start3A_64 = arith.constant 0 : i32
      %dma_start3A_65 = tpu.memref_slice %arg12[%multiple_of3A_57, %dma_start3A_64] : memref<10000x128xf32, #tpu.memory_space<vmem_shared>> -> memref<104x128xf32, #tpu.memory_space<vmem_shared>>
      tpu.enqueue_dma source(%dma_start3A_65 : memref<104x128xf32, #tpu.memory_space<vmem_shared>>) target(%arg11 : memref<104x128xf32, #tpu.memory_space<vmem>>) target_semaphore(%run_scoped3A : memref<!tpu.dma_semaphore, #tpu.memory_space<semaphore_mem>>)
      %dma_wait3A = arith.constant 0 : i32
      %dma_wait3A_66 = tpu.memref_slice %arg12[%multiple_of3A_57, %dma_wait3A] : memref<10000x128xf32, #tpu.memory_space<vmem_shared>> -> memref<104x128xf32, #tpu.memory_space<vmem_shared>>
      %dma_wait3A_67 = arith.constant 0 : i32
      %dma_wait3A_68 = tpu.memref_slice %arg12[%multiple_of3A_57, %dma_wait3A_67] : memref<10000x128xf32, #tpu.memory_space<vmem_shared>> -> memref<104x128xf32, #tpu.memory_space<vmem_shared>>
      tpu.wait_dma2 semaphore(%run_scoped3A : memref<!tpu.dma_semaphore, #tpu.memory_space<semaphore_mem>>) src(%dma_wait3A_68 : memref<104x128xf32, #tpu.memory_space<vmem_shared>>) dst(%arg11 : memref<104x128xf32, #tpu.memory_space<vmem>>)
      tpu.yield
    }) : () -> ()
    "tpu.region"() ({
      %run_scoped3A = tpu.sem_alloc : memref<!tpu.dma_semaphore, #tpu.memory_space<semaphore_mem>>
      %dma_start3A = arith.constant 0 : i32
      %dma_start3A_63 = tpu.memref_slice %arg7[%arg0, %multiple_of3A_57, %dma_start3A] : memref<2x10000x128xf32, #tpu.memory_space<hbm>> -> memref<1x104x128xf32, #tpu.memory_space<hbm>>
      %dma_start3A_64 = tpu.memref_squeeze %dma_start3A_63 : memref<1x104x128xf32, #tpu.memory_space<hbm>> -> memref<104x128xf32, #tpu.memory_space<hbm>>
      %dma_start3A_65 = arith.constant 0 : i32
      %dma_start3A_66 = tpu.memref_slice %arg7[%arg0, %multiple_of3A_57, %dma_start3A_65] : memref<2x10000x128xf32, #tpu.memory_space<hbm>> -> memref<1x104x128xf32, #tpu.memory_space<hbm>>
      %dma_start3A_67 = tpu.memref_squeeze %dma_start3A_66 : memref<1x104x128xf32, #tpu.memory_space<hbm>> -> memref<104x128xf32, #tpu.memory_space<hbm>>
      tpu.enqueue_dma source(%arg11 : memref<104x128xf32, #tpu.memory_space<vmem>>) target(%dma_start3A_67 : memref<104x128xf32, #tpu.memory_space<hbm>>) target_semaphore(%run_scoped3A : memref<!tpu.dma_semaphore, #tpu.memory_space<semaphore_mem>>)
      %dma_wait3A = arith.constant 0 : i32
      %dma_wait3A_68 = tpu.memref_slice %arg7[%arg0, %multiple_of3A_57, %dma_wait3A] : memref<2x10000x128xf32, #tpu.memory_space<hbm>> -> memref<1x104x128xf32, #tpu.memory_space<hbm>>
      %dma_wait3A_69 = tpu.memref_squeeze %dma_wait3A_68 : memref<1x104x128xf32, #tpu.memory_space<hbm>> -> memref<104x128xf32, #tpu.memory_space<hbm>>
      %dma_wait3A_70 = arith.constant 0 : i32
      %dma_wait3A_71 = tpu.memref_slice %arg7[%arg0, %multiple_of3A_57, %dma_wait3A_70] : memref<2x10000x128xf32, #tpu.memory_space<hbm>> -> memref<1x104x128xf32, #tpu.memory_space<hbm>>
      %dma_wait3A_72 = tpu.memref_squeeze %dma_wait3A_71 : memref<1x104x128xf32, #tpu.memory_space<hbm>> -> memref<104x128xf32, #tpu.memory_space<hbm>>
      tpu.wait_dma2 semaphore(%run_scoped3A : memref<!tpu.dma_semaphore, #tpu.memory_space<semaphore_mem>>) src(%arg11 : memref<104x128xf32, #tpu.memory_space<vmem>>) dst(%dma_wait3A_72 : memref<104x128xf32, #tpu.memory_space<hbm>>)
      tpu.yield
    }) : () -> ()
    %lt3A_58 = arith.constant 2 : i32
    %lt3A_59 = arith.cmpi slt, %arg1, %lt3A_58 : i32
    %convert_element_type3A_60 = arith.extui %lt3A_59 : i1 to i32
    %cond3A_61 = arith.constant 0 : i32
    %cond3A_62 = arith.cmpi ne, %convert_element_type3A_60, %cond3A_61 : i32
    scf.if %cond3A_62 {
      %add3A_63 = arith.constant 624 : i32
      %add3A_64 = arith.addi %mul3A_39, %add3A_63 : i32
      %multiple_of3A_65 = tpu.assume_multiple %add3A_64, 8 : i32
      "tpu.region"() ({
        %run_scoped3A = tpu.sem_alloc : memref<!tpu.dma_semaphore, #tpu.memory_space<semaphore_mem>>
        %dma_start3A = arith.constant 0 : i32
        %dma_start3A_66 = arith.constant 0 : i32
        %dma_start3A_67 = tpu.memref_slice %arg11[%dma_start3A, %dma_start3A_66] : memref<104x128xf32, #tpu.memory_space<vmem>> -> memref<8x128xf32, #tpu.memory_space<vmem>>
        %dma_start3A_68 = arith.constant 0 : i32
        %dma_start3A_69 = tpu.memref_slice %arg12[%multiple_of3A_65, %dma_start3A_68] : memref<10000x128xf32, #tpu.memory_space<vmem_shared>> -> memref<8x128xf32, #tpu.memory_space<vmem_shared>>
        %dma_start3A_70 = arith.constant 0 : i32
        %dma_start3A_71 = arith.constant 0 : i32
        %dma_start3A_72 = tpu.memref_slice %arg11[%dma_start3A_70, %dma_start3A_71] : memref<104x128xf32, #tpu.memory_space<vmem>> -> memref<8x128xf32, #tpu.memory_space<vmem>>
        %dma_start3A_73 = arith.constant 0 : i32
        %dma_start3A_74 = tpu.memref_slice %arg12[%multiple_of3A_65, %dma_start3A_73] : memref<10000x128xf32, #tpu.memory_space<vmem_shared>> -> memref<8x128xf32, #tpu.memory_space<vmem_shared>>
        tpu.enqueue_dma source(%dma_start3A_74 : memref<8x128xf32, #tpu.memory_space<vmem_shared>>) target(%dma_start3A_72 : memref<8x128xf32, #tpu.memory_space<vmem>>) target_semaphore(%run_scoped3A : memref<!tpu.dma_semaphore, #tpu.memory_space<semaphore_mem>>)
        %dma_wait3A = arith.constant 0 : i32
        %dma_wait3A_75 = arith.constant 0 : i32
        %dma_wait3A_76 = tpu.memref_slice %arg11[%dma_wait3A, %dma_wait3A_75] : memref<104x128xf32, #tpu.memory_space<vmem>> -> memref<8x128xf32, #tpu.memory_space<vmem>>
        %dma_wait3A_77 = arith.constant 0 : i32
        %dma_wait3A_78 = tpu.memref_slice %arg12[%multiple_of3A_65, %dma_wait3A_77] : memref<10000x128xf32, #tpu.memory_space<vmem_shared>> -> memref<8x128xf32, #tpu.memory_space<vmem_shared>>
        %dma_wait3A_79 = arith.constant 0 : i32
        %dma_wait3A_80 = arith.constant 0 : i32
        %dma_wait3A_81 = tpu.memref_slice %arg11[%dma_wait3A_79, %dma_wait3A_80] : memref<104x128xf32, #tpu.memory_space<vmem>> -> memref<8x128xf32, #tpu.memory_space<vmem>>
        %dma_wait3A_82 = arith.constant 0 : i32
        %dma_wait3A_83 = tpu.memref_slice %arg12[%multiple_of3A_65, %dma_wait3A_82] : memref<10000x128xf32, #tpu.memory_space<vmem_shared>> -> memref<8x128xf32, #tpu.memory_space<vmem_shared>>
        tpu.wait_dma2 semaphore(%run_scoped3A : memref<!tpu.dma_semaphore, #tpu.memory_space<semaphore_mem>>) src(%dma_wait3A_83 : memref<8x128xf32, #tpu.memory_space<vmem_shared>>) dst(%dma_wait3A_81 : memref<8x128xf32, #tpu.memory_space<vmem>>)
        tpu.yield
      }) : () -> ()
      "tpu.region"() ({
        %run_scoped3A = tpu.sem_alloc : memref<!tpu.dma_semaphore, #tpu.memory_space<semaphore_mem>>
        %dma_start3A = arith.constant 0 : i32
        %dma_start3A_66 = arith.constant 0 : i32
        %dma_start3A_67 = tpu.memref_slice %arg11[%dma_start3A, %dma_start3A_66] : memref<104x128xf32, #tpu.memory_space<vmem>> -> memref<8x128xf32, #tpu.memory_space<vmem>>
        %dma_start3A_68 = arith.constant 0 : i32
        %dma_start3A_69 = tpu.memref_slice %arg7[%arg0, %multiple_of3A_65, %dma_start3A_68] : memref<2x10000x128xf32, #tpu.memory_space<hbm>> -> memref<1x8x128xf32, #tpu.memory_space<hbm>>
        %dma_start3A_70 = tpu.memref_squeeze %dma_start3A_69 : memref<1x8x128xf32, #tpu.memory_space<hbm>> -> memref<8x128xf32, #tpu.memory_space<hbm>>
        %dma_start3A_71 = arith.constant 0 : i32
        %dma_start3A_72 = tpu.memref_slice %arg7[%arg0, %multiple_of3A_65, %dma_start3A_71] : memref<2x10000x128xf32, #tpu.memory_space<hbm>> -> memref<1x8x128xf32, #tpu.memory_space<hbm>>
        %dma_start3A_73 = tpu.memref_squeeze %dma_start3A_72 : memref<1x8x128xf32, #tpu.memory_space<hbm>> -> memref<8x128xf32, #tpu.memory_space<hbm>>
        %dma_start3A_74 = arith.constant 0 : i32
        %dma_start3A_75 = arith.constant 0 : i32
        %dma_start3A_76 = tpu.memref_slice %arg11[%dma_start3A_74, %dma_start3A_75] : memref<104x128xf32, #tpu.memory_space<vmem>> -> memref<8x128xf32, #tpu.memory_space<vmem>>
        tpu.enqueue_dma source(%dma_start3A_76 : memref<8x128xf32, #tpu.memory_space<vmem>>) target(%dma_start3A_73 : memref<8x128xf32, #tpu.memory_space<hbm>>) target_semaphore(%run_scoped3A : memref<!tpu.dma_semaphore, #tpu.memory_space<semaphore_mem>>)
        %dma_wait3A = arith.constant 0 : i32
        %dma_wait3A_77 = arith.constant 0 : i32
        %dma_wait3A_78 = tpu.memref_slice %arg11[%dma_wait3A, %dma_wait3A_77] : memref<104x128xf32, #tpu.memory_space<vmem>> -> memref<8x128xf32, #tpu.memory_space<vmem>>
        %dma_wait3A_79 = arith.constant 0 : i32
        %dma_wait3A_80 = tpu.memref_slice %arg7[%arg0, %multiple_of3A_65, %dma_wait3A_79] : memref<2x10000x128xf32, #tpu.memory_space<hbm>> -> memref<1x8x128xf32, #tpu.memory_space<hbm>>
        %dma_wait3A_81 = tpu.memref_squeeze %dma_wait3A_80 : memref<1x8x128xf32, #tpu.memory_space<hbm>> -> memref<8x128xf32, #tpu.memory_space<hbm>>
        %dma_wait3A_82 = arith.constant 0 : i32
        %dma_wait3A_83 = tpu.memref_slice %arg7[%arg0, %multiple_of3A_65, %dma_wait3A_82] : memref<2x10000x128xf32, #tpu.memory_space<hbm>> -> memref<1x8x128xf32, #tpu.memory_space<hbm>>
        %dma_wait3A_84 = tpu.memref_squeeze %dma_wait3A_83 : memref<1x8x128xf32, #tpu.memory_space<hbm>> -> memref<8x128xf32, #tpu.memory_space<hbm>>
        %dma_wait3A_85 = arith.constant 0 : i32
        %dma_wait3A_86 = arith.constant 0 : i32
        %dma_wait3A_87 = tpu.memref_slice %arg11[%dma_wait3A_85, %dma_wait3A_86] : memref<104x128xf32, #tpu.memory_space<vmem>> -> memref<8x128xf32, #tpu.memory_space<vmem>>
        tpu.wait_dma2 semaphore(%run_scoped3A : memref<!tpu.dma_semaphore, #tpu.memory_space<semaphore_mem>>) src(%dma_wait3A_87 : memref<8x128xf32, #tpu.memory_space<vmem>>) dst(%dma_wait3A_84 : memref<8x128xf32, #tpu.memory_space<hbm>>)
        tpu.yield
      }) : () -> ()
    } else {
    }
    return
  }
}

module attributes {stable_mosaic.version = 14 : i64} {
  func.func @tc1_scale(%arg0: i32, %arg1: memref<1000x128xf32, #tpu.memory_space<vmem>>, %arg2: memref<2x1000x128xf32, #tpu.memory_space<vmem>>, %arg3: memref<1000x128xf32, #tpu.memory_space<vmem>>) attributes {dimension_semantics = [#tpu.dimension_semantics<arbitrary>], iteration_bounds = array<i64: 10>, scalar_prefetch = 0 : i64, scratch_operands = 0 : i64, tpu.core_type = #tpu.core_type<tc>, window_params = [{transform_indices = @transform_0, window_bounds = array<i64: 1000, 128>}, {transform_indices = @transform_1, window_bounds = array<i64: 2, 1000, 128>}, {transform_indices = @transform_2, window_bounds = array<i64: 1000, 128>}]} {
    %get3A = arith.constant 0 : index
    %get3A_0 = arith.constant 0 : index
    %get3A_1 = arith.constant 0 : index
    %get3A_2 = vector.load %arg2[%get3A, %get3A_0, %get3A_1] : memref<2x1000x128xf32, #tpu.memory_space<vmem>>, vector<1x1000x1xf32>
    %get3A_3 = vector.shape_cast %get3A_2 : vector<1x1000x1xf32> to vector<1000x1xf32>
    %get3A_4 = arith.constant 1 : index
    %get3A_5 = arith.constant 0 : index
    %get3A_6 = arith.constant 0 : index
    %get3A_7 = vector.load %arg2[%get3A_4, %get3A_5, %get3A_6] : memref<2x1000x128xf32, #tpu.memory_space<vmem>>, vector<1x1000x1xf32>
    %get3A_8 = vector.shape_cast %get3A_7 : vector<1x1000x1xf32> to vector<1000x1xf32>
    %add3A = arith.addf %get3A_3, %get3A_8 : vector<1000x1xf32>
    %add3A_9 = arith.constant 1.000000e+00 : f32
    %add3A_10 = vector.broadcast %add3A_9 : f32 to vector<1000x1xf32>
    %add3A_11 = arith.addf %add3A, %add3A_10 : vector<1000x1xf32>
    %rsqrt3A = math.rsqrt %add3A_11 : vector<1000x1xf32>
    %get3A_12 = arith.constant 0 : index
    %get3A_13 = arith.constant 0 : index
    %get3A_14 = vector.load %arg1[%get3A_12, %get3A_13] : memref<1000x128xf32, #tpu.memory_space<vmem>>, vector<1000x128xf32>
    %mul3A = vector.broadcast %rsqrt3A : vector<1000x1xf32> to vector<1000x128xf32>
    %mul3A_15 = arith.mulf %get3A_14, %mul3A : vector<1000x128xf32>
    %swap3A = arith.constant 0 : index
    %swap3A_16 = arith.constant 0 : index
    %swap3A_17 = vector.load %arg3[%swap3A, %swap3A_16] : memref<1000x128xf32, #tpu.memory_space<vmem>>, vector<1000x128xf32>
    tpu.vector_store %arg3[%swap3A, %swap3A_16], %mul3A_15 {strides = array<i32>} : memref<1000x128xf32, #tpu.memory_space<vmem>>, vector<1000x128xf32>,
    return
  }
  func.func @transform_0(%arg0: i32) -> (i32, i32) {
    %c0_i32 = arith.constant 0 : i32
    %c0_i32_0 = arith.constant 0 : i32
    return %arg0, %c0_i32 : i32, i32
  }
  func.func @transform_1(%arg0: i32) -> (i32, i32, i32) {
    %c0_i32 = arith.constant 0 : i32
    %c0_i32_0 = arith.constant 0 : i32
    %c0_i32_1 = arith.constant 0 : i32
    return %c0_i32, %arg0, %c0_i32_0 : i32, i32, i32
  }
  func.func @transform_2(%arg0: i32) -> (i32, i32) {
    %c0_i32 = arith.constant 0 : i32
    %c0_i32_0 = arith.constant 0 : i32
    return %arg0, %c0_i32 : i32, i32
  }
}

module attributes {stable_mosaic.version = 14 : i64} {
  func.func @tc2_gcn_matmuls(%arg0: i32, %arg1: memref<2x1000x128xf32, #tpu.memory_space<vmem>>, %arg2: memref<1000x128xf32, #tpu.memory_space<vmem>>, %arg3: memref<2x1000x128xf32, #tpu.memory_space<vmem>>, %arg4: memref<1x336xf32, #tpu.memory_space<vmem>>, %arg5: memref<384x128xf32, #tpu.memory_space<vmem>>, %arg6: memref<168x336xf32, #tpu.memory_space<vmem>>, %arg7: memref<1000x128xf32, #tpu.memory_space<vmem>>, %arg8: memref<1000x128xf32, #tpu.memory_space<vmem>>) attributes {dimension_semantics = [#tpu.dimension_semantics<arbitrary>], iteration_bounds = array<i64: 10>, scalar_prefetch = 0 : i64, scratch_operands = 0 : i64, tpu.core_type = #tpu.core_type<tc>, window_params = [{transform_indices = @transform_0, window_bounds = array<i64: 2, 1000, 128>}, {transform_indices = @transform_1, window_bounds = array<i64: 1000, 128>}, {transform_indices = @transform_2, window_bounds = array<i64: 2, 1000, 128>}, {pipeline_mode = #tpu.pipeline_mode<synchronous>, transform_indices = @transform_3, window_bounds = array<i64: 1, 336>}, {pipeline_mode = #tpu.pipeline_mode<synchronous>, transform_indices = @transform_4, window_bounds = array<i64: 384, 128>}, {pipeline_mode = #tpu.pipeline_mode<synchronous>, transform_indices = @transform_5, window_bounds = array<i64: 168, 336>}, {transform_indices = @transform_6, window_bounds = array<i64: 1000, 128>}, {transform_indices = @transform_7, window_bounds = array<i64: 1000, 128>}]} {
    %get3A = arith.constant 0 : index
    %get3A_0 = arith.constant 0 : index
    %get3A_1 = arith.constant 0 : index
    %get3A_2 = vector.load %arg3[%get3A, %get3A_0, %get3A_1] : memref<2x1000x128xf32, #tpu.memory_space<vmem>>, vector<1x1000x1xf32>
    %get3A_3 = vector.shape_cast %get3A_2 : vector<1x1000x1xf32> to vector<1000x1xf32>
    %get3A_4 = arith.constant 1 : index
    %get3A_5 = arith.constant 0 : index
    %get3A_6 = arith.constant 0 : index
    %get3A_7 = vector.load %arg3[%get3A_4, %get3A_5, %get3A_6] : memref<2x1000x128xf32, #tpu.memory_space<vmem>>, vector<1x1000x1xf32>
    %get3A_8 = vector.shape_cast %get3A_7 : vector<1x1000x1xf32> to vector<1000x1xf32>
    %add3A = arith.addf %get3A_3, %get3A_8 : vector<1000x1xf32>
    %add3A_9 = arith.constant 1.000000e+00 : f32
    %add3A_10 = vector.broadcast %add3A_9 : f32 to vector<1000x1xf32>
    %add3A_11 = arith.addf %add3A, %add3A_10 : vector<1000x1xf32>
    %rsqrt3A = math.rsqrt %add3A_11 : vector<1000x1xf32>
    %get3A_12 = arith.constant 0 : index
    %get3A_13 = arith.constant 0 : index
    %get3A_14 = arith.constant 0 : index
    %get3A_15 = vector.load %arg1[%get3A_12, %get3A_13, %get3A_14] : memref<2x1000x128xf32, #tpu.memory_space<vmem>>, vector<1x1000x128xf32>
    %get3A_16 = vector.shape_cast %get3A_15 : vector<1x1000x128xf32> to vector<1000x128xf32>
    %get3A_17 = arith.constant 1 : index
    %get3A_18 = arith.constant 0 : index
    %get3A_19 = arith.constant 0 : index
    %get3A_20 = vector.load %arg1[%get3A_17, %get3A_18, %get3A_19] : memref<2x1000x128xf32, #tpu.memory_space<vmem>>, vector<1x1000x128xf32>
    %get3A_21 = vector.shape_cast %get3A_20 : vector<1x1000x128xf32> to vector<1000x128xf32>
    %add3A_22 = arith.addf %get3A_16, %get3A_21 : vector<1000x128xf32>
    %get3A_23 = arith.constant 0 : index
    %get3A_24 = arith.constant 0 : index
    %get3A_25 = vector.load %arg2[%get3A_23, %get3A_24] : memref<1000x128xf32, #tpu.memory_space<vmem>>, vector<1000x128xf32>
    %add3A_26 = arith.addf %add3A_22, %get3A_25 : vector<1000x128xf32>
    %mul3A = vector.broadcast %rsqrt3A : vector<1000x1xf32> to vector<1000x128xf32>
    %mul3A_27 = arith.mulf %mul3A, %add3A_26 : vector<1000x128xf32>
    %get3A_28 = arith.constant 0 : index
    %get3A_29 = arith.constant 0 : index
    %get3A_30 = vector.load %arg5[%get3A_28, %get3A_29] : memref<384x128xf32, #tpu.memory_space<vmem>>, vector<384x128xf32>
    %dot_general3A = arith.constant dense<0.000000e+00> : vector<1000x384xf32>
    %dot_general3A_31 = tpu.matmul %mul3A_27, %get3A_30, %dot_general3A {dimension_numbers = #tpu.dot_dimension_numbers<[1], [1], [0], [0], [0, 0, 1, 0], [], []>, transpose_lhs_hint = false} : vector<1000x128xf32>, vector<384x128xf32>, vector<1000x384xf32> -> vector<1000x384xf32>
    %slice3A = vector.extract_strided_slice %dot_general3A_31 {offsets = [0, 0], sizes = [1000, 336], strides = [1, 1]} : vector<1000x384xf32> to vector<1000x336xf32>
    %get3A_32 = arith.constant 0 : index
    %get3A_33 = arith.constant 0 : index
    %get3A_34 = vector.load %arg4[%get3A_32, %get3A_33] : memref<1x336xf32, #tpu.memory_space<vmem>>, vector<1x336xf32>
    %add3A_35 = vector.broadcast %get3A_34 : vector<1x336xf32> to vector<1000x336xf32>
    %add3A_36 = arith.addf %slice3A, %add3A_35 : vector<1000x336xf32>
    %max3A = arith.constant 0.000000e+00 : f32
    %max3A_37 = vector.broadcast %max3A : f32 to vector<1000x336xf32>
    %max3A_38 = arith.maximumf %add3A_36, %max3A_37 : vector<1000x336xf32>
    %get3A_39 = arith.constant 0 : index
    %get3A_40 = arith.constant 0 : index
    %get3A_41 = vector.load %arg6[%get3A_39, %get3A_40] : memref<168x336xf32, #tpu.memory_space<vmem>>, vector<168x336xf32>
    %dot_general3A_42 = arith.constant dense<0.000000e+00> : vector<1000x168xf32>
    %dot_general3A_43 = tpu.matmul %max3A_38, %get3A_41, %dot_general3A_42 {dimension_numbers = #tpu.dot_dimension_numbers<[1], [1], [0], [0], [0, 0, 1, 0], [], []>, transpose_lhs_hint = false} : vector<1000x336xf32>, vector<168x336xf32>, vector<1000x168xf32> -> vector<1000x168xf32>
    %mul3A_44 = vector.broadcast %rsqrt3A : vector<1000x1xf32> to vector<1000x168xf32>
    %mul3A_45 = arith.mulf %dot_general3A_43, %mul3A_44 : vector<1000x168xf32>
    %slice3A_46 = vector.extract_strided_slice %mul3A_45 {offsets = [0, 0], sizes = [1000, 128], strides = [1, 1]} : vector<1000x168xf32> to vector<1000x128xf32>
    %swap3A = arith.constant 0 : index
    %swap3A_47 = arith.constant 0 : index
    %swap3A_48 = vector.load %arg7[%swap3A, %swap3A_47] : memref<1000x128xf32, #tpu.memory_space<vmem>>, vector<1000x128xf32>
    tpu.vector_store %arg7[%swap3A, %swap3A_47], %slice3A_46 {strides = array<i32>} : memref<1000x128xf32, #tpu.memory_space<vmem>>, vector<1000x128xf32>,
    %slice3A_49 = vector.extract_strided_slice %mul3A_45 {offsets = [0, 128], sizes = [1000, 40], strides = [1, 1]} : vector<1000x168xf32> to vector<1000x40xf32>
    %broadcast_in_dim3A = arith.constant 0.000000e+00 : f32
    %broadcast_in_dim3A_50 = vector.broadcast %broadcast_in_dim3A : f32 to vector<1000x88xf32>
    %concatenate3A = tpu.concatenate %slice3A_49, %broadcast_in_dim3A_50 in 1 : vector<1000x40xf32>, vector<1000x88xf32> -> vector<1000x128xf32>
    %swap3A_51 = arith.constant 0 : index
    %swap3A_52 = arith.constant 0 : index
    %swap3A_53 = vector.load %arg8[%swap3A_51, %swap3A_52] : memref<1000x128xf32, #tpu.memory_space<vmem>>, vector<1000x128xf32>
    tpu.vector_store %arg8[%swap3A_51, %swap3A_52], %concatenate3A {strides = array<i32>} : memref<1000x128xf32, #tpu.memory_space<vmem>>, vector<1000x128xf32>,
    return
  }
  func.func @transform_0(%arg0: i32) -> (i32, i32, i32) {
    %c0_i32 = arith.constant 0 : i32
    %c0_i32_0 = arith.constant 0 : i32
    %c0_i32_1 = arith.constant 0 : i32
    return %c0_i32, %arg0, %c0_i32_0 : i32, i32, i32
  }
  func.func @transform_1(%arg0: i32) -> (i32, i32) {
    %c0_i32 = arith.constant 0 : i32
    %c0_i32_0 = arith.constant 0 : i32
    return %arg0, %c0_i32 : i32, i32
  }
  func.func @transform_2(%arg0: i32) -> (i32, i32, i32) {
    %c0_i32 = arith.constant 0 : i32
    %c0_i32_0 = arith.constant 0 : i32
    %c0_i32_1 = arith.constant 0 : i32
    return %c0_i32, %arg0, %c0_i32_0 : i32, i32, i32
  }
  func.func @transform_3(%arg0: i32) -> (i32, i32) {
    %c0_i32 = arith.constant 0 : i32
    %c0_i32_0 = arith.constant 0 : i32
    %c0_i32_1 = arith.constant 0 : i32
    return %c0_i32, %c0_i32_0 : i32, i32
  }
  func.func @transform_4(%arg0: i32) -> (i32, i32) {
    %c0_i32 = arith.constant 0 : i32
    %c0_i32_0 = arith.constant 0 : i32
    %c0_i32_1 = arith.constant 0 : i32
    return %c0_i32, %c0_i32_0 : i32, i32
  }
  func.func @transform_5(%arg0: i32) -> (i32, i32) {
    %c0_i32 = arith.constant 0 : i32
    %c0_i32_0 = arith.constant 0 : i32
    %c0_i32_1 = arith.constant 0 : i32
    return %c0_i32, %c0_i32_0 : i32, i32
  }
  func.func @transform_6(%arg0: i32) -> (i32, i32) {
    %c0_i32 = arith.constant 0 : i32
    %c0_i32_0 = arith.constant 0 : i32
    return %arg0, %c0_i32 : i32, i32
  }
  func.func @transform_7(%arg0: i32) -> (i32, i32) {
    %c0_i32 = arith.constant 0 : i32
    %c0_i32_0 = arith.constant 0 : i32
    return %arg0, %c0_i32 : i32, i32
  }
}

module attributes {stable_mosaic.version = 14 : i64} {
  func.func @tc3_pool_mlp(%arg0: i32, %arg1: memref<2x1000x128xf32, #tpu.memory_space<vmem>>, %arg2: memref<1000x128xf32, #tpu.memory_space<vmem>>, %arg3: memref<1000x128xf32, #tpu.memory_space<vmem>>, %arg4: memref<2x1000x128xf32, #tpu.memory_space<vmem>>, %arg5: memref<1x168xf32, #tpu.memory_space<vmem>>, %arg6: memref<1000x1xi32, #tpu.memory_space<vmem>>, %arg7: memref<84x168xf32, #tpu.memory_space<vmem>>, %arg8: memref<1x84xf32, #tpu.memory_space<vmem>>, %arg9: memref<42x84xf32, #tpu.memory_space<vmem>>, %arg10: memref<1x42xf32, #tpu.memory_space<vmem>>, %arg11: memref<8x42xf32, #tpu.memory_space<vmem>>, %arg12: memref<1x1xf32, #tpu.memory_space<vmem>>, %arg13: memref<64x1xf32, #tpu.memory_space<vmem>>, %arg14: memref<64x168xf32, #tpu.memory_space<vmem>>) attributes {dimension_semantics = [#tpu.dimension_semantics<arbitrary>], iteration_bounds = array<i64: 10>, scalar_prefetch = 0 : i64, scratch_operands = 1 : i64, tpu.core_type = #tpu.core_type<tc>, window_params = [{transform_indices = @transform_0, window_bounds = array<i64: 2, 1000, 128>}, {transform_indices = @transform_1, window_bounds = array<i64: 1000, 128>}, {transform_indices = @transform_2, window_bounds = array<i64: 1000, 128>}, {transform_indices = @transform_3, window_bounds = array<i64: 2, 1000, 128>}, {pipeline_mode = #tpu.pipeline_mode<synchronous>, transform_indices = @transform_4, window_bounds = array<i64: 1, 168>}, {transform_indices = @transform_5, window_bounds = array<i64: 1000, 1>}, {pipeline_mode = #tpu.pipeline_mode<synchronous>, transform_indices = @transform_6, window_bounds = array<i64: 84, 168>}, {pipeline_mode = #tpu.pipeline_mode<synchronous>, transform_indices = @transform_7, window_bounds = array<i64: 1, 84>}, {pipeline_mode = #tpu.pipeline_mode<synchronous>, transform_indices = @transform_8, window_bounds = array<i64: 42, 84>}, {pipeline_mode = #tpu.pipeline_mode<synchronous>, transform_indices = @transform_9, window_bounds = array<i64: 1, 42>}, {pipeline_mode = #tpu.pipeline_mode<synchronous>, transform_indices = @transform_10, window_bounds = array<i64: 8, 42>}, {pipeline_mode = #tpu.pipeline_mode<synchronous>, transform_indices = @transform_11, window_bounds = array<i64: 1, 1>}, {pipeline_mode = #tpu.pipeline_mode<synchronous>, transform_indices = @transform_12, window_bounds = array<i64: 64, 1>}]} {
    %eq3A = arith.constant 0 : i32
    %eq3A_0 = arith.cmpi eq, %arg0, %eq3A : i32
    %convert_element_type3A = arith.extui %eq3A_0 : i1 to i32
    %cond3A = arith.constant 0 : i32
    %cond3A_1 = arith.cmpi ne, %convert_element_type3A, %cond3A : i32
    scf.if %cond3A_1 {
      %broadcast_in_dim3A = arith.constant 0xFF800000 : f32
      %broadcast_in_dim3A_67 = vector.broadcast %broadcast_in_dim3A : f32 to vector<64x168xf32>
      %swap3A = arith.constant 0 : index
      %swap3A_68 = arith.constant 0 : index
      %swap3A_69 = vector.load %arg14[%swap3A, %swap3A_68] : memref<64x168xf32, #tpu.memory_space<vmem>>, vector<64x168xf32>
      tpu.vector_store %arg14[%swap3A, %swap3A_68], %broadcast_in_dim3A_67 {strides = array<i32>} : memref<64x168xf32, #tpu.memory_space<vmem>>, vector<64x168xf32>,
    } else {
    }
    %get3A = arith.constant 0 : index
    %get3A_2 = arith.constant 0 : index
    %get3A_3 = arith.constant 0 : index
    %get3A_4 = vector.load %arg4[%get3A, %get3A_2, %get3A_3] : memref<2x1000x128xf32, #tpu.memory_space<vmem>>, vector<1x1000x1xf32>
    %get3A_5 = vector.shape_cast %get3A_4 : vector<1x1000x1xf32> to vector<1000x1xf32>
    %get3A_6 = arith.constant 1 : index
    %get3A_7 = arith.constant 0 : index
    %get3A_8 = arith.constant 0 : index
    %get3A_9 = vector.load %arg4[%get3A_6, %get3A_7, %get3A_8] : memref<2x1000x128xf32, #tpu.memory_space<vmem>>, vector<1x1000x1xf32>
    %get3A_10 = vector.shape_cast %get3A_9 : vector<1x1000x1xf32> to vector<1000x1xf32>
    %add3A = arith.addf %get3A_5, %get3A_10 : vector<1000x1xf32>
    %add3A_11 = arith.constant 1.000000e+00 : f32
    %add3A_12 = vector.broadcast %add3A_11 : f32 to vector<1000x1xf32>
    %add3A_13 = arith.addf %add3A, %add3A_12 : vector<1000x1xf32>
    %rsqrt3A = math.rsqrt %add3A_13 : vector<1000x1xf32>
    %get3A_14 = arith.constant 0 : index
    %get3A_15 = arith.constant 0 : index
    %get3A_16 = arith.constant 0 : index
    %get3A_17 = vector.load %arg1[%get3A_14, %get3A_15, %get3A_16] : memref<2x1000x128xf32, #tpu.memory_space<vmem>>, vector<1x1000x128xf32>
    %get3A_18 = vector.shape_cast %get3A_17 : vector<1x1000x128xf32> to vector<1000x128xf32>
    %get3A_19 = arith.constant 1 : index
    %get3A_20 = arith.constant 0 : index
    %get3A_21 = arith.constant 0 : index
    %get3A_22 = vector.load %arg1[%get3A_19, %get3A_20, %get3A_21] : memref<2x1000x128xf32, #tpu.memory_space<vmem>>, vector<1x1000x128xf32>
    %get3A_23 = vector.shape_cast %get3A_22 : vector<1x1000x128xf32> to vector<1000x128xf32>
    %concatenate3A = tpu.concatenate %get3A_18, %get3A_23 in 1 : vector<1000x128xf32>, vector<1000x128xf32> -> vector<1000x256xf32>
    %slice3A = vector.extract_strided_slice %concatenate3A {offsets = [0, 0], sizes = [1000, 168], strides = [1, 1]} : vector<1000x256xf32> to vector<1000x168xf32>
    %get3A_24 = arith.constant 0 : index
    %get3A_25 = arith.constant 0 : index
    %get3A_26 = vector.load %arg2[%get3A_24, %get3A_25] : memref<1000x128xf32, #tpu.memory_space<vmem>>, vector<1000x128xf32>
    %get3A_27 = arith.constant 0 : index
    %get3A_28 = arith.constant 0 : index
    %get3A_29 = vector.load %arg3[%get3A_27, %get3A_28] : memref<1000x128xf32, #tpu.memory_space<vmem>>, vector<1000x128xf32>
    %concatenate3A_30 = tpu.concatenate %get3A_26, %get3A_29 in 1 : vector<1000x128xf32>, vector<1000x128xf32> -> vector<1000x256xf32>
    %slice3A_31 = vector.extract_strided_slice %concatenate3A_30 {offsets = [0, 0], sizes = [1000, 168], strides = [1, 1]} : vector<1000x256xf32> to vector<1000x168xf32>
    %add3A_32 = arith.addf %slice3A, %slice3A_31 : vector<1000x168xf32>
    %mul3A = vector.broadcast %rsqrt3A : vector<1000x1xf32> to vector<1000x168xf32>
    %mul3A_33 = arith.mulf %mul3A, %add3A_32 : vector<1000x168xf32>
    %get3A_34 = arith.constant 0 : index
    %get3A_35 = arith.constant 0 : index
    %get3A_36 = vector.load %arg5[%get3A_34, %get3A_35] : memref<1x168xf32, #tpu.memory_space<vmem>>, vector<1x168xf32>
    %add3A_37 = vector.broadcast %get3A_36 : vector<1x168xf32> to vector<1000x168xf32>
    %add3A_38 = arith.addf %mul3A_33, %add3A_37 : vector<1000x168xf32>
    %max3A = arith.constant 0.000000e+00 : f32
    %max3A_39 = vector.broadcast %max3A : f32 to vector<1000x168xf32>
    %max3A_40 = arith.maximumf %add3A_38, %max3A_39 : vector<1000x168xf32>
    %get3A_41 = arith.constant 0 : index
    %get3A_42 = arith.constant 0 : index
    %get3A_43 = vector.load %arg6[%get3A_41, %get3A_42] : memref<1000x1xi32, #tpu.memory_space<vmem>>, vector<1000x1xi32>
    %reduce_min3A = vector.shape_cast %get3A_43 : vector<1000x1xi32> to vector<1x1000x1xi32>
    %reduce_min3A_44 = arith.constant dense<2147483647> : vector<1xi32>
    %reduce_min3A_45 = vector.multi_reduction <minsi>, %reduce_min3A, %reduce_min3A_44 [1, 2] : vector<1x1000x1xi32> to vector<1xi32>
    %reduce_min3A_46 = vector.shape_cast %reduce_min3A_45 : vector<1xi32> to vector<1x1x1xi32>
    %reduce_min3A_47 = vector.extract %reduce_min3A_46[0, 0, 0] : i32 from vector<1x1x1xi32>
    %reduce_max3A = vector.shape_cast %get3A_43 : vector<1000x1xi32> to vector<1x1000x1xi32>
    %reduce_max3A_48 = arith.constant dense<-2147483648> : vector<1xi32>
    %reduce_max3A_49 = vector.multi_reduction <maxsi>, %reduce_max3A, %reduce_max3A_48 [1, 2] : vector<1x1000x1xi32> to vector<1xi32>
    %reduce_max3A_50 = vector.shape_cast %reduce_max3A_49 : vector<1xi32> to vector<1x1x1xi32>
    %reduce_max3A_51 = vector.extract %reduce_max3A_50[0, 0, 0] : i32 from vector<1x1x1xi32>
    %add3A_52 = arith.constant 1 : i32
    %add3A_53 = arith.addi %reduce_max3A_51, %add3A_52 : i32
    %while3A = arith.constant 0 : i32
    %while3A_54 = arith.subi %add3A_53, %reduce_min3A_47 : i32
    %while3A_55 = arith.addi %reduce_min3A_47, %while3A_54 : i32
    %while3A_56 = arith.constant 1 : i32
    %while3A_57 = arith.divsi %while3A_54, %while3A_56 : i32
    %while3A_58 = arith.muli %while3A_57, %while3A_56 : i32
    %while3A_59 = arith.addi %reduce_min3A_47, %while3A_58 : i32
    %while3A_60 = arith.constant 1 : i32
    scf.for %while3A_67 = %reduce_min3A_47 to %while3A_59 step %while3A_60  : i32 {
      %eq3A_68 = vector.broadcast %while3A_67 : i32 to vector<1000x1xi32>
      %eq3A_69 = arith.cmpi eq, %get3A_43, %eq3A_68 : vector<1000x1xi32>
      %jit3A = arith.constant 0xFF800000 : f32
      %broadcast_in_dim3A = vector.shape_cast %eq3A_69 : vector<1000x1xi1> to vector<1000x1xi1>
      %broadcast_in_dim3A_70 = vector.broadcast %broadcast_in_dim3A : vector<1000x1xi1> to vector<1000x168xi1>
      %broadcast_in_dim3A_71 = vector.broadcast %jit3A : f32 to vector<1000x168xf32>
      %select_n3A = arith.select %broadcast_in_dim3A_70, %max3A_40, %broadcast_in_dim3A_71 : vector<1000x168xi1>, vector<1000x168xf32>
      %reduce_max3A_72 = arith.constant dense<0xFF800000> : vector<168xf32>
      %reduce_max3A_73 = vector.multi_reduction <maximumf>, %select_n3A, %reduce_max3A_72 [0] : vector<1000x168xf32> to vector<168xf32>
      %broadcast_in_dim3A_74 = vector.shape_cast %reduce_max3A_73 : vector<168xf32> to vector<1x168xf32>
      %get3A_75 = arith.index_cast %while3A_67 : i32 to index
      %get3A_76 = arith.constant 0 : index
      %get3A_77 = vector.load %arg14[%get3A_75, %get3A_76] : memref<64x168xf32, #tpu.memory_space<vmem>>, vector<1x168xf32>
      %max3A_78 = arith.maximumf %get3A_77, %broadcast_in_dim3A_74 : vector<1x168xf32>
      %swap3A = arith.index_cast %while3A_67 : i32 to index
      %swap3A_79 = arith.constant 0 : index
      %swap3A_80 = vector.load %arg14[%swap3A, %swap3A_79] : memref<64x168xf32, #tpu.memory_space<vmem>>, vector<1x168xf32>
      tpu.vector_store %arg14[%swap3A, %swap3A_79], %max3A_78 {strides = array<i32>} : memref<64x168xf32, #tpu.memory_space<vmem>>, vector<1x168xf32>,
    }
    %while3A_61 = arith.constant 1 : i32
    scf.for %while3A_67 = %while3A_59 to %while3A_55 step %while3A_61  : i32 {
      %eq3A_68 = vector.broadcast %while3A_67 : i32 to vector<1000x1xi32>
      %eq3A_69 = arith.cmpi eq, %get3A_43, %eq3A_68 : vector<1000x1xi32>
      %jit3A = arith.constant 0xFF800000 : f32
      %broadcast_in_dim3A = vector.shape_cast %eq3A_69 : vector<1000x1xi1> to vector<1000x1xi1>
      %broadcast_in_dim3A_70 = vector.broadcast %broadcast_in_dim3A : vector<1000x1xi1> to vector<1000x168xi1>
      %broadcast_in_dim3A_71 = vector.broadcast %jit3A : f32 to vector<1000x168xf32>
      %select_n3A = arith.select %broadcast_in_dim3A_70, %max3A_40, %broadcast_in_dim3A_71 : vector<1000x168xi1>, vector<1000x168xf32>
      %reduce_max3A_72 = arith.constant dense<0xFF800000> : vector<168xf32>
      %reduce_max3A_73 = vector.multi_reduction <maximumf>, %select_n3A, %reduce_max3A_72 [0] : vector<1000x168xf32> to vector<168xf32>
      %broadcast_in_dim3A_74 = vector.shape_cast %reduce_max3A_73 : vector<168xf32> to vector<1x168xf32>
      %get3A_75 = arith.index_cast %while3A_67 : i32 to index
      %get3A_76 = arith.constant 0 : index
      %get3A_77 = vector.load %arg14[%get3A_75, %get3A_76] : memref<64x168xf32, #tpu.memory_space<vmem>>, vector<1x168xf32>
      %max3A_78 = arith.maximumf %get3A_77, %broadcast_in_dim3A_74 : vector<1x168xf32>
      %swap3A = arith.index_cast %while3A_67 : i32 to index
      %swap3A_79 = arith.constant 0 : index
      %swap3A_80 = vector.load %arg14[%swap3A, %swap3A_79] : memref<64x168xf32, #tpu.memory_space<vmem>>, vector<1x168xf32>
      tpu.vector_store %arg14[%swap3A, %swap3A_79], %max3A_78 {strides = array<i32>} : memref<64x168xf32, #tpu.memory_space<vmem>>, vector<1x168xf32>,
    }
    %eq3A_62 = arith.constant 9 : i32
    %eq3A_63 = arith.cmpi eq, %arg0, %eq3A_62 : i32
    %convert_element_type3A_64 = arith.extui %eq3A_63 : i1 to i32
    %cond3A_65 = arith.constant 0 : i32
    %cond3A_66 = arith.cmpi ne, %convert_element_type3A_64, %cond3A_65 : i32
    scf.if %cond3A_66 {
      %get3A_67 = arith.constant 0 : index
      %get3A_68 = arith.constant 0 : index
      %get3A_69 = vector.load %arg14[%get3A_67, %get3A_68] : memref<64x168xf32, #tpu.memory_space<vmem>>, vector<64x168xf32>
      %get3A_70 = arith.constant 0 : index
      %get3A_71 = arith.constant 0 : index
      %get3A_72 = vector.load %arg7[%get3A_70, %get3A_71] : memref<84x168xf32, #tpu.memory_space<vmem>>, vector<84x168xf32>
      %dot_general3A = arith.constant dense<0.000000e+00> : vector<64x84xf32>
      %dot_general3A_73 = tpu.matmul %get3A_69, %get3A_72, %dot_general3A {dimension_numbers = #tpu.dot_dimension_numbers<[1], [1], [0], [0], [0, 0, 1, 0], [], []>, transpose_lhs_hint = false} : vector<64x168xf32>, vector<84x168xf32>, vector<64x84xf32> -> vector<64x84xf32>
      %get3A_74 = arith.constant 0 : index
      %get3A_75 = arith.constant 0 : index
      %get3A_76 = vector.load %arg8[%get3A_74, %get3A_75] : memref<1x84xf32, #tpu.memory_space<vmem>>, vector<1x84xf32>
      %add3A_77 = vector.broadcast %get3A_76 : vector<1x84xf32> to vector<64x84xf32>
      %add3A_78 = arith.addf %dot_general3A_73, %add3A_77 : vector<64x84xf32>
      %max3A_79 = arith.constant 0.000000e+00 : f32
      %max3A_80 = vector.broadcast %max3A_79 : f32 to vector<64x84xf32>
      %max3A_81 = arith.maximumf %add3A_78, %max3A_80 : vector<64x84xf32>
      %get3A_82 = arith.constant 0 : index
      %get3A_83 = arith.constant 0 : index
      %get3A_84 = vector.load %arg9[%get3A_82, %get3A_83] : memref<42x84xf32, #tpu.memory_space<vmem>>, vector<42x84xf32>
      %dot_general3A_85 = arith.constant dense<0.000000e+00> : vector<64x42xf32>
      %dot_general3A_86 = tpu.matmul %max3A_81, %get3A_84, %dot_general3A_85 {dimension_numbers = #tpu.dot_dimension_numbers<[1], [1], [0], [0], [0, 0, 1, 0], [], []>, transpose_lhs_hint = false} : vector<64x84xf32>, vector<42x84xf32>, vector<64x42xf32> -> vector<64x42xf32>
      %get3A_87 = arith.constant 0 : index
      %get3A_88 = arith.constant 0 : index
      %get3A_89 = vector.load %arg10[%get3A_87, %get3A_88] : memref<1x42xf32, #tpu.memory_space<vmem>>, vector<1x42xf32>
      %add3A_90 = vector.broadcast %get3A_89 : vector<1x42xf32> to vector<64x42xf32>
      %add3A_91 = arith.addf %dot_general3A_86, %add3A_90 : vector<64x42xf32>
      %max3A_92 = arith.constant 0.000000e+00 : f32
      %max3A_93 = vector.broadcast %max3A_92 : f32 to vector<64x42xf32>
      %max3A_94 = arith.maximumf %add3A_91, %max3A_93 : vector<64x42xf32>
      %get3A_95 = arith.constant 0 : index
      %get3A_96 = arith.constant 0 : index
      %get3A_97 = vector.load %arg11[%get3A_95, %get3A_96] : memref<8x42xf32, #tpu.memory_space<vmem>>, vector<8x42xf32>
      %dot_general3A_98 = arith.constant dense<0.000000e+00> : vector<64x8xf32>
      %dot_general3A_99 = tpu.matmul %max3A_94, %get3A_97, %dot_general3A_98 {dimension_numbers = #tpu.dot_dimension_numbers<[1], [1], [0], [0], [0, 0, 1, 0], [], []>, transpose_lhs_hint = false} : vector<64x42xf32>, vector<8x42xf32>, vector<64x8xf32> -> vector<64x8xf32>
      %slice3A_100 = vector.extract_strided_slice %dot_general3A_99 {offsets = [0, 0], sizes = [64, 1], strides = [1, 1]} : vector<64x8xf32> to vector<64x1xf32>
      %get3A_101 = arith.constant 0 : index
      %get3A_102 = arith.constant 0 : index
      %get3A_103 = vector.load %arg12[%get3A_101, %get3A_102] : memref<1x1xf32, #tpu.memory_space<vmem>>, vector<1x1xf32>
      %get3A_104 = vector.extract %get3A_103[0, 0] : f32 from vector<1x1xf32>
      %add3A_105 = vector.broadcast %get3A_104 : f32 to vector<64x1xf32>
      %add3A_106 = arith.addf %slice3A_100, %add3A_105 : vector<64x1xf32>
      %swap3A = arith.constant 0 : index
      %swap3A_107 = arith.constant 0 : index
      %swap3A_108 = vector.load %arg13[%swap3A, %swap3A_107] : memref<64x1xf32, #tpu.memory_space<vmem>>, vector<64x1xf32>
      tpu.vector_store %arg13[%swap3A, %swap3A_107], %add3A_106 {strides = array<i32>} : memref<64x1xf32, #tpu.memory_space<vmem>>, vector<64x1xf32>,
    } else {
    }
    return
  }
  func.func @transform_0(%arg0: i32) -> (i32, i32, i32) {
    %c0_i32 = arith.constant 0 : i32
    %c0_i32_0 = arith.constant 0 : i32
    %c0_i32_1 = arith.constant 0 : i32
    return %c0_i32, %arg0, %c0_i32_0 : i32, i32, i32
  }
  func.func @transform_1(%arg0: i32) -> (i32, i32) {
    %c0_i32 = arith.constant 0 : i32
    %c0_i32_0 = arith.constant 0 : i32
    return %arg0, %c0_i32 : i32, i32
  }
  func.func @transform_2(%arg0: i32) -> (i32, i32) {
    %c0_i32 = arith.constant 0 : i32
    %c0_i32_0 = arith.constant 0 : i32
    return %arg0, %c0_i32 : i32, i32
  }
  func.func @transform_3(%arg0: i32) -> (i32, i32, i32) {
    %c0_i32 = arith.constant 0 : i32
    %c0_i32_0 = arith.constant 0 : i32
    %c0_i32_1 = arith.constant 0 : i32
    return %c0_i32, %arg0, %c0_i32_0 : i32, i32, i32
  }
  func.func @transform_4(%arg0: i32) -> (i32, i32) {
    %c0_i32 = arith.constant 0 : i32
    %c0_i32_0 = arith.constant 0 : i32
    %c0_i32_1 = arith.constant 0 : i32
    return %c0_i32, %c0_i32_0 : i32, i32
  }
  func.func @transform_5(%arg0: i32) -> (i32, i32) {
    %c0_i32 = arith.constant 0 : i32
    %c0_i32_0 = arith.constant 0 : i32
    return %arg0, %c0_i32 : i32, i32
  }
  func.func @transform_6(%arg0: i32) -> (i32, i32) {
    %c0_i32 = arith.constant 0 : i32
    %c0_i32_0 = arith.constant 0 : i32
    %c0_i32_1 = arith.constant 0 : i32
    return %c0_i32, %c0_i32_0 : i32, i32
  }
  func.func @transform_7(%arg0: i32) -> (i32, i32) {
    %c0_i32 = arith.constant 0 : i32
    %c0_i32_0 = arith.constant 0 : i32
    %c0_i32_1 = arith.constant 0 : i32
    return %c0_i32, %c0_i32_0 : i32, i32
  }
  func.func @transform_8(%arg0: i32) -> (i32, i32) {
    %c0_i32 = arith.constant 0 : i32
    %c0_i32_0 = arith.constant 0 : i32
    %c0_i32_1 = arith.constant 0 : i32
    return %c0_i32, %c0_i32_0 : i32, i32
  }
  func.func @transform_9(%arg0: i32) -> (i32, i32) {
    %c0_i32 = arith.constant 0 : i32
    %c0_i32_0 = arith.constant 0 : i32
    %c0_i32_1 = arith.constant 0 : i32
    return %c0_i32, %c0_i32_0 : i32, i32
  }
  func.func @transform_10(%arg0: i32) -> (i32, i32) {
    %c0_i32 = arith.constant 0 : i32
    %c0_i32_0 = arith.constant 0 : i32
    %c0_i32_1 = arith.constant 0 : i32
    return %c0_i32, %c0_i32_0 : i32, i32
  }
  func.func @transform_11(%arg0: i32) -> (i32, i32) {
    %c0_i32 = arith.constant 0 : i32
    %c0_i32_0 = arith.constant 0 : i32
    %c0_i32_1 = arith.constant 0 : i32
    return %c0_i32, %c0_i32_0 : i32, i32
  }
  func.func @transform_12(%arg0: i32) -> (i32, i32) {
    %c0_i32 = arith.constant 0 : i32
    %c0_i32_0 = arith.constant 0 : i32
    %c0_i32_1 = arith.constant 0 : i32
    return %c0_i32, %c0_i32_0 : i32, i32
  }
}

</mosaic_0001>

<sc_bundles>
// kernel: sc_deg_hist.3.cloned.1.call-start
scs
__scs_entry_jumppad:
0x0: {  	(pc) =	sbr.rel $0x88, $3  }
0x1: {  	(tag) =	ssettag $0x0;
	lr =	simm.s32 $0x1  }
0x2: {  	[smem:$0x3F94] =	sst lr;
	_ =	strace $0xD0000000  }
0x3: {  	_ = 	snop  }
0x4: {  	_ = 	snop  }
0x5: {  	_ = 	snop  }
0x6: {  	_ = 	snop  }
0x7: {  	_ = 	snop  }
__scs_overlays_trampoline_lowered:
0x8: {  	[smem:$0x3FA3] =	sst s0  }
0x9: {  	[smem:$0x3FA4] =	sst s1  }
0xa: {  	[smem:$0x3FA5] =	sst s2  }
0xb: {  	[smem:$0x3FA6] =	sst s3  }
0xc: {  	[smem:$0x3FA7] =	sst s4  }
0xd: {  	[smem:$0x3FA8] =	sst s5  }
0xe: {  	[smem:$0x3FA9] =	sst s6  }
0xf: {  	[smem:$0x3FAA] =	sst s7  }
0x10: {  	[smem:$0x3FAB] =	sst s8  }
0x11: {  	[smem:$0x3FAC] =	sst s9;
	s0 =	simm.s32 @!p0 $0x0  }
0x12: {  	s1 =	sld [smem:$0x3F92];
	s0 =	simm.s32 @p0 $0x1  }
0x13: {  	[smem:$0x3FAD] =	sst s0;
	s0 =	simm.s32 @!p1 $0x0  }
0x14: {  	s2 =	sld [smem:$0x3F91];
	s0 =	simm.s32 @p1 $0x1  }
0x15: {  	[smem:$0x3FAE] =	sst s0;
	s0 =	simm.s32 @!p2 $0x0  }
0x16: {  	s3 =	sld [smem:$0x3FDB];
	s0 =	simm.s32 @p2 $0x1  }
0x17: {  	s4 =	simm.s32 $0x1BF5;
	[smem:$0x3FB0] =	sst s0  }
0x18: {  	s0 =	sld [smem:$0x3F93];
	_ =	swait.ge [sflag:s4], $0x0  }
0x19: {  	s7 =	sld [smem:$0x3F94]  }
0x1a: {  	s8 =	sadd.s32 $0xFFFFE003, lr  }
0x1b: {  	s9 =	sadd.s32 $0xFFFFFEF7, lr;
	s5 =	simm.s32 $0xFFFFFFFF;
	p2 =	slt.u32 s8, $0xFFFFF086  }
0x1c: {  	p1 =	slt.u32 s9, $0xF7A;
	s5 =	simm.s32 @!p2 $0x0  }
0x1d: {  	s5 =	simm.s32 @p1 $0x1;
	p0 =	seq.s32 s7, s2  }
0x1e: {  	s7 =	smul.u32 @!p0 $0xF7A, s2;
	p2 =	seq.s32 @!p0 s5, $0x0  }
0x1f: {  	s9 =	smul.u32 $0xF7A, s1;
	s8 =	simm.s32 @!p0 $0x1BF5;
	p2 =	por !p2, p0  }
0x20: {  	[sflag:s8] =	ssyncset.s32 @!p0 $0xFFFFF086;
	s6 =	sadd.s32 @!p0 s3, s7;
	s7 =	simm.s32 @!p0 $0x108  }
0x21: {  	s3 =	sadd.s32 s3, s9;
	s6 =	sadd.s32 @!p0 $0x88, s6;
	s7 =	simm.s32 @p2 $0x1082  }
0x22: {  	[simem:s7], [sflag:s8] =	dma.local @!p0 [hbm:s6], $0xF7A  }
0x23: {  	s9 =	sor.u32 $0xD0000000, s2;
	s6 =	simm.s32 $0x108;
	_ =	swait.ge @!p0 [sflag:s8], $0x0  }
0x24: {  	s3 =	sadd.s32 $0x88, s3;
	s6 =	simm.s32 @!p1 $0x1082;
	[sflag:s4] =	ssyncset.s32 $0xFFFFF086  }
0x25: {  	[simem:s6], [sflag:s4] =	dma.local [hbm:s3], $0xF7A  }
0x26: {  	[smem:$0x3F94] =	sst s1;
	(tag) =	ssettag s2;
	_ =	strace s9  }
0x27: {  	s1 =	sld [smem:$0x3FA4]  }
0x28: {  	s2 =	sld [smem:$0x3FA5]  }
0x29: {  	s4 =	sld [smem:$0x3FA7]  }
0x2a: {  	p0 =	seq.s32 s5, $0x0;
	s5 =	sld [smem:$0x3FA8]  }
0x2b: {  	s6 =	sld [smem:$0x3FA9]  }
0x2c: {  	s7 =	sld [smem:$0x3FAA]  }
0x2d: {  	s3 =	simm.s32 $0x108;
	s8 =	sld [smem:$0x3FAB]  }
0x2e: {  	s3 =	simm.s32 @!p0 $0x1082;
	s9 =	sld [smem:$0x3FAC]  }
0x2f: {  	lr =	sadd.s32 s0, s3;
	s0 =	sld [smem:$0x3FA3]  }
0x30: {  	s3 =	sld [smem:$0x3FA6]  }
0x31: {  	[smem:$0x3FAF] =	sst s10  }
0x32: {  	s10 =	sld [smem:$0x3FAD];
	_ =	sdelay $0x3  }
0x33: {  	p0 =	seq.s32 s10, $0x1;
	s10 =	sld [smem:$0x3FAF];
	_ =	sdelay $0x3  }
0x34: {  	[smem:$0x3FAF] =	sst s10  }
0x35: {  	s10 =	sld [smem:$0x3FAE];
	_ =	sdelay $0x3  }
0x36: {  	p1 =	seq.s32 s10, $0x1;
	s10 =	sld [smem:$0x3FAF];
	_ =	sdelay $0x3  }
0x37: {  	[smem:$0x3FAF] =	sst s10  }
0x38: {  	s10 =	sld [smem:$0x3FB0]  }
0x39: {  	_ = 	snop;
	(pc) =	sbr.ind lr, $3  }
0x3a: {  	_ = 	snop  }
0x3b: {  	_ = 	snop  }
0x3c: {  	p2 =	seq.s32 s10, $0x1;
	s10 =	sld [smem:$0x3FAF]  }
0x3d: {  	_ =	shalt  }
0x3e: {  	_ =	shalt  }
0x3f: {  	_ =	shalt  }
0x40: {  	_ =	shalt  }
0x41: {  	_ =	shalt  }
0x42: {  	_ =	shalt  }
0x43: {  	_ =	shalt  }
0x44: {  	_ =	shalt  }
0x45: {  	_ =	shalt  }
0x46: {  	_ =	shalt  }
0x47: {  	_ =	shalt  }
0x48: {  	_ =	shalt  }
0x49: {  	_ =	shalt  }
0x4a: {  	_ =	shalt  }
0x4b: {  	_ =	shalt  }
0x4c: {  	_ =	shalt  }
0x4d: {  	_ =	shalt  }
0x4e: {  	_ =	shalt  }
0x4f: {  	_ =	shalt  }
0x50: {  	_ =	shalt  }
0x51: {  	_ =	shalt  }
0x52: {  	_ =	shalt  }
0x53: {  	_ =	shalt  }
0x54: {  	_ =	shalt  }
0x55: {  	_ =	shalt  }
0x56: {  	_ =	shalt  }
0x57: {  	_ =	shalt  }
0x58: {  	_ =	shalt  }
0x59: {  	_ =	shalt  }
0x5a: {  	_ =	shalt  }
0x5b: {  	_ =	shalt  }
0x5c: {  	_ =	shalt  }
0x5d: {  	_ =	shalt  }
0x5e: {  	_ =	shalt  }
0x5f: {  	_ =	shalt  }
0x60: {  	_ =	shalt  }
0x61: {  	_ =	shalt  }
0x62: {  	_ =	shalt  }
0x63: {  	_ =	shalt  }
0x64: {  	_ =	shalt  }
0x65: {  	_ =	shalt  }
0x66: {  	_ =	shalt  }
0x67: {  	_ =	shalt  }
0x68: {  	_ =	shalt  }
0x69: {  	_ =	shalt  }
0x6a: {  	_ =	shalt  }
0x6b: {  	_ =	shalt  }
0x6c: {  	_ =	shalt  }
0x6d: {  	_ =	shalt  }
0x6e: {  	_ =	shalt  }
0x6f: {  	_ =	shalt  }
0x70: {  	_ =	shalt  }
0x71: {  	_ =	shalt  }
0x72: {  	_ =	shalt  }
0x73: {  	_ =	shalt  }
0x74: {  	_ =	shalt  }
0x75: {  	_ =	shalt  }
0x76: {  	_ =	shalt  }
0x77: {  	_ =	shalt  }
0x78: {  	_ =	shalt  }
0x79: {  	_ =	shalt  }
0x7a: {  	_ =	shalt  }
0x7b: {  	_ =	shalt  }
0x7c: {  	_ =	shalt  }
0x7d: {  	_ =	shalt  }
0x7e: {  	_ =	shalt  }
0x7f: {  	_ =	shalt  }
0x80: {  	_ =	shalt  }
0x81: {  	_ =	shalt  }
0x82: {  	_ =	shalt  }
0x83: {  	_ =	shalt  }
0x84: {  	_ =	shalt  }
0x85: {  	_ =	shalt  }
0x86: {  	_ =	shalt  }
0x87: {  	_ =	shalt  }
.Lfunc_end0:
.L_simem_size_0:
called_computation_lowered:
.L_overlay_start_0:
0x88: {  	s2 =	sld [smem:$0x3FD9]  }
0x89: {  	s3 =	sld [smem:$0x3FFE];
	_ =	sdelay $0x1  }
0x8a: {  	s1 =	srdreg.scid  }
0x8b: {  	s0 =	sand.u32 $0x1, s1  }
0x8c: {  	s16 =	sshll.u32 s0, $0xA;
	s2 =	sadd.s32 s3, s2  }
0x8d: {  	s2 =	sadd.s32 s2, s16  }
0x8e: {  	[smem:$0x3FBB] =	sst s2  }
0x8f: {  	_ = 	snop  }
0x90: {  	(tm) =	ssettm $0x1  }
0x91: {  	s17 =	sld [smem:$0x3FFB];
	_ =	sdelay $0x3  }
0x92: {  	_ =	strace s17  }
0x93: {  	s2 =	sld [smem:$0x3FFC];
	_ =	sdelay $0x3  }
0x94: {  	_ =	strace s2  }
0x95: {  	s2 =	sld [smem:$0x3FFD];
	_ =	sdelay $0x3  }
0x96: {  	_ =	strace s2  }
0x97: {  	_ =	strace $0x8FFFFFFF  }
0x98: {  	s18 =	sld [smem:$0x3FDB];
	_ =	sdelay $0x1  }
0x99: {  	s19 =	simm.s32 $_scs_section_size  }
0x9a: {  	s4 =	simm.s32 $_size__tile_overlayer_lowered;
	s5 =	simm.s32 $_tile_overlayer_lowered  }
0x9b: {  	s22 =	simm.s32 $0x1BFF;
	s21 =	sshll.u32 s5, $0x1;
	s2 =	sadd.s32 s19, s18  }
0x9c: {  	s6 =	simm.s32 $0x0;
	s20 =	sshll.u32 s4, $0x1;
	s4 =	sadd.s32 s21, s2  }
0x9d: {  	[timem:s6], [sflag:s22] =	dma.local [hbm:s4], s20  }
0x9e: {  	_ =	swait.ge [sflag:s22], s20  }
0x9f: {  	s3 =	ssub.s32 $0x0, s20;
	[sflag:s22] =	ssyncset.done $0x0  }
0xa0: {  	[sflag:s22] =	ssyncadd.s32 s3;
	_ =	sdelay $0x1  }
0xa1: {  	s23 =	simm.s32 $0x1B8B  }
0xa2: {  	_ =	swait.ge [sflag:s23], $0x1  }
0xa3: {  	[sflag:s23] =	ssyncset.done $0x0  }
0xa4: {  	s25 =	simm.s32 $0x1B8E;
	s24 =	sld [smem:$0x3FFE];
	[sflag:s23] =	ssyncadd.s32 $0xFFFFFFFF  }
0xa5: {  	s26 =	simm.s32 $execute0_lowered;
	[smem:$0x3FD2] =	sst s25  }
0xa6: {  	s4 =	sshll.u32 s26, $0x1;
	_ =	strace $0x80000046;
	[dreg:$0x1] =	wrdreg $0xFFFFFFFF  }
0xa7: {  	s28 =	simm.s32 $_size_execute0_lowered;
	s2 =	sadd.s32 s2, s4;
	[dreg:$0x0] =	wrdreg $0x0  }
0xa8: {  	s4 =	sshll.u32 s28, $0x1;
	[dreg:$0x2] =	wrdreg s2  }
0xa9: {  	[dreg:$0x3] =	wrdreg s4  }
0xaa: {  	[dreg:$0x4] =	wrdreg $0xC0  }
0xab: {  	_ =	task [dreg:s6], $0x5FFFF  }
0xac: {  	[dreg:$0x1] =	wrdreg $0xFFFFFFFF  }
0xad: {  	[dreg:$0x0] =	wrdreg $0x60  }
0xae: {  	[dreg:$0x2] =	wrdreg s24  }
0xaf: {  	[dreg:$0x3] =	wrdreg $0xB6000  }
0xb0: {  	[dreg:$0x4] =	wrdreg $0x9  }
0xb1: {  	_ =	task.clear_ibuf [dreg:s6], $0x5FFFF;
	_ =	strace $0x90000046  }
0xb2: {  	s29 =	simm.s32 $0x9;
	_ =	strace $0x80000048  }
0xb3: {  	_ =	swait.ge [sflag:s29], $0x1  }
0xb4: {  	[sflag:s29] =	ssyncadd.s32 $0xFFFFFFFF  }
0xb5: {  	_ =	strace $0x90000048  }
0xb6: {  	_ =	sfence  }
0xb7: {  	s30 =	sld [smem:$0x0];
	_ =	sdelay $0x2  }
0xb8: {  	s31 =	sshll.u32 s1, $0xD;
	s1 =	sshrl.u32 s1, $0x2  }
0xb9: {  	s3 =	sand.u32 $0x4000, s31;
	s1 =	sadd.s32 s1, s30  }
0xba: {  	s0 =	sor.u32 s3, s0;
	s1 =	sshll.u32 s1, $0x11  }
0xbb: {  	s0 =	sor.u32 s1, s0  }
0xbc: {  	s0 =	sadd.s32 $0x8F2B, s0  }
0xbd: {  	[sflag:s0] =	ssyncadd.remote.s32 $0x1  }
0xbe: {  	_ =	sfence.sel $0xFFFF  }
0xbf: {  	[dreg:$0x0] =	wrdreg $0xFFFFFFFF;
	(pc) =	sbr.abs _section_cstart, $3  }
0xc0: {  	[dreg:$0x1] =	wrdreg $0xFFFFFFFF  }
0xc1: {  	_ =	task.clear_ibuf [dreg:s6], $0x2FFFF;
	_ =	strace $0x9FFFFFFF  }
0xc2: {  	(tm) =	ssettm $0x7FFFFFFF  }
0xc3: {  	_ =	shalt  }
tec
execute0_lowered:
.L_overlay_start_1:
0x0: {  	(tag) =	ssettag $0x1  }
0x1: {  	s0 =	srdreg.scid  }
0x2: {  	s13 =	stileid.u32;
	s4 =	rddreg [dreg:$0x0];
	s28 =	simm.s32 $0x1  }
0x3: {  	s29 =	simm.s32 $0x2;
	s30 =	simm.s32 $0x0;
	s3 =	smul.u32 $0x27, s13  }
0x4: {  	s0 =	sand.u32 $0x1, s0;
	s6 =	smul.u32 $0x4E, s13;
	s21 =	sadd.s32 $0x17400, s4  }
0x5: {  	s8 =	smin.u32 s13, $0x2;
	s22 =	sadd.s32 $0x16C00, s4;
	p4 =	sgt.u32 s13, $0x1  }
0x6: {  	s1 =	smul.u32 $0x270, s0;
	s2 =	sshll.u32 s0, $0x4;
	s7 =	ssub.s32 $0x2, s0  }
0x7: {  	s0 =	smul.u32 $0x138800, s0;
	s12 =	sor.u32 s13, s2;
	s2 =	rddreg [dreg:$0x1]  }
0x8: {  	s9 =	sshrl.u32 s7, $0x1;
	s6 =	sadd.s32 s8, s6;
	s1 =	sadd.s32 s3, s1  }
0x9: {  	s5 =	smin.u32 s12, $0x2;
	s3 =	simm.s32 $0x0;
	s18 =	sshll.u32 s6, $0xA  }
0xa: {  	p0 =	slt.u32 s12, $0x2;
	s12 =	simm.s32 $0x28;
	s1 =	sadd.s32 s5, s1  }
0xb: {  	[smem:$0x7FF] =	sst s3;
	s6 =	sadd.s32 s18, s2;
	s15 =	sadd.s32 $0x3400, s18  }
0xc: {  	s16 =	sadd.s32 $0x6800, s18;
	s17 =	sadd.s32 $0x9C00, s18;
	s19 =	sadd.s32 $0xD000, s18  }
0xd: {  	s20 =	sadd.s32 $0x10400, s18;
	s14 =	sadd.s32 s0, s18;
	s12 =	simm.s32 @!p0 $0x27  }
0xe: {  	s1 =	sshll.u32 s1, $0x5;
	_ =	strace $0x80000047;
	[dreg:$0x3] =	wrdreg s21  }
0xf: {  	[dreg:$0x4] =	wrdreg s22;
	s22 =	ssub.s32 s7, s9;
	s7 =	sadd.s32 s15, s2  }
0x10: {  	s8 =	sadd.s32 s16, s2;
	s9 =	sadd.s32 s17, s2;
	s10 =	sadd.s32 s19, s2  }
0x11: {  	s11 =	sadd.s32 s20, s2;
	s23 =	sadd.s32 $0x13800, s6;
	s14 =	sshrl.u32 s14, $0x3  }
0x12: {  	s15 =	sadd.s32 s0, s15;
	s16 =	sadd.s32 s0, s16;
	s17 =	sadd.s32 s0, s17  }
0x13: {  	s19 =	sadd.s32 s0, s19;
	s21 =	sadd.s32 $0x13800, s18;
	s31 =	sadd.s32 s0, s20  }
0x14: {  	s1 =	sadd.s32 s1, s4;
	s4 =	sadd.s32 $0x18400, s4;
	[dreg:$0x5] =	wrdreg s23  }
0x15: {  	s15 =	sshrl.u32 s15, $0x3;
	s16 =	sshrl.u32 s16, $0x3;
	s17 =	sshrl.u32 s17, $0x3  }
0x16: {  	s26 =	sshrl.u32 s19, $0x3;
	s0 =	sadd.s32 s0, s21;
	s19 =	sshrl.u32 s31, $0x3  }
0x17: {  	s20 =	sadd.s32 s21, s2;
	s22 =	smax.u32 s22, $0x1;
	s24 =	sadd.s32 s4, s14  }
0x18: {  	s25 =	sadd.s32 s4, s15;
	s16 =	sadd.s32 s4, s16;
	s17 =	sadd.s32 s4, s17  }
0x19: {  	s18 =	sadd.s32 s4, s26;
	s0 =	sshrl.u32 s0, $0x3;
	[dreg:$0x6] =	wrdreg s24  }
0x1a: {  	s21 =	sadd.s32 s4, s0;
	s0 =	sadd.s32 $0xCE00, s1;
	s1 =	simm.s32 @!p4 $0x0  }
0x1b: {  	s19 =	sadd.s32 s4, s19;
	[dreg:$0x7] =	wrdreg s25;
	s1 =	simm.s32 @p4 $0x1  }
0x1c: {  	s26 =	simm.s32 $0x8200;
	s25 =	simm.s32 $0x3;
	[smem:$0x7FD] =	sst s1  }
.LBB2_1:
0x1d: {  	s1 =	rddreg [dreg:$0x3];
	s4 =	simm.s32 $0x200  }
0x1e: {  	[tilespmem:s4], [sflag:$0x3] =	stream.linear.gather [hbm4b:s1+s3], $0x8000, $0x38;
	[tilespmem:$0x1EE80] =	vst v63  }
0x1f: {  	_ =	swait.ge [sflag:s25], $0x8000  }
0x20: {  	[sflag:s25] =	ssyncset.done $0x0  }
0x21: {  	s24 =	rddreg [dreg:$0x4];
	[sflag:s25] =	ssyncadd.s32 $0xFFFF8000  }
0x22: {  	[tilespmem:s26], [sflag:$0x3] =	stream.linear.gather [hbm4b:s24+s3], $0x3400, $0x38;
	[tilespmem:$0x1EE80] =	vst v63  }
0x23: {  	_ =	swait.ge [sflag:s25], $0x3400  }
0x24: {  	[sflag:s25] =	ssyncset.done $0x0  }
0x25: {  	[sflag:s25] =	ssyncadd.s32 $0xFFFFCC00  }
0x26: {  	[spmem:s6] =	stream.linear.scatter [tilespmem:s26], [sflag:$0x3], $0x3400, $0x38;
	[tilespmem:$0x1EE80] =	vst v63  }
0x27: {  	_ =	swait.ge [sflag:s25], $0x3400  }
0x28: {  	[sflag:s25] =	ssyncset.done $0x0  }
0x29: {  	[sflag:s25] =	ssyncadd.s32 $0xFFFFCC00  }
0x2a: {  	[spmem:s7] =	stream.linear.scatter [tilespmem:s26], [sflag:$0x3], $0x3400, $0x38;
	[tilespmem:$0x1EE80] =	vst v63  }
0x2b: {  	_ =	swait.ge [sflag:s25], $0x3400  }
0x2c: {  	[sflag:s25] =	ssyncset.done $0x0  }
0x2d: {  	[sflag:s25] =	ssyncadd.s32 $0xFFFFCC00  }
0x2e: {  	[spmem:s8] =	stream.linear.scatter [tilespmem:s26], [sflag:$0x3], $0x3400, $0x38;
	[tilespmem:$0x1EE80] =	vst v63  }
0x2f: {  	_ =	swait.ge [sflag:s25], $0x3400  }
0x30: {  	[sflag:s25] =	ssyncset.done $0x0  }
0x31: {  	[sflag:s25] =	ssyncadd.s32 $0xFFFFCC00  }
0x32: {  	[spmem:s9] =	stream.linear.scatter [tilespmem:s26], [sflag:$0x3], $0x3400, $0x38;
	[tilespmem:$0x1EE80] =	vst v63  }
0x33: {  	_ =	swait.ge [sflag:s25], $0x3400  }
0x34: {  	[sflag:s25] =	ssyncset.done $0x0  }
0x35: {  	[sflag:s25] =	ssyncadd.s32 $0xFFFFCC00  }
0x36: {  	[spmem:s10] =	stream.linear.scatter [tilespmem:s26], [sflag:$0x3], $0x3400, $0x38;
	[tilespmem:$0x1EE80] =	vst v63  }
0x37: {  	_ =	swait.ge [sflag:s25], $0x3400  }
0x38: {  	[sflag:s25] =	ssyncset.done $0x0  }
0x39: {  	[sflag:s25] =	ssyncadd.s32 $0xFFFFCC00  }
0x3a: {  	[spmem:s11] =	stream.linear.scatter [tilespmem:s26], [sflag:$0x3], $0x3400, $0x38;
	[tilespmem:$0x1EE80] =	vst v63  }
0x3b: {  	_ =	swait.ge [sflag:s25], $0x3400  }
0x3c: {  	p2 =	sle.u32 s12, $0x0;
	s1 =	simm.s32 @!p4 $0x8200;
	[sflag:s25] =	ssyncset.done $0x0  }
0x3d: {  	p1 =	por @!p2 $0x1, $0x1;
	s4 =	rddreg [dreg:$0x5];
	[sflag:s25] =	ssyncadd.s32 $0xFFFFCC00  }
0x3e: {  	[spmem:s4] =	stream.linear.scatter @!p4 [tilespmem:s1], [sflag:$0x3], $0x400, $0x38;
	[tilespmem:$0x1EE80] =	vst v63  }
0x3f: {  	p0 =	por p1, p2;
	s1 =	simm.s32 @!p4 $0x3;
	s4 =	sand.u32 $0x1, s3  }
0x40: {  	_ =	swait.ge @!p4 [sflag:s1], $0x400;
	p3 =	sne.s32 @!p0 s4, $0x0;
	p0 =	por p2, p2  }
0x41: {  	[sflag:s1] =	ssyncset.done @!p4 $0x0;
	p3 =	por @!p0 p3, p1  }
0x42: {  	[sflag:s1] =	ssyncadd.s32 @!p4 $0xFFFFFC00;
	p3 =	por p3, p0  }
0x43: {  	[bflag:$0x0] =	sbarrier.arrive $0xFFFF;
	s1 =	simm.s32 @!p3 $0x1  }
0x44: {  	p2 =	sne.s32 @!p2 s4, $0x0;
	_ =	swait.ge @!p3 [sflag:s1], $0x8000  }
0x45: {  	p2 =	por p2, p0;
	[sflag:s1] =	ssyncset.done @!p3 $0x0  }
0x46: {  	s5 =	simm.s32 @!p2 $0x0;
	s24 =	simm.s32 @!p2 $0x3;
	[sflag:s1] =	ssyncadd.s32 @!p3 $0xFFFF8000  }
0x47: {  	[tilespmem:s5], [sflag:$0x3] =	stream.linear.gather @!p2 [hbm4b:s0+s5], $0x100, $0x38;
	[tilespmem:$0x1EE80] =	vst v63  }
0x48: {  	s23 =	simm.s32 $0x1;
	_ =	swait.ge @!p2 [sflag:s24], $0x100  }
0x49: {  	s31 =	sadd.s32 $0x20, s0;
	s13 =	simm.s32 @!p2 $0x200;
	[sflag:s24] =	ssyncset.done @!p2 $0x0  }
0x4a: {  	p3 =	seq.s32 s4, $0x1;
	s4 =	simm.s32 @!p2 $0x100;
	[sflag:s24] =	ssyncadd.s32 @!p2 $0xFFFFFF00  }
0x4b: {  	[spmem:s2] =	stream.indirect.scatter.add.f32 @!p2 [tilespmem:s13], [sflag:$0x1], $0x80, s5, s4, $0xb8;
	[tilespmem:$0x1EE80] =	vst v63  }
0x4c: {  	p6 =	sle.u32 s12, $0x1;
	p1 =	por @!p0 !p3, p1;
	s4 =	sand.u32 $0x1, s23  }
0x4d: {  	p3 =	por !p3, !p3;
	p5 =	por p1, p0;
	p1 =	sne.s32 @!p6 s4, $0x0  }
0x4e: {  	p0 =	por p0, p3;
	s24 =	simm.s32 @!p5 $0x2;
	s5 =	simm.s32 @!p1 $0x0  }
0x4f: {  	_ =	swait.ge @!p5 [sflag:s24], $0x8000;
	p3 =	seq.s32 s4, $0x1;
	s5 =	simm.s32 @p1 $0x1  }
0x50: {  	s1 =	simm.s32 $0x2;
	[smem:$0x7FB] =	sst s5;
	s5 =	simm.s32 @!p3 $0x0  }
0x51: {  	p2 =	por @!p6 $0x1, $0x1;
	s23 =	smov.u32 s0;
	s5 =	simm.s32 @p3 $0x1  }
0x52: {  	[sflag:s24] =	ssyncset.done @!p5 $0x0;
	p1 =	por p2, p6;
	[smem:$0x7FC] =	sst s5  }
.LBB2_2:
0x53: {  	p1 =	sne.s32 @!p1 s4, $0x0  }
0x54: {  	s4 =	simm.s32 @!p0 $0x0;
	s5 =	simm.s32 @!p0 $0x100;
	s13 =	smov.u32 s1  }
0x55: {  	p4 =	por p6, p6;
	[sflag:s24] =	ssyncadd.s32 @!p5 $0xFFFF8000;
	s1 =	sadd.s32 $0x1, s1  }
0x56: {  	[tilespmem:s5], [sflag:$0x3] =	stream.linear.gather @!p0 [hbm4b:s23+s4], $0x100, $0x38;
	[tilespmem:$0x1EE80] =	vst v63  }
0x57: {  	s24 =	simm.s32 @!p0 $0x3;
	s14 =	simm.s32 @!p0 $0x200;
	p3 =	sne.s32 s1, $0x28  }
0x58: {  	p1 =	por @!p4 p1, p2;
	_ =	swait.ge @!p0 [sflag:s24], $0x100;
	s15 =	simm.s32 @!p3 $0x0  }
0x59: {  	p1 =	por p1, p4;
	[sflag:s24] =	ssyncset.done @!p0 $0x0;
	s15 =	simm.s32 @p3 $0x1  }
0x5a: {  	s4 =	simm.s32 @!p1 $0x1;
	[smem:$0x7FA] =	sst s15;
	[sflag:s24] =	ssyncadd.s32 @!p0 $0xFFFFFF00  }
0x5b: {  	[spmem:s2] =	stream.indirect.scatter.add.f32 @!p0 [tilespmem:s14], [sflag:$0x2], $0x80, s5, s5, $0xb8;
	[tilespmem:$0x1EE80] =	vst v63  }
0x5c: {  	_ =	swait.ge @!p1 [sflag:s4], $0x8000  }
0x5d: {  	s15 =	sld [smem:$0x7FB];
	_ =	sdelay $0x2  }
0x5e: {  	p6 =	seq.s32 s15, $0x1  }
0x5f: {  	[sflag:s4] =	ssyncset.done @!p1 $0x0;
	p0 =	por p6, p4  }
0x60: {  	[sflag:s4] =	ssyncadd.s32 @!p1 $0xFFFF8000;
	s5 =	simm.s32 @!p0 $0x0;
	s14 =	simm.s32 @!p0 $0x3  }
0x61: {  	[tilespmem:s5], [sflag:$0x3] =	stream.linear.gather @!p0 [hbm4b:s31+s5], $0x100, $0x38;
	[tilespmem:$0x1EE80] =	vst v63  }
0x62: {  	_ =	swait.ge @!p0 [sflag:s14], $0x100  }
0x63: {  	[sflag:s14] =	ssyncset.done @!p0 $0x0;
	s24 =	sld [smem:$0x7FC]  }
0x64: {  	s4 =	simm.s32 @!p0 $0x100;
	s15 =	simm.s32 @!p0 $0x200;
	[sflag:s14] =	ssyncadd.s32 @!p0 $0xFFFFFF00  }
0x65: {  	[spmem:s2] =	stream.indirect.scatter.add.f32 @!p0 [tilespmem:s15], [sflag:$0x1], $0x80, s5, s4, $0xb8;
	[tilespmem:$0x1EE80] =	vst v63  }
0x66: {  	p3 =	seq.s32 s24, $0x1  }
0x67: {  	p1 =	por @!p4 !p3, p2  }
0x68: {  	p5 =	por p1, p4  }
0x69: {  	p6 =	sge.u32 s13, s12;
	s4 =	sand.u32 $0x1, s13;
	s24 =	simm.s32 @!p5 $0x2  }
0x6a: {  	p0 =	sne.s32 @!p6 s4, $0x0;
	_ =	swait.ge @!p5 [sflag:s24], $0x8000  }
0x6b: {  	s5 =	simm.s32 @!p0 $0x0;
	s15 =	sld [smem:$0x7FA]  }
0x6c: {  	s5 =	simm.s32 @p0 $0x1;
	p0 =	seq.s32 s4, $0x1  }
0x6d: {  	p3 =	por !p3, !p3;
	[smem:$0x7FB] =	sst s5;
	s5 =	simm.s32 @!p0 $0x0  }
0x6e: {  	s5 =	simm.s32 @p0 $0x1;
	p0 =	por p4, p3;
	p3 =	seq.s32 s15, $0x1  }
.Ltmp0:
0x6f: {  	_ = 	snop;
	(pc) =	sbr.rel @p3 .LBB2_2-.Ltmp0, $3  }
0x70: {  	_ =	sdelay $0x1  }
0x71: {  	s23 =	smov.u32 s31;
	s31 =	sadd.s32 $0x20, s31;
	p2 =	slt.u32 @!p6 s13, $0x2  }
0x72: {  	p1 =	por p2, p6;
	[sflag:s24] =	ssyncset.done @!p5 $0x0;
	[smem:$0x7FC] =	sst s5  }
0x73: {  	[sflag:s24] =	ssyncadd.s32 @!p5 $0xFFFF8000;
	s1 =	simm.s32 @!p0 $0x0;
	s5 =	simm.s32 @!p0 $0x100  }
0x74: {  	[tilespmem:s5], [sflag:$0x3] =	stream.linear.gather @!p0 [hbm4b:s23+s1], $0x100, $0x38;
	[tilespmem:$0x1EE80] =	vst v63  }
0x75: {  	s1 =	simm.s32 @!p0 $0x3  }
0x76: {  	_ =	swait.ge @!p0 [sflag:s1], $0x100  }
0x77: {  	[sflag:s1] =	ssyncset.done @!p0 $0x0  }
0x78: {  	[sflag:s1] =	ssyncadd.s32 @!p0 $0xFFFFFF00;
	s1 =	simm.s32 @!p0 $0x200  }
0x79: {  	[spmem:s2] =	stream.indirect.scatter.add.f32 @!p0 [tilespmem:s1], [sflag:$0x2], $0x80, s5, s5, $0xb8;
	[tilespmem:$0x1EE80] =	vst v63  }
0x7a: {  	p1 =	sne.s32 @!p1 s4, $0x0;
	p0 =	por p6, p6  }
0x7b: {  	p1 =	por @!p0 p1, p2  }
0x7c: {  	p1 =	por p1, p0  }
0x7d: {  	s1 =	simm.s32 @!p1 $0x1  }
0x7e: {  	_ =	swait.ge @!p1 [sflag:s1], $0x8000  }
0x7f: {  	s14 =	sld [smem:$0x7FB];
	_ =	sdelay $0x2  }
0x80: {  	p3 =	seq.s32 s14, $0x1  }
0x81: {  	[sflag:s1] =	ssyncset.done @!p1 $0x0;
	p3 =	por p3, p0  }
0x82: {  	[sflag:s1] =	ssyncadd.s32 @!p1 $0xFFFF8000;
	s1 =	simm.s32 @!p3 $0x0;
	s4 =	simm.s32 @!p3 $0x3  }
0x83: {  	[tilespmem:s1], [sflag:$0x3] =	stream.linear.gather @!p3 [hbm4b:s31+s1], $0x100, $0x38;
	[tilespmem:$0x1EE80] =	vst v63  }
0x84: {  	_ =	swait.ge @!p3 [sflag:s4], $0x100  }
0x85: {  	[sflag:s4] =	ssyncset.done @!p3 $0x0;
	s15 =	sld [smem:$0x7FC]  }
0x86: {  	s5 =	simm.s32 @!p3 $0x100;
	[sflag:s4] =	ssyncadd.s32 @!p3 $0xFFFFFF00;
	s4 =	simm.s32 @!p3 $0x200  }
0x87: {  	[spmem:s2] =	stream.indirect.scatter.add.f32 @!p3 [tilespmem:s4], [sflag:$0x1], $0x80, s1, s5, $0xb8;
	[tilespmem:$0x1EE80] =	vst v63  }
0x88: {  	p3 =	seq.s32 s15, $0x1  }
0x89: {  	p1 =	por @!p0 !p3, p2  }
0x8a: {  	p1 =	por p1, p0  }
0x8b: {  	s1 =	simm.s32 @!p1 $0x2  }
0x8c: {  	p6 =	por !p3, !p3;
	_ =	swait.ge @!p1 [sflag:s1], $0x8000  }
0x8d: {  	p0 =	por p0, p6;
	[sflag:s1] =	ssyncset.done @!p1 $0x0  }
0x8e: {  	s4 =	simm.s32 @!p0 $0x100;
	[sflag:s1] =	ssyncadd.s32 @!p1 $0xFFFF8000;
	s1 =	simm.s32 @!p0 $0x0  }
0x8f: {  	[tilespmem:s4], [sflag:$0x3] =	stream.linear.gather @!p0 [hbm4b:s31+s1], $0x100, $0x38;
	[tilespmem:$0x1EE80] =	vst v63  }
0x90: {  	s1 =	simm.s32 @!p0 $0x3  }
0x91: {  	_ =	swait.ge @!p0 [sflag:s1], $0x100  }
0x92: {  	[sflag:s1] =	ssyncset.done @!p0 $0x0  }
0x93: {  	s5 =	simm.s32 @!p0 $0x200;
	[sflag:s1] =	ssyncadd.s32 @!p0 $0xFFFFFF00  }
0x94: {  	[spmem:s2] =	stream.indirect.scatter.add.f32 @!p0 [tilespmem:s5], [sflag:$0x2], $0x80, s4, s4, $0xb8;
	[tilespmem:$0x1EE80] =	vst v63  }
0x95: {  	_ =	swait.ge [sflag:s28], $0x8000  }
0x96: {  	[sflag:s28] =	ssyncset.done $0x0  }
0x97: {  	[sflag:s28] =	ssyncadd.s32 $0xFFFF8000  }
0x98: {  	_ =	swait.ge [sflag:s29], $0x8000  }
0x99: {  	[sflag:s29] =	ssyncset.done $0x0  }
0x9a: {  	[sflag:s29] =	ssyncadd.s32 $0xFFFF8000  }
0x9b: {  	[bflag:$0x0] =	sbarrier.arrive $0xFFFF  }
0x9c: {  	[tilespmem:s26], [sflag:$0x3] =	stream.linear.gather [spmem:s6], $0x3400, $0x38;
	[tilespmem:$0x1EE80] =	vst v63  }
0x9d: {  	_ =	swait.ge [sflag:s25], $0x3400  }
0x9e: {  	[sflag:s25] =	ssyncset.done $0x0  }
0x9f: {  	s23 =	rddreg [dreg:$0x6];
	[sflag:s25] =	ssyncadd.s32 $0xFFFFCC00  }
0xa0: {  	[hbm4b:s23+s3] =	stream.linear.scatter [tilespmem:s26], [sflag:$0x3], $0x3400, $0x38;
	[tilespmem:$0x1EE80] =	vst v63  }
0xa1: {  	_ =	swait.ge [sflag:s25], $0x3400  }
0xa2: {  	[sflag:s25] =	ssyncset.done $0x0  }
0xa3: {  	[sflag:s25] =	ssyncadd.s32 $0xFFFFCC00  }
0xa4: {  	[tilespmem:s26], [sflag:$0x3] =	stream.linear.gather [spmem:s7], $0x3400, $0x38;
	[tilespmem:$0x1EE80] =	vst v63  }
0xa5: {  	_ =	swait.ge [sflag:s25], $0x3400  }
0xa6: {  	[sflag:s25] =	ssyncset.done $0x0  }
0xa7: {  	s24 =	rddreg [dreg:$0x7];
	[sflag:s25] =	ssyncadd.s32 $0xFFFFCC00  }
0xa8: {  	[hbm4b:s24+s3] =	stream.linear.scatter [tilespmem:s26], [sflag:$0x3], $0x3400, $0x38;
	[tilespmem:$0x1EE80] =	vst v63  }
0xa9: {  	_ =	swait.ge [sflag:s25], $0x3400  }
0xaa: {  	[sflag:s25] =	ssyncset.done $0x0  }
0xab: {  	[sflag:s25] =	ssyncadd.s32 $0xFFFFCC00  }
0xac: {  	[tilespmem:s26], [sflag:$0x3] =	stream.linear.gather [spmem:s8], $0x3400, $0x38;
	[tilespmem:$0x1EE80] =	vst v63  }
0xad: {  	_ =	swait.ge [sflag:s25], $0x3400  }
0xae: {  	[sflag:s25] =	ssyncset.done $0x0  }
0xaf: {  	[sflag:s25] =	ssyncadd.s32 $0xFFFFCC00  }
0xb0: {  	[hbm4b:s16+s3] =	stream.linear.scatter [tilespmem:s26], [sflag:$0x3], $0x3400, $0x38;
	[tilespmem:$0x1EE80] =	vst v63  }
0xb1: {  	_ =	swait.ge [sflag:s25], $0x3400  }
0xb2: {  	[sflag:s25] =	ssyncset.done $0x0  }
0xb3: {  	[sflag:s25] =	ssyncadd.s32 $0xFFFFCC00  }
0xb4: {  	[tilespmem:s26], [sflag:$0x3] =	stream.linear.gather [spmem:s9], $0x3400, $0x38;
	[tilespmem:$0x1EE80] =	vst v63  }
0xb5: {  	_ =	swait.ge [sflag:s25], $0x3400  }
0xb6: {  	[sflag:s25] =	ssyncset.done $0x0  }
0xb7: {  	[sflag:s25] =	ssyncadd.s32 $0xFFFFCC00  }
0xb8: {  	[hbm4b:s17+s3] =	stream.linear.scatter [tilespmem:s26], [sflag:$0x3], $0x3400, $0x38;
	[tilespmem:$0x1EE80] =	vst v63  }
0xb9: {  	_ =	swait.ge [sflag:s25], $0x3400  }
0xba: {  	[sflag:s25] =	ssyncset.done $0x0  }
0xbb: {  	[sflag:s25] =	ssyncadd.s32 $0xFFFFCC00  }
0xbc: {  	[tilespmem:s26], [sflag:$0x3] =	stream.linear.gather [spmem:s10], $0x3400, $0x38;
	[tilespmem:$0x1EE80] =	vst v63  }
0xbd: {  	_ =	swait.ge [sflag:s25], $0x3400  }
0xbe: {  	[sflag:s25] =	ssyncset.done $0x0  }
0xbf: {  	[sflag:s25] =	ssyncadd.s32 $0xFFFFCC00  }
0xc0: {  	[hbm4b:s18+s3] =	stream.linear.scatter [tilespmem:s26], [sflag:$0x3], $0x3400, $0x38;
	[tilespmem:$0x1EE80] =	vst v63  }
0xc1: {  	_ =	swait.ge [sflag:s25], $0x3400  }
0xc2: {  	[sflag:s25] =	ssyncset.done $0x0  }
0xc3: {  	[sflag:s25] =	ssyncadd.s32 $0xFFFFCC00  }
0xc4: {  	[tilespmem:s26], [sflag:$0x3] =	stream.linear.gather [spmem:s11], $0x3400, $0x38;
	[tilespmem:$0x1EE80] =	vst v63  }
0xc5: {  	_ =	swait.ge [sflag:s25], $0x3400  }
0xc6: {  	[sflag:s25] =	ssyncset.done $0x0  }
0xc7: {  	[sflag:s25] =	ssyncadd.s32 $0xFFFFCC00  }
0xc8: {  	[hbm4b:s19+s3] =	stream.linear.scatter [tilespmem:s26], [sflag:$0x3], $0x3400, $0x38;
	[tilespmem:$0x1EE80] =	vst v63  }
0xc9: {  	_ =	swait.ge [sflag:s25], $0x3400  }
0xca: {  	s31 =	sld [smem:$0x7FD];
	_ =	sdelay $0x2  }
0xcb: {  	[sflag:s25] =	ssyncset.done $0x0;
	p4 =	seq.s32 s31, $0x1  }
0xcc: {  	[sflag:s25] =	ssyncadd.s32 $0xFFFFCC00;
	s1 =	simm.s32 @!p4 $0x8200;
	s4 =	simm.s32 @!p4 $0x3  }
0xcd: {  	[tilespmem:s1], [sflag:$0x3] =	stream.linear.gather @!p4 [spmem:s20], $0x400, $0x38;
	[tilespmem:$0x1EE80] =	vst v63  }
0xce: {  	s30 =	sadd.s32 $0x1, s30;
	_ =	swait.ge @!p4 [sflag:s4], $0x400  }
0xcf: {  	p0 =	sne.s32 s30, s22;
	[sflag:s4] =	ssyncset.done @!p4 $0x0  }
.Ltmp1:
0xd0: {  	s5 =	simm.s32 @!p4 $0x0;
	[sflag:s4] =	ssyncadd.s32 @!p4 $0xFFFFFC00;
	(pc) =	sbr.rel @p0 .LBB2_1-.Ltmp1, $4  }
0xd1: {  	[hbm4b:s21+s5] =	stream.linear.scatter @!p4 [tilespmem:s1], [sflag:$0x3], $0x400, $0x38;
	[tilespmem:$0x1EE80] =	vst v63  }
0xd2: {  	_ =	swait.ge @!p4 [sflag:s4], $0x400  }
0xd3: {  	[sflag:s4] =	ssyncset.done @!p4 $0x0  }
0xd4: {  	[sflag:s4] =	ssyncadd.s32 @!p4 $0xFFFFFC00  }
0xd5: {  	_ =	sfence.sel $0x180000  }
0xd6: {  	[bflag:$0x0] =	sbarrier.arrive $0xFFFF  }
0xd7: {  	_ =	strace $0x90000047  }
0xd8: {  	s0 =	stileid.u32;
	[bflag:$0x2] =	sbarrier.arrive $0xFFFF  }
0xd9: {  	p0 =	sne.s32 s0, $0x0;
	s0 =	rddreg [dreg:$0x2]  }
0xda: {  	s0 =	sadd.s32 @!p0 $0x100000, s0  }
0xdb: {  	[sflag:s0] =	ssyncadd.tile.s32 @!p0 $0x1;
	_ =	shalt  }
.Lfunc_end2:
_tile_overlayer_lowered:
.L_overlay_start_2:
0xdc: {  	(tag) =	ssettag $0x2  }
0xdd: {  	s0 =	rddreg [dreg:$0x0];
	s2 =	stileid.u32  }
0xde: {  	s1 =	rddreg [dreg:$0x1];
	p0 =	sne.s32 s2, $0x0  }
0xdf: {  	s3 =	rddreg [dreg:$0x2];
	[bflag:$0x3] =	sbarrier.arrive $0xFFFF;
	s2 =	simm.s32 @!p0 $0x1C03  }
0xe0: {  	[timem:s3], [sflag:s2] =	dma.local @!p0 [hbm:s0], s1  }
0xe1: {  	s0 =	simm.s32 @!p0 $0x3  }
0xe2: {  	_ =	swait.ge @!p0 [sflag:s0], s1  }
0xe3: {  	s1 =	ssub.s32 @!p0 $0x0, s1;
	[sflag:s0] =	ssyncset.done @!p0 $0x0  }
0xe4: {  	[sflag:s0] =	ssyncadd.s32 @!p0 s1  }
0xe5: {  	[bflag:$0x3] =	sbarrier.arrive $0xFFFF  }
0xe6: {  	_ =	shalt  }

// kernel: sc_mp1.3.cloned.1.call-start
scs
__scs_entry_jumppad:
0x0: {  	(pc) =	sbr.rel $0x88, $3  }
0x1: {  	(tag) =	ssettag $0x0;
	lr =	simm.s32 $0x1  }
0x2: {  	[smem:$0x3F94] =	sst lr;
	_ =	strace $0xD0000000  }
0x3: {  	_ = 	snop  }
0x4: {  	_ = 	snop  }
0x5: {  	_ = 	snop  }
0x6: {  	_ = 	snop  }
0x7: {  	_ = 	snop  }
__scs_overlays_trampoline_lowered:
0x8: {  	[smem:$0x3FA3] =	sst s0  }
0x9: {  	[smem:$0x3FA4] =	sst s1  }
0xa: {  	[smem:$0x3FA5] =	sst s2  }
0xb: {  	[smem:$0x3FA6] =	sst s3  }
0xc: {  	[smem:$0x3FA7] =	sst s4  }
0xd: {  	[smem:$0x3FA8] =	sst s5  }
0xe: {  	[smem:$0x3FA9] =	sst s6  }
0xf: {  	[smem:$0x3FAA] =	sst s7  }
0x10: {  	[smem:$0x3FAB] =	sst s8  }
0x11: {  	[smem:$0x3FAC] =	sst s9;
	s0 =	simm.s32 @!p0 $0x0  }
0x12: {  	s1 =	sld [smem:$0x3F92];
	s0 =	simm.s32 @p0 $0x1  }
0x13: {  	[smem:$0x3FAD] =	sst s0;
	s0 =	simm.s32 @!p1 $0x0  }
0x14: {  	s2 =	sld [smem:$0x3F91];
	s0 =	simm.s32 @p1 $0x1  }
0x15: {  	[smem:$0x3FAE] =	sst s0;
	s0 =	simm.s32 @!p2 $0x0  }
0x16: {  	s3 =	sld [smem:$0x3FDB];
	s0 =	simm.s32 @p2 $0x1  }
0x17: {  	s4 =	simm.s32 $0x1BF5;
	[smem:$0x3FB0] =	sst s0  }
0x18: {  	s0 =	sld [smem:$0x3F93];
	_ =	swait.ge [sflag:s4], $0x0  }
0x19: {  	s7 =	sld [smem:$0x3F94]  }
0x1a: {  	s8 =	sadd.s32 $0xFFFFE003, lr  }
0x1b: {  	s9 =	sadd.s32 $0xFFFFFEF7, lr;
	s5 =	simm.s32 $0xFFFFFFFF;
	p2 =	slt.u32 s8, $0xFFFFF086  }
0x1c: {  	p1 =	slt.u32 s9, $0xF7A;
	s5 =	simm.s32 @!p2 $0x0  }
0x1d: {  	s5 =	simm.s32 @p1 $0x1;
	p0 =	seq.s32 s7, s2  }
0x1e: {  	s7 =	smul.u32 @!p0 $0xF7A, s2;
	p2 =	seq.s32 @!p0 s5, $0x0  }
0x1f: {  	s9 =	smul.u32 $0xF7A, s1;
	s8 =	simm.s32 @!p0 $0x1BF5;
	p2 =	por !p2, p0  }
0x20: {  	[sflag:s8] =	ssyncset.s32 @!p0 $0xFFFFF086;
	s6 =	sadd.s32 @!p0 s3, s7;
	s7 =	simm.s32 @!p0 $0x108  }
0x21: {  	s3 =	sadd.s32 s3, s9;
	s6 =	sadd.s32 @!p0 $0x88, s6;
	s7 =	simm.s32 @p2 $0x1082  }
0x22: {  	[simem:s7], [sflag:s8] =	dma.local @!p0 [hbm:s6], $0xF7A  }
0x23: {  	s9 =	sor.u32 $0xD0000000, s2;
	s6 =	simm.s32 $0x108;
	_ =	swait.ge @!p0 [sflag:s8], $0x0  }
0x24: {  	s3 =	sadd.s32 $0x88, s3;
	s6 =	simm.s32 @!p1 $0x1082;
	[sflag:s4] =	ssyncset.s32 $0xFFFFF086  }
0x25: {  	[simem:s6], [sflag:s4] =	dma.local [hbm:s3], $0xF7A  }
0x26: {  	[smem:$0x3F94] =	sst s1;
	(tag) =	ssettag s2;
	_ =	strace s9  }
0x27: {  	s1 =	sld [smem:$0x3FA4]  }
0x28: {  	s2 =	sld [smem:$0x3FA5]  }
0x29: {  	s4 =	sld [smem:$0x3FA7]  }
0x2a: {  	p0 =	seq.s32 s5, $0x0;
	s5 =	sld [smem:$0x3FA8]  }
0x2b: {  	s6 =	sld [smem:$0x3FA9]  }
0x2c: {  	s7 =	sld [smem:$0x3FAA]  }
0x2d: {  	s3 =	simm.s32 $0x108;
	s8 =	sld [smem:$0x3FAB]  }
0x2e: {  	s3 =	simm.s32 @!p0 $0x1082;
	s9 =	sld [smem:$0x3FAC]  }
0x2f: {  	lr =	sadd.s32 s0, s3;
	s0 =	sld [smem:$0x3FA3]  }
0x30: {  	s3 =	sld [smem:$0x3FA6]  }
0x31: {  	[smem:$0x3FAF] =	sst s10  }
0x32: {  	s10 =	sld [smem:$0x3FAD];
	_ =	sdelay $0x3  }
0x33: {  	p0 =	seq.s32 s10, $0x1;
	s10 =	sld [smem:$0x3FAF];
	_ =	sdelay $0x3  }
0x34: {  	[smem:$0x3FAF] =	sst s10  }
0x35: {  	s10 =	sld [smem:$0x3FAE];
	_ =	sdelay $0x3  }
0x36: {  	p1 =	seq.s32 s10, $0x1;
	s10 =	sld [smem:$0x3FAF];
	_ =	sdelay $0x3  }
0x37: {  	[smem:$0x3FAF] =	sst s10  }
0x38: {  	s10 =	sld [smem:$0x3FB0]  }
0x39: {  	_ = 	snop;
	(pc) =	sbr.ind lr, $3  }
0x3a: {  	_ = 	snop  }
0x3b: {  	_ = 	snop  }
0x3c: {  	p2 =	seq.s32 s10, $0x1;
	s10 =	sld [smem:$0x3FAF]  }
0x3d: {  	_ =	shalt  }
0x3e: {  	_ =	shalt  }
0x3f: {  	_ =	shalt  }
0x40: {  	_ =	shalt  }
0x41: {  	_ =	shalt  }
0x42: {  	_ =	shalt  }
0x43: {  	_ =	shalt  }
0x44: {  	_ =	shalt  }
0x45: {  	_ =	shalt  }
0x46: {  	_ =	shalt  }
0x47: {  	_ =	shalt  }
0x48: {  	_ =	shalt  }
0x49: {  	_ =	shalt  }
0x4a: {  	_ =	shalt  }
0x4b: {  	_ =	shalt  }
0x4c: {  	_ =	shalt  }
0x4d: {  	_ =	shalt  }
0x4e: {  	_ =	shalt  }
0x4f: {  	_ =	shalt  }
0x50: {  	_ =	shalt  }
0x51: {  	_ =	shalt  }
0x52: {  	_ =	shalt  }
0x53: {  	_ =	shalt  }
0x54: {  	_ =	shalt  }
0x55: {  	_ =	shalt  }
0x56: {  	_ =	shalt  }
0x57: {  	_ =	shalt  }
0x58: {  	_ =	shalt  }
0x59: {  	_ =	shalt  }
0x5a: {  	_ =	shalt  }
0x5b: {  	_ =	shalt  }
0x5c: {  	_ =	shalt  }
0x5d: {  	_ =	shalt  }
0x5e: {  	_ =	shalt  }
0x5f: {  	_ =	shalt  }
0x60: {  	_ =	shalt  }
0x61: {  	_ =	shalt  }
0x62: {  	_ =	shalt  }
0x63: {  	_ =	shalt  }
0x64: {  	_ =	shalt  }
0x65: {  	_ =	shalt  }
0x66: {  	_ =	shalt  }
0x67: {  	_ =	shalt  }
0x68: {  	_ =	shalt  }
0x69: {  	_ =	shalt  }
0x6a: {  	_ =	shalt  }
0x6b: {  	_ =	shalt  }
0x6c: {  	_ =	shalt  }
0x6d: {  	_ =	shalt  }
0x6e: {  	_ =	shalt  }
0x6f: {  	_ =	shalt  }
0x70: {  	_ =	shalt  }
0x71: {  	_ =	shalt  }
0x72: {  	_ =	shalt  }
0x73: {  	_ =	shalt  }
0x74: {  	_ =	shalt  }
0x75: {  	_ =	shalt  }
0x76: {  	_ =	shalt  }
0x77: {  	_ =	shalt  }
0x78: {  	_ =	shalt  }
0x79: {  	_ =	shalt  }
0x7a: {  	_ =	shalt  }
0x7b: {  	_ =	shalt  }
0x7c: {  	_ =	shalt  }
0x7d: {  	_ =	shalt  }
0x7e: {  	_ =	shalt  }
0x7f: {  	_ =	shalt  }
0x80: {  	_ =	shalt  }
0x81: {  	_ =	shalt  }
0x82: {  	_ =	shalt  }
0x83: {  	_ =	shalt  }
0x84: {  	_ =	shalt  }
0x85: {  	_ =	shalt  }
0x86: {  	_ =	shalt  }
0x87: {  	_ =	shalt  }
.Lfunc_end0:
.L_simem_size_0:
called_computation.1_lowered:
.L_overlay_start_0:
0x88: {  	s2 =	sld [smem:$0x3FD9]  }
0x89: {  	s3 =	sld [smem:$0x3FFE];
	_ =	sdelay $0x1  }
0x8a: {  	s1 =	srdreg.scid  }
0x8b: {  	s0 =	sand.u32 $0x1, s1  }
0x8c: {  	s16 =	sshll.u32 s0, $0xA;
	s2 =	sadd.s32 s3, s2  }
0x8d: {  	s2 =	sadd.s32 s2, s16  }
0x8e: {  	[smem:$0x3FBB] =	sst s2  }
0x8f: {  	_ = 	snop  }
0x90: {  	(tm) =	ssettm $0x1  }
0x91: {  	s17 =	sld [smem:$0x3FFB];
	_ =	sdelay $0x3  }
0x92: {  	_ =	strace s17  }
0x93: {  	s2 =	sld [smem:$0x3FFC];
	_ =	sdelay $0x3  }
0x94: {  	_ =	strace s2  }
0x95: {  	s2 =	sld [smem:$0x3FFD];
	_ =	sdelay $0x3  }
0x96: {  	_ =	strace s2  }
0x97: {  	_ =	strace $0x8FFFFFFF  }
0x98: {  	s18 =	sld [smem:$0x3FDB];
	_ =	sdelay $0x1  }
0x99: {  	s19 =	simm.s32 $_scs_section_size  }
0x9a: {  	s4 =	simm.s32 $_size__tile_overlayer_lowered;
	s5 =	simm.s32 $_tile_overlayer_lowered  }
0x9b: {  	s22 =	simm.s32 $0x1BFF;
	s21 =	sshll.u32 s5, $0x1;
	s2 =	sadd.s32 s19, s18  }
0x9c: {  	s6 =	simm.s32 $0x0;
	s20 =	sshll.u32 s4, $0x1;
	s4 =	sadd.s32 s21, s2  }
0x9d: {  	[timem:s6], [sflag:s22] =	dma.local [hbm:s4], s20  }
0x9e: {  	_ =	swait.ge [sflag:s22], s20  }
0x9f: {  	s3 =	ssub.s32 $0x0, s20;
	[sflag:s22] =	ssyncset.done $0x0  }
0xa0: {  	[sflag:s22] =	ssyncadd.s32 s3;
	_ =	sdelay $0x1  }
0xa1: {  	s23 =	simm.s32 $0x1B8B  }
0xa2: {  	_ =	swait.ge [sflag:s23], $0x1  }
0xa3: {  	[sflag:s23] =	ssyncset.done $0x0  }
0xa4: {  	s25 =	simm.s32 $0x1B8E;
	s24 =	sld [smem:$0x3FFE];
	[sflag:s23] =	ssyncadd.s32 $0xFFFFFFFF  }
0xa5: {  	s26 =	simm.s32 $execute0_lowered;
	[smem:$0x3FD2] =	sst s25  }
0xa6: {  	s4 =	sshll.u32 s26, $0x1;
	_ =	strace $0x80000049;
	[dreg:$0x1] =	wrdreg $0xFFFFFFFF  }
0xa7: {  	s28 =	simm.s32 $_size_execute0_lowered;
	s2 =	sadd.s32 s2, s4;
	[dreg:$0x0] =	wrdreg $0x0  }
0xa8: {  	s4 =	sshll.u32 s28, $0x1;
	[dreg:$0x2] =	wrdreg s2  }
0xa9: {  	[dreg:$0x3] =	wrdreg s4  }
0xaa: {  	[dreg:$0x4] =	wrdreg $0xC0  }
0xab: {  	_ =	task [dreg:s6], $0x5FFFF  }
0xac: {  	[dreg:$0x1] =	wrdreg $0xFFFFFFFF  }
0xad: {  	[dreg:$0x0] =	wrdreg $0x60  }
0xae: {  	[dreg:$0x2] =	wrdreg s24  }
0xaf: {  	[dreg:$0x3] =	wrdreg $0xB6000  }
0xb0: {  	[dreg:$0x4] =	wrdreg $0x9  }
0xb1: {  	_ =	task.clear_ibuf [dreg:s6], $0x5FFFF;
	_ =	strace $0x90000049  }
0xb2: {  	s29 =	simm.s32 $0x9;
	_ =	strace $0x8000004B  }
0xb3: {  	_ =	swait.ge [sflag:s29], $0x1  }
0xb4: {  	[sflag:s29] =	ssyncadd.s32 $0xFFFFFFFF  }
0xb5: {  	_ =	strace $0x9000004B  }
0xb6: {  	_ =	sfence  }
0xb7: {  	s30 =	sld [smem:$0x0];
	_ =	sdelay $0x2  }
0xb8: {  	s31 =	sshll.u32 s1, $0xD;
	s1 =	sshrl.u32 s1, $0x2  }
0xb9: {  	s3 =	sand.u32 $0x4000, s31;
	s1 =	sadd.s32 s1, s30  }
0xba: {  	s0 =	sor.u32 s3, s0;
	s1 =	sshll.u32 s1, $0x11  }
0xbb: {  	s0 =	sor.u32 s1, s0  }
0xbc: {  	s0 =	sadd.s32 $0x8F2B, s0  }
0xbd: {  	[sflag:s0] =	ssyncadd.remote.s32 $0x1  }
0xbe: {  	_ =	sfence.sel $0xFFFF  }
0xbf: {  	[dreg:$0x0] =	wrdreg $0xFFFFFFFF;
	(pc) =	sbr.abs _section_cstart, $3  }
0xc0: {  	[dreg:$0x1] =	wrdreg $0xFFFFFFFF  }
0xc1: {  	_ =	task.clear_ibuf [dreg:s6], $0x2FFFF;
	_ =	strace $0x9FFFFFFF  }
0xc2: {  	(tm) =	ssettm $0x7FFFFFFF  }
0xc3: {  	_ =	shalt  }
tec
execute0_lowered:
.L_overlay_start_1:
0x0: {  	(tag) =	ssettag $0x1  }
0x1: {  	s0 =	rddreg [dreg:$0x0]  }
0x2: {  	s2 =	rddreg [dreg:$0x1]  }
0x3: {  	s3 =	simm.s32 $0x0;
	s14 =	stileid.u32;
	s4 =	srdreg.scid  }
0x4: {  	s28 =	simm.s32 $0x8200;
	s29 =	simm.s32 $0x5;
	s30 =	simm.s32 $0x3  }
0x5: {  	s31 =	simm.s32 $0x4;
	[smem:$0x7FF] =	sst s3;
	s1 =	sadd.s32 $0x3000, s0  }
0x6: {  	s5 =	smul.u32 $0x4E, s14;
	s6 =	sadd.s32 $0xCE00, s0;
	s4 =	sand.u32 $0x1, s4  }
0x7: {  	s7 =	smin.u32 s14, $0x2;
	s8 =	sadd.s32 $0x8D800, s0;
	p5 =	sgt.u32 s14, $0x1  }
0x8: {  	s9 =	ssub.s32 $0x2, s4;
	s11 =	smul.u32 $0x138800, s4;
	p0 =	seq.s32 s4, $0x1  }
0x9: {  	s10 =	sadd.s32 s7, s5;
	s20 =	sshrl.u32 s9, $0x1;
	s4 =	simm.s32 @!p0 $0x0  }
0xa: {  	s12 =	sshll.u32 s10, $0xA;
	s9 =	ssub.s32 s9, s20;
	s4 =	simm.s32 @p0 $0x1  }
0xb: {  	p0 =	slt.u32 s14, $0x2;
	s16 =	sadd.s32 $0x3400, s12;
	s17 =	sadd.s32 $0x6800, s12  }
0xc: {  	s18 =	sadd.s32 $0x9C00, s12;
	s20 =	sadd.s32 $0xD000, s12;
	s21 =	sadd.s32 s11, s12  }
0xd: {  	s23 =	sadd.s32 $0x10400, s12;
	[smem:$0x7FC] =	sst s4;
	s22 =	sshrl.u32 s21, $0x3  }
0xe: {  	s24 =	sadd.s32 s11, s16;
	s25 =	sadd.s32 s11, s17;
	s13 =	sadd.s32 s11, s18  }
0xf: {  	s19 =	sadd.s32 s11, s20;
	s21 =	sadd.s32 s11, s23;
	s16 =	sadd.s32 s16, s2  }
0x10: {  	s17 =	sadd.s32 s17, s2;
	s18 =	sadd.s32 s18, s2;
	s23 =	sadd.s32 s23, s2  }
0x11: {  	s26 =	sadd.s32 s8, s22;
	s4 =	sshrl.u32 s24, $0x3;
	s5 =	sshrl.u32 s25, $0x3  }
0x12: {  	s15 =	sshrl.u32 s13, $0x3;
	s24 =	sadd.s32 $0x13800, s12;
	s4 =	sadd.s32 s8, s4  }
0x13: {  	s22 =	smul.u32 $0x4E0, s14;
	s5 =	sadd.s32 s8, s5;
	[dreg:$0x3] =	wrdreg s4  }
0x14: {  	s11 =	sadd.s32 s11, s24;
	[dreg:$0x4] =	wrdreg s5;
	s4 =	sadd.s32 s8, s15  }
0x15: {  	s5 =	sshrl.u32 s21, $0x3;
	s11 =	sshrl.u32 s11, $0x3;
	s13 =	sadd.s32 s22, s1  }
0x16: {  	s21 =	simm.s32 $0x4F;
	[dreg:$0x5] =	wrdreg s4;
	s4 =	sshrl.u32 s19, $0x3  }
0x17: {  	s25 =	sadd.s32 s8, s5;
	s11 =	sadd.s32 s8, s11;
	s5 =	sadd.s32 s22, s6  }
0x18: {  	s4 =	sadd.s32 s8, s4;
	[dreg:$0x7] =	wrdreg s25;
	s8 =	sshll.u32 s7, $0x4  }
0x19: {  	s19 =	sshll.u32 s10, $0x4;
	[dreg:$0x6] =	wrdreg s4;
	s4 =	sadd.s32 s8, s5  }
0x1a: {  	s15 =	sadd.s32 s8, s13;
	_ =	strace $0x8000004A;
	[dreg:$0x8] =	wrdreg s4  }
0x1b: {  	s13 =	sadd.s32 $0x66600, s0;
	s0 =	sadd.s32 $0x16C00, s0;
	[dreg:$0x9] =	wrdreg s15  }
0x1c: {  	s22 =	sadd.s32 s20, s2;
	s20 =	sadd.s32 s24, s2;
	[dreg:$0xa] =	wrdreg s0  }
.Ltmp0:
0x1d: {  	s24 =	smax.u32 s9, $0x1;
	[dreg:$0xb] =	wrdreg s20;
	(pc) =	sbr.rel .LBB2_1-.Ltmp0, $4  }
0x1e: {  	s15 =	sadd.s32 s12, s2;
	s0 =	sadd.s32 $0x4E20, s19;
	[dreg:$0xc] =	wrdreg s24  }
0x1f: {  	s19 =	sadd.s32 s0, s1;
	s25 =	sadd.s32 $0x13800, s15;
	s1 =	simm.s32 @!p5 $0x0  }
0x20: {  	s21 =	simm.s32 @!p0 $0x4E;
	[dreg:$0xd] =	wrdreg s25;
	s1 =	simm.s32 @p5 $0x1  }
0x21: {  	s4 =	sadd.s32 s0, s6;
	s0 =	simm.s32 $0x0;
	[smem:$0x7FD] =	sst s1  }
.LBB2_10:
0x22: {  	s20 =	smov.u32 s4;
	s12 =	smov.u32 s19;
	s1 =	simm.s32 $0x0  }
.LBB2_15:
0x23: {  	p1 =	por p6, !p4  }
0x24: {  	p4 =	por p3, p2;
	s8 =	simm.s32 @!p1 $0x1  }
0x25: {  	p4 =	sne.s32 @!p4 s6, $0x0;
	s9 =	simm.s32 @!p1 $0x200;
	_ =	swait.ge @!p1 [sflag:s8], $0x4000  }
0x26: {  	s10 =	simm.s32 @!p1 $0x100;
	p4 =	por @!p2 p4, p3;
	[sflag:s8] =	ssyncset.done @!p1 $0x0  }
0x27: {  	p4 =	por p4, p2;
	[sflag:s8] =	ssyncadd.s32 @!p1 $0xFFFFC000;
	s8 =	simm.s32 @!p1 $0x80  }
0x28: {  	[spmem:s2] =	stream.indirect.scatter.add.f32 @!p1 [tilespmem:s9], [sflag:$0x3], $0x80, s10, s8, $0xb8;
	[tilespmem:$0x1EE80] =	vst v63  }
0x29: {  	s8 =	simm.s32 @!p4 $0x3  }
0x2a: {  	_ =	swait.ge @!p4 [sflag:s8], $0x4000  }
0x2b: {  	p0 =	por p0, p2;
	[sflag:s8] =	ssyncset.done @!p4 $0x0  }
0x2c: {  	s9 =	simm.s32 @!p0 $0x5;
	[sflag:s8] =	ssyncadd.s32 @!p4 $0xFFFFC000;
	s8 =	simm.s32 @!p0 $0x0  }
0x2d: {  	[tilespmem:s8], [sflag:$0x5] =	stream.linear.gather @!p0 [hbm4b:s12+s8], $0x80, $0x38;
	[tilespmem:$0x1EE80] =	vst v63  }
0x2e: {  	_ =	swait.ge @!p0 [sflag:s9], $0x80  }
0x2f: {  	[sflag:s9] =	ssyncset.done @!p0 $0x0  }
0x30: {  	s10 =	simm.s32 @!p0 $0x100;
	[sflag:s9] =	ssyncadd.s32 @!p0 $0xFFFFFF80  }
0x31: {  	[tilespmem:s10], [sflag:$0x5] =	stream.linear.gather @!p0 [hbm4b:s20+s8], $0x80, $0x38;
	[tilespmem:$0x1EE80] =	vst v63  }
0x32: {  	p1 =	sne.s32 s6, $0x0;
	_ =	swait.ge @!p0 [sflag:s9], $0x80  }
0x33: {  	p4 =	sge.u32 @!p1 s7, s21;
	s7 =	simm.s32 @!p0 $0x200;
	[sflag:s9] =	ssyncset.done @!p0 $0x0  }
0x34: {  	p1 =	por p4, p1;
	[sflag:s9] =	ssyncadd.s32 @!p0 $0xFFFFFF80;
	s9 =	simm.s32 @!p0 $0x80  }
0x35: {  	[tilespmem:s7], [sflag:$0x1] =	stream.indirect.gather @!p0 [hbm4b:s13+s9], $0x80, s8, s9, $0xb8;
	[tilespmem:$0x1EE80] =	vst v63  }
0x36: {  	s7 =	simm.s32 @!p1 $0x2  }
0x37: {  	_ =	swait.ge @!p1 [sflag:s7], $0x4000  }
0x38: {  	s8 =	simm.s32 @!p1 $0x4200;
	s9 =	simm.s32 @!p1 $0x180;
	[sflag:s7] =	ssyncset.done @!p1 $0x0  }
0x39: {  	p0 =	seq.s32 s6, $0x1;
	[sflag:s7] =	ssyncadd.s32 @!p1 $0xFFFFC000;
	s7 =	simm.s32 @!p1 $0x80  }
0x3a: {  	[spmem:s2] =	stream.indirect.scatter.add.f32 @!p1 [tilespmem:s8], [sflag:$0x4], $0x80, s9, s7, $0xb8;
	[tilespmem:$0x1EE80] =	vst v63  }
0x3b: {  	p1 =	por @!p2 !p0, p3  }
0x3c: {  	p3 =	por p1, p2  }
0x3d: {  	p0 =	por !p0, !p0;
	s6 =	simm.s32 @!p3 $0x4  }
0x3e: {  	p1 =	por p2, p0;
	_ =	swait.ge @!p3 [sflag:s6], $0x4000  }
0x3f: {  	s7 =	simm.s32 @!p1 $0x80;
	[sflag:s6] =	ssyncset.done @!p3 $0x0  }
0x40: {  	s8 =	simm.s32 @!p1 $0x5;
	[sflag:s6] =	ssyncadd.s32 @!p3 $0xFFFFC000;
	s6 =	simm.s32 @!p1 $0x0  }
0x41: {  	[tilespmem:s7], [sflag:$0x5] =	stream.linear.gather @!p1 [hbm4b:s12+s6], $0x80, $0x38;
	[tilespmem:$0x1EE80] =	vst v63  }
0x42: {  	_ =	swait.ge @!p1 [sflag:s8], $0x80  }
0x43: {  	[sflag:s8] =	ssyncset.done @!p1 $0x0  }
0x44: {  	s9 =	simm.s32 @!p1 $0x180;
	[sflag:s8] =	ssyncadd.s32 @!p1 $0xFFFFFF80  }
0x45: {  	[tilespmem:s9], [sflag:$0x5] =	stream.linear.gather @!p1 [hbm4b:s20+s6], $0x80, $0x38;
	[tilespmem:$0x1EE80] =	vst v63  }
0x46: {  	_ =	swait.ge @!p1 [sflag:s8], $0x80  }
0x47: {  	p6 =	sgt.u32 s1, s21;
	[sflag:s8] =	ssyncset.done @!p1 $0x0  }
0x48: {  	p0 =	por p6, p0;
	s1 =	simm.s32 @!p1 $0x4200;
	[sflag:s8] =	ssyncadd.s32 @!p1 $0xFFFFFF80  }
0x49: {  	[tilespmem:s1], [sflag:$0x2] =	stream.indirect.gather @!p1 [hbm4b:s13+s7], $0x80, s7, s7, $0xb8;
	[tilespmem:$0x1EE80] =	vst v63  }
0x4a: {  	s1 =	simm.s32 @!p0 $0x1  }
0x4b: {  	_ =	swait.ge @!p0 [sflag:s1], $0x4000  }
0x4c: {  	s6 =	simm.s32 @!p0 $0x200;
	[sflag:s1] =	ssyncset.done @!p0 $0x0  }
0x4d: {  	s7 =	simm.s32 @!p0 $0x100;
	[sflag:s1] =	ssyncadd.s32 @!p0 $0xFFFFC000;
	s1 =	simm.s32 @!p0 $0x80  }
0x4e: {  	[spmem:s2] =	stream.indirect.scatter.add.f32 @!p0 [tilespmem:s6], [sflag:$0x3], $0x80, s7, s1, $0xb8;
	[tilespmem:$0x1EE80] =	vst v63  }
.LBB2_16:
0x4f: {  	_ =	swait.ge [sflag:s30], $0x4000  }
0x50: {  	[sflag:s30] =	ssyncset.done $0x0  }
0x51: {  	[sflag:s30] =	ssyncadd.s32 $0xFFFFC000  }
0x52: {  	_ =	swait.ge [sflag:s31], $0x4000  }
0x53: {  	[sflag:s31] =	ssyncset.done $0x0  }
0x54: {  	[sflag:s31] =	ssyncadd.s32 $0xFFFFC000  }
0x55: {  	[bflag:$0x0] =	sbarrier.arrive $0xFFFF  }
0x56: {  	[tilespmem:s28], [sflag:$0x5] =	stream.linear.gather [spmem:s15], $0x3400, $0x38;
	[tilespmem:$0x1EE80] =	vst v63  }
0x57: {  	_ =	swait.ge [sflag:s29], $0x3400  }
0x58: {  	[sflag:s29] =	ssyncset.done $0x0  }
0x59: {  	[sflag:s29] =	ssyncadd.s32 $0xFFFFCC00  }
0x5a: {  	[hbm4b:s26+s3] =	stream.linear.scatter [tilespmem:s28], [sflag:$0x5], $0x3400, $0x38;
	[tilespmem:$0x1EE80] =	vst v63  }
0x5b: {  	_ =	swait.ge [sflag:s29], $0x3400  }
0x5c: {  	[sflag:s29] =	ssyncset.done $0x0  }
0x5d: {  	[sflag:s29] =	ssyncadd.s32 $0xFFFFCC00  }
0x5e: {  	[tilespmem:s28], [sflag:$0x5] =	stream.linear.gather [spmem:s16], $0x3400, $0x38;
	[tilespmem:$0x1EE80] =	vst v63  }
0x5f: {  	_ =	swait.ge [sflag:s29], $0x3400  }
0x60: {  	[sflag:s29] =	ssyncset.done $0x0  }
0x61: {  	s1 =	rddreg [dreg:$0x3];
	[sflag:s29] =	ssyncadd.s32 $0xFFFFCC00  }
0x62: {  	[hbm4b:s1+s3] =	stream.linear.scatter [tilespmem:s28], [sflag:$0x5], $0x3400, $0x38;
	[tilespmem:$0x1EE80] =	vst v63  }
0x63: {  	_ =	swait.ge [sflag:s29], $0x3400  }
0x64: {  	[sflag:s29] =	ssyncset.done $0x0  }
0x65: {  	[sflag:s29] =	ssyncadd.s32 $0xFFFFCC00  }
0x66: {  	[tilespmem:s28], [sflag:$0x5] =	stream.linear.gather [spmem:s17], $0x3400, $0x38;
	[tilespmem:$0x1EE80] =	vst v63  }
0x67: {  	_ =	swait.ge [sflag:s29], $0x3400  }
0x68: {  	[sflag:s29] =	ssyncset.done $0x0  }
0x69: {  	s12 =	rddreg [dreg:$0x4];
	[sflag:s29] =	ssyncadd.s32 $0xFFFFCC00  }
0x6a: {  	[hbm4b:s12+s3] =	stream.linear.scatter [tilespmem:s28], [sflag:$0x5], $0x3400, $0x38;
	[tilespmem:$0x1EE80] =	vst v63  }
0x6b: {  	_ =	swait.ge [sflag:s29], $0x3400  }
0x6c: {  	[sflag:s29] =	ssyncset.done $0x0  }
0x6d: {  	[sflag:s29] =	ssyncadd.s32 $0xFFFFCC00  }
0x6e: {  	[tilespmem:s28], [sflag:$0x5] =	stream.linear.gather [spmem:s18], $0x3400, $0x38;
	[tilespmem:$0x1EE80] =	vst v63  }
0x6f: {  	_ =	swait.ge [sflag:s29], $0x3400  }
0x70: {  	[sflag:s29] =	ssyncset.done $0x0  }
0x71: {  	s14 =	rddreg [dreg:$0x5];
	[sflag:s29] =	ssyncadd.s32 $0xFFFFCC00  }
0x72: {  	[hbm4b:s14+s3] =	stream.linear.scatter [tilespmem:s28], [sflag:$0x5], $0x3400, $0x38;
	[tilespmem:$0x1EE80] =	vst v63  }
0x73: {  	_ =	swait.ge [sflag:s29], $0x3400  }
0x74: {  	[sflag:s29] =	ssyncset.done $0x0  }
0x75: {  	[sflag:s29] =	ssyncadd.s32 $0xFFFFCC00  }
0x76: {  	[tilespmem:s28], [sflag:$0x5] =	stream.linear.gather [spmem:s22], $0x3400, $0x38;
	[tilespmem:$0x1EE80] =	vst v63  }
0x77: {  	_ =	swait.ge [sflag:s29], $0x3400  }
0x78: {  	[sflag:s29] =	ssyncset.done $0x0  }
0x79: {  	s20 =	rddreg [dreg:$0x6];
	[sflag:s29] =	ssyncadd.s32 $0xFFFFCC00  }
0x7a: {  	[hbm4b:s20+s3] =	stream.linear.scatter [tilespmem:s28], [sflag:$0x5], $0x3400, $0x38;
	[tilespmem:$0x1EE80] =	vst v63  }
0x7b: {  	_ =	swait.ge [sflag:s29], $0x3400  }
0x7c: {  	[sflag:s29] =	ssyncset.done $0x0  }
0x7d: {  	[sflag:s29] =	ssyncadd.s32 $0xFFFFCC00  }
0x7e: {  	[tilespmem:s28], [sflag:$0x5] =	stream.linear.gather [spmem:s23], $0x3400, $0x38;
	[tilespmem:$0x1EE80] =	vst v63  }
0x7f: {  	_ =	swait.ge [sflag:s29], $0x3400  }
0x80: {  	[sflag:s29] =	ssyncset.done $0x0  }
0x81: {  	s24 =	rddreg [dreg:$0x7];
	[sflag:s29] =	ssyncadd.s32 $0xFFFFCC00  }
0x82: {  	[hbm4b:s24+s3] =	stream.linear.scatter [tilespmem:s28], [sflag:$0x5], $0x3400, $0x38;
	[tilespmem:$0x1EE80] =	vst v63  }
0x83: {  	_ =	swait.ge [sflag:s29], $0x3400  }
0x84: {  	s6 =	simm.s32 @!p5 $0x5;
	[sflag:s29] =	ssyncset.done $0x0  }
0x85: {  	s1 =	simm.s32 @!p5 $0x8200;
	s5 =	rddreg [dreg:$0xb];
	[sflag:s29] =	ssyncadd.s32 $0xFFFFCC00  }
0x86: {  	[tilespmem:s1], [sflag:$0x5] =	stream.linear.gather @!p5 [spmem:s5], $0x400, $0x38;
	[tilespmem:$0x1EE80] =	vst v63  }
0x87: {  	_ =	swait.ge @!p5 [sflag:s6], $0x400  }
0x88: {  	[sflag:s6] =	ssyncset.done @!p5 $0x0  }
0x89: {  	s7 =	simm.s32 @!p5 $0x0;
	[sflag:s6] =	ssyncadd.s32 @!p5 $0xFFFFFC00  }
0x8a: {  	[hbm4b:s11+s7] =	stream.linear.scatter @!p5 [tilespmem:s1], [sflag:$0x5], $0x400, $0x38;
	[tilespmem:$0x1EE80] =	vst v63  }
0x8b: {  	_ =	swait.ge @!p5 [sflag:s6], $0x400  }
0x8c: {  	s0 =	sadd.s32 $0x1, s0;
	s25 =	rddreg [dreg:$0xc]  }
0x8d: {  	p0 =	sne.s32 s0, s25  }
.Ltmp1:
0x8e: {  	_ = 	snop;
	(pc) =	sbr.rel @!p0 .LBB2_17-.Ltmp1, $3  }
0x8f: {  	_ =	sdelay $0x1  }
0x90: {  	[sflag:s6] =	ssyncset.done @!p5 $0x0  }
0x91: {  	[sflag:s6] =	ssyncadd.s32 @!p5 $0xFFFFFC00  }
.LBB2_1:
0x92: {  	s1 =	rddreg [dreg:$0xa]  }
0x93: {  	[tilespmem:s28], [sflag:$0x5] =	stream.linear.gather [hbm4b:s1+s3], $0x3400, $0x38;
	[tilespmem:$0x1EE80] =	vst v63  }
0x94: {  	_ =	swait.ge [sflag:s29], $0x3400  }
0x95: {  	[sflag:s29] =	ssyncset.done $0x0  }
0x96: {  	[sflag:s29] =	ssyncadd.s32 $0xFFFFCC00  }
0x97: {  	[spmem:s15] =	stream.linear.scatter [tilespmem:s28], [sflag:$0x5], $0x3400, $0x38;
	[tilespmem:$0x1EE80] =	vst v63  }
0x98: {  	_ =	swait.ge [sflag:s29], $0x3400  }
0x99: {  	[sflag:s29] =	ssyncset.done $0x0  }
0x9a: {  	[sflag:s29] =	ssyncadd.s32 $0xFFFFCC00  }
0x9b: {  	[spmem:s16] =	stream.linear.scatter [tilespmem:s28], [sflag:$0x5], $0x3400, $0x38;
	[tilespmem:$0x1EE80] =	vst v63  }
0x9c: {  	_ =	swait.ge [sflag:s29], $0x3400  }
0x9d: {  	[sflag:s29] =	ssyncset.done $0x0  }
0x9e: {  	[sflag:s29] =	ssyncadd.s32 $0xFFFFCC00  }
0x9f: {  	[spmem:s17] =	stream.linear.scatter [tilespmem:s28], [sflag:$0x5], $0x3400, $0x38;
	[tilespmem:$0x1EE80] =	vst v63  }
0xa0: {  	_ =	swait.ge [sflag:s29], $0x3400  }
0xa1: {  	[sflag:s29] =	ssyncset.done $0x0  }
0xa2: {  	[sflag:s29] =	ssyncadd.s32 $0xFFFFCC00  }
0xa3: {  	[spmem:s18] =	stream.linear.scatter [tilespmem:s28], [sflag:$0x5], $0x3400, $0x38;
	[tilespmem:$0x1EE80] =	vst v63  }
0xa4: {  	_ =	swait.ge [sflag:s29], $0x3400  }
0xa5: {  	[sflag:s29] =	ssyncset.done $0x0  }
0xa6: {  	[sflag:s29] =	ssyncadd.s32 $0xFFFFCC00  }
0xa7: {  	[spmem:s22] =	stream.linear.scatter [tilespmem:s28], [sflag:$0x5], $0x3400, $0x38;
	[tilespmem:$0x1EE80] =	vst v63  }
0xa8: {  	_ =	swait.ge [sflag:s29], $0x3400  }
0xa9: {  	[sflag:s29] =	ssyncset.done $0x0  }
0xaa: {  	[sflag:s29] =	ssyncadd.s32 $0xFFFFCC00  }
0xab: {  	[spmem:s23] =	stream.linear.scatter [tilespmem:s28], [sflag:$0x5], $0x3400, $0x38;
	[tilespmem:$0x1EE80] =	vst v63  }
0xac: {  	_ =	swait.ge [sflag:s29], $0x3400  }
0xad: {  	[sflag:s29] =	ssyncset.done $0x0  }
0xae: {  	s1 =	simm.s32 @!p5 $0x8200;
	s5 =	rddreg [dreg:$0xd];
	[sflag:s29] =	ssyncadd.s32 $0xFFFFCC00  }
0xaf: {  	[spmem:s5] =	stream.linear.scatter @!p5 [tilespmem:s1], [sflag:$0x5], $0x400, $0x38;
	[tilespmem:$0x1EE80] =	vst v63  }
0xb0: {  	s1 =	simm.s32 @!p5 $0x5  }
0xb1: {  	_ =	swait.ge @!p5 [sflag:s1], $0x400  }
0xb2: {  	[sflag:s1] =	ssyncset.done @!p5 $0x0  }
0xb3: {  	[sflag:s1] =	ssyncadd.s32 @!p5 $0xFFFFFC00  }
0xb4: {  	[bflag:$0x0] =	sbarrier.arrive $0xFFFF  }
0xb5: {  	s25 =	sld [smem:$0x7FC];
	_ =	sdelay $0x2  }
0xb6: {  	p0 =	seq.s32 s25, $0x1  }
.Ltmp2:
0xb7: {  	_ = 	snop;
	(pc) =	sbr.rel @!p0 .LBB2_2-.Ltmp2, $2  }
0xb8: {  	_ =	sdelay $0x2  }
0xb9: {  	s7 =	simm.s32 $0xFFFFFFFF  }
0xba: {  	p1 =	por $0x1, $0x1  }
.Ltmp3:
0xbb: {  	_ = 	snop;
	(pc) =	sbr.rel @!p1 .LBB2_10-.Ltmp3, $3  }
0xbc: {  	_ =	sdelay $0x1  }
0xbd: {  	s1 =	simm.s32 $0x1;
	s6 =	sand.u32 $0x1, s3;
	p2 =	sle.u32 s21, $0x0  }
0xbe: {  	p4 =	por $0x0, $0x0;
	p3 =	por @!p2 $0x1, $0x1;
	p0 =	sne.s32 @!p2 s6, $0x0  }
0xbf: {  	p1 =	por p3, p2  }
0xc0: {  	p1 =	sne.s32 @!p1 s6, $0x0  }
0xc1: {  	p1 =	por @!p2 p1, p3  }
0xc2: {  	p1 =	por p1, p2  }
0xc3: {  	s7 =	simm.s32 @!p1 $0x3  }
0xc4: {  	_ =	swait.ge @!p1 [sflag:s7], $0x4000  }
0xc5: {  	p0 =	por p0, p2;
	[sflag:s7] =	ssyncset.done @!p1 $0x0  }
0xc6: {  	s8 =	simm.s32 @!p0 $0x5;
	[sflag:s7] =	ssyncadd.s32 @!p1 $0xFFFFC000;
	s7 =	simm.s32 @!p0 $0x0  }
0xc7: {  	[tilespmem:s7], [sflag:$0x5] =	stream.linear.gather @!p0 [hbm4b:s19+s7], $0x80, $0x38;
	[tilespmem:$0x1EE80] =	vst v63  }
0xc8: {  	_ =	swait.ge @!p0 [sflag:s8], $0x80  }
0xc9: {  	p1 =	sne.s32 s6, $0x0;
	[sflag:s8] =	ssyncset.done @!p0 $0x0  }
0xca: {  	s9 =	simm.s32 @!p0 $0x100;
	p4 =	sle.u32 @!p1 s21, $0xFFFFFFFF;
	[sflag:s8] =	ssyncadd.s32 @!p0 $0xFFFFFF80  }
0xcb: {  	[tilespmem:s9], [sflag:$0x5] =	stream.linear.gather @!p0 [hbm4b:s4+s7], $0x80, $0x38;
	[tilespmem:$0x1EE80] =	vst v63  }
0xcc: {  	p1 =	por p4, p1;
	_ =	swait.ge @!p0 [sflag:s8], $0x80  }
0xcd: {  	s10 =	simm.s32 @!p1 $0x2;
	[sflag:s8] =	ssyncset.done @!p0 $0x0  }
0xce: {  	s9 =	simm.s32 @!p0 $0x200;
	[sflag:s8] =	ssyncadd.s32 @!p0 $0xFFFFFF80;
	s8 =	simm.s32 @!p0 $0x80  }
0xcf: {  	[tilespmem:s9], [sflag:$0x1] =	stream.indirect.gather @!p0 [hbm4b:s13+s8], $0x80, s7, s8, $0xb8;
	[tilespmem:$0x1EE80] =	vst v63  }
0xd0: {  	s7 =	simm.s32 @!p1 $0x4200;
	p0 =	seq.s32 s6, $0x1;
	_ =	swait.ge @!p1 [sflag:s10], $0x4000  }
0xd1: {  	s6 =	simm.s32 @!p1 $0x180;
	p3 =	por @!p2 !p0, p3;
	[sflag:s10] =	ssyncset.done @!p1 $0x0  }
0xd2: {  	s8 =	simm.s32 @!p1 $0x80;
	p3 =	por p3, p2;
	[sflag:s10] =	ssyncadd.s32 @!p1 $0xFFFFC000  }
0xd3: {  	[spmem:s2] =	stream.indirect.scatter.add.f32 @!p1 [tilespmem:s7], [sflag:$0x4], $0x80, s6, s8, $0xb8;
	[tilespmem:$0x1EE80] =	vst v63  }
0xd4: {  	p5 =	por !p0, !p0;
	s6 =	simm.s32 @!p3 $0x4  }
0xd5: {  	p0 =	por p2, p5;
	_ =	swait.ge @!p3 [sflag:s6], $0x4000  }
0xd6: {  	s9 =	simm.s32 @!p0 $0x80;
	[sflag:s6] =	ssyncset.done @!p3 $0x0  }
0xd7: {  	s10 =	simm.s32 @!p0 $0x5;
	[sflag:s6] =	ssyncadd.s32 @!p3 $0xFFFFC000;
	s6 =	simm.s32 @!p0 $0x0  }
0xd8: {  	[tilespmem:s9], [sflag:$0x5] =	stream.linear.gather @!p0 [hbm4b:s19+s6], $0x80, $0x38;
	[tilespmem:$0x1EE80] =	vst v63  }
0xd9: {  	_ =	swait.ge @!p0 [sflag:s10], $0x80  }
0xda: {  	s5 =	smov.u32 s11;
	s11 =	smov.u32 s26;
	[sflag:s10] =	ssyncset.done @!p0 $0x0  }
0xdb: {  	p6 =	slt.u32 s21, $0x0;
	s8 =	simm.s32 @!p0 $0x180;
	[sflag:s10] =	ssyncadd.s32 @!p0 $0xFFFFFF80  }
0xdc: {  	[tilespmem:s8], [sflag:$0x5] =	stream.linear.gather @!p0 [hbm4b:s4+s6], $0x80, $0x38;
	[tilespmem:$0x1EE80] =	vst v63  }
0xdd: {  	s20 =	sadd.s32 $0x10, s4;
	p4 =	por $0x1, $0x1;
	_ =	swait.ge @!p0 [sflag:s10], $0x80  }
.Ltmp4:
0xde: {  	s12 =	sadd.s32 $0x10, s19;
	[sflag:s10] =	ssyncset.done @!p0 $0x0;
	(pc) =	sbr.rel @!p4 .LBB2_12-.Ltmp4, $4  }
0xdf: {  	p6 =	por p6, p5;
	s6 =	simm.s32 @!p0 $0x4200;
	[sflag:s10] =	ssyncadd.s32 @!p0 $0xFFFFFF80  }
0xe0: {  	[tilespmem:s6], [sflag:$0x2] =	stream.indirect.gather @!p0 [hbm4b:s13+s9], $0x80, s9, s9, $0xb8;
	[tilespmem:$0x1EE80] =	vst v63  }
0xe1: {  	p2 =	sle.u32 s21, $0x1;
	s7 =	simm.s32 $0x0;
	s6 =	sand.u32 $0x1, s1  }
0xe2: {  	p3 =	por @!p2 $0x1, $0x1;
	s8 =	simm.s32 $0x2;
	p0 =	sne.s32 @!p2 s6, $0x0  }
.LBB2_13:
0xe3: {  	s14 =	sadd.s32 $0xFFFFFFFF, s8;
	p4 =	sne.s32 s6, $0x0  }
0xe4: {  	p1 =	por p3, p2;
	p5 =	sge.u32 @!p4 s7, s21;
	s7 =	simm.s32 @!p6 $0x1  }
0xe5: {  	s10 =	smov.u32 s8;
	s8 =	simm.s32 @!p6 $0x200;
	_ =	swait.ge @!p6 [sflag:s7], $0x4000  }
0xe6: {  	s24 =	simm.s32 @!p6 $0x100;
	p1 =	sne.s32 @!p1 s6, $0x0;
	[sflag:s7] =	ssyncset.done @!p6 $0x0  }
0xe7: {  	p1 =	por @!p2 p1, p3;
	[sflag:s7] =	ssyncadd.s32 @!p6 $0xFFFFC000;
	s7 =	simm.s32 @!p6 $0x80  }
0xe8: {  	[spmem:s2] =	stream.indirect.scatter.add.f32 @!p6 [tilespmem:s8], [sflag:$0x3], $0x80, s24, s7, $0xb8;
	[tilespmem:$0x1EE80] =	vst v63  }
0xe9: {  	p1 =	por p1, p2;
	s8 =	sadd.s32 $0x2, s14  }
0xea: {  	p0 =	por p0, p2;
	s25 =	simm.s32 @!p1 $0x3;
	p6 =	sne.s32 s8, $0x50  }
0xeb: {  	s7 =	smov.u32 s14;
	_ =	swait.ge @!p1 [sflag:s25], $0x4000;
	s14 =	simm.s32 @!p6 $0x0  }
0xec: {  	s24 =	simm.s32 @!p0 $0x5;
	[sflag:s25] =	ssyncset.done @!p1 $0x0;
	s14 =	simm.s32 @p6 $0x1  }
0xed: {  	[sflag:s25] =	ssyncadd.s32 @!p1 $0xFFFFC000;
	[smem:$0x7FA] =	sst s14;
	s14 =	simm.s32 @!p0 $0x0  }
0xee: {  	[tilespmem:s14], [sflag:$0x5] =	stream.linear.gather @!p0 [hbm4b:s12+s14], $0x80, $0x38;
	[tilespmem:$0x1EE80] =	vst v63  }
0xef: {  	_ =	swait.ge @!p0 [sflag:s24], $0x80  }
0xf0: {  	[sflag:s24] =	ssyncset.done @!p0 $0x0  }
0xf1: {  	s25 =	simm.s32 @!p0 $0x100;
	[sflag:s24] =	ssyncadd.s32 @!p0 $0xFFFFFF80  }
0xf2: {  	[tilespmem:s25], [sflag:$0x5] =	stream.linear.gather @!p0 [hbm4b:s20+s14], $0x80, $0x38;
	[tilespmem:$0x1EE80] =	vst v63  }
0xf3: {  	p1 =	por p5, p4;
	_ =	swait.ge @!p0 [sflag:s24], $0x80  }
0xf4: {  	s26 =	simm.s32 @!p1 $0x2;
	[sflag:s24] =	ssyncset.done @!p0 $0x0  }
0xf5: {  	s25 =	simm.s32 @!p0 $0x200;
	[sflag:s24] =	ssyncadd.s32 @!p0 $0xFFFFFF80;
	s24 =	simm.s32 @!p0 $0x80  }
0xf6: {  	[tilespmem:s25], [sflag:$0x1] =	stream.indirect.gather @!p0 [hbm4b:s13+s24], $0x80, s14, s24, $0xb8;
	[tilespmem:$0x1EE80] =	vst v63  }
0xf7: {  	p4 =	seq.s32 s6, $0x1;
	s6 =	simm.s32 @!p1 $0x180;
	_ =	swait.ge @!p1 [sflag:s26], $0x4000  }
0xf8: {  	s14 =	simm.s32 @!p1 $0x4200;
	p0 =	por @!p2 !p4, p3;
	[sflag:s26] =	ssyncset.done @!p1 $0x0  }
0xf9: {  	s24 =	simm.s32 @!p1 $0x80;
	p0 =	por p0, p2;
	[sflag:s26] =	ssyncadd.s32 @!p1 $0xFFFFC000  }
0xfa: {  	[spmem:s2] =	stream.indirect.scatter.add.f32 @!p1 [tilespmem:s14], [sflag:$0x4], $0x80, s6, s24, $0xb8;
	[tilespmem:$0x1EE80] =	vst v63  }
0xfb: {  	p5 =	por !p4, !p4;
	s6 =	simm.s32 @!p0 $0x4  }
0xfc: {  	p6 =	sgt.u32 s1, s21;
	p1 =	por p2, p5;
	_ =	swait.ge @!p0 [sflag:s6], $0x4000  }
0xfd: {  	s1 =	smov.u32 s10;
	s10 =	simm.s32 @!p1 $0x80;
	[sflag:s6] =	ssyncset.done @!p0 $0x0  }
0xfe: {  	s14 =	simm.s32 @!p1 $0x5;
	[sflag:s6] =	ssyncadd.s32 @!p0 $0xFFFFC000;
	s6 =	simm.s32 @!p1 $0x0  }
0xff: {  	[tilespmem:s10], [sflag:$0x5] =	stream.linear.gather @!p1 [hbm4b:s12+s6], $0x80, $0x38;
	[tilespmem:$0x1EE80] =	vst v63  }
0x100: {  	_ =	swait.ge @!p1 [sflag:s14], $0x80  }
0x101: {  	[sflag:s14] =	ssyncset.done @!p1 $0x0  }
0x102: {  	s9 =	smov.u32 s20;
	s24 =	simm.s32 @!p1 $0x180;
	[sflag:s14] =	ssyncadd.s32 @!p1 $0xFFFFFF80  }
0x103: {  	[tilespmem:s24], [sflag:$0x5] =	stream.linear.gather @!p1 [hbm4b:s9+s6], $0x80, $0x38;
	[tilespmem:$0x1EE80] =	vst v63  }
0x104: {  	_ =	swait.ge @!p1 [sflag:s14], $0x80  }
0x105: {  	[sflag:s14] =	ssyncset.done @!p1 $0x0;
	s26 =	sld [smem:$0x7FA]  }
0x106: {  	s9 =	simm.s32 @!p1 $0x4200;
	[sflag:s14] =	ssyncadd.s32 @!p1 $0xFFFFFF80  }
0x107: {  	[tilespmem:s9], [sflag:$0x2] =	stream.indirect.gather @!p1 [hbm4b:s13+s10], $0x80, s10, s10, $0xb8;
	[tilespmem:$0x1EE80] =	vst v63  }
0x108: {  	p1 =	seq.s32 s26, $0x1  }
.Ltmp5:
0x109: {  	_ = 	snop;
	(pc) =	sbr.rel @p1 .LBB2_13-.Ltmp5, $4  }
0x10a: {  	_ = 	snop  }
0x10b: {  	p6 =	por p6, p5  }
0x10c: {  	s20 =	sadd.s32 $0x10, s20;
	p2 =	sge.u32 s1, s21;
	s6 =	sand.u32 $0x1, s1  }
0x10d: {  	p3 =	slt.u32 @!p2 s1, $0x2;
	s12 =	sadd.s32 $0x10, s12;
	p0 =	sne.s32 @!p2 s6, $0x0  }
.Ltmp6:
0x10e: {  	(pc) =	sbr.rel .LBB2_15-.Ltmp6, $3  }
0x10f: {  	s25 =	sld [smem:$0x7FD];
	_ =	sdelay $0x1  }
0x110: {  	s26 =	smov.u32 s11  }
0x111: {  	s11 =	smov.u32 s5;
	p4 =	por $0x1, $0x1;
	p5 =	seq.s32 s25, $0x1  }
.LBB2_2:
0x112: {  	p1 =	por $0x0, $0x0  }
.Ltmp7:
0x113: {  	_ = 	snop;
	(pc) =	sbr.rel @p1 .LBB2_3-.Ltmp7, $3  }
0x114: {  	_ =	sdelay $0x1  }
0x115: {  	s1 =	simm.s32 $0x1;
	s6 =	sand.u32 $0x1, s3;
	p2 =	sle.u32 s21, $0x0  }
0x116: {  	p4 =	por $0x0, $0x0;
	p3 =	por @!p2 $0x1, $0x1;
	p0 =	sne.s32 @!p2 s6, $0x0  }
0x117: {  	p1 =	por p3, p2  }
0x118: {  	p1 =	sne.s32 @!p1 s6, $0x0  }
0x119: {  	p1 =	por @!p2 p1, p3  }
0x11a: {  	p1 =	por p1, p2  }
0x11b: {  	s7 =	simm.s32 @!p1 $0x3  }
0x11c: {  	p0 =	por p0, p2;
	_ =	swait.ge @!p1 [sflag:s7], $0x4000  }
0x11d: {  	s8 =	simm.s32 @!p0 $0x5;
	[sflag:s7] =	ssyncset.done @!p1 $0x0  }
0x11e: {  	s12 =	rddreg [dreg:$0x9];
	[sflag:s7] =	ssyncadd.s32 @!p1 $0xFFFFC000;
	s7 =	simm.s32 @!p0 $0x0  }
0x11f: {  	[tilespmem:s7], [sflag:$0x5] =	stream.linear.gather @!p0 [hbm4b:s12+s7], $0x80, $0x38;
	[tilespmem:$0x1EE80] =	vst v63  }
0x120: {  	_ =	swait.ge @!p0 [sflag:s8], $0x80  }
0x121: {  	s9 =	simm.s32 @!p0 $0x100;
	p1 =	sne.s32 s6, $0x0;
	[sflag:s8] =	ssyncset.done @!p0 $0x0  }
0x122: {  	p4 =	sle.u32 @!p1 s21, $0xFFFFFFFF;
	s5 =	rddreg [dreg:$0x8];
	[sflag:s8] =	ssyncadd.s32 @!p0 $0xFFFFFF80  }
0x123: {  	[tilespmem:s9], [sflag:$0x5] =	stream.linear.gather @!p0 [hbm4b:s5+s7], $0x80, $0x38;
	[tilespmem:$0x1EE80] =	vst v63  }
0x124: {  	p1 =	por p4, p1;
	_ =	swait.ge @!p0 [sflag:s8], $0x80  }
0x125: {  	s10 =	simm.s32 @!p1 $0x2;
	[sflag:s8] =	ssyncset.done @!p0 $0x0  }
0x126: {  	s9 =	simm.s32 @!p0 $0x200;
	[sflag:s8] =	ssyncadd.s32 @!p0 $0xFFFFFF80;
	s8 =	simm.s32 @!p0 $0x80  }
0x127: {  	[tilespmem:s9], [sflag:$0x1] =	stream.indirect.gather @!p0 [hbm4b:s13+s8], $0x80, s7, s8, $0xb8;
	[tilespmem:$0x1EE80] =	vst v63  }
0x128: {  	s7 =	simm.s32 @!p1 $0x4200;
	p0 =	seq.s32 s6, $0x1;
	_ =	swait.ge @!p1 [sflag:s10], $0x4000  }
0x129: {  	s6 =	simm.s32 @!p1 $0x180;
	p3 =	por @!p2 !p0, p3;
	[sflag:s10] =	ssyncset.done @!p1 $0x0  }
0x12a: {  	s8 =	simm.s32 @!p1 $0x80;
	p3 =	por p3, p2;
	[sflag:s10] =	ssyncadd.s32 @!p1 $0xFFFFC000  }
0x12b: {  	[spmem:s2] =	stream.indirect.scatter.add.f32 @!p1 [tilespmem:s7], [sflag:$0x4], $0x80, s6, s8, $0xb8;
	[tilespmem:$0x1EE80] =	vst v63  }
0x12c: {  	p5 =	por !p0, !p0;
	s6 =	simm.s32 @!p3 $0x4  }
0x12d: {  	p0 =	por p2, p5;
	_ =	swait.ge @!p3 [sflag:s6], $0x4000  }
0x12e: {  	s9 =	simm.s32 @!p0 $0x80;
	[sflag:s6] =	ssyncset.done @!p3 $0x0  }
0x12f: {  	s10 =	simm.s32 @!p0 $0x5;
	[sflag:s6] =	ssyncadd.s32 @!p3 $0xFFFFC000;
	s6 =	simm.s32 @!p0 $0x0  }
0x130: {  	[tilespmem:s9], [sflag:$0x5] =	stream.linear.gather @!p0 [hbm4b:s12+s6], $0x80, $0x38;
	[tilespmem:$0x1EE80] =	vst v63  }
0x131: {  	_ =	swait.ge @!p0 [sflag:s10], $0x80  }
0x132: {  	[sflag:s10] =	ssyncset.done @!p0 $0x0  }
0x133: {  	p6 =	slt.u32 s21, $0x0;
	s8 =	simm.s32 @!p0 $0x180;
	[sflag:s10] =	ssyncadd.s32 @!p0 $0xFFFFFF80  }
0x134: {  	[tilespmem:s8], [sflag:$0x5] =	stream.linear.gather @!p0 [hbm4b:s5+s6], $0x80, $0x38;
	[tilespmem:$0x1EE80] =	vst v63  }
0x135: {  	p4 =	por $0x0, $0x0;
	s20 =	sadd.s32 $0x10, s5;
	_ =	swait.ge @!p0 [sflag:s10], $0x80  }
.Ltmp8:
0x136: {  	p6 =	por p6, p5;
	[sflag:s10] =	ssyncset.done @!p0 $0x0;
	(pc) =	sbr.rel @p4 .LBB2_5-.Ltmp8, $4  }
0x137: {  	p2 =	sle.u32 s21, $0x1;
	s6 =	simm.s32 @!p0 $0x4200;
	[sflag:s10] =	ssyncadd.s32 @!p0 $0xFFFFFF80  }
0x138: {  	[tilespmem:s6], [sflag:$0x2] =	stream.indirect.gather @!p0 [hbm4b:s13+s9], $0x80, s9, s9, $0xb8;
	[tilespmem:$0x1EE80] =	vst v63  }
0x139: {  	s7 =	simm.s32 $0x0;
	p3 =	por @!p2 $0x1, $0x1;
	s6 =	sand.u32 $0x1, s1  }
0x13a: {  	s12 =	sadd.s32 $0x10, s12;
	s8 =	simm.s32 $0x2;
	p0 =	sne.s32 @!p2 s6, $0x0  }
.LBB2_6:
0x13b: {  	s10 =	sadd.s32 $0xFFFFFFFF, s8;
	p4 =	sne.s32 s6, $0x0  }
0x13c: {  	p1 =	por p3, p2;
	p5 =	sge.u32 @!p4 s7, s21;
	s7 =	simm.s32 @!p6 $0x1  }
0x13d: {  	s9 =	smov.u32 s8;
	s8 =	simm.s32 @!p6 $0x200;
	_ =	swait.ge @!p6 [sflag:s7], $0x4000  }
0x13e: {  	s14 =	simm.s32 @!p6 $0x100;
	p1 =	sne.s32 @!p1 s6, $0x0;
	[sflag:s7] =	ssyncset.done @!p6 $0x0  }
0x13f: {  	p1 =	por @!p2 p1, p3;
	[sflag:s7] =	ssyncadd.s32 @!p6 $0xFFFFC000;
	s7 =	simm.s32 @!p6 $0x80  }
0x140: {  	[spmem:s2] =	stream.indirect.scatter.add.f32 @!p6 [tilespmem:s8], [sflag:$0x3], $0x80, s14, s7, $0xb8;
	[tilespmem:$0x1EE80] =	vst v63  }
0x141: {  	p1 =	por p1, p2;
	s8 =	sadd.s32 $0x2, s10  }
0x142: {  	p0 =	por p0, p2;
	s24 =	simm.s32 @!p1 $0x3;
	p6 =	seq.s32 s8, $0x50  }
0x143: {  	s7 =	smov.u32 s10;
	_ =	swait.ge @!p1 [sflag:s24], $0x4000;
	s5 =	simm.s32 @!p6 $0x0  }
0x144: {  	s10 =	simm.s32 @!p0 $0x0;
	[sflag:s24] =	ssyncset.done @!p1 $0x0;
	s5 =	simm.s32 @p6 $0x1  }
0x145: {  	s14 =	simm.s32 @!p0 $0x5;
	[sflag:s24] =	ssyncadd.s32 @!p1 $0xFFFFC000;
	[smem:$0x7FB] =	sst s5  }
0x146: {  	[tilespmem:s10], [sflag:$0x5] =	stream.linear.gather @!p0 [hbm4b:s12+s10], $0x80, $0x38;
	[tilespmem:$0x1EE80] =	vst v63  }
0x147: {  	_ =	swait.ge @!p0 [sflag:s14], $0x80  }
0x148: {  	[sflag:s14] =	ssyncset.done @!p0 $0x0  }
0x149: {  	s24 =	simm.s32 @!p0 $0x100;
	[sflag:s14] =	ssyncadd.s32 @!p0 $0xFFFFFF80  }
0x14a: {  	[tilespmem:s24], [sflag:$0x5] =	stream.linear.gather @!p0 [hbm4b:s20+s10], $0x80, $0x38;
	[tilespmem:$0x1EE80] =	vst v63  }
0x14b: {  	p1 =	por p5, p4;
	_ =	swait.ge @!p0 [sflag:s14], $0x80  }
0x14c: {  	s25 =	simm.s32 @!p1 $0x2;
	[sflag:s14] =	ssyncset.done @!p0 $0x0  }
0x14d: {  	s24 =	simm.s32 @!p0 $0x200;
	[sflag:s14] =	ssyncadd.s32 @!p0 $0xFFFFFF80;
	s14 =	simm.s32 @!p0 $0x80  }
0x14e: {  	[tilespmem:s24], [sflag:$0x1] =	stream.indirect.gather @!p0 [hbm4b:s13+s14], $0x80, s10, s14, $0xb8;
	[tilespmem:$0x1EE80] =	vst v63  }
0x14f: {  	p4 =	seq.s32 s6, $0x1;
	s6 =	simm.s32 @!p1 $0x180;
	_ =	swait.ge @!p1 [sflag:s25], $0x4000  }
0x150: {  	s10 =	simm.s32 @!p1 $0x4200;
	p0 =	por @!p2 !p4, p3;
	[sflag:s25] =	ssyncset.done @!p1 $0x0  }
0x151: {  	s14 =	simm.s32 @!p1 $0x80;
	p0 =	por p0, p2;
	[sflag:s25] =	ssyncadd.s32 @!p1 $0xFFFFC000  }
0x152: {  	[spmem:s2] =	stream.indirect.scatter.add.f32 @!p1 [tilespmem:s10], [sflag:$0x4], $0x80, s6, s14, $0xb8;
	[tilespmem:$0x1EE80] =	vst v63  }
0x153: {  	p5 =	por !p4, !p4;
	s6 =	simm.s32 @!p0 $0x4  }
0x154: {  	p6 =	sgt.u32 s1, s21;
	p1 =	por p2, p5;
	_ =	swait.ge @!p0 [sflag:s6], $0x4000  }
0x155: {  	s1 =	smov.u32 s9;
	s9 =	simm.s32 @!p1 $0x80;
	[sflag:s6] =	ssyncset.done @!p0 $0x0  }
0x156: {  	s10 =	simm.s32 @!p1 $0x5;
	[sflag:s6] =	ssyncadd.s32 @!p0 $0xFFFFC000;
	s6 =	simm.s32 @!p1 $0x0  }
0x157: {  	[tilespmem:s9], [sflag:$0x5] =	stream.linear.gather @!p1 [hbm4b:s12+s6], $0x80, $0x38;
	[tilespmem:$0x1EE80] =	vst v63  }
0x158: {  	_ =	swait.ge @!p1 [sflag:s10], $0x80  }
0x159: {  	[sflag:s10] =	ssyncset.done @!p1 $0x0  }
0x15a: {  	s14 =	simm.s32 @!p1 $0x180;
	[sflag:s10] =	ssyncadd.s32 @!p1 $0xFFFFFF80  }
0x15b: {  	[tilespmem:s14], [sflag:$0x5] =	stream.linear.gather @!p1 [hbm4b:s20+s6], $0x80, $0x38;
	[tilespmem:$0x1EE80] =	vst v63  }
0x15c: {  	_ =	swait.ge @!p1 [sflag:s10], $0x80  }
0x15d: {  	[sflag:s10] =	ssyncset.done @!p1 $0x0;
	s25 =	sld [smem:$0x7FB]  }
0x15e: {  	s14 =	simm.s32 @!p1 $0x4200;
	[sflag:s10] =	ssyncadd.s32 @!p1 $0xFFFFFF80  }
0x15f: {  	[tilespmem:s14], [sflag:$0x2] =	stream.indirect.gather @!p1 [hbm4b:s13+s9], $0x80, s9, s9, $0xb8;
	[tilespmem:$0x1EE80] =	vst v63  }
0x160: {  	p1 =	seq.s32 s25, $0x1  }
.Ltmp9:
0x161: {  	_ = 	snop;
	(pc) =	sbr.rel @!p1 .LBB2_6-.Ltmp9, $4  }
0x162: {  	_ = 	snop  }
0x163: {  	p2 =	sge.u32 s1, s21  }
0x164: {  	p6 =	por p6, p5;
	p3 =	slt.u32 @!p2 s1, $0x2;
	s6 =	sand.u32 $0x1, s1  }
0x165: {  	s12 =	sadd.s32 $0x10, s12;
	s20 =	sadd.s32 $0x10, s20;
	p0 =	sne.s32 @!p2 s6, $0x0  }
0x166: {  	s5 =	sld [smem:$0x7FD];
	_ =	sdelay $0x2  }
0x167: {  	p4 =	por $0x1, $0x1;
	p5 =	seq.s32 s5, $0x1  }
.LBB2_8:
0x168: {  	p1 =	por p6, !p4  }
0x169: {  	p4 =	por p3, p2;
	s8 =	simm.s32 @!p1 $0x1  }
0x16a: {  	p4 =	sne.s32 @!p4 s6, $0x0;
	s9 =	simm.s32 @!p1 $0x200;
	_ =	swait.ge @!p1 [sflag:s8], $0x4000  }
0x16b: {  	s10 =	simm.s32 @!p1 $0x100;
	p4 =	por @!p2 p4, p3;
	[sflag:s8] =	ssyncset.done @!p1 $0x0  }
0x16c: {  	p4 =	por p4, p2;
	[sflag:s8] =	ssyncadd.s32 @!p1 $0xFFFFC000;
	s8 =	simm.s32 @!p1 $0x80  }
0x16d: {  	[spmem:s2] =	stream.indirect.scatter.add.f32 @!p1 [tilespmem:s9], [sflag:$0x3], $0x80, s10, s8, $0xb8;
	[tilespmem:$0x1EE80] =	vst v63  }
0x16e: {  	s8 =	simm.s32 @!p4 $0x3  }
0x16f: {  	_ =	swait.ge @!p4 [sflag:s8], $0x4000  }
0x170: {  	p0 =	por p0, p2;
	[sflag:s8] =	ssyncset.done @!p4 $0x0  }
0x171: {  	s9 =	simm.s32 @!p0 $0x5;
	[sflag:s8] =	ssyncadd.s32 @!p4 $0xFFFFC000;
	s8 =	simm.s32 @!p0 $0x0  }
0x172: {  	[tilespmem:s8], [sflag:$0x5] =	stream.linear.gather @!p0 [hbm4b:s12+s8], $0x80, $0x38;
	[tilespmem:$0x1EE80] =	vst v63  }
0x173: {  	_ =	swait.ge @!p0 [sflag:s9], $0x80  }
0x174: {  	[sflag:s9] =	ssyncset.done @!p0 $0x0  }
0x175: {  	s10 =	simm.s32 @!p0 $0x100;
	[sflag:s9] =	ssyncadd.s32 @!p0 $0xFFFFFF80  }
0x176: {  	[tilespmem:s10], [sflag:$0x5] =	stream.linear.gather @!p0 [hbm4b:s20+s8], $0x80, $0x38;
	[tilespmem:$0x1EE80] =	vst v63  }
0x177: {  	p1 =	sne.s32 s6, $0x0;
	_ =	swait.ge @!p0 [sflag:s9], $0x80  }
0x178: {  	p4 =	sge.u32 @!p1 s7, s21;
	s7 =	simm.s32 @!p0 $0x200;
	[sflag:s9] =	ssyncset.done @!p0 $0x0  }
0x179: {  	p1 =	por p4, p1;
	[sflag:s9] =	ssyncadd.s32 @!p0 $0xFFFFFF80;
	s9 =	simm.s32 @!p0 $0x80  }
0x17a: {  	[tilespmem:s7], [sflag:$0x1] =	stream.indirect.gather @!p0 [hbm4b:s13+s9], $0x80, s8, s9, $0xb8;
	[tilespmem:$0x1EE80] =	vst v63  }
0x17b: {  	s7 =	simm.s32 @!p1 $0x2  }
0x17c: {  	_ =	swait.ge @!p1 [sflag:s7], $0x4000  }
0x17d: {  	s8 =	simm.s32 @!p1 $0x4200;
	s9 =	simm.s32 @!p1 $0x180;
	[sflag:s7] =	ssyncset.done @!p1 $0x0  }
0x17e: {  	p0 =	seq.s32 s6, $0x1;
	[sflag:s7] =	ssyncadd.s32 @!p1 $0xFFFFC000;
	s7 =	simm.s32 @!p1 $0x80  }
0x17f: {  	[spmem:s2] =	stream.indirect.scatter.add.f32 @!p1 [tilespmem:s8], [sflag:$0x4], $0x80, s9, s7, $0xb8;
	[tilespmem:$0x1EE80] =	vst v63  }
0x180: {  	p1 =	por @!p2 !p0, p3  }
0x181: {  	p3 =	por p1, p2  }
0x182: {  	p0 =	por !p0, !p0;
	s6 =	simm.s32 @!p3 $0x4  }
0x183: {  	p1 =	por p2, p0;
	_ =	swait.ge @!p3 [sflag:s6], $0x4000  }
0x184: {  	s7 =	simm.s32 @!p1 $0x80;
	[sflag:s6] =	ssyncset.done @!p3 $0x0  }
0x185: {  	s8 =	simm.s32 @!p1 $0x5;
	[sflag:s6] =	ssyncadd.s32 @!p3 $0xFFFFC000;
	s6 =	simm.s32 @!p1 $0x0  }
0x186: {  	[tilespmem:s7], [sflag:$0x5] =	stream.linear.gather @!p1 [hbm4b:s12+s6], $0x80, $0x38;
	[tilespmem:$0x1EE80] =	vst v63  }
0x187: {  	_ =	swait.ge @!p1 [sflag:s8], $0x80  }
0x188: {  	[sflag:s8] =	ssyncset.done @!p1 $0x0  }
0x189: {  	s9 =	simm.s32 @!p1 $0x180;
	[sflag:s8] =	ssyncadd.s32 @!p1 $0xFFFFFF80  }
0x18a: {  	[tilespmem:s9], [sflag:$0x5] =	stream.linear.gather @!p1 [hbm4b:s20+s6], $0x80, $0x38;
	[tilespmem:$0x1EE80] =	vst v63  }
0x18b: {  	_ =	swait.ge @!p1 [sflag:s8], $0x80  }
0x18c: {  	p6 =	sgt.u32 s1, s21;
	[sflag:s8] =	ssyncset.done @!p1 $0x0  }
0x18d: {  	p0 =	por p6, p0;
	s1 =	simm.s32 @!p1 $0x4200;
	[sflag:s8] =	ssyncadd.s32 @!p1 $0xFFFFFF80  }
0x18e: {  	[tilespmem:s1], [sflag:$0x2] =	stream.indirect.gather @!p1 [hbm4b:s13+s7], $0x80, s7, s7, $0xb8;
	[tilespmem:$0x1EE80] =	vst v63  }
.Ltmp10:
0x18f: {  	s1 =	simm.s32 @!p0 $0x1;
	(pc) =	sbr.rel .LBB2_16-.Ltmp10, $4  }
0x190: {  	_ =	swait.ge @!p0 [sflag:s1], $0x4000  }
0x191: {  	s6 =	simm.s32 @!p0 $0x200;
	[sflag:s1] =	ssyncset.done @!p0 $0x0  }
0x192: {  	s7 =	simm.s32 @!p0 $0x100;
	[sflag:s1] =	ssyncadd.s32 @!p0 $0xFFFFC000;
	s1 =	simm.s32 @!p0 $0x80  }
0x193: {  	[spmem:s2] =	stream.indirect.scatter.add.f32 @!p0 [tilespmem:s6], [sflag:$0x3], $0x80, s7, s1, $0xb8;
	[tilespmem:$0x1EE80] =	vst v63  }
.LBB2_3:
.Ltmp11:
0x194: {  	(pc) =	sbr.rel .LBB2_8-.Ltmp11, $3  }
0x195: {  	_ =	sdelay $0x1  }
0x196: {  	s12 =	rddreg [dreg:$0x9]  }
0x197: {  	s20 =	rddreg [dreg:$0x8];
	s1 =	simm.s32 $0x0  }
.LBB2_12:
.Ltmp12:
0x198: {  	(pc) =	sbr.rel .LBB2_15-.Ltmp12, $3  }
0x199: {  	s25 =	sld [smem:$0x7FD];
	_ =	sdelay $0x1  }
0x19a: {  	s26 =	smov.u32 s11  }
0x19b: {  	s11 =	smov.u32 s5;
	p4 =	por $0x1, $0x1;
	p5 =	seq.s32 s25, $0x1  }
.LBB2_5:
.Ltmp13:
0x19c: {  	(pc) =	sbr.rel .LBB2_8-.Ltmp13, $2  }
0x19d: {  	s5 =	sld [smem:$0x7FD];
	_ =	sdelay $0x2  }
0x19e: {  	p4 =	por $0x1, $0x1;
	p5 =	seq.s32 s5, $0x1  }
.LBB2_17:
0x19f: {  	_ =	sfence.sel $0x180000  }
0x1a0: {  	[bflag:$0x0] =	sbarrier.arrive $0xFFFF  }
0x1a1: {  	_ =	strace $0x9000004A  }
0x1a2: {  	s0 =	stileid.u32;
	[bflag:$0x2] =	sbarrier.arrive $0xFFFF  }
0x1a3: {  	p0 =	sne.s32 s0, $0x0;
	s0 =	rddreg [dreg:$0x2]  }
0x1a4: {  	s0 =	sadd.s32 @!p0 $0x100000, s0  }
0x1a5: {  	[sflag:s0] =	ssyncadd.tile.s32 @!p0 $0x1;
	_ =	shalt  }
.Lfunc_end2:
_tile_overlayer_lowered:
.L_overlay_start_2:
0x1a6: {  	(tag) =	ssettag $0x2  }
0x1a7: {  	s0 =	rddreg [dreg:$0x0];
	s2 =	stileid.u32  }
0x1a8: {  	s1 =	rddreg [dreg:$0x1];
	p0 =	sne.s32 s2, $0x0  }
0x1a9: {  	s3 =	rddreg [dreg:$0x2];
	[bflag:$0x3] =	sbarrier.arrive $0xFFFF;
	s2 =	simm.s32 @!p0 $0x1C05  }
0x1aa: {  	[timem:s3], [sflag:s2] =	dma.local @!p0 [hbm:s0], s1  }
0x1ab: {  	s0 =	simm.s32 @!p0 $0x5  }
0x1ac: {  	_ =	swait.ge @!p0 [sflag:s0], s1  }
0x1ad: {  	s1 =	ssub.s32 @!p0 $0x0, s1;
	[sflag:s0] =	ssyncset.done @!p0 $0x0  }
0x1ae: {  	[sflag:s0] =	ssyncadd.s32 @!p0 s1  }
0x1af: {  	[bflag:$0x3] =	sbarrier.arrive $0xFFFF  }
0x1b0: {  	_ =	shalt  }

// kernel: sc_mp2.3.cloned.1.call-start
scs
__scs_entry_jumppad:
0x0: {  	(pc) =	sbr.rel $0x88, $3  }
0x1: {  	(tag) =	ssettag $0x0;
	lr =	simm.s32 $0x1  }
0x2: {  	[smem:$0x3F94] =	sst lr;
	_ =	strace $0xD0000000  }
0x3: {  	_ = 	snop  }
0x4: {  	_ = 	snop  }
0x5: {  	_ = 	snop  }
0x6: {  	_ = 	snop  }
0x7: {  	_ = 	snop  }
__scs_overlays_trampoline_lowered:
0x8: {  	[smem:$0x3FA3] =	sst s0  }
0x9: {  	[smem:$0x3FA4] =	sst s1  }
0xa: {  	[smem:$0x3FA5] =	sst s2  }
0xb: {  	[smem:$0x3FA6] =	sst s3  }
0xc: {  	[smem:$0x3FA7] =	sst s4  }
0xd: {  	[smem:$0x3FA8] =	sst s5  }
0xe: {  	[smem:$0x3FA9] =	sst s6  }
0xf: {  	[smem:$0x3FAA] =	sst s7  }
0x10: {  	[smem:$0x3FAB] =	sst s8  }
0x11: {  	[smem:$0x3FAC] =	sst s9;
	s0 =	simm.s32 @!p0 $0x0  }
0x12: {  	s1 =	sld [smem:$0x3F92];
	s0 =	simm.s32 @p0 $0x1  }
0x13: {  	[smem:$0x3FAD] =	sst s0;
	s0 =	simm.s32 @!p1 $0x0  }
0x14: {  	s2 =	sld [smem:$0x3F91];
	s0 =	simm.s32 @p1 $0x1  }
0x15: {  	[smem:$0x3FAE] =	sst s0;
	s0 =	simm.s32 @!p2 $0x0  }
0x16: {  	s3 =	sld [smem:$0x3FDB];
	s0 =	simm.s32 @p2 $0x1  }
0x17: {  	s4 =	simm.s32 $0x1BF5;
	[smem:$0x3FB0] =	sst s0  }
0x18: {  	s0 =	sld [smem:$0x3F93];
	_ =	swait.ge [sflag:s4], $0x0  }
0x19: {  	s7 =	sld [smem:$0x3F94]  }
0x1a: {  	s8 =	sadd.s32 $0xFFFFE003, lr  }
0x1b: {  	s9 =	sadd.s32 $0xFFFFFEF7, lr;
	s5 =	simm.s32 $0xFFFFFFFF;
	p2 =	slt.u32 s8, $0xFFFFF086  }
0x1c: {  	p1 =	slt.u32 s9, $0xF7A;
	s5 =	simm.s32 @!p2 $0x0  }
0x1d: {  	s5 =	simm.s32 @p1 $0x1;
	p0 =	seq.s32 s7, s2  }
0x1e: {  	s7 =	smul.u32 @!p0 $0xF7A, s2;
	p2 =	seq.s32 @!p0 s5, $0x0  }
0x1f: {  	s9 =	smul.u32 $0xF7A, s1;
	s8 =	simm.s32 @!p0 $0x1BF5;
	p2 =	por !p2, p0  }
0x20: {  	[sflag:s8] =	ssyncset.s32 @!p0 $0xFFFFF086;
	s6 =	sadd.s32 @!p0 s3, s7;
	s7 =	simm.s32 @!p0 $0x108  }
0x21: {  	s3 =	sadd.s32 s3, s9;
	s6 =	sadd.s32 @!p0 $0x88, s6;
	s7 =	simm.s32 @p2 $0x1082  }
0x22: {  	[simem:s7], [sflag:s8] =	dma.local @!p0 [hbm:s6], $0xF7A  }
0x23: {  	s9 =	sor.u32 $0xD0000000, s2;
	s6 =	simm.s32 $0x108;
	_ =	swait.ge @!p0 [sflag:s8], $0x0  }
0x24: {  	s3 =	sadd.s32 $0x88, s3;
	s6 =	simm.s32 @!p1 $0x1082;
	[sflag:s4] =	ssyncset.s32 $0xFFFFF086  }
0x25: {  	[simem:s6], [sflag:s4] =	dma.local [hbm:s3], $0xF7A  }
0x26: {  	[smem:$0x3F94] =	sst s1;
	(tag) =	ssettag s2;
	_ =	strace s9  }
0x27: {  	s1 =	sld [smem:$0x3FA4]  }
0x28: {  	s2 =	sld [smem:$0x3FA5]  }
0x29: {  	s4 =	sld [smem:$0x3FA7]  }
0x2a: {  	p0 =	seq.s32 s5, $0x0;
	s5 =	sld [smem:$0x3FA8]  }
0x2b: {  	s6 =	sld [smem:$0x3FA9]  }
0x2c: {  	s7 =	sld [smem:$0x3FAA]  }
0x2d: {  	s3 =	simm.s32 $0x108;
	s8 =	sld [smem:$0x3FAB]  }
0x2e: {  	s3 =	simm.s32 @!p0 $0x1082;
	s9 =	sld [smem:$0x3FAC]  }
0x2f: {  	lr =	sadd.s32 s0, s3;
	s0 =	sld [smem:$0x3FA3]  }
0x30: {  	s3 =	sld [smem:$0x3FA6]  }
0x31: {  	[smem:$0x3FAF] =	sst s10  }
0x32: {  	s10 =	sld [smem:$0x3FAD];
	_ =	sdelay $0x3  }
0x33: {  	p0 =	seq.s32 s10, $0x1;
	s10 =	sld [smem:$0x3FAF];
	_ =	sdelay $0x3  }
0x34: {  	[smem:$0x3FAF] =	sst s10  }
0x35: {  	s10 =	sld [smem:$0x3FAE];
	_ =	sdelay $0x3  }
0x36: {  	p1 =	seq.s32 s10, $0x1;
	s10 =	sld [smem:$0x3FAF];
	_ =	sdelay $0x3  }
0x37: {  	[smem:$0x3FAF] =	sst s10  }
0x38: {  	s10 =	sld [smem:$0x3FB0]  }
0x39: {  	_ = 	snop;
	(pc) =	sbr.ind lr, $3  }
0x3a: {  	_ = 	snop  }
0x3b: {  	_ = 	snop  }
0x3c: {  	p2 =	seq.s32 s10, $0x1;
	s10 =	sld [smem:$0x3FAF]  }
0x3d: {  	_ =	shalt  }
0x3e: {  	_ =	shalt  }
0x3f: {  	_ =	shalt  }
0x40: {  	_ =	shalt  }
0x41: {  	_ =	shalt  }
0x42: {  	_ =	shalt  }
0x43: {  	_ =	shalt  }
0x44: {  	_ =	shalt  }
0x45: {  	_ =	shalt  }
0x46: {  	_ =	shalt  }
0x47: {  	_ =	shalt  }
0x48: {  	_ =	shalt  }
0x49: {  	_ =	shalt  }
0x4a: {  	_ =	shalt  }
0x4b: {  	_ =	shalt  }
0x4c: {  	_ =	shalt  }
0x4d: {  	_ =	shalt  }
0x4e: {  	_ =	shalt  }
0x4f: {  	_ =	shalt  }
0x50: {  	_ =	shalt  }
0x51: {  	_ =	shalt  }
0x52: {  	_ =	shalt  }
0x53: {  	_ =	shalt  }
0x54: {  	_ =	shalt  }
0x55: {  	_ =	shalt  }
0x56: {  	_ =	shalt  }
0x57: {  	_ =	shalt  }
0x58: {  	_ =	shalt  }
0x59: {  	_ =	shalt  }
0x5a: {  	_ =	shalt  }
0x5b: {  	_ =	shalt  }
0x5c: {  	_ =	shalt  }
0x5d: {  	_ =	shalt  }
0x5e: {  	_ =	shalt  }
0x5f: {  	_ =	shalt  }
0x60: {  	_ =	shalt  }
0x61: {  	_ =	shalt  }
0x62: {  	_ =	shalt  }
0x63: {  	_ =	shalt  }
0x64: {  	_ =	shalt  }
0x65: {  	_ =	shalt  }
0x66: {  	_ =	shalt  }
0x67: {  	_ =	shalt  }
0x68: {  	_ =	shalt  }
0x69: {  	_ =	shalt  }
0x6a: {  	_ =	shalt  }
0x6b: {  	_ =	shalt  }
0x6c: {  	_ =	shalt  }
0x6d: {  	_ =	shalt  }
0x6e: {  	_ =	shalt  }
0x6f: {  	_ =	shalt  }
0x70: {  	_ =	shalt  }
0x71: {  	_ =	shalt  }
0x72: {  	_ =	shalt  }
0x73: {  	_ =	shalt  }
0x74: {  	_ =	shalt  }
0x75: {  	_ =	shalt  }
0x76: {  	_ =	shalt  }
0x77: {  	_ =	shalt  }
0x78: {  	_ =	shalt  }
0x79: {  	_ =	shalt  }
0x7a: {  	_ =	shalt  }
0x7b: {  	_ =	shalt  }
0x7c: {  	_ =	shalt  }
0x7d: {  	_ =	shalt  }
0x7e: {  	_ =	shalt  }
0x7f: {  	_ =	shalt  }
0x80: {  	_ =	shalt  }
0x81: {  	_ =	shalt  }
0x82: {  	_ =	shalt  }
0x83: {  	_ =	shalt  }
0x84: {  	_ =	shalt  }
0x85: {  	_ =	shalt  }
0x86: {  	_ =	shalt  }
0x87: {  	_ =	shalt  }
.Lfunc_end0:
.L_simem_size_0:
called_computation.2_lowered:
.L_overlay_start_0:
0x88: {  	s2 =	sld [smem:$0x3FD9]  }
0x89: {  	s3 =	sld [smem:$0x3FFE];
	_ =	sdelay $0x1  }
0x8a: {  	s1 =	srdreg.scid  }
0x8b: {  	s0 =	sand.u32 $0x1, s1  }
0x8c: {  	s16 =	sshll.u32 s0, $0xA;
	s2 =	sadd.s32 s3, s2  }
0x8d: {  	s2 =	sadd.s32 s2, s16  }
0x8e: {  	[smem:$0x3FBB] =	sst s2  }
0x8f: {  	_ = 	snop  }
0x90: {  	(tm) =	ssettm $0x1  }
0x91: {  	s17 =	sld [smem:$0x3FFB];
	_ =	sdelay $0x3  }
0x92: {  	_ =	strace s17  }
0x93: {  	s2 =	sld [smem:$0x3FFC];
	_ =	sdelay $0x3  }
0x94: {  	_ =	strace s2  }
0x95: {  	s2 =	sld [smem:$0x3FFD];
	_ =	sdelay $0x3  }
0x96: {  	_ =	strace s2  }
0x97: {  	_ =	strace $0x8FFFFFFF  }
0x98: {  	s18 =	sld [smem:$0x3FDB];
	_ =	sdelay $0x1  }
0x99: {  	s19 =	simm.s32 $_scs_section_size  }
0x9a: {  	s4 =	simm.s32 $_size__tile_overlayer_lowered;
	s5 =	simm.s32 $_tile_overlayer_lowered  }
0x9b: {  	s22 =	simm.s32 $0x1BFF;
	s21 =	sshll.u32 s5, $0x1;
	s2 =	sadd.s32 s19, s18  }
0x9c: {  	s6 =	simm.s32 $0x0;
	s20 =	sshll.u32 s4, $0x1;
	s4 =	sadd.s32 s21, s2  }
0x9d: {  	[timem:s6], [sflag:s22] =	dma.local [hbm:s4], s20  }
0x9e: {  	_ =	swait.ge [sflag:s22], s20  }
0x9f: {  	s3 =	ssub.s32 $0x0, s20;
	[sflag:s22] =	ssyncset.done $0x0  }
0xa0: {  	[sflag:s22] =	ssyncadd.s32 s3;
	_ =	sdelay $0x1  }
0xa1: {  	s23 =	simm.s32 $0x1B8B  }
0xa2: {  	_ =	swait.ge [sflag:s23], $0x1  }
0xa3: {  	[sflag:s23] =	ssyncset.done $0x0  }
0xa4: {  	s25 =	simm.s32 $0x1B8E;
	s24 =	sld [smem:$0x3FFE];
	[sflag:s23] =	ssyncadd.s32 $0xFFFFFFFF  }
0xa5: {  	s26 =	simm.s32 $execute0_lowered;
	[smem:$0x3FD2] =	sst s25  }
0xa6: {  	s4 =	sshll.u32 s26, $0x1;
	_ =	strace $0x8000004C;
	[dreg:$0x1] =	wrdreg $0xFFFFFFFF  }
0xa7: {  	s28 =	simm.s32 $_size_execute0_lowered;
	s2 =	sadd.s32 s2, s4;
	[dreg:$0x0] =	wrdreg $0x0  }
0xa8: {  	s4 =	sshll.u32 s28, $0x1;
	[dreg:$0x2] =	wrdreg s2  }
0xa9: {  	[dreg:$0x3] =	wrdreg s4  }
0xaa: {  	[dreg:$0x4] =	wrdreg $0xC0  }
0xab: {  	_ =	task [dreg:s6], $0x5FFFF  }
0xac: {  	[dreg:$0x1] =	wrdreg $0xFFFFFFFF  }
0xad: {  	[dreg:$0x0] =	wrdreg $0x60  }
0xae: {  	[dreg:$0x2] =	wrdreg s24  }
0xaf: {  	[dreg:$0x3] =	wrdreg $0xB6000  }
0xb0: {  	[dreg:$0x4] =	wrdreg $0x9  }
0xb1: {  	_ =	task.clear_ibuf [dreg:s6], $0x5FFFF;
	_ =	strace $0x9000004C  }
0xb2: {  	s29 =	simm.s32 $0x9;
	_ =	strace $0x8000004E  }
0xb3: {  	_ =	swait.ge [sflag:s29], $0x1  }
0xb4: {  	[sflag:s29] =	ssyncadd.s32 $0xFFFFFFFF  }
0xb5: {  	_ =	strace $0x9000004E  }
0xb6: {  	_ =	sfence  }
0xb7: {  	s30 =	sld [smem:$0x0];
	_ =	sdelay $0x2  }
0xb8: {  	s31 =	sshll.u32 s1, $0xD;
	s1 =	sshrl.u32 s1, $0x2  }
0xb9: {  	s3 =	sand.u32 $0x4000, s31;
	s1 =	sadd.s32 s1, s30  }
0xba: {  	s0 =	sor.u32 s3, s0;
	s1 =	sshll.u32 s1, $0x11  }
0xbb: {  	s0 =	sor.u32 s1, s0  }
0xbc: {  	s0 =	sadd.s32 $0x8F2B, s0  }
0xbd: {  	[sflag:s0] =	ssyncadd.remote.s32 $0x1  }
0xbe: {  	_ =	sfence.sel $0xFFFF  }
0xbf: {  	[dreg:$0x0] =	wrdreg $0xFFFFFFFF;
	(pc) =	sbr.abs _section_cstart, $3  }
0xc0: {  	[dreg:$0x1] =	wrdreg $0xFFFFFFFF  }
0xc1: {  	_ =	task.clear_ibuf [dreg:s6], $0x2FFFF;
	_ =	strace $0x9FFFFFFF  }
0xc2: {  	(tm) =	ssettm $0x7FFFFFFF  }
0xc3: {  	_ =	shalt  }
tec
execute0_lowered:
.L_overlay_start_1:
0x0: {  	(tag) =	ssettag $0x1  }
0x1: {  	s0 =	rddreg [dreg:$0x0]  }
0x2: {  	s2 =	rddreg [dreg:$0x1]  }
0x3: {  	s3 =	simm.s32 $0x0;
	s24 =	stileid.u32;
	s6 =	srdreg.scid  }
0x4: {  	s28 =	simm.s32 $0x5;
	s29 =	simm.s32 $0x3;
	s30 =	simm.s32 $0x4  }
0x5: {  	s31 =	simm.s32 $0x0;
	[smem:$0x7FF] =	sst s3;
	s1 =	smul.u32 $0x9C0, s24  }
0x6: {  	s4 =	sadd.s32 $0x66600, s0;
	s7 =	smul.u32 $0x4E, s24;
	s5 =	sadd.s32 $0x8D800, s0  }
0x7: {  	s6 =	sand.u32 $0x1, s6;
	s8 =	smin.u32 s24, $0x2;
	s19 =	sadd.s32 $0x16C00, s0  }
0x8: {  	p5 =	sgt.u32 s24, $0x1;
	_ =	strace $0x8000004D;
	s9 =	ssub.s32 $0x2, s6  }
0x9: {  	[dreg:$0x3] =	wrdreg s19;
	s18 =	smul.u32 $0x138800, s6;
	p0 =	seq.s32 s6, $0x1  }
0xa: {  	s1 =	sadd.s32 s1, s0;
	s7 =	sadd.s32 s8, s7;
	s20 =	sshrl.u32 s9, $0x1  }
0xb: {  	s0 =	sadd.s32 $0xB4A00, s0;
	s6 =	simm.s32 @!p0 $0x0;
	s13 =	sshll.u32 s7, $0xA  }
0xc: {  	s14 =	ssub.s32 s9, s20;
	s6 =	simm.s32 @p0 $0x1;
	p0 =	slt.u32 s24, $0x4  }
0xd: {  	s15 =	sadd.s32 $0x3400, s13;
	s7 =	sadd.s32 s13, s2;
	s16 =	sadd.s32 $0x6800, s13  }
0xe: {  	s17 =	sadd.s32 $0x9C00, s13;
	s19 =	sadd.s32 $0xD000, s13;
	s20 =	sadd.s32 $0x10400, s13  }
0xf: {  	s21 =	sadd.s32 s18, s13;
	[smem:$0x7FC] =	sst s6;
	s13 =	sadd.s32 $0x13800, s13  }
0x10: {  	s8 =	sadd.s32 s15, s2;
	s9 =	sadd.s32 s16, s2;
	s10 =	sadd.s32 s17, s2  }
0x11: {  	s11 =	sadd.s32 s19, s2;
	s12 =	sadd.s32 s20, s2;
	s22 =	sadd.s32 $0x13800, s7  }
0x12: {  	s21 =	sshrl.u32 s21, $0x3;
	s23 =	sadd.s32 s18, s15;
	s25 =	sadd.s32 s18, s16  }
0x13: {  	s26 =	sadd.s32 s18, s17;
	s19 =	sadd.s32 s18, s19;
	s20 =	sadd.s32 s18, s20  }
0x14: {  	[dreg:$0x4] =	wrdreg s22;
	s22 =	smin.u32 s24, $0x4;
	s6 =	sadd.s32 s0, s21  }
0x15: {  	s15 =	sshrl.u32 s25, $0x3;
	s16 =	sshrl.u32 s26, $0x3;
	s21 =	sadd.s32 s18, s13  }
0x16: {  	[dreg:$0x5] =	wrdreg s6;
	s6 =	sshrl.u32 s23, $0x3;
	s15 =	sadd.s32 s0, s15  }
0x17: {  	s17 =	sadd.s32 s0, s16;
	s25 =	sshrl.u32 s21, $0x3;
	s21 =	simm.s32 $0x9D  }
0x18: {  	s26 =	sshll.u32 s22, $0x4;
	s6 =	sadd.s32 s0, s6;
	[dreg:$0x7] =	wrdreg s15  }
0x19: {  	s15 =	sshrl.u32 s20, $0x3;
	[dreg:$0x6] =	wrdreg s6;
	s6 =	sshrl.u32 s19, $0x3  }
0x1a: {  	[dreg:$0x8] =	wrdreg s17;
	s23 =	sadd.s32 s0, s15;
	s6 =	sadd.s32 s0, s6  }
.Ltmp0:
0x1b: {  	s0 =	sadd.s32 s0, s25;
	[dreg:$0x9] =	wrdreg s6;
	(pc) =	sbr.rel .LBB2_1-.Ltmp0, $4  }
0x1c: {  	s22 =	sadd.s32 s13, s2;
	[dreg:$0xb] =	wrdreg s0;
	s0 =	sadd.s32 s26, s1  }
0x1d: {  	s1 =	sadd.s32 $0xCE00, s0;
	s6 =	sadd.s32 $0x3000, s0;
	s0 =	simm.s32 @!p5 $0x0  }
0x1e: {  	s21 =	simm.s32 @!p0 $0x9C;
	[dreg:$0xa] =	wrdreg s23;
	s0 =	simm.s32 @p5 $0x1  }
0x1f: {  	s23 =	smax.u32 s14, $0x1;
	s26 =	simm.s32 $0x8200;
	[smem:$0x7FD] =	sst s0  }
.LBB2_10:
0x20: {  	s25 =	smov.u32 s6;
	s24 =	smov.u32 s1;
	s0 =	simm.s32 $0x0  }
.LBB2_15:
0x21: {  	p1 =	por p6, !p4  }
0x22: {  	p4 =	por p3, p2;
	s15 =	simm.s32 @!p1 $0x1  }
0x23: {  	p4 =	sne.s32 @!p4 s13, $0x0;
	s16 =	simm.s32 @!p1 $0x200;
	_ =	swait.ge @!p1 [sflag:s15], $0x4000  }
0x24: {  	s17 =	simm.s32 @!p1 $0x100;
	p4 =	por @!p2 p4, p3;
	[sflag:s15] =	ssyncset.done @!p1 $0x0  }
0x25: {  	p4 =	por p4, p2;
	[sflag:s15] =	ssyncadd.s32 @!p1 $0xFFFFC000;
	s15 =	simm.s32 @!p1 $0x80  }
0x26: {  	[spmem:s2] =	stream.indirect.scatter.add.f32 @!p1 [tilespmem:s16], [sflag:$0x3], $0x80, s17, s15, $0xb8;
	[tilespmem:$0x1EE80] =	vst v63  }
0x27: {  	s15 =	simm.s32 @!p4 $0x3  }
0x28: {  	_ =	swait.ge @!p4 [sflag:s15], $0x4000  }
0x29: {  	p0 =	por p0, p2;
	[sflag:s15] =	ssyncset.done @!p4 $0x0  }
0x2a: {  	s16 =	simm.s32 @!p0 $0x5;
	[sflag:s15] =	ssyncadd.s32 @!p4 $0xFFFFC000;
	s15 =	simm.s32 @!p0 $0x0  }
0x2b: {  	[tilespmem:s15], [sflag:$0x5] =	stream.linear.gather @!p0 [hbm4b:s25+s15], $0x80, $0x38;
	[tilespmem:$0x1EE80] =	vst v63  }
0x2c: {  	_ =	swait.ge @!p0 [sflag:s16], $0x80  }
0x2d: {  	[sflag:s16] =	ssyncset.done @!p0 $0x0  }
0x2e: {  	s17 =	simm.s32 @!p0 $0x100;
	[sflag:s16] =	ssyncadd.s32 @!p0 $0xFFFFFF80  }
0x2f: {  	[tilespmem:s17], [sflag:$0x5] =	stream.linear.gather @!p0 [hbm4b:s24+s15], $0x80, $0x38;
	[tilespmem:$0x1EE80] =	vst v63  }
0x30: {  	p1 =	sne.s32 s13, $0x0;
	_ =	swait.ge @!p0 [sflag:s16], $0x80  }
0x31: {  	p4 =	sge.u32 @!p1 s14, s21;
	s14 =	simm.s32 @!p0 $0x200;
	[sflag:s16] =	ssyncset.done @!p0 $0x0  }
0x32: {  	p1 =	por p4, p1;
	[sflag:s16] =	ssyncadd.s32 @!p0 $0xFFFFFF80;
	s16 =	simm.s32 @!p0 $0x80  }
0x33: {  	[tilespmem:s14], [sflag:$0x1] =	stream.indirect.gather @!p0 [hbm4b:s5+s16], $0x80, s15, s16, $0xb8;
	[tilespmem:$0x1EE80] =	vst v63  }
0x34: {  	s14 =	simm.s32 @!p1 $0x2  }
0x35: {  	_ =	swait.ge @!p1 [sflag:s14], $0x4000  }
0x36: {  	s15 =	simm.s32 @!p1 $0x4200;
	s16 =	simm.s32 @!p1 $0x180;
	[sflag:s14] =	ssyncset.done @!p1 $0x0  }
0x37: {  	p0 =	seq.s32 s13, $0x1;
	[sflag:s14] =	ssyncadd.s32 @!p1 $0xFFFFC000;
	s14 =	simm.s32 @!p1 $0x80  }
0x38: {  	[spmem:s2] =	stream.indirect.scatter.add.f32 @!p1 [tilespmem:s15], [sflag:$0x4], $0x80, s16, s14, $0xb8;
	[tilespmem:$0x1EE80] =	vst v63  }
0x39: {  	p1 =	por @!p2 !p0, p3  }
0x3a: {  	p3 =	por p1, p2  }
0x3b: {  	p0 =	por !p0, !p0;
	s13 =	simm.s32 @!p3 $0x4  }
0x3c: {  	p1 =	por p2, p0;
	_ =	swait.ge @!p3 [sflag:s13], $0x4000  }
0x3d: {  	s14 =	simm.s32 @!p1 $0x80;
	[sflag:s13] =	ssyncset.done @!p3 $0x0  }
0x3e: {  	s15 =	simm.s32 @!p1 $0x5;
	[sflag:s13] =	ssyncadd.s32 @!p3 $0xFFFFC000;
	s13 =	simm.s32 @!p1 $0x0  }
0x3f: {  	[tilespmem:s14], [sflag:$0x5] =	stream.linear.gather @!p1 [hbm4b:s25+s13], $0x80, $0x38;
	[tilespmem:$0x1EE80] =	vst v63  }
0x40: {  	_ =	swait.ge @!p1 [sflag:s15], $0x80  }
0x41: {  	[sflag:s15] =	ssyncset.done @!p1 $0x0  }
0x42: {  	s16 =	simm.s32 @!p1 $0x180;
	[sflag:s15] =	ssyncadd.s32 @!p1 $0xFFFFFF80  }
0x43: {  	[tilespmem:s16], [sflag:$0x5] =	stream.linear.gather @!p1 [hbm4b:s24+s13], $0x80, $0x38;
	[tilespmem:$0x1EE80] =	vst v63  }
0x44: {  	_ =	swait.ge @!p1 [sflag:s15], $0x80  }
0x45: {  	p6 =	sgt.u32 s0, s21;
	[sflag:s15] =	ssyncset.done @!p1 $0x0  }
0x46: {  	p0 =	por p6, p0;
	s0 =	simm.s32 @!p1 $0x4200;
	[sflag:s15] =	ssyncadd.s32 @!p1 $0xFFFFFF80  }
0x47: {  	[tilespmem:s0], [sflag:$0x2] =	stream.indirect.gather @!p1 [hbm4b:s5+s14], $0x80, s14, s14, $0xb8;
	[tilespmem:$0x1EE80] =	vst v63  }
0x48: {  	s0 =	simm.s32 @!p0 $0x1  }
0x49: {  	_ =	swait.ge @!p0 [sflag:s0], $0x4000  }
0x4a: {  	s13 =	simm.s32 @!p0 $0x200;
	[sflag:s0] =	ssyncset.done @!p0 $0x0  }
0x4b: {  	s14 =	simm.s32 @!p0 $0x100;
	[sflag:s0] =	ssyncadd.s32 @!p0 $0xFFFFC000;
	s0 =	simm.s32 @!p0 $0x80  }
0x4c: {  	[spmem:s2] =	stream.indirect.scatter.add.f32 @!p0 [tilespmem:s13], [sflag:$0x3], $0x80, s14, s0, $0xb8;
	[tilespmem:$0x1EE80] =	vst v63  }
.LBB2_16:
0x4d: {  	_ =	swait.ge [sflag:s29], $0x4000  }
0x4e: {  	[sflag:s29] =	ssyncset.done $0x0  }
0x4f: {  	[sflag:s29] =	ssyncadd.s32 $0xFFFFC000  }
0x50: {  	_ =	swait.ge [sflag:s30], $0x4000  }
0x51: {  	[sflag:s30] =	ssyncset.done $0x0  }
0x52: {  	[sflag:s30] =	ssyncadd.s32 $0xFFFFC000  }
0x53: {  	[bflag:$0x0] =	sbarrier.arrive $0xFFFF  }
0x54: {  	[tilespmem:s26], [sflag:$0x5] =	stream.linear.gather [spmem:s7], $0x3400, $0x38;
	[tilespmem:$0x1EE80] =	vst v63  }
0x55: {  	_ =	swait.ge [sflag:s28], $0x3400  }
0x56: {  	[sflag:s28] =	ssyncset.done $0x0  }
0x57: {  	s0 =	rddreg [dreg:$0x5];
	[sflag:s28] =	ssyncadd.s32 $0xFFFFCC00  }
0x58: {  	[hbm4b:s0+s3] =	stream.linear.scatter [tilespmem:s26], [sflag:$0x5], $0x3400, $0x38;
	[tilespmem:$0x1EE80] =	vst v63  }
0x59: {  	_ =	swait.ge [sflag:s28], $0x3400  }
0x5a: {  	[sflag:s28] =	ssyncset.done $0x0  }
0x5b: {  	[sflag:s28] =	ssyncadd.s32 $0xFFFFCC00  }
0x5c: {  	[tilespmem:s26], [sflag:$0x5] =	stream.linear.gather [spmem:s8], $0x3400, $0x38;
	[tilespmem:$0x1EE80] =	vst v63  }
0x5d: {  	_ =	swait.ge [sflag:s28], $0x3400  }
0x5e: {  	[sflag:s28] =	ssyncset.done $0x0  }
0x5f: {  	s18 =	rddreg [dreg:$0x6];
	[sflag:s28] =	ssyncadd.s32 $0xFFFFCC00  }
0x60: {  	[hbm4b:s18+s3] =	stream.linear.scatter [tilespmem:s26], [sflag:$0x5], $0x3400, $0x38;
	[tilespmem:$0x1EE80] =	vst v63  }
0x61: {  	_ =	swait.ge [sflag:s28], $0x3400  }
0x62: {  	[sflag:s28] =	ssyncset.done $0x0  }
0x63: {  	[sflag:s28] =	ssyncadd.s32 $0xFFFFCC00  }
0x64: {  	[tilespmem:s26], [sflag:$0x5] =	stream.linear.gather [spmem:s9], $0x3400, $0x38;
	[tilespmem:$0x1EE80] =	vst v63  }
0x65: {  	_ =	swait.ge [sflag:s28], $0x3400  }
0x66: {  	[sflag:s28] =	ssyncset.done $0x0  }
0x67: {  	s19 =	rddreg [dreg:$0x7];
	[sflag:s28] =	ssyncadd.s32 $0xFFFFCC00  }
0x68: {  	[hbm4b:s19+s3] =	stream.linear.scatter [tilespmem:s26], [sflag:$0x5], $0x3400, $0x38;
	[tilespmem:$0x1EE80] =	vst v63  }
0x69: {  	_ =	swait.ge [sflag:s28], $0x3400  }
0x6a: {  	[sflag:s28] =	ssyncset.done $0x0  }
0x6b: {  	[sflag:s28] =	ssyncadd.s32 $0xFFFFCC00  }
0x6c: {  	[tilespmem:s26], [sflag:$0x5] =	stream.linear.gather [spmem:s10], $0x3400, $0x38;
	[tilespmem:$0x1EE80] =	vst v63  }
0x6d: {  	_ =	swait.ge [sflag:s28], $0x3400  }
0x6e: {  	[sflag:s28] =	ssyncset.done $0x0  }
0x6f: {  	s20 =	rddreg [dreg:$0x8];
	[sflag:s28] =	ssyncadd.s32 $0xFFFFCC00  }
0x70: {  	[hbm4b:s20+s3] =	stream.linear.scatter [tilespmem:s26], [sflag:$0x5], $0x3400, $0x38;
	[tilespmem:$0x1EE80] =	vst v63  }
0x71: {  	_ =	swait.ge [sflag:s28], $0x3400  }
0x72: {  	[sflag:s28] =	ssyncset.done $0x0  }
0x73: {  	[sflag:s28] =	ssyncadd.s32 $0xFFFFCC00  }
0x74: {  	[tilespmem:s26], [sflag:$0x5] =	stream.linear.gather [spmem:s11], $0x3400, $0x38;
	[tilespmem:$0x1EE80] =	vst v63  }
0x75: {  	_ =	swait.ge [sflag:s28], $0x3400  }
0x76: {  	[sflag:s28] =	ssyncset.done $0x0  }
0x77: {  	s24 =	rddreg [dreg:$0x9];
	[sflag:s28] =	ssyncadd.s32 $0xFFFFCC00  }
0x78: {  	[hbm4b:s24+s3] =	stream.linear.scatter [tilespmem:s26], [sflag:$0x5], $0x3400, $0x38;
	[tilespmem:$0x1EE80] =	vst v63  }
0x79: {  	_ =	swait.ge [sflag:s28], $0x3400  }
0x7a: {  	[sflag:s28] =	ssyncset.done $0x0  }
0x7b: {  	[sflag:s28] =	ssyncadd.s32 $0xFFFFCC00  }
0x7c: {  	[tilespmem:s26], [sflag:$0x5] =	stream.linear.gather [spmem:s12], $0x3400, $0x38;
	[tilespmem:$0x1EE80] =	vst v63  }
0x7d: {  	_ =	swait.ge [sflag:s28], $0x3400  }
0x7e: {  	[sflag:s28] =	ssyncset.done $0x0  }
0x7f: {  	s25 =	rddreg [dreg:$0xa];
	[sflag:s28] =	ssyncadd.s32 $0xFFFFCC00  }
0x80: {  	[hbm4b:s25+s3] =	stream.linear.scatter [tilespmem:s26], [sflag:$0x5], $0x3400, $0x38;
	[tilespmem:$0x1EE80] =	vst v63  }
0x81: {  	_ =	swait.ge [sflag:s28], $0x3400  }
0x82: {  	[sflag:s28] =	ssyncset.done $0x0  }
0x83: {  	s13 =	simm.s32 @!p5 $0x5;
	s0 =	simm.s32 @!p5 $0x8200;
	[sflag:s28] =	ssyncadd.s32 $0xFFFFCC00  }
0x84: {  	[tilespmem:s0], [sflag:$0x5] =	stream.linear.gather @!p5 [spmem:s22], $0x400, $0x38;
	[tilespmem:$0x1EE80] =	vst v63  }
0x85: {  	s31 =	sadd.s32 $0x1, s31;
	_ =	swait.ge @!p5 [sflag:s13], $0x400  }
0x86: {  	s14 =	simm.s32 @!p5 $0x0;
	p0 =	sne.s32 s31, s23;
	[sflag:s13] =	ssyncset.done @!p5 $0x0  }
.Ltmp1:
0x87: {  	s15 =	rddreg [dreg:$0xb];
	[sflag:s13] =	ssyncadd.s32 @!p5 $0xFFFFFC00;
	(pc) =	sbr.rel @!p0 .LBB2_17-.Ltmp1, $4  }
0x88: {  	[hbm4b:s15+s14] =	stream.linear.scatter @!p5 [tilespmem:s0], [sflag:$0x5], $0x400, $0x38;
	[tilespmem:$0x1EE80] =	vst v63  }
0x89: {  	_ =	swait.ge @!p5 [sflag:s13], $0x400  }
0x8a: {  	[sflag:s13] =	ssyncset.done @!p5 $0x0  }
0x8b: {  	[sflag:s13] =	ssyncadd.s32 @!p5 $0xFFFFFC00  }
.LBB2_1:
0x8c: {  	s0 =	rddreg [dreg:$0x3]  }
0x8d: {  	[tilespmem:s26], [sflag:$0x5] =	stream.linear.gather [hbm4b:s0+s3], $0x3400, $0x38;
	[tilespmem:$0x1EE80] =	vst v63  }
0x8e: {  	_ =	swait.ge [sflag:s28], $0x3400  }
0x8f: {  	[sflag:s28] =	ssyncset.done $0x0  }
0x90: {  	[sflag:s28] =	ssyncadd.s32 $0xFFFFCC00  }
0x91: {  	[spmem:s7] =	stream.linear.scatter [tilespmem:s26], [sflag:$0x5], $0x3400, $0x38;
	[tilespmem:$0x1EE80] =	vst v63  }
0x92: {  	_ =	swait.ge [sflag:s28], $0x3400  }
0x93: {  	[sflag:s28] =	ssyncset.done $0x0  }
0x94: {  	[sflag:s28] =	ssyncadd.s32 $0xFFFFCC00  }
0x95: {  	[spmem:s8] =	stream.linear.scatter [tilespmem:s26], [sflag:$0x5], $0x3400, $0x38;
	[tilespmem:$0x1EE80] =	vst v63  }
0x96: {  	_ =	swait.ge [sflag:s28], $0x3400  }
0x97: {  	[sflag:s28] =	ssyncset.done $0x0  }
0x98: {  	[sflag:s28] =	ssyncadd.s32 $0xFFFFCC00  }
0x99: {  	[spmem:s9] =	stream.linear.scatter [tilespmem:s26], [sflag:$0x5], $0x3400, $0x38;
	[tilespmem:$0x1EE80] =	vst v63  }
0x9a: {  	_ =	swait.ge [sflag:s28], $0x3400  }
0x9b: {  	[sflag:s28] =	ssyncset.done $0x0  }
0x9c: {  	[sflag:s28] =	ssyncadd.s32 $0xFFFFCC00  }
0x9d: {  	[spmem:s10] =	stream.linear.scatter [tilespmem:s26], [sflag:$0x5], $0x3400, $0x38;
	[tilespmem:$0x1EE80] =	vst v63  }
0x9e: {  	_ =	swait.ge [sflag:s28], $0x3400  }
0x9f: {  	[sflag:s28] =	ssyncset.done $0x0  }
0xa0: {  	[sflag:s28] =	ssyncadd.s32 $0xFFFFCC00  }
0xa1: {  	[spmem:s11] =	stream.linear.scatter [tilespmem:s26], [sflag:$0x5], $0x3400, $0x38;
	[tilespmem:$0x1EE80] =	vst v63  }
0xa2: {  	_ =	swait.ge [sflag:s28], $0x3400  }
0xa3: {  	[sflag:s28] =	ssyncset.done $0x0  }
0xa4: {  	[sflag:s28] =	ssyncadd.s32 $0xFFFFCC00  }
0xa5: {  	[spmem:s12] =	stream.linear.scatter [tilespmem:s26], [sflag:$0x5], $0x3400, $0x38;
	[tilespmem:$0x1EE80] =	vst v63  }
0xa6: {  	_ =	swait.ge [sflag:s28], $0x3400  }
0xa7: {  	[sflag:s28] =	ssyncset.done $0x0  }
0xa8: {  	s0 =	simm.s32 @!p5 $0x8200;
	s13 =	rddreg [dreg:$0x4];
	[sflag:s28] =	ssyncadd.s32 $0xFFFFCC00  }
0xa9: {  	[spmem:s13] =	stream.linear.scatter @!p5 [tilespmem:s0], [sflag:$0x5], $0x400, $0x38;
	[tilespmem:$0x1EE80] =	vst v63  }
0xaa: {  	s0 =	simm.s32 @!p5 $0x5  }
0xab: {  	_ =	swait.ge @!p5 [sflag:s0], $0x400  }
0xac: {  	[sflag:s0] =	ssyncset.done @!p5 $0x0  }
0xad: {  	[sflag:s0] =	ssyncadd.s32 @!p5 $0xFFFFFC00  }
0xae: {  	[bflag:$0x0] =	sbarrier.arrive $0xFFFF  }
0xaf: {  	s25 =	sld [smem:$0x7FC];
	_ =	sdelay $0x2  }
0xb0: {  	p0 =	seq.s32 s25, $0x1  }
.Ltmp2:
0xb1: {  	_ = 	snop;
	(pc) =	sbr.rel @!p0 .LBB2_2-.Ltmp2, $2  }
0xb2: {  	_ =	sdelay $0x2  }
0xb3: {  	s14 =	simm.s32 $0xFFFFFFFF  }
0xb4: {  	p1 =	por $0x1, $0x1  }
.Ltmp3:
0xb5: {  	_ = 	snop;
	(pc) =	sbr.rel @!p1 .LBB2_10-.Ltmp3, $3  }
0xb6: {  	_ =	sdelay $0x1  }
0xb7: {  	s0 =	simm.s32 $0x1;
	s13 =	sand.u32 $0x1, s3;
	p2 =	sle.u32 s21, $0x0  }
0xb8: {  	p4 =	por $0x0, $0x0;
	p3 =	por @!p2 $0x1, $0x1;
	p0 =	sne.s32 @!p2 s13, $0x0  }
0xb9: {  	p1 =	por p3, p2  }
0xba: {  	p1 =	sne.s32 @!p1 s13, $0x0  }
0xbb: {  	p1 =	por @!p2 p1, p3  }
0xbc: {  	p1 =	por p1, p2  }
0xbd: {  	s14 =	simm.s32 @!p1 $0x3  }
0xbe: {  	_ =	swait.ge @!p1 [sflag:s14], $0x4000  }
0xbf: {  	p0 =	por p0, p2;
	[sflag:s14] =	ssyncset.done @!p1 $0x0  }
0xc0: {  	s15 =	simm.s32 @!p0 $0x5;
	[sflag:s14] =	ssyncadd.s32 @!p1 $0xFFFFC000;
	s14 =	simm.s32 @!p0 $0x0  }
0xc1: {  	[tilespmem:s14], [sflag:$0x5] =	stream.linear.gather @!p0 [hbm4b:s6+s14], $0x80, $0x38;
	[tilespmem:$0x1EE80] =	vst v63  }
0xc2: {  	_ =	swait.ge @!p0 [sflag:s15], $0x80  }
0xc3: {  	p1 =	sne.s32 s13, $0x0;
	[sflag:s15] =	ssyncset.done @!p0 $0x0  }
0xc4: {  	s16 =	simm.s32 @!p0 $0x100;
	p4 =	sle.u32 @!p1 s21, $0xFFFFFFFF;
	[sflag:s15] =	ssyncadd.s32 @!p0 $0xFFFFFF80  }
0xc5: {  	[tilespmem:s16], [sflag:$0x5] =	stream.linear.gather @!p0 [hbm4b:s1+s14], $0x80, $0x38;
	[tilespmem:$0x1EE80] =	vst v63  }
0xc6: {  	p1 =	por p4, p1;
	_ =	swait.ge @!p0 [sflag:s15], $0x80  }
0xc7: {  	s17 =	simm.s32 @!p1 $0x2;
	[sflag:s15] =	ssyncset.done @!p0 $0x0  }
0xc8: {  	s16 =	simm.s32 @!p0 $0x200;
	[sflag:s15] =	ssyncadd.s32 @!p0 $0xFFFFFF80;
	s15 =	simm.s32 @!p0 $0x80  }
0xc9: {  	[tilespmem:s16], [sflag:$0x1] =	stream.indirect.gather @!p0 [hbm4b:s5+s15], $0x80, s14, s15, $0xb8;
	[tilespmem:$0x1EE80] =	vst v63  }
0xca: {  	s14 =	simm.s32 @!p1 $0x4200;
	p0 =	seq.s32 s13, $0x1;
	_ =	swait.ge @!p1 [sflag:s17], $0x4000  }
0xcb: {  	s13 =	simm.s32 @!p1 $0x180;
	p3 =	por @!p2 !p0, p3;
	[sflag:s17] =	ssyncset.done @!p1 $0x0  }
0xcc: {  	s15 =	simm.s32 @!p1 $0x80;
	p3 =	por p3, p2;
	[sflag:s17] =	ssyncadd.s32 @!p1 $0xFFFFC000  }
0xcd: {  	[spmem:s2] =	stream.indirect.scatter.add.f32 @!p1 [tilespmem:s14], [sflag:$0x4], $0x80, s13, s15, $0xb8;
	[tilespmem:$0x1EE80] =	vst v63  }
0xce: {  	p5 =	por !p0, !p0;
	s13 =	simm.s32 @!p3 $0x4  }
0xcf: {  	p0 =	por p2, p5;
	_ =	swait.ge @!p3 [sflag:s13], $0x4000  }
0xd0: {  	s16 =	simm.s32 @!p0 $0x80;
	[sflag:s13] =	ssyncset.done @!p3 $0x0  }
0xd1: {  	s17 =	simm.s32 @!p0 $0x5;
	[sflag:s13] =	ssyncadd.s32 @!p3 $0xFFFFC000;
	s13 =	simm.s32 @!p0 $0x0  }
0xd2: {  	[tilespmem:s16], [sflag:$0x5] =	stream.linear.gather @!p0 [hbm4b:s6+s13], $0x80, $0x38;
	[tilespmem:$0x1EE80] =	vst v63  }
0xd3: {  	_ =	swait.ge @!p0 [sflag:s17], $0x80  }
0xd4: {  	[sflag:s17] =	ssyncset.done @!p0 $0x0  }
0xd5: {  	p6 =	slt.u32 s21, $0x0;
	s15 =	simm.s32 @!p0 $0x180;
	[sflag:s17] =	ssyncadd.s32 @!p0 $0xFFFFFF80  }
0xd6: {  	[tilespmem:s15], [sflag:$0x5] =	stream.linear.gather @!p0 [hbm4b:s1+s13], $0x80, $0x38;
	[tilespmem:$0x1EE80] =	vst v63  }
0xd7: {  	s25 =	sadd.s32 $0x10, s6;
	p4 =	por $0x1, $0x1;
	_ =	swait.ge @!p0 [sflag:s17], $0x80  }
.Ltmp4:
0xd8: {  	s24 =	sadd.s32 $0x10, s1;
	[sflag:s17] =	ssyncset.done @!p0 $0x0;
	(pc) =	sbr.rel @!p4 .LBB2_12-.Ltmp4, $4  }
0xd9: {  	p6 =	por p6, p5;
	s13 =	simm.s32 @!p0 $0x4200;
	[sflag:s17] =	ssyncadd.s32 @!p0 $0xFFFFFF80  }
0xda: {  	[tilespmem:s13], [sflag:$0x2] =	stream.indirect.gather @!p0 [hbm4b:s5+s16], $0x80, s16, s16, $0xb8;
	[tilespmem:$0x1EE80] =	vst v63  }
0xdb: {  	p2 =	sle.u32 s21, $0x1;
	s14 =	simm.s32 $0x0;
	s13 =	sand.u32 $0x1, s0  }
0xdc: {  	p3 =	por @!p2 $0x1, $0x1;
	s15 =	simm.s32 $0x2;
	p0 =	sne.s32 @!p2 s13, $0x0  }
.LBB2_13:
0xdd: {  	s17 =	sadd.s32 $0xFFFFFFFF, s15;
	p4 =	sne.s32 s13, $0x0  }
0xde: {  	p1 =	por p3, p2;
	p5 =	sge.u32 @!p4 s14, s21;
	s14 =	simm.s32 @!p6 $0x1  }
0xdf: {  	s16 =	smov.u32 s15;
	s15 =	simm.s32 @!p6 $0x200;
	_ =	swait.ge @!p6 [sflag:s14], $0x4000  }
0xe0: {  	s18 =	simm.s32 @!p6 $0x100;
	p1 =	sne.s32 @!p1 s13, $0x0;
	[sflag:s14] =	ssyncset.done @!p6 $0x0  }
0xe1: {  	p1 =	por @!p2 p1, p3;
	[sflag:s14] =	ssyncadd.s32 @!p6 $0xFFFFC000;
	s14 =	simm.s32 @!p6 $0x80  }
0xe2: {  	[spmem:s2] =	stream.indirect.scatter.add.f32 @!p6 [tilespmem:s15], [sflag:$0x3], $0x80, s18, s14, $0xb8;
	[tilespmem:$0x1EE80] =	vst v63  }
0xe3: {  	p1 =	por p1, p2;
	s15 =	sadd.s32 $0x2, s17  }
0xe4: {  	p0 =	por p0, p2;
	s19 =	simm.s32 @!p1 $0x3;
	p6 =	sne.s32 s15, $0x9E  }
0xe5: {  	s14 =	smov.u32 s17;
	_ =	swait.ge @!p1 [sflag:s19], $0x4000;
	s17 =	simm.s32 @!p6 $0x0  }
0xe6: {  	s18 =	simm.s32 @!p0 $0x5;
	[sflag:s19] =	ssyncset.done @!p1 $0x0;
	s17 =	simm.s32 @p6 $0x1  }
0xe7: {  	[sflag:s19] =	ssyncadd.s32 @!p1 $0xFFFFC000;
	[smem:$0x7FA] =	sst s17;
	s17 =	simm.s32 @!p0 $0x0  }
0xe8: {  	[tilespmem:s17], [sflag:$0x5] =	stream.linear.gather @!p0 [hbm4b:s25+s17], $0x80, $0x38;
	[tilespmem:$0x1EE80] =	vst v63  }
0xe9: {  	_ =	swait.ge @!p0 [sflag:s18], $0x80  }
0xea: {  	[sflag:s18] =	ssyncset.done @!p0 $0x0  }
0xeb: {  	s19 =	simm.s32 @!p0 $0x100;
	[sflag:s18] =	ssyncadd.s32 @!p0 $0xFFFFFF80  }
0xec: {  	[tilespmem:s19], [sflag:$0x5] =	stream.linear.gather @!p0 [hbm4b:s24+s17], $0x80, $0x38;
	[tilespmem:$0x1EE80] =	vst v63  }
0xed: {  	p1 =	por p5, p4;
	_ =	swait.ge @!p0 [sflag:s18], $0x80  }
0xee: {  	s20 =	simm.s32 @!p1 $0x2;
	[sflag:s18] =	ssyncset.done @!p0 $0x0  }
0xef: {  	s19 =	simm.s32 @!p0 $0x200;
	[sflag:s18] =	ssyncadd.s32 @!p0 $0xFFFFFF80;
	s18 =	simm.s32 @!p0 $0x80  }
0xf0: {  	[tilespmem:s19], [sflag:$0x1] =	stream.indirect.gather @!p0 [hbm4b:s5+s18], $0x80, s17, s18, $0xb8;
	[tilespmem:$0x1EE80] =	vst v63  }
0xf1: {  	p4 =	seq.s32 s13, $0x1;
	s13 =	simm.s32 @!p1 $0x180;
	_ =	swait.ge @!p1 [sflag:s20], $0x4000  }
0xf2: {  	s17 =	simm.s32 @!p1 $0x4200;
	p0 =	por @!p2 !p4, p3;
	[sflag:s20] =	ssyncset.done @!p1 $0x0  }
0xf3: {  	s18 =	simm.s32 @!p1 $0x80;
	p0 =	por p0, p2;
	[sflag:s20] =	ssyncadd.s32 @!p1 $0xFFFFC000  }
0xf4: {  	[spmem:s2] =	stream.indirect.scatter.add.f32 @!p1 [tilespmem:s17], [sflag:$0x4], $0x80, s13, s18, $0xb8;
	[tilespmem:$0x1EE80] =	vst v63  }
0xf5: {  	p5 =	por !p4, !p4;
	s13 =	simm.s32 @!p0 $0x4  }
0xf6: {  	p6 =	sgt.u32 s0, s21;
	p1 =	por p2, p5;
	_ =	swait.ge @!p0 [sflag:s13], $0x4000  }
0xf7: {  	s0 =	smov.u32 s16;
	s16 =	simm.s32 @!p1 $0x80;
	[sflag:s13] =	ssyncset.done @!p0 $0x0  }
0xf8: {  	s17 =	simm.s32 @!p1 $0x5;
	[sflag:s13] =	ssyncadd.s32 @!p0 $0xFFFFC000;
	s13 =	simm.s32 @!p1 $0x0  }
0xf9: {  	[tilespmem:s16], [sflag:$0x5] =	stream.linear.gather @!p1 [hbm4b:s25+s13], $0x80, $0x38;
	[tilespmem:$0x1EE80] =	vst v63  }
0xfa: {  	_ =	swait.ge @!p1 [sflag:s17], $0x80  }
0xfb: {  	[sflag:s17] =	ssyncset.done @!p1 $0x0  }
0xfc: {  	s18 =	simm.s32 @!p1 $0x180;
	[sflag:s17] =	ssyncadd.s32 @!p1 $0xFFFFFF80  }
0xfd: {  	[tilespmem:s18], [sflag:$0x5] =	stream.linear.gather @!p1 [hbm4b:s24+s13], $0x80, $0x38;
	[tilespmem:$0x1EE80] =	vst v63  }
0xfe: {  	_ =	swait.ge @!p1 [sflag:s17], $0x80  }
0xff: {  	[sflag:s17] =	ssyncset.done @!p1 $0x0;
	s20 =	sld [smem:$0x7FA]  }
0x100: {  	s18 =	simm.s32 @!p1 $0x4200;
	[sflag:s17] =	ssyncadd.s32 @!p1 $0xFFFFFF80  }
0x101: {  	[tilespmem:s18], [sflag:$0x2] =	stream.indirect.gather @!p1 [hbm4b:s5+s16], $0x80, s16, s16, $0xb8;
	[tilespmem:$0x1EE80] =	vst v63  }
0x102: {  	p1 =	seq.s32 s20, $0x1  }
.Ltmp5:
0x103: {  	_ = 	snop;
	(pc) =	sbr.rel @p1 .LBB2_13-.Ltmp5, $4  }
0x104: {  	_ = 	snop  }
0x105: {  	p2 =	sge.u32 s0, s21  }
0x106: {  	p6 =	por p6, p5;
	p3 =	slt.u32 @!p2 s0, $0x2;
	s13 =	sand.u32 $0x1, s0  }
0x107: {  	s25 =	sadd.s32 $0x10, s25;
	s24 =	sadd.s32 $0x10, s24;
	p0 =	sne.s32 @!p2 s13, $0x0  }
.Ltmp6:
0x108: {  	(pc) =	sbr.rel .LBB2_15-.Ltmp6, $2  }
0x109: {  	s15 =	sld [smem:$0x7FD];
	_ =	sdelay $0x2  }
0x10a: {  	p4 =	por $0x1, $0x1;
	p5 =	seq.s32 s15, $0x1  }
.LBB2_2:
0x10b: {  	p1 =	por $0x0, $0x0  }
.Ltmp7:
0x10c: {  	_ = 	snop;
	(pc) =	sbr.rel @p1 .LBB2_3-.Ltmp7, $3  }
0x10d: {  	_ =	sdelay $0x1  }
0x10e: {  	s0 =	simm.s32 $0x1;
	s13 =	sand.u32 $0x1, s3;
	p2 =	sle.u32 s21, $0x0  }
0x10f: {  	p4 =	por $0x0, $0x0;
	p3 =	por @!p2 $0x1, $0x1;
	p0 =	sne.s32 @!p2 s13, $0x0  }
0x110: {  	p1 =	por p3, p2  }
0x111: {  	p1 =	sne.s32 @!p1 s13, $0x0  }
0x112: {  	p1 =	por @!p2 p1, p3  }
0x113: {  	p1 =	por p1, p2  }
0x114: {  	s14 =	simm.s32 @!p1 $0x3  }
0x115: {  	_ =	swait.ge @!p1 [sflag:s14], $0x4000  }
0x116: {  	p0 =	por p0, p2;
	[sflag:s14] =	ssyncset.done @!p1 $0x0  }
0x117: {  	s15 =	simm.s32 @!p0 $0x5;
	[sflag:s14] =	ssyncadd.s32 @!p1 $0xFFFFC000;
	s14 =	simm.s32 @!p0 $0x0  }
0x118: {  	[tilespmem:s14], [sflag:$0x5] =	stream.linear.gather @!p0 [hbm4b:s6+s14], $0x80, $0x38;
	[tilespmem:$0x1EE80] =	vst v63  }
0x119: {  	_ =	swait.ge @!p0 [sflag:s15], $0x80  }
0x11a: {  	p1 =	sne.s32 s13, $0x0;
	[sflag:s15] =	ssyncset.done @!p0 $0x0  }
0x11b: {  	s16 =	simm.s32 @!p0 $0x100;
	p4 =	sle.u32 @!p1 s21, $0xFFFFFFFF;
	[sflag:s15] =	ssyncadd.s32 @!p0 $0xFFFFFF80  }
0x11c: {  	[tilespmem:s16], [sflag:$0x5] =	stream.linear.gather @!p0 [hbm4b:s1+s14], $0x80, $0x38;
	[tilespmem:$0x1EE80] =	vst v63  }
0x11d: {  	p1 =	por p4, p1;
	_ =	swait.ge @!p0 [sflag:s15], $0x80  }
0x11e: {  	s24 =	simm.s32 @!p1 $0x2;
	[sflag:s15] =	ssyncset.done @!p0 $0x0  }
0x11f: {  	s16 =	simm.s32 @!p0 $0x200;
	[sflag:s15] =	ssyncadd.s32 @!p0 $0xFFFFFF80;
	s15 =	simm.s32 @!p0 $0x80  }
0x120: {  	[tilespmem:s16], [sflag:$0x1] =	stream.indirect.gather @!p0 [hbm4b:s4+s15], $0x80, s14, s15, $0xb8;
	[tilespmem:$0x1EE80] =	vst v63  }
0x121: {  	s14 =	simm.s32 @!p1 $0x4200;
	p0 =	seq.s32 s13, $0x1;
	_ =	swait.ge @!p1 [sflag:s24], $0x4000  }
0x122: {  	s13 =	simm.s32 @!p1 $0x180;
	p3 =	por @!p2 !p0, p3;
	[sflag:s24] =	ssyncset.done @!p1 $0x0  }
0x123: {  	s15 =	simm.s32 @!p1 $0x80;
	p3 =	por p3, p2;
	[sflag:s24] =	ssyncadd.s32 @!p1 $0xFFFFC000  }
0x124: {  	[spmem:s2] =	stream.indirect.scatter.add.f32 @!p1 [tilespmem:s14], [sflag:$0x4], $0x80, s13, s15, $0xb8;
	[tilespmem:$0x1EE80] =	vst v63  }
0x125: {  	p5 =	por !p0, !p0;
	s13 =	simm.s32 @!p3 $0x4  }
0x126: {  	p0 =	por p2, p5;
	_ =	swait.ge @!p3 [sflag:s13], $0x4000  }
0x127: {  	s16 =	simm.s32 @!p0 $0x80;
	[sflag:s13] =	ssyncset.done @!p3 $0x0  }
0x128: {  	s24 =	simm.s32 @!p0 $0x5;
	[sflag:s13] =	ssyncadd.s32 @!p3 $0xFFFFC000;
	s13 =	simm.s32 @!p0 $0x0  }
0x129: {  	[tilespmem:s16], [sflag:$0x5] =	stream.linear.gather @!p0 [hbm4b:s6+s13], $0x80, $0x38;
	[tilespmem:$0x1EE80] =	vst v63  }
0x12a: {  	_ =	swait.ge @!p0 [sflag:s24], $0x80  }
0x12b: {  	[sflag:s24] =	ssyncset.done @!p0 $0x0  }
0x12c: {  	p6 =	slt.u32 s21, $0x0;
	s15 =	simm.s32 @!p0 $0x180;
	[sflag:s24] =	ssyncadd.s32 @!p0 $0xFFFFFF80  }
0x12d: {  	[tilespmem:s15], [sflag:$0x5] =	stream.linear.gather @!p0 [hbm4b:s1+s13], $0x80, $0x38;
	[tilespmem:$0x1EE80] =	vst v63  }
0x12e: {  	s25 =	sadd.s32 $0x10, s6;
	p4 =	por $0x0, $0x0;
	_ =	swait.ge @!p0 [sflag:s24], $0x80  }
.Ltmp8:
0x12f: {  	p6 =	por p6, p5;
	[sflag:s24] =	ssyncset.done @!p0 $0x0;
	(pc) =	sbr.rel @p4 .LBB2_5-.Ltmp8, $4  }
0x130: {  	p2 =	sle.u32 s21, $0x1;
	s13 =	simm.s32 @!p0 $0x4200;
	[sflag:s24] =	ssyncadd.s32 @!p0 $0xFFFFFF80  }
0x131: {  	[tilespmem:s13], [sflag:$0x2] =	stream.indirect.gather @!p0 [hbm4b:s4+s16], $0x80, s16, s16, $0xb8;
	[tilespmem:$0x1EE80] =	vst v63  }
0x132: {  	s14 =	simm.s32 $0x0;
	p3 =	por @!p2 $0x1, $0x1;
	s13 =	sand.u32 $0x1, s0  }
0x133: {  	s15 =	simm.s32 $0x2;
	s24 =	sadd.s32 $0x10, s1;
	p0 =	sne.s32 @!p2 s13, $0x0  }
.LBB2_6:
0x134: {  	s17 =	sadd.s32 $0xFFFFFFFF, s15;
	p4 =	sne.s32 s13, $0x0  }
0x135: {  	p1 =	por p3, p2;
	p5 =	sge.u32 @!p4 s14, s21;
	s14 =	simm.s32 @!p6 $0x1  }
0x136: {  	s16 =	smov.u32 s15;
	s15 =	simm.s32 @!p6 $0x200;
	_ =	swait.ge @!p6 [sflag:s14], $0x4000  }
0x137: {  	s18 =	simm.s32 @!p6 $0x100;
	p1 =	sne.s32 @!p1 s13, $0x0;
	[sflag:s14] =	ssyncset.done @!p6 $0x0  }
0x138: {  	p1 =	por @!p2 p1, p3;
	[sflag:s14] =	ssyncadd.s32 @!p6 $0xFFFFC000;
	s14 =	simm.s32 @!p6 $0x80  }
0x139: {  	[spmem:s2] =	stream.indirect.scatter.add.f32 @!p6 [tilespmem:s15], [sflag:$0x3], $0x80, s18, s14, $0xb8;
	[tilespmem:$0x1EE80] =	vst v63  }
0x13a: {  	p1 =	por p1, p2;
	s15 =	sadd.s32 $0x2, s17  }
0x13b: {  	p0 =	por p0, p2;
	s19 =	simm.s32 @!p1 $0x3;
	p6 =	seq.s32 s15, $0x9E  }
0x13c: {  	s14 =	smov.u32 s17;
	_ =	swait.ge @!p1 [sflag:s19], $0x4000;
	s17 =	simm.s32 @!p6 $0x0  }
0x13d: {  	s18 =	simm.s32 @!p0 $0x5;
	[sflag:s19] =	ssyncset.done @!p1 $0x0;
	s17 =	simm.s32 @p6 $0x1  }
0x13e: {  	[sflag:s19] =	ssyncadd.s32 @!p1 $0xFFFFC000;
	[smem:$0x7FB] =	sst s17;
	s17 =	simm.s32 @!p0 $0x0  }
0x13f: {  	[tilespmem:s17], [sflag:$0x5] =	stream.linear.gather @!p0 [hbm4b:s25+s17], $0x80, $0x38;
	[tilespmem:$0x1EE80] =	vst v63  }
0x140: {  	_ =	swait.ge @!p0 [sflag:s18], $0x80  }
0x141: {  	[sflag:s18] =	ssyncset.done @!p0 $0x0  }
0x142: {  	s19 =	simm.s32 @!p0 $0x100;
	[sflag:s18] =	ssyncadd.s32 @!p0 $0xFFFFFF80  }
0x143: {  	[tilespmem:s19], [sflag:$0x5] =	stream.linear.gather @!p0 [hbm4b:s24+s17], $0x80, $0x38;
	[tilespmem:$0x1EE80] =	vst v63  }
0x144: {  	p1 =	por p5, p4;
	_ =	swait.ge @!p0 [sflag:s18], $0x80  }
0x145: {  	s20 =	simm.s32 @!p1 $0x2;
	[sflag:s18] =	ssyncset.done @!p0 $0x0  }
0x146: {  	s19 =	simm.s32 @!p0 $0x200;
	[sflag:s18] =	ssyncadd.s32 @!p0 $0xFFFFFF80;
	s18 =	simm.s32 @!p0 $0x80  }
0x147: {  	[tilespmem:s19], [sflag:$0x1] =	stream.indirect.gather @!p0 [hbm4b:s4+s18], $0x80, s17, s18, $0xb8;
	[tilespmem:$0x1EE80] =	vst v63  }
0x148: {  	p4 =	seq.s32 s13, $0x1;
	s13 =	simm.s32 @!p1 $0x180;
	_ =	swait.ge @!p1 [sflag:s20], $0x4000  }
0x149: {  	s17 =	simm.s32 @!p1 $0x4200;
	p0 =	por @!p2 !p4, p3;
	[sflag:s20] =	ssyncset.done @!p1 $0x0  }
0x14a: {  	s18 =	simm.s32 @!p1 $0x80;
	p0 =	por p0, p2;
	[sflag:s20] =	ssyncadd.s32 @!p1 $0xFFFFC000  }
0x14b: {  	[spmem:s2] =	stream.indirect.scatter.add.f32 @!p1 [tilespmem:s17], [sflag:$0x4], $0x80, s13, s18, $0xb8;
	[tilespmem:$0x1EE80] =	vst v63  }
0x14c: {  	p5 =	por !p4, !p4;
	s13 =	simm.s32 @!p0 $0x4  }
0x14d: {  	p6 =	sgt.u32 s0, s21;
	p1 =	por p2, p5;
	_ =	swait.ge @!p0 [sflag:s13], $0x4000  }
0x14e: {  	s0 =	smov.u32 s16;
	s16 =	simm.s32 @!p1 $0x80;
	[sflag:s13] =	ssyncset.done @!p0 $0x0  }
0x14f: {  	s17 =	simm.s32 @!p1 $0x5;
	[sflag:s13] =	ssyncadd.s32 @!p0 $0xFFFFC000;
	s13 =	simm.s32 @!p1 $0x0  }
0x150: {  	[tilespmem:s16], [sflag:$0x5] =	stream.linear.gather @!p1 [hbm4b:s25+s13], $0x80, $0x38;
	[tilespmem:$0x1EE80] =	vst v63  }
0x151: {  	_ =	swait.ge @!p1 [sflag:s17], $0x80  }
0x152: {  	[sflag:s17] =	ssyncset.done @!p1 $0x0  }
0x153: {  	s18 =	simm.s32 @!p1 $0x180;
	[sflag:s17] =	ssyncadd.s32 @!p1 $0xFFFFFF80  }
0x154: {  	[tilespmem:s18], [sflag:$0x5] =	stream.linear.gather @!p1 [hbm4b:s24+s13], $0x80, $0x38;
	[tilespmem:$0x1EE80] =	vst v63  }
0x155: {  	_ =	swait.ge @!p1 [sflag:s17], $0x80  }
0x156: {  	[sflag:s17] =	ssyncset.done @!p1 $0x0;
	s20 =	sld [smem:$0x7FB]  }
0x157: {  	s18 =	simm.s32 @!p1 $0x4200;
	[sflag:s17] =	ssyncadd.s32 @!p1 $0xFFFFFF80  }
0x158: {  	[tilespmem:s18], [sflag:$0x2] =	stream.indirect.gather @!p1 [hbm4b:s4+s16], $0x80, s16, s16, $0xb8;
	[tilespmem:$0x1EE80] =	vst v63  }
0x159: {  	p1 =	seq.s32 s20, $0x1  }
.Ltmp9:
0x15a: {  	_ = 	snop;
	(pc) =	sbr.rel @!p1 .LBB2_6-.Ltmp9, $4  }
0x15b: {  	_ = 	snop  }
0x15c: {  	p2 =	sge.u32 s0, s21  }
0x15d: {  	p6 =	por p6, p5;
	p3 =	slt.u32 @!p2 s0, $0x2;
	s13 =	sand.u32 $0x1, s0  }
0x15e: {  	s25 =	sadd.s32 $0x10, s25;
	s24 =	sadd.s32 $0x10, s24;
	p0 =	sne.s32 @!p2 s13, $0x0  }
0x15f: {  	s15 =	sld [smem:$0x7FD];
	_ =	sdelay $0x2  }
0x160: {  	p4 =	por $0x1, $0x1;
	p5 =	seq.s32 s15, $0x1  }
.LBB2_8:
0x161: {  	p1 =	por p6, !p4  }
0x162: {  	p4 =	por p3, p2;
	s15 =	simm.s32 @!p1 $0x1  }
0x163: {  	p4 =	sne.s32 @!p4 s13, $0x0;
	s16 =	simm.s32 @!p1 $0x200;
	_ =	swait.ge @!p1 [sflag:s15], $0x4000  }
0x164: {  	s17 =	simm.s32 @!p1 $0x100;
	p4 =	por @!p2 p4, p3;
	[sflag:s15] =	ssyncset.done @!p1 $0x0  }
0x165: {  	p4 =	por p4, p2;
	[sflag:s15] =	ssyncadd.s32 @!p1 $0xFFFFC000;
	s15 =	simm.s32 @!p1 $0x80  }
0x166: {  	[spmem:s2] =	stream.indirect.scatter.add.f32 @!p1 [tilespmem:s16], [sflag:$0x3], $0x80, s17, s15, $0xb8;
	[tilespmem:$0x1EE80] =	vst v63  }
0x167: {  	s15 =	simm.s32 @!p4 $0x3  }
0x168: {  	_ =	swait.ge @!p4 [sflag:s15], $0x4000  }
0x169: {  	p0 =	por p0, p2;
	[sflag:s15] =	ssyncset.done @!p4 $0x0  }
0x16a: {  	s16 =	simm.s32 @!p0 $0x5;
	[sflag:s15] =	ssyncadd.s32 @!p4 $0xFFFFC000;
	s15 =	simm.s32 @!p0 $0x0  }
0x16b: {  	[tilespmem:s15], [sflag:$0x5] =	stream.linear.gather @!p0 [hbm4b:s25+s15], $0x80, $0x38;
	[tilespmem:$0x1EE80] =	vst v63  }
0x16c: {  	_ =	swait.ge @!p0 [sflag:s16], $0x80  }
0x16d: {  	[sflag:s16] =	ssyncset.done @!p0 $0x0  }
0x16e: {  	s17 =	simm.s32 @!p0 $0x100;
	[sflag:s16] =	ssyncadd.s32 @!p0 $0xFFFFFF80  }
0x16f: {  	[tilespmem:s17], [sflag:$0x5] =	stream.linear.gather @!p0 [hbm4b:s24+s15], $0x80, $0x38;
	[tilespmem:$0x1EE80] =	vst v63  }
0x170: {  	p1 =	sne.s32 s13, $0x0;
	_ =	swait.ge @!p0 [sflag:s16], $0x80  }
0x171: {  	p4 =	sge.u32 @!p1 s14, s21;
	s14 =	simm.s32 @!p0 $0x200;
	[sflag:s16] =	ssyncset.done @!p0 $0x0  }
0x172: {  	p1 =	por p4, p1;
	[sflag:s16] =	ssyncadd.s32 @!p0 $0xFFFFFF80;
	s16 =	simm.s32 @!p0 $0x80  }
0x173: {  	[tilespmem:s14], [sflag:$0x1] =	stream.indirect.gather @!p0 [hbm4b:s4+s16], $0x80, s15, s16, $0xb8;
	[tilespmem:$0x1EE80] =	vst v63  }
0x174: {  	s14 =	simm.s32 @!p1 $0x2  }
0x175: {  	_ =	swait.ge @!p1 [sflag:s14], $0x4000  }
0x176: {  	s15 =	simm.s32 @!p1 $0x4200;
	s16 =	simm.s32 @!p1 $0x180;
	[sflag:s14] =	ssyncset.done @!p1 $0x0  }
0x177: {  	p0 =	seq.s32 s13, $0x1;
	[sflag:s14] =	ssyncadd.s32 @!p1 $0xFFFFC000;
	s14 =	simm.s32 @!p1 $0x80  }
0x178: {  	[spmem:s2] =	stream.indirect.scatter.add.f32 @!p1 [tilespmem:s15], [sflag:$0x4], $0x80, s16, s14, $0xb8;
	[tilespmem:$0x1EE80] =	vst v63  }
0x179: {  	p1 =	por @!p2 !p0, p3  }
0x17a: {  	p3 =	por p1, p2  }
0x17b: {  	p0 =	por !p0, !p0;
	s13 =	simm.s32 @!p3 $0x4  }
0x17c: {  	p1 =	por p2, p0;
	_ =	swait.ge @!p3 [sflag:s13], $0x4000  }
0x17d: {  	s14 =	simm.s32 @!p1 $0x80;
	[sflag:s13] =	ssyncset.done @!p3 $0x0  }
0x17e: {  	s15 =	simm.s32 @!p1 $0x5;
	[sflag:s13] =	ssyncadd.s32 @!p3 $0xFFFFC000;
	s13 =	simm.s32 @!p1 $0x0  }
0x17f: {  	[tilespmem:s14], [sflag:$0x5] =	stream.linear.gather @!p1 [hbm4b:s25+s13], $0x80, $0x38;
	[tilespmem:$0x1EE80] =	vst v63  }
0x180: {  	_ =	swait.ge @!p1 [sflag:s15], $0x80  }
0x181: {  	[sflag:s15] =	ssyncset.done @!p1 $0x0  }
0x182: {  	s16 =	simm.s32 @!p1 $0x180;
	[sflag:s15] =	ssyncadd.s32 @!p1 $0xFFFFFF80  }
0x183: {  	[tilespmem:s16], [sflag:$0x5] =	stream.linear.gather @!p1 [hbm4b:s24+s13], $0x80, $0x38;
	[tilespmem:$0x1EE80] =	vst v63  }
0x184: {  	_ =	swait.ge @!p1 [sflag:s15], $0x80  }
0x185: {  	p6 =	sgt.u32 s0, s21;
	[sflag:s15] =	ssyncset.done @!p1 $0x0  }
0x186: {  	p0 =	por p6, p0;
	s0 =	simm.s32 @!p1 $0x4200;
	[sflag:s15] =	ssyncadd.s32 @!p1 $0xFFFFFF80  }
0x187: {  	[tilespmem:s0], [sflag:$0x2] =	stream.indirect.gather @!p1 [hbm4b:s4+s14], $0x80, s14, s14, $0xb8;
	[tilespmem:$0x1EE80] =	vst v63  }
.Ltmp10:
0x188: {  	s0 =	simm.s32 @!p0 $0x1;
	(pc) =	sbr.rel .LBB2_16-.Ltmp10, $4  }
0x189: {  	_ =	swait.ge @!p0 [sflag:s0], $0x4000  }
0x18a: {  	s13 =	simm.s32 @!p0 $0x200;
	[sflag:s0] =	ssyncset.done @!p0 $0x0  }
0x18b: {  	s14 =	simm.s32 @!p0 $0x100;
	[sflag:s0] =	ssyncadd.s32 @!p0 $0xFFFFC000;
	s0 =	simm.s32 @!p0 $0x80  }
0x18c: {  	[spmem:s2] =	stream.indirect.scatter.add.f32 @!p0 [tilespmem:s13], [sflag:$0x3], $0x80, s14, s0, $0xb8;
	[tilespmem:$0x1EE80] =	vst v63  }
.LBB2_3:
.Ltmp11:
0x18d: {  	(pc) =	sbr.rel .LBB2_8-.Ltmp11, $2  }
0x18e: {  	_ =	sdelay $0x2  }
0x18f: {  	s25 =	smov.u32 s6;
	s24 =	smov.u32 s1;
	s0 =	simm.s32 $0x0  }
.LBB2_12:
.Ltmp12:
0x190: {  	(pc) =	sbr.rel .LBB2_15-.Ltmp12, $2  }
0x191: {  	s15 =	sld [smem:$0x7FD];
	_ =	sdelay $0x2  }
0x192: {  	p4 =	por $0x1, $0x1;
	p5 =	seq.s32 s15, $0x1  }
.LBB2_5:
.Ltmp13:
0x193: {  	(pc) =	sbr.rel .LBB2_8-.Ltmp13, $2  }
0x194: {  	s15 =	sld [smem:$0x7FD];
	_ =	sdelay $0x2  }
0x195: {  	p4 =	por $0x1, $0x1;
	p5 =	seq.s32 s15, $0x1  }
.LBB2_17:
0x196: {  	_ =	sfence.sel $0x180000  }
0x197: {  	[bflag:$0x0] =	sbarrier.arrive $0xFFFF  }
0x198: {  	_ =	strace $0x9000004D  }
0x199: {  	s0 =	stileid.u32;
	[bflag:$0x2] =	sbarrier.arrive $0xFFFF  }
0x19a: {  	p0 =	sne.s32 s0, $0x0;
	s0 =	rddreg [dreg:$0x2]  }
0x19b: {  	s0 =	sadd.s32 @!p0 $0x100000, s0  }
0x19c: {  	[sflag:s0] =	ssyncadd.tile.s32 @!p0 $0x1;
	_ =	shalt  }
.Lfunc_end2:
_tile_overlayer_lowered:
.L_overlay_start_2:
0x19d: {  	(tag) =	ssettag $0x2  }
0x19e: {  	s0 =	rddreg [dreg:$0x0];
	s2 =	stileid.u32  }
0x19f: {  	s1 =	rddreg [dreg:$0x1];
	p0 =	sne.s32 s2, $0x0  }
0x1a0: {  	s3 =	rddreg [dreg:$0x2];
	[bflag:$0x3] =	sbarrier.arrive $0xFFFF;
	s2 =	simm.s32 @!p0 $0x1C05  }
0x1a1: {  	[timem:s3], [sflag:s2] =	dma.local @!p0 [hbm:s0], s1  }
0x1a2: {  	s0 =	simm.s32 @!p0 $0x5  }
0x1a3: {  	_ =	swait.ge @!p0 [sflag:s0], s1  }
0x1a4: {  	s1 =	ssub.s32 @!p0 $0x0, s1;
	[sflag:s0] =	ssyncset.done @!p0 $0x0  }
0x1a5: {  	[sflag:s0] =	ssyncadd.s32 @!p0 s1  }
0x1a6: {  	[bflag:$0x3] =	sbarrier.arrive $0xFFFF  }
0x1a7: {  	_ =	shalt  }

</sc_bundles>
